<compile_context>
chip_gen: v7x
topology: tpu7x:2x2x1
jax: 0.10.2.dev20260603
libtpu: 0.0.44.dev20260713+nightly
codegen_flags: <defaults>
</compile_context>

<pallas_src>
import functools
import jax
import jax.numpy as jnp
from jax import lax
from jax.experimental import pallas as pl
from jax.experimental.pallas import tpu as pltpu
from jax.experimental.pallas import tpu_sc as plsc

CHUNK = 2048
SUB = 128
NSUB = CHUNK // SUB
CHUNK_B = 256
NSUB_B = CHUNK_B // SUB
NBUF = 4
BN = 2000


def _deg_kernel(n, e_pad, dst2d, ewp, zn):
    mesh = plsc.VectorSubcoreMesh(core_axis_name="c", subcore_axis_name="s")
    per_w = e_pad // 32
    n_chunks = per_w // CHUNK

    @functools.partial(
        pl.kernel,
        out_type=jax.ShapeDtypeStruct((2, n), jnp.float32),
        mesh=mesh,
        scratch_types=[
            pltpu.VMEM((NSUB, SUB), jnp.int32),
            pltpu.VMEM((CHUNK,), jnp.float32),
            pltpu.VMEM_SHARED((n,), jnp.float32),
        ],
    )
    def body(dst_hbm, ew_hbm, z_hbm, out_hbm, dv, wv, deg_sh):
        c = lax.axis_index("c")
        s = lax.axis_index("s")
        wid = c * 16 + s

        @pl.when(s == 0)
        def _():
            pltpu.sync_copy(z_hbm, deg_sh)

        plsc.subcore_barrier()

        def chunk(t, carry):
            base = pl.multiple_of(wid * per_w + t * CHUNK, CHUNK)
            rbase = pl.multiple_of(base // SUB, NSUB)
            pltpu.sync_copy(dst_hbm.at[pl.ds(rbase, NSUB)], dv)
            pltpu.sync_copy(ew_hbm.at[pl.ds(base, CHUNK)], wv)
            for j in range(NSUB):
                pltpu.sync_copy(wv.at[pl.ds(j * SUB, SUB)],
                                deg_sh.at[dv.at[j]], add=True)
            return carry

        lax.fori_loop(0, n_chunks, chunk, 0)
        plsc.subcore_barrier()

        @pl.when(s == 0)
        def _():
            pltpu.sync_copy(deg_sh, out_hbm.at[c])

    return body(dst2d, ewp, zn)


def _agg_kernel(n, e_pad, g2r, src2d, dst2d, ewp):
    mesh = plsc.VectorSubcoreMesh(core_axis_name="c", subcore_axis_name="s")
    per_t = e_pad // 16
    n_chunks = per_t // CHUNK_B
    n_quads = n_chunks // NBUF
    rows_a = ((n // 16 + 7) // 8) * 8
    nz_full = rows_a // CHUNK_B
    rem_lo = rows_a - nz_full * CHUNK_B
    rows_last = n - 15 * rows_a
    rem_hi = rows_last - nz_full * CHUNK_B

    scratch = []
    for _ in range(NBUF):
        scratch += [
            pltpu.VMEM((NSUB_B, SUB), jnp.int32),
            pltpu.VMEM((NSUB_B, SUB), jnp.int32),
            pltpu.VMEM((NSUB_B, SUB), jnp.int32),
            pltpu.VMEM((CHUNK_B,), jnp.float32),
            pltpu.VMEM((CHUNK_B, 16), jnp.float32),
            pltpu.SemaphoreType.DMA,
            pltpu.SemaphoreType.DMA,
        ]
    scratch.append(pltpu.VMEM_SHARED((n, 16), jnp.float32))

    @functools.partial(
        pl.kernel,
        out_type=jax.ShapeDtypeStruct((2, n, 16), jnp.float32),
        mesh=mesh,
        scratch_types=scratch,
        compiler_params=pltpu.CompilerParams(use_tc_tiling_on_sc=False),
    )
    def body(g_hbm, src_hbm, dst_hbm, ew_hbm, out_hbm, *refs):
        bufs = [refs[7 * b:7 * b + 7] for b in range(NBUF)]
        acc_sh = refs[7 * NBUF]
        c = lax.axis_index("c")
        s = lax.axis_index("s")
        coff = c * n

        z0 = bufs[0][4]

        def zr(r, cc):
            z0[r, :] = jnp.zeros((16,), jnp.float32)
            return cc
        lax.fori_loop(0, CHUNK_B, zr, 0)
        r0 = pl.multiple_of(s * rows_a, 8)
        for k in range(nz_full):
            pltpu.sync_copy(z0, acc_sh.at[pl.ds(r0 + k * CHUNK_B, CHUNK_B)])

        @pl.when(s < 15)
        def _():
            pltpu.sync_copy(z0.at[pl.ds(0, rem_lo)],
                            acc_sh.at[pl.ds(r0 + nz_full * CHUNK_B, rem_lo)])

        @pl.when(s == 15)
        def _():
            pltpu.sync_copy(z0.at[pl.ds(0, rem_hi)],
                            acc_sh.at[pl.ds(r0 + nz_full * CHUNK_B, rem_hi)])

        plsc.subcore_barrier()

        def load_idx(b, t):
            sv, iv, dv, wv = bufs[b][0], bufs[b][1], bufs[b][2], bufs[b][3]
            base = pl.multiple_of(s * per_t + t * CHUNK_B, CHUNK_B)
            rbase = pl.multiple_of(base // SUB, NSUB_B)
            pltpu.sync_copy(src_hbm.at[pl.ds(rbase, NSUB_B)], sv)
            pltpu.sync_copy(dst_hbm.at[pl.ds(rbase, NSUB_B)], dv)
            pltpu.sync_copy(ew_hbm.at[pl.ds(base, CHUNK_B)], wv)
            for j in range(NSUB_B):
                def addoff(k, cc):
                    iv[j, pl.ds(k * 16, 16)] = sv[j, pl.ds(k * 16, 16)] + coff
                    return cc
                lax.fori_loop(0, SUB // 16, addoff, 0)

        def fire_gathers(b):
            iv, rows, gsem = bufs[b][1], bufs[b][4], bufs[b][5]
            for j in range(NSUB_B):
                pltpu.async_copy(g_hbm.at[iv.at[j]],
                                 rows.at[pl.ds(j * SUB, SUB)], gsem)

        def wait_gathers(b):
            rows, gsem = bufs[b][4], bufs[b][5]
            pltpu.make_async_copy(g_hbm.at[pl.ds(0, CHUNK_B)], rows,
                                  gsem).wait()

        def scale(b):
            wv, rows = bufs[b][3], bufs[b][4]

            def grp(g, cc):
                ewv = wv[pl.ds(g * 16, 16)]
                for e in range(16):
                    be = ewv.at[jnp.full((16,), e, jnp.int32)].get(
                        mode="promise_in_bounds")
                    r = g * 16 + e
                    rows[r, :] = rows[r, :] * be
                return cc
            lax.fori_loop(0, CHUNK_B // 16, grp, 0)

        def fire_scatter(b):
            dv, rows, ssem = bufs[b][2], bufs[b][4], bufs[b][6]
            for j in range(NSUB_B):
                pltpu.async_copy(rows.at[pl.ds(j * SUB, SUB)],
                                 acc_sh.at[dv.at[j]], ssem, add=True)

        def wait_scatter(b):
            rows, ssem = bufs[b][4], bufs[b][6]
            pltpu.make_async_copy(g_hbm.at[pl.ds(0, CHUNK_B)], rows,
                                  ssem).wait()

        for b in range(NBUF - 1):
            load_idx(b, b)
            fire_gathers(b)

        def quad(i, cc):
            t0 = i * NBUF
            for b in range(NBUF):
                wait_gathers(b)
                scale(b)
                fire_scatter(b)
                bb = (b + NBUF - 1) % NBUF
                tref = t0 + b + NBUF - 1
                if b == 0:
                    @pl.when(i > 0)
                    def _():
                        wait_scatter(bb)
                    load_idx(bb, tref)
                    fire_gathers(bb)
                else:
                    @pl.when(i < n_quads - 1)
                    def _():
                        wait_scatter(bb)
                        load_idx(bb, tref)
                        fire_gathers(bb)
            return cc

        lax.fori_loop(0, n_quads, quad, 0)
        for b in range(NBUF):
            wait_scatter(b)

        plsc.subcore_barrier()

        @pl.when(s < 15)
        def _():
            pltpu.sync_copy(acc_sh.at[pl.ds(r0, rows_a)],
                            out_hbm.at[c, pl.ds(r0, rows_a)])

        @pl.when(s == 15)
        def _():
            pltpu.sync_copy(acc_sh.at[pl.ds(r0, rows_last)],
                            out_hbm.at[c, pl.ds(r0, rows_last)])

    return body(g2r, src2d, dst2d, ewp)


def _dense_kernel(x, wdt, bd, wct, bcat, dpt):
    n = x.shape[0]
    grid = n // BN

    def body(x_ref, wdt_ref, bd_ref, wct_ref, bcat_ref, dpt_ref,
             g2_ref, s2_ref, dinv_ref):
        xb = x_ref[...]
        h = jnp.maximum(
            lax.dot_general(xb, wdt_ref[...], (((1,), (0,)), ((), ())),
                            precision=lax.Precision.HIGHEST,
                            preferred_element_type=jnp.float32)
            + bd_ref[...], 0.0)
        h2 = lax.dot_general(h, wct_ref[...], (((1,), (0,)), ((), ())),
                             precision=lax.Precision.HIGHEST,
                             preferred_element_type=jnp.float32)
        dp = dpt_ref[...]
        deg = dp[:, 0] + dp[:, 1] + 1.0
        dinv = lax.rsqrt(deg)
        dinv_ref[...] = dinv[:, None]
        g = h2 * dinv[:, None]
        sself = h2 * (dinv * dinv)[:, None]
        g2_ref[0] = g[:, :16]
        g2_ref[1] = g[:, 16:]
        s2_ref[0] = sself[:, :16] + bcat_ref[0][None, :]
        s2_ref[1] = sself[:, 16:] + bcat_ref[1][None, :]

    return pl.pallas_call(
        body,
        grid=(grid,),
        in_specs=[
            pl.BlockSpec((BN, 128), lambda i: (i, 0)),
            pl.BlockSpec((128, 32), lambda i: (0, 0)),
            pl.BlockSpec((1, 32), lambda i: (0, 0)),
            pl.BlockSpec((32, 32), lambda i: (0, 0)),
            pl.BlockSpec((2, 16), lambda i: (0, 0)),
            pl.BlockSpec((BN, 2), lambda i: (i, 0)),
        ],
        out_specs=[
            pl.BlockSpec((2, BN, 16), lambda i: (0, i, 0)),
            pl.BlockSpec((2, BN, 16), lambda i: (0, i, 0)),
            pl.BlockSpec((BN, 1), lambda i: (i, 0)),
        ],
        out_shape=[
            jax.ShapeDtypeStruct((2, n, 16), jnp.float32),
            jax.ShapeDtypeStruct((2, n, 16), jnp.float32),
            jax.ShapeDtypeStruct((n, 1), jnp.float32),
        ],
    )(x, wdt, bd, wct, bcat, dpt)


def _final_kernel(acc2, s2, dinv):
    n = acc2.shape[1]
    grid = n // BN

    def body(a_ref, s_ref, d_ref, mu_ref, ls_ref):
        a = a_ref[...]
        sv = s_ref[...]
        d = d_ref[...]
        mu_ref[...] = a[0] * d + sv[0]
        ls_ref[...] = a[1] * d + sv[1]

    return pl.pallas_call(
        body,
        grid=(grid,),
        in_specs=[
            pl.BlockSpec((2, BN, 16), lambda i: (0, i, 0)),
            pl.BlockSpec((2, BN, 16), lambda i: (0, i, 0)),
            pl.BlockSpec((BN, 1), lambda i: (i, 0)),
        ],
        out_specs=[
            pl.BlockSpec((BN, 16), lambda i: (i, 0)),
            pl.BlockSpec((BN, 16), lambda i: (i, 0)),
        ],
        out_shape=[
            jax.ShapeDtypeStruct((n, 16), jnp.float32),
            jax.ShapeDtypeStruct((n, 16), jnp.float32),
        ],
    )(acc2, s2, dinv)


def kernel(x, edge_index, edge_attr, W_dense, b_dense, W_mu, b_mu,
           W_logstd, b_logstd):
    n = x.shape[0]
    e = edge_attr.shape[0]
    e_pad = ((e + 32 * CHUNK - 1) // (32 * CHUNK)) * (32 * CHUNK)
    pad = e_pad - e

    src = jnp.concatenate([edge_index[0], jnp.zeros((pad,), jnp.int32)])
    dst = jnp.concatenate([edge_index[1], jnp.zeros((pad,), jnp.int32)])
    ewp = jnp.concatenate([edge_attr, jnp.zeros((pad,), jnp.float32)])
    src2d = src.reshape(-1, SUB)
    dst2d = dst.reshape(-1, SUB)

    zn = jnp.zeros((n,), jnp.float32)

    dp = _deg_kernel(n, e_pad, dst2d, ewp, zn)
    dpt = dp.T

    wdt = W_dense.T
    wct = jnp.concatenate([W_mu, W_logstd], axis=0).T
    bd = b_dense.reshape(1, -1)
    bcat = jnp.stack([b_mu, b_logstd])

    g2, s2, dinv = _dense_kernel(x, wdt, bd, wct, bcat, dpt)
    g2r = g2.reshape(2 * n, 16)

    acc2 = _agg_kernel(n, e_pad, g2r, src2d, dst2d, ewp)

    mu, logstd = _final_kernel(acc2, s2, dinv)
    return (mu, logstd)

# --- scband reference (transcript-rebuilt; emitter-appended) ---
"""Pipeline reference for scband-encoder-18365280157999 (READ-ONLY COPY).

The authoritative reference and input builder live on the scoring server;
editing this copy changes nothing except your own understanding.
"""

import jax, jax.numpy as jnp
import numpy as np

N = 100000
E = 1600000
X_FEAT = 128
Z_FEAT = 16
H = 2 * Z_FEAT


def setup_inputs(seed: int = 0) -> dict:
    key = jax.random.key(seed)
    ks = jax.random.split(key, 8)
    x = jax.random.normal(ks[0], (N, X_FEAT), dtype=jnp.float32)
    edge_index = jax.random.randint(ks[1], (2, E), 0, N, dtype=jnp.int32)
    edge_attr = jax.random.uniform(ks[2], (E,), dtype=jnp.float32)
    W_dense = jax.random.normal(ks[3], (H, X_FEAT), dtype=jnp.float32) * (1.0 / np.sqrt(X_FEAT))
    b_dense = jnp.zeros((H,), dtype=jnp.float32)
    W_mu = jax.random.normal(ks[4], (Z_FEAT, H), dtype=jnp.float32) * (1.0 / np.sqrt(H))
    b_mu = jnp.zeros((Z_FEAT,), dtype=jnp.float32)
    W_logstd = jax.random.normal(ks[5], (Z_FEAT, H), dtype=jnp.float32) * (1.0 / np.sqrt(H))
    b_logstd = jnp.zeros((Z_FEAT,), dtype=jnp.float32)
    return {"x": x, "edge_index": edge_index, "edge_attr": edge_attr,
            "W_dense": W_dense, "b_dense": b_dense,
            "W_mu": W_mu, "b_mu": b_mu,
            "W_logstd": W_logstd, "b_logstd": b_logstd}


def gcn_conv(x, edge_index, edge_weight, W, b):
    # PyG GCNConv: linear -> symmetric normalization with self-loops -> scatter-add -> bias
    src = edge_index[0]
    dst = edge_index[1]
    loop = jnp.arange(N, dtype=src.dtype)
    src2 = jnp.concatenate([src, loop])
    dst2 = jnp.concatenate([dst, loop])
    ew = jnp.concatenate([edge_weight, jnp.ones((N,), dtype=edge_weight.dtype)])
    deg = jnp.zeros((N,), dtype=x.dtype).at[dst2].add(ew)
    dinv = jnp.where(deg > 0, jax.lax.rsqrt(deg), 0.0)
    norm = dinv[src2] * ew * dinv[dst2]
    h = x @ W.T
    msg = h[src2] * norm[:, None]
    out = jnp.zeros((N, W.shape[0]), dtype=x.dtype).at[dst2].add(msg)
    return out + b


def reference(x, edge_index, edge_attr, W_dense, b_dense, W_mu, b_mu, W_logstd, b_logstd):
    # eval mode: dropout is identity
    h = jax.nn.relu(x @ W_dense.T + b_dense)
    # enc_layer=1 -> encoder[:-1] is empty, so hidden GCN stack is skipped (faithful to forward)
    mu = gcn_conv(h, edge_index, edge_attr, W_mu, b_mu)
    logstd = gcn_conv(h, edge_index, edge_attr, W_logstd, b_logstd)
    return (mu, logstd)

if __name__ == "__main__":
    import jax
    _d = setup_inputs()
    print(jax.jit(kernel)(*tuple(_d.values())))

</pallas_src>

<mosaic_0001>
#map = affine_map<(d0, d1) -> (0, 0)>
#map1 = affine_map<(d0, d1) -> (0)>
#map2 = affine_map<(d0, d1) -> (0, 0, 0)>
module attributes {stable_mosaic.version = 14 : i64} {
  func.func @body(%arg0: i32, %arg1: i32, %arg2: memref<200000x16xf32, #tpu.memory_space<hbm>>, %arg3: memref<12800x128xi32, #tpu.memory_space<hbm>>, %arg4: memref<12800x128xi32, #tpu.memory_space<hbm>>, %arg5: memref<1638400xf32, #tpu.memory_space<hbm>>, %arg6: memref<2x100000x16xf32, #tpu.memory_space<hbm>>, %arg7: memref<2x128xi32, #tpu.memory_space<vmem>>, %arg8: memref<2x128xi32, #tpu.memory_space<vmem>>, %arg9: memref<2x128xi32, #tpu.memory_space<vmem>>, %arg10: memref<256xf32, #tpu.memory_space<vmem>>, %arg11: memref<256x16xf32, #tpu.memory_space<vmem>>, %arg12: memref<!tpu.dma_semaphore, #tpu.memory_space<semaphore_mem>>, %arg13: memref<!tpu.dma_semaphore, #tpu.memory_space<semaphore_mem>>, %arg14: memref<2x128xi32, #tpu.memory_space<vmem>>, %arg15: memref<2x128xi32, #tpu.memory_space<vmem>>, %arg16: memref<2x128xi32, #tpu.memory_space<vmem>>, %arg17: memref<256xf32, #tpu.memory_space<vmem>>, %arg18: memref<256x16xf32, #tpu.memory_space<vmem>>, %arg19: memref<!tpu.dma_semaphore, #tpu.memory_space<semaphore_mem>>, %arg20: memref<!tpu.dma_semaphore, #tpu.memory_space<semaphore_mem>>, %arg21: memref<2x128xi32, #tpu.memory_space<vmem>>, %arg22: memref<2x128xi32, #tpu.memory_space<vmem>>, %arg23: memref<2x128xi32, #tpu.memory_space<vmem>>, %arg24: memref<256xf32, #tpu.memory_space<vmem>>, %arg25: memref<256x16xf32, #tpu.memory_space<vmem>>, %arg26: memref<!tpu.dma_semaphore, #tpu.memory_space<semaphore_mem>>, %arg27: memref<!tpu.dma_semaphore, #tpu.memory_space<semaphore_mem>>, %arg28: memref<2x128xi32, #tpu.memory_space<vmem>>, %arg29: memref<2x128xi32, #tpu.memory_space<vmem>>, %arg30: memref<2x128xi32, #tpu.memory_space<vmem>>, %arg31: memref<256xf32, #tpu.memory_space<vmem>>, %arg32: memref<256x16xf32, #tpu.memory_space<vmem>>, %arg33: memref<!tpu.dma_semaphore, #tpu.memory_space<semaphore_mem>>, %arg34: memref<!tpu.dma_semaphore, #tpu.memory_space<semaphore_mem>>, %arg35: memref<100000x16xf32, #tpu.memory_space<vmem_shared>>) attributes {dimension_semantics = [#tpu.dimension_semantics<core_parallel>, #tpu.dimension_semantics<subcore_parallel>], iteration_bounds = array<i64: 2, 16>, scalar_prefetch = 0 : i64, scratch_operands = 29 : i64, tpu.core_type = #tpu.core_type<sc_vector_subcore>, window_params = [{transform_indices = #map}, {transform_indices = #map}, {transform_indices = #map}, {transform_indices = #map1}, {transform_indices = #map2}]} {
    %mul3A = arith.constant 100000 : i32
    %mul3A_0 = arith.muli %arg0, %mul3A : i32
    %scan3A = arith.constant 0 : i32
    %scan3A_1 = arith.constant 0 : i32
    %scan3A_2 = arith.constant 256 : i32
    %scan3A_3 = arith.addi %scan3A_1, %scan3A_2 : i32
    %scan3A_4 = arith.constant 1 : i32
    scf.for %scan3A_278 = %scan3A_1 to %scan3A_3 step %scan3A_4  : i32 {
      %broadcast_in_dim3A = arith.constant 0.000000e+00 : f32
      %broadcast_in_dim3A_279 = vector.broadcast %broadcast_in_dim3A : f32 to vector<16xf32>
      %swap3A = arith.index_cast %scan3A_278 : i32 to index
      %swap3A_280 = arith.constant 0 : index
      %swap3A_281 = tpu.vector_load %arg11[%swap3A, %swap3A_280] {strides = array<i32>} : memref<256x16xf32, #tpu.memory_space<vmem>>, vector<1x16xf32>,
      %swap3A_282 = vector.shape_cast %swap3A_281 : vector<1x16xf32> to vector<16xf32>
      %swap3A_283 = vector.shape_cast %broadcast_in_dim3A_279 : vector<16xf32> to vector<1x16xf32>
      tpu.vector_store %arg11[%swap3A, %swap3A_280], %swap3A_283 {strides = array<i32>} : memref<256x16xf32, #tpu.memory_space<vmem>>, vector<1x16xf32>,
    }
    %scan3A_5 = arith.constant 256 : i32
    %mul3A_6 = arith.constant 6256 : i32
    %mul3A_7 = arith.muli %arg1, %mul3A_6 : i32
    %multiple_of3A = tpu.assume_multiple %mul3A_7, 8 : i32
    %add3A = arith.constant 0 : i32
    %add3A_8 = arith.addi %multiple_of3A, %add3A : i32
    "tpu.region"() ({
      %run_scoped3A = tpu.sem_alloc : memref<!tpu.dma_semaphore, #tpu.memory_space<semaphore_mem>>
      %dma_start3A_278 = arith.constant 0 : i32
      %dma_start3A_279 = tpu.memref_slice %arg35[%add3A_8, %dma_start3A_278] : memref<100000x16xf32, #tpu.memory_space<vmem_shared>> -> memref<256x16xf32, #tpu.memory_space<vmem_shared>>
      %dma_start3A_280 = arith.constant 0 : i32
      %dma_start3A_281 = tpu.memref_slice %arg35[%add3A_8, %dma_start3A_280] : memref<100000x16xf32, #tpu.memory_space<vmem_shared>> -> memref<256x16xf32, #tpu.memory_space<vmem_shared>>
      tpu.enqueue_dma source(%arg11 : memref<256x16xf32, #tpu.memory_space<vmem>>) target(%dma_start3A_281 : memref<256x16xf32, #tpu.memory_space<vmem_shared>>) target_semaphore(%run_scoped3A : memref<!tpu.dma_semaphore, #tpu.memory_space<semaphore_mem>>)
      %dma_wait3A_282 = arith.constant 0 : i32
      %dma_wait3A_283 = tpu.memref_slice %arg35[%add3A_8, %dma_wait3A_282] : memref<100000x16xf32, #tpu.memory_space<vmem_shared>> -> memref<256x16xf32, #tpu.memory_space<vmem_shared>>
      %dma_wait3A_284 = arith.constant 0 : i32
      %dma_wait3A_285 = tpu.memref_slice %arg35[%add3A_8, %dma_wait3A_284] : memref<100000x16xf32, #tpu.memory_space<vmem_shared>> -> memref<256x16xf32, #tpu.memory_space<vmem_shared>>
      tpu.wait_dma2 semaphore(%run_scoped3A : memref<!tpu.dma_semaphore, #tpu.memory_space<semaphore_mem>>) src(%arg11 : memref<256x16xf32, #tpu.memory_space<vmem>>) dst(%dma_wait3A_285 : memref<256x16xf32, #tpu.memory_space<vmem_shared>>)
      tpu.yield
    }) : () -> ()
    %add3A_9 = arith.constant 256 : i32
    %add3A_10 = arith.addi %multiple_of3A, %add3A_9 : i32
    "tpu.region"() ({
      %run_scoped3A = tpu.sem_alloc : memref<!tpu.dma_semaphore, #tpu.memory_space<semaphore_mem>>
      %dma_start3A_278 = arith.constant 0 : i32
      %dma_start3A_279 = tpu.memref_slice %arg35[%add3A_10, %dma_start3A_278] : memref<100000x16xf32, #tpu.memory_space<vmem_shared>> -> memref<256x16xf32, #tpu.memory_space<vmem_shared>>
      %dma_start3A_280 = arith.constant 0 : i32
      %dma_start3A_281 = tpu.memref_slice %arg35[%add3A_10, %dma_start3A_280] : memref<100000x16xf32, #tpu.memory_space<vmem_shared>> -> memref<256x16xf32, #tpu.memory_space<vmem_shared>>
      tpu.enqueue_dma source(%arg11 : memref<256x16xf32, #tpu.memory_space<vmem>>) target(%dma_start3A_281 : memref<256x16xf32, #tpu.memory_space<vmem_shared>>) target_semaphore(%run_scoped3A : memref<!tpu.dma_semaphore, #tpu.memory_space<semaphore_mem>>)
      %dma_wait3A_282 = arith.constant 0 : i32
      %dma_wait3A_283 = tpu.memref_slice %arg35[%add3A_10, %dma_wait3A_282] : memref<100000x16xf32, #tpu.memory_space<vmem_shared>> -> memref<256x16xf32, #tpu.memory_space<vmem_shared>>
      %dma_wait3A_284 = arith.constant 0 : i32
      %dma_wait3A_285 = tpu.memref_slice %arg35[%add3A_10, %dma_wait3A_284] : memref<100000x16xf32, #tpu.memory_space<vmem_shared>> -> memref<256x16xf32, #tpu.memory_space<vmem_shared>>
      tpu.wait_dma2 semaphore(%run_scoped3A : memref<!tpu.dma_semaphore, #tpu.memory_space<semaphore_mem>>) src(%arg11 : memref<256x16xf32, #tpu.memory_space<vmem>>) dst(%dma_wait3A_285 : memref<256x16xf32, #tpu.memory_space<vmem_shared>>)
      tpu.yield
    }) : () -> ()
    %add3A_11 = arith.constant 512 : i32
    %add3A_12 = arith.addi %multiple_of3A, %add3A_11 : i32
    "tpu.region"() ({
      %run_scoped3A = tpu.sem_alloc : memref<!tpu.dma_semaphore, #tpu.memory_space<semaphore_mem>>
      %dma_start3A_278 = arith.constant 0 : i32
      %dma_start3A_279 = tpu.memref_slice %arg35[%add3A_12, %dma_start3A_278] : memref<100000x16xf32, #tpu.memory_space<vmem_shared>> -> memref<256x16xf32, #tpu.memory_space<vmem_shared>>
      %dma_start3A_280 = arith.constant 0 : i32
      %dma_start3A_281 = tpu.memref_slice %arg35[%add3A_12, %dma_start3A_280] : memref<100000x16xf32, #tpu.memory_space<vmem_shared>> -> memref<256x16xf32, #tpu.memory_space<vmem_shared>>
      tpu.enqueue_dma source(%arg11 : memref<256x16xf32, #tpu.memory_space<vmem>>) target(%dma_start3A_281 : memref<256x16xf32, #tpu.memory_space<vmem_shared>>) target_semaphore(%run_scoped3A : memref<!tpu.dma_semaphore, #tpu.memory_space<semaphore_mem>>)
      %dma_wait3A_282 = arith.constant 0 : i32
      %dma_wait3A_283 = tpu.memref_slice %arg35[%add3A_12, %dma_wait3A_282] : memref<100000x16xf32, #tpu.memory_space<vmem_shared>> -> memref<256x16xf32, #tpu.memory_space<vmem_shared>>
      %dma_wait3A_284 = arith.constant 0 : i32
      %dma_wait3A_285 = tpu.memref_slice %arg35[%add3A_12, %dma_wait3A_284] : memref<100000x16xf32, #tpu.memory_space<vmem_shared>> -> memref<256x16xf32, #tpu.memory_space<vmem_shared>>
      tpu.wait_dma2 semaphore(%run_scoped3A : memref<!tpu.dma_semaphore, #tpu.memory_space<semaphore_mem>>) src(%arg11 : memref<256x16xf32, #tpu.memory_space<vmem>>) dst(%dma_wait3A_285 : memref<256x16xf32, #tpu.memory_space<vmem_shared>>)
      tpu.yield
    }) : () -> ()
    %add3A_13 = arith.constant 768 : i32
    %add3A_14 = arith.addi %multiple_of3A, %add3A_13 : i32
    "tpu.region"() ({
      %run_scoped3A = tpu.sem_alloc : memref<!tpu.dma_semaphore, #tpu.memory_space<semaphore_mem>>
      %dma_start3A_278 = arith.constant 0 : i32
      %dma_start3A_279 = tpu.memref_slice %arg35[%add3A_14, %dma_start3A_278] : memref<100000x16xf32, #tpu.memory_space<vmem_shared>> -> memref<256x16xf32, #tpu.memory_space<vmem_shared>>
      %dma_start3A_280 = arith.constant 0 : i32
      %dma_start3A_281 = tpu.memref_slice %arg35[%add3A_14, %dma_start3A_280] : memref<100000x16xf32, #tpu.memory_space<vmem_shared>> -> memref<256x16xf32, #tpu.memory_space<vmem_shared>>
      tpu.enqueue_dma source(%arg11 : memref<256x16xf32, #tpu.memory_space<vmem>>) target(%dma_start3A_281 : memref<256x16xf32, #tpu.memory_space<vmem_shared>>) target_semaphore(%run_scoped3A : memref<!tpu.dma_semaphore, #tpu.memory_space<semaphore_mem>>)
      %dma_wait3A_282 = arith.constant 0 : i32
      %dma_wait3A_283 = tpu.memref_slice %arg35[%add3A_14, %dma_wait3A_282] : memref<100000x16xf32, #tpu.memory_space<vmem_shared>> -> memref<256x16xf32, #tpu.memory_space<vmem_shared>>
      %dma_wait3A_284 = arith.constant 0 : i32
      %dma_wait3A_285 = tpu.memref_slice %arg35[%add3A_14, %dma_wait3A_284] : memref<100000x16xf32, #tpu.memory_space<vmem_shared>> -> memref<256x16xf32, #tpu.memory_space<vmem_shared>>
      tpu.wait_dma2 semaphore(%run_scoped3A : memref<!tpu.dma_semaphore, #tpu.memory_space<semaphore_mem>>) src(%arg11 : memref<256x16xf32, #tpu.memory_space<vmem>>) dst(%dma_wait3A_285 : memref<256x16xf32, #tpu.memory_space<vmem_shared>>)
      tpu.yield
    }) : () -> ()
    %add3A_15 = arith.constant 1024 : i32
    %add3A_16 = arith.addi %multiple_of3A, %add3A_15 : i32
    "tpu.region"() ({
      %run_scoped3A = tpu.sem_alloc : memref<!tpu.dma_semaphore, #tpu.memory_space<semaphore_mem>>
      %dma_start3A_278 = arith.constant 0 : i32
      %dma_start3A_279 = tpu.memref_slice %arg35[%add3A_16, %dma_start3A_278] : memref<100000x16xf32, #tpu.memory_space<vmem_shared>> -> memref<256x16xf32, #tpu.memory_space<vmem_shared>>
      %dma_start3A_280 = arith.constant 0 : i32
      %dma_start3A_281 = tpu.memref_slice %arg35[%add3A_16, %dma_start3A_280] : memref<100000x16xf32, #tpu.memory_space<vmem_shared>> -> memref<256x16xf32, #tpu.memory_space<vmem_shared>>
      tpu.enqueue_dma source(%arg11 : memref<256x16xf32, #tpu.memory_space<vmem>>) target(%dma_start3A_281 : memref<256x16xf32, #tpu.memory_space<vmem_shared>>) target_semaphore(%run_scoped3A : memref<!tpu.dma_semaphore, #tpu.memory_space<semaphore_mem>>)
      %dma_wait3A_282 = arith.constant 0 : i32
      %dma_wait3A_283 = tpu.memref_slice %arg35[%add3A_16, %dma_wait3A_282] : memref<100000x16xf32, #tpu.memory_space<vmem_shared>> -> memref<256x16xf32, #tpu.memory_space<vmem_shared>>
      %dma_wait3A_284 = arith.constant 0 : i32
      %dma_wait3A_285 = tpu.memref_slice %arg35[%add3A_16, %dma_wait3A_284] : memref<100000x16xf32, #tpu.memory_space<vmem_shared>> -> memref<256x16xf32, #tpu.memory_space<vmem_shared>>
      tpu.wait_dma2 semaphore(%run_scoped3A : memref<!tpu.dma_semaphore, #tpu.memory_space<semaphore_mem>>) src(%arg11 : memref<256x16xf32, #tpu.memory_space<vmem>>) dst(%dma_wait3A_285 : memref<256x16xf32, #tpu.memory_space<vmem_shared>>)
      tpu.yield
    }) : () -> ()
    %add3A_17 = arith.constant 1280 : i32
    %add3A_18 = arith.addi %multiple_of3A, %add3A_17 : i32
    "tpu.region"() ({
      %run_scoped3A = tpu.sem_alloc : memref<!tpu.dma_semaphore, #tpu.memory_space<semaphore_mem>>
      %dma_start3A_278 = arith.constant 0 : i32
      %dma_start3A_279 = tpu.memref_slice %arg35[%add3A_18, %dma_start3A_278] : memref<100000x16xf32, #tpu.memory_space<vmem_shared>> -> memref<256x16xf32, #tpu.memory_space<vmem_shared>>
      %dma_start3A_280 = arith.constant 0 : i32
      %dma_start3A_281 = tpu.memref_slice %arg35[%add3A_18, %dma_start3A_280] : memref<100000x16xf32, #tpu.memory_space<vmem_shared>> -> memref<256x16xf32, #tpu.memory_space<vmem_shared>>
      tpu.enqueue_dma source(%arg11 : memref<256x16xf32, #tpu.memory_space<vmem>>) target(%dma_start3A_281 : memref<256x16xf32, #tpu.memory_space<vmem_shared>>) target_semaphore(%run_scoped3A : memref<!tpu.dma_semaphore, #tpu.memory_space<semaphore_mem>>)
      %dma_wait3A_282 = arith.constant 0 : i32
      %dma_wait3A_283 = tpu.memref_slice %arg35[%add3A_18, %dma_wait3A_282] : memref<100000x16xf32, #tpu.memory_space<vmem_shared>> -> memref<256x16xf32, #tpu.memory_space<vmem_shared>>
      %dma_wait3A_284 = arith.constant 0 : i32
      %dma_wait3A_285 = tpu.memref_slice %arg35[%add3A_18, %dma_wait3A_284] : memref<100000x16xf32, #tpu.memory_space<vmem_shared>> -> memref<256x16xf32, #tpu.memory_space<vmem_shared>>
      tpu.wait_dma2 semaphore(%run_scoped3A : memref<!tpu.dma_semaphore, #tpu.memory_space<semaphore_mem>>) src(%arg11 : memref<256x16xf32, #tpu.memory_space<vmem>>) dst(%dma_wait3A_285 : memref<256x16xf32, #tpu.memory_space<vmem_shared>>)
      tpu.yield
    }) : () -> ()
    %add3A_19 = arith.constant 1536 : i32
    %add3A_20 = arith.addi %multiple_of3A, %add3A_19 : i32
    "tpu.region"() ({
      %run_scoped3A = tpu.sem_alloc : memref<!tpu.dma_semaphore, #tpu.memory_space<semaphore_mem>>
      %dma_start3A_278 = arith.constant 0 : i32
      %dma_start3A_279 = tpu.memref_slice %arg35[%add3A_20, %dma_start3A_278] : memref<100000x16xf32, #tpu.memory_space<vmem_shared>> -> memref<256x16xf32, #tpu.memory_space<vmem_shared>>
      %dma_start3A_280 = arith.constant 0 : i32
      %dma_start3A_281 = tpu.memref_slice %arg35[%add3A_20, %dma_start3A_280] : memref<100000x16xf32, #tpu.memory_space<vmem_shared>> -> memref<256x16xf32, #tpu.memory_space<vmem_shared>>
      tpu.enqueue_dma source(%arg11 : memref<256x16xf32, #tpu.memory_space<vmem>>) target(%dma_start3A_281 : memref<256x16xf32, #tpu.memory_space<vmem_shared>>) target_semaphore(%run_scoped3A : memref<!tpu.dma_semaphore, #tpu.memory_space<semaphore_mem>>)
      %dma_wait3A_282 = arith.constant 0 : i32
      %dma_wait3A_283 = tpu.memref_slice %arg35[%add3A_20, %dma_wait3A_282] : memref<100000x16xf32, #tpu.memory_space<vmem_shared>> -> memref<256x16xf32, #tpu.memory_space<vmem_shared>>
      %dma_wait3A_284 = arith.constant 0 : i32
      %dma_wait3A_285 = tpu.memref_slice %arg35[%add3A_20, %dma_wait3A_284] : memref<100000x16xf32, #tpu.memory_space<vmem_shared>> -> memref<256x16xf32, #tpu.memory_space<vmem_shared>>
      tpu.wait_dma2 semaphore(%run_scoped3A : memref<!tpu.dma_semaphore, #tpu.memory_space<semaphore_mem>>) src(%arg11 : memref<256x16xf32, #tpu.memory_space<vmem>>) dst(%dma_wait3A_285 : memref<256x16xf32, #tpu.memory_space<vmem_shared>>)
      tpu.yield
    }) : () -> ()
    %add3A_21 = arith.constant 1792 : i32
    %add3A_22 = arith.addi %multiple_of3A, %add3A_21 : i32
    "tpu.region"() ({
      %run_scoped3A = tpu.sem_alloc : memref<!tpu.dma_semaphore, #tpu.memory_space<semaphore_mem>>
      %dma_start3A_278 = arith.constant 0 : i32
      %dma_start3A_279 = tpu.memref_slice %arg35[%add3A_22, %dma_start3A_278] : memref<100000x16xf32, #tpu.memory_space<vmem_shared>> -> memref<256x16xf32, #tpu.memory_space<vmem_shared>>
      %dma_start3A_280 = arith.constant 0 : i32
      %dma_start3A_281 = tpu.memref_slice %arg35[%add3A_22, %dma_start3A_280] : memref<100000x16xf32, #tpu.memory_space<vmem_shared>> -> memref<256x16xf32, #tpu.memory_space<vmem_shared>>
      tpu.enqueue_dma source(%arg11 : memref<256x16xf32, #tpu.memory_space<vmem>>) target(%dma_start3A_281 : memref<256x16xf32, #tpu.memory_space<vmem_shared>>) target_semaphore(%run_scoped3A : memref<!tpu.dma_semaphore, #tpu.memory_space<semaphore_mem>>)
      %dma_wait3A_282 = arith.constant 0 : i32
      %dma_wait3A_283 = tpu.memref_slice %arg35[%add3A_22, %dma_wait3A_282] : memref<100000x16xf32, #tpu.memory_space<vmem_shared>> -> memref<256x16xf32, #tpu.memory_space<vmem_shared>>
      %dma_wait3A_284 = arith.constant 0 : i32
      %dma_wait3A_285 = tpu.memref_slice %arg35[%add3A_22, %dma_wait3A_284] : memref<100000x16xf32, #tpu.memory_space<vmem_shared>> -> memref<256x16xf32, #tpu.memory_space<vmem_shared>>
      tpu.wait_dma2 semaphore(%run_scoped3A : memref<!tpu.dma_semaphore, #tpu.memory_space<semaphore_mem>>) src(%arg11 : memref<256x16xf32, #tpu.memory_space<vmem>>) dst(%dma_wait3A_285 : memref<256x16xf32, #tpu.memory_space<vmem_shared>>)
      tpu.yield
    }) : () -> ()
    %add3A_23 = arith.constant 2048 : i32
    %add3A_24 = arith.addi %multiple_of3A, %add3A_23 : i32
    "tpu.region"() ({
      %run_scoped3A = tpu.sem_alloc : memref<!tpu.dma_semaphore, #tpu.memory_space<semaphore_mem>>
      %dma_start3A_278 = arith.constant 0 : i32
      %dma_start3A_279 = tpu.memref_slice %arg35[%add3A_24, %dma_start3A_278] : memref<100000x16xf32, #tpu.memory_space<vmem_shared>> -> memref<256x16xf32, #tpu.memory_space<vmem_shared>>
      %dma_start3A_280 = arith.constant 0 : i32
      %dma_start3A_281 = tpu.memref_slice %arg35[%add3A_24, %dma_start3A_280] : memref<100000x16xf32, #tpu.memory_space<vmem_shared>> -> memref<256x16xf32, #tpu.memory_space<vmem_shared>>
      tpu.enqueue_dma source(%arg11 : memref<256x16xf32, #tpu.memory_space<vmem>>) target(%dma_start3A_281 : memref<256x16xf32, #tpu.memory_space<vmem_shared>>) target_semaphore(%run_scoped3A : memref<!tpu.dma_semaphore, #tpu.memory_space<semaphore_mem>>)
      %dma_wait3A_282 = arith.constant 0 : i32
      %dma_wait3A_283 = tpu.memref_slice %arg35[%add3A_24, %dma_wait3A_282] : memref<100000x16xf32, #tpu.memory_space<vmem_shared>> -> memref<256x16xf32, #tpu.memory_space<vmem_shared>>
      %dma_wait3A_284 = arith.constant 0 : i32
      %dma_wait3A_285 = tpu.memref_slice %arg35[%add3A_24, %dma_wait3A_284] : memref<100000x16xf32, #tpu.memory_space<vmem_shared>> -> memref<256x16xf32, #tpu.memory_space<vmem_shared>>
      tpu.wait_dma2 semaphore(%run_scoped3A : memref<!tpu.dma_semaphore, #tpu.memory_space<semaphore_mem>>) src(%arg11 : memref<256x16xf32, #tpu.memory_space<vmem>>) dst(%dma_wait3A_285 : memref<256x16xf32, #tpu.memory_space<vmem_shared>>)
      tpu.yield
    }) : () -> ()
    %add3A_25 = arith.constant 2304 : i32
    %add3A_26 = arith.addi %multiple_of3A, %add3A_25 : i32
    "tpu.region"() ({
      %run_scoped3A = tpu.sem_alloc : memref<!tpu.dma_semaphore, #tpu.memory_space<semaphore_mem>>
      %dma_start3A_278 = arith.constant 0 : i32
      %dma_start3A_279 = tpu.memref_slice %arg35[%add3A_26, %dma_start3A_278] : memref<100000x16xf32, #tpu.memory_space<vmem_shared>> -> memref<256x16xf32, #tpu.memory_space<vmem_shared>>
      %dma_start3A_280 = arith.constant 0 : i32
      %dma_start3A_281 = tpu.memref_slice %arg35[%add3A_26, %dma_start3A_280] : memref<100000x16xf32, #tpu.memory_space<vmem_shared>> -> memref<256x16xf32, #tpu.memory_space<vmem_shared>>
      tpu.enqueue_dma source(%arg11 : memref<256x16xf32, #tpu.memory_space<vmem>>) target(%dma_start3A_281 : memref<256x16xf32, #tpu.memory_space<vmem_shared>>) target_semaphore(%run_scoped3A : memref<!tpu.dma_semaphore, #tpu.memory_space<semaphore_mem>>)
      %dma_wait3A_282 = arith.constant 0 : i32
      %dma_wait3A_283 = tpu.memref_slice %arg35[%add3A_26, %dma_wait3A_282] : memref<100000x16xf32, #tpu.memory_space<vmem_shared>> -> memref<256x16xf32, #tpu.memory_space<vmem_shared>>
      %dma_wait3A_284 = arith.constant 0 : i32
      %dma_wait3A_285 = tpu.memref_slice %arg35[%add3A_26, %dma_wait3A_284] : memref<100000x16xf32, #tpu.memory_space<vmem_shared>> -> memref<256x16xf32, #tpu.memory_space<vmem_shared>>
      tpu.wait_dma2 semaphore(%run_scoped3A : memref<!tpu.dma_semaphore, #tpu.memory_space<semaphore_mem>>) src(%arg11 : memref<256x16xf32, #tpu.memory_space<vmem>>) dst(%dma_wait3A_285 : memref<256x16xf32, #tpu.memory_space<vmem_shared>>)
      tpu.yield
    }) : () -> ()
    %add3A_27 = arith.constant 2560 : i32
    %add3A_28 = arith.addi %multiple_of3A, %add3A_27 : i32
    "tpu.region"() ({
      %run_scoped3A = tpu.sem_alloc : memref<!tpu.dma_semaphore, #tpu.memory_space<semaphore_mem>>
      %dma_start3A_278 = arith.constant 0 : i32
      %dma_start3A_279 = tpu.memref_slice %arg35[%add3A_28, %dma_start3A_278] : memref<100000x16xf32, #tpu.memory_space<vmem_shared>> -> memref<256x16xf32, #tpu.memory_space<vmem_shared>>
      %dma_start3A_280 = arith.constant 0 : i32
      %dma_start3A_281 = tpu.memref_slice %arg35[%add3A_28, %dma_start3A_280] : memref<100000x16xf32, #tpu.memory_space<vmem_shared>> -> memref<256x16xf32, #tpu.memory_space<vmem_shared>>
      tpu.enqueue_dma source(%arg11 : memref<256x16xf32, #tpu.memory_space<vmem>>) target(%dma_start3A_281 : memref<256x16xf32, #tpu.memory_space<vmem_shared>>) target_semaphore(%run_scoped3A : memref<!tpu.dma_semaphore, #tpu.memory_space<semaphore_mem>>)
      %dma_wait3A_282 = arith.constant 0 : i32
      %dma_wait3A_283 = tpu.memref_slice %arg35[%add3A_28, %dma_wait3A_282] : memref<100000x16xf32, #tpu.memory_space<vmem_shared>> -> memref<256x16xf32, #tpu.memory_space<vmem_shared>>
      %dma_wait3A_284 = arith.constant 0 : i32
      %dma_wait3A_285 = tpu.memref_slice %arg35[%add3A_28, %dma_wait3A_284] : memref<100000x16xf32, #tpu.memory_space<vmem_shared>> -> memref<256x16xf32, #tpu.memory_space<vmem_shared>>
      tpu.wait_dma2 semaphore(%run_scoped3A : memref<!tpu.dma_semaphore, #tpu.memory_space<semaphore_mem>>) src(%arg11 : memref<256x16xf32, #tpu.memory_space<vmem>>) dst(%dma_wait3A_285 : memref<256x16xf32, #tpu.memory_space<vmem_shared>>)
      tpu.yield
    }) : () -> ()
    %add3A_29 = arith.constant 2816 : i32
    %add3A_30 = arith.addi %multiple_of3A, %add3A_29 : i32
    "tpu.region"() ({
      %run_scoped3A = tpu.sem_alloc : memref<!tpu.dma_semaphore, #tpu.memory_space<semaphore_mem>>
      %dma_start3A_278 = arith.constant 0 : i32
      %dma_start3A_279 = tpu.memref_slice %arg35[%add3A_30, %dma_start3A_278] : memref<100000x16xf32, #tpu.memory_space<vmem_shared>> -> memref<256x16xf32, #tpu.memory_space<vmem_shared>>
      %dma_start3A_280 = arith.constant 0 : i32
      %dma_start3A_281 = tpu.memref_slice %arg35[%add3A_30, %dma_start3A_280] : memref<100000x16xf32, #tpu.memory_space<vmem_shared>> -> memref<256x16xf32, #tpu.memory_space<vmem_shared>>
      tpu.enqueue_dma source(%arg11 : memref<256x16xf32, #tpu.memory_space<vmem>>) target(%dma_start3A_281 : memref<256x16xf32, #tpu.memory_space<vmem_shared>>) target_semaphore(%run_scoped3A : memref<!tpu.dma_semaphore, #tpu.memory_space<semaphore_mem>>)
      %dma_wait3A_282 = arith.constant 0 : i32
      %dma_wait3A_283 = tpu.memref_slice %arg35[%add3A_30, %dma_wait3A_282] : memref<100000x16xf32, #tpu.memory_space<vmem_shared>> -> memref<256x16xf32, #tpu.memory_space<vmem_shared>>
      %dma_wait3A_284 = arith.constant 0 : i32
      %dma_wait3A_285 = tpu.memref_slice %arg35[%add3A_30, %dma_wait3A_284] : memref<100000x16xf32, #tpu.memory_space<vmem_shared>> -> memref<256x16xf32, #tpu.memory_space<vmem_shared>>
      tpu.wait_dma2 semaphore(%run_scoped3A : memref<!tpu.dma_semaphore, #tpu.memory_space<semaphore_mem>>) src(%arg11 : memref<256x16xf32, #tpu.memory_space<vmem>>) dst(%dma_wait3A_285 : memref<256x16xf32, #tpu.memory_space<vmem_shared>>)
      tpu.yield
    }) : () -> ()
    %add3A_31 = arith.constant 3072 : i32
    %add3A_32 = arith.addi %multiple_of3A, %add3A_31 : i32
    "tpu.region"() ({
      %run_scoped3A = tpu.sem_alloc : memref<!tpu.dma_semaphore, #tpu.memory_space<semaphore_mem>>
      %dma_start3A_278 = arith.constant 0 : i32
      %dma_start3A_279 = tpu.memref_slice %arg35[%add3A_32, %dma_start3A_278] : memref<100000x16xf32, #tpu.memory_space<vmem_shared>> -> memref<256x16xf32, #tpu.memory_space<vmem_shared>>
      %dma_start3A_280 = arith.constant 0 : i32
      %dma_start3A_281 = tpu.memref_slice %arg35[%add3A_32, %dma_start3A_280] : memref<100000x16xf32, #tpu.memory_space<vmem_shared>> -> memref<256x16xf32, #tpu.memory_space<vmem_shared>>
      tpu.enqueue_dma source(%arg11 : memref<256x16xf32, #tpu.memory_space<vmem>>) target(%dma_start3A_281 : memref<256x16xf32, #tpu.memory_space<vmem_shared>>) target_semaphore(%run_scoped3A : memref<!tpu.dma_semaphore, #tpu.memory_space<semaphore_mem>>)
      %dma_wait3A_282 = arith.constant 0 : i32
      %dma_wait3A_283 = tpu.memref_slice %arg35[%add3A_32, %dma_wait3A_282] : memref<100000x16xf32, #tpu.memory_space<vmem_shared>> -> memref<256x16xf32, #tpu.memory_space<vmem_shared>>
      %dma_wait3A_284 = arith.constant 0 : i32
      %dma_wait3A_285 = tpu.memref_slice %arg35[%add3A_32, %dma_wait3A_284] : memref<100000x16xf32, #tpu.memory_space<vmem_shared>> -> memref<256x16xf32, #tpu.memory_space<vmem_shared>>
      tpu.wait_dma2 semaphore(%run_scoped3A : memref<!tpu.dma_semaphore, #tpu.memory_space<semaphore_mem>>) src(%arg11 : memref<256x16xf32, #tpu.memory_space<vmem>>) dst(%dma_wait3A_285 : memref<256x16xf32, #tpu.memory_space<vmem_shared>>)
      tpu.yield
    }) : () -> ()
    %add3A_33 = arith.constant 3328 : i32
    %add3A_34 = arith.addi %multiple_of3A, %add3A_33 : i32
    "tpu.region"() ({
      %run_scoped3A = tpu.sem_alloc : memref<!tpu.dma_semaphore, #tpu.memory_space<semaphore_mem>>
      %dma_start3A_278 = arith.constant 0 : i32
      %dma_start3A_279 = tpu.memref_slice %arg35[%add3A_34, %dma_start3A_278] : memref<100000x16xf32, #tpu.memory_space<vmem_shared>> -> memref<256x16xf32, #tpu.memory_space<vmem_shared>>
      %dma_start3A_280 = arith.constant 0 : i32
      %dma_start3A_281 = tpu.memref_slice %arg35[%add3A_34, %dma_start3A_280] : memref<100000x16xf32, #tpu.memory_space<vmem_shared>> -> memref<256x16xf32, #tpu.memory_space<vmem_shared>>
      tpu.enqueue_dma source(%arg11 : memref<256x16xf32, #tpu.memory_space<vmem>>) target(%dma_start3A_281 : memref<256x16xf32, #tpu.memory_space<vmem_shared>>) target_semaphore(%run_scoped3A : memref<!tpu.dma_semaphore, #tpu.memory_space<semaphore_mem>>)
      %dma_wait3A_282 = arith.constant 0 : i32
      %dma_wait3A_283 = tpu.memref_slice %arg35[%add3A_34, %dma_wait3A_282] : memref<100000x16xf32, #tpu.memory_space<vmem_shared>> -> memref<256x16xf32, #tpu.memory_space<vmem_shared>>
      %dma_wait3A_284 = arith.constant 0 : i32
      %dma_wait3A_285 = tpu.memref_slice %arg35[%add3A_34, %dma_wait3A_284] : memref<100000x16xf32, #tpu.memory_space<vmem_shared>> -> memref<256x16xf32, #tpu.memory_space<vmem_shared>>
      tpu.wait_dma2 semaphore(%run_scoped3A : memref<!tpu.dma_semaphore, #tpu.memory_space<semaphore_mem>>) src(%arg11 : memref<256x16xf32, #tpu.memory_space<vmem>>) dst(%dma_wait3A_285 : memref<256x16xf32, #tpu.memory_space<vmem_shared>>)
      tpu.yield
    }) : () -> ()
    %add3A_35 = arith.constant 3584 : i32
    %add3A_36 = arith.addi %multiple_of3A, %add3A_35 : i32
    "tpu.region"() ({
      %run_scoped3A = tpu.sem_alloc : memref<!tpu.dma_semaphore, #tpu.memory_space<semaphore_mem>>
      %dma_start3A_278 = arith.constant 0 : i32
      %dma_start3A_279 = tpu.memref_slice %arg35[%add3A_36, %dma_start3A_278] : memref<100000x16xf32, #tpu.memory_space<vmem_shared>> -> memref<256x16xf32, #tpu.memory_space<vmem_shared>>
      %dma_start3A_280 = arith.constant 0 : i32
      %dma_start3A_281 = tpu.memref_slice %arg35[%add3A_36, %dma_start3A_280] : memref<100000x16xf32, #tpu.memory_space<vmem_shared>> -> memref<256x16xf32, #tpu.memory_space<vmem_shared>>
      tpu.enqueue_dma source(%arg11 : memref<256x16xf32, #tpu.memory_space<vmem>>) target(%dma_start3A_281 : memref<256x16xf32, #tpu.memory_space<vmem_shared>>) target_semaphore(%run_scoped3A : memref<!tpu.dma_semaphore, #tpu.memory_space<semaphore_mem>>)
      %dma_wait3A_282 = arith.constant 0 : i32
      %dma_wait3A_283 = tpu.memref_slice %arg35[%add3A_36, %dma_wait3A_282] : memref<100000x16xf32, #tpu.memory_space<vmem_shared>> -> memref<256x16xf32, #tpu.memory_space<vmem_shared>>
      %dma_wait3A_284 = arith.constant 0 : i32
      %dma_wait3A_285 = tpu.memref_slice %arg35[%add3A_36, %dma_wait3A_284] : memref<100000x16xf32, #tpu.memory_space<vmem_shared>> -> memref<256x16xf32, #tpu.memory_space<vmem_shared>>
      tpu.wait_dma2 semaphore(%run_scoped3A : memref<!tpu.dma_semaphore, #tpu.memory_space<semaphore_mem>>) src(%arg11 : memref<256x16xf32, #tpu.memory_space<vmem>>) dst(%dma_wait3A_285 : memref<256x16xf32, #tpu.memory_space<vmem_shared>>)
      tpu.yield
    }) : () -> ()
    %add3A_37 = arith.constant 3840 : i32
    %add3A_38 = arith.addi %multiple_of3A, %add3A_37 : i32
    "tpu.region"() ({
      %run_scoped3A = tpu.sem_alloc : memref<!tpu.dma_semaphore, #tpu.memory_space<semaphore_mem>>
      %dma_start3A_278 = arith.constant 0 : i32
      %dma_start3A_279 = tpu.memref_slice %arg35[%add3A_38, %dma_start3A_278] : memref<100000x16xf32, #tpu.memory_space<vmem_shared>> -> memref<256x16xf32, #tpu.memory_space<vmem_shared>>
      %dma_start3A_280 = arith.constant 0 : i32
      %dma_start3A_281 = tpu.memref_slice %arg35[%add3A_38, %dma_start3A_280] : memref<100000x16xf32, #tpu.memory_space<vmem_shared>> -> memref<256x16xf32, #tpu.memory_space<vmem_shared>>
      tpu.enqueue_dma source(%arg11 : memref<256x16xf32, #tpu.memory_space<vmem>>) target(%dma_start3A_281 : memref<256x16xf32, #tpu.memory_space<vmem_shared>>) target_semaphore(%run_scoped3A : memref<!tpu.dma_semaphore, #tpu.memory_space<semaphore_mem>>)
      %dma_wait3A_282 = arith.constant 0 : i32
      %dma_wait3A_283 = tpu.memref_slice %arg35[%add3A_38, %dma_wait3A_282] : memref<100000x16xf32, #tpu.memory_space<vmem_shared>> -> memref<256x16xf32, #tpu.memory_space<vmem_shared>>
      %dma_wait3A_284 = arith.constant 0 : i32
      %dma_wait3A_285 = tpu.memref_slice %arg35[%add3A_38, %dma_wait3A_284] : memref<100000x16xf32, #tpu.memory_space<vmem_shared>> -> memref<256x16xf32, #tpu.memory_space<vmem_shared>>
      tpu.wait_dma2 semaphore(%run_scoped3A : memref<!tpu.dma_semaphore, #tpu.memory_space<semaphore_mem>>) src(%arg11 : memref<256x16xf32, #tpu.memory_space<vmem>>) dst(%dma_wait3A_285 : memref<256x16xf32, #tpu.memory_space<vmem_shared>>)
      tpu.yield
    }) : () -> ()
    %add3A_39 = arith.constant 4096 : i32
    %add3A_40 = arith.addi %multiple_of3A, %add3A_39 : i32
    "tpu.region"() ({
      %run_scoped3A = tpu.sem_alloc : memref<!tpu.dma_semaphore, #tpu.memory_space<semaphore_mem>>
      %dma_start3A_278 = arith.constant 0 : i32
      %dma_start3A_279 = tpu.memref_slice %arg35[%add3A_40, %dma_start3A_278] : memref<100000x16xf32, #tpu.memory_space<vmem_shared>> -> memref<256x16xf32, #tpu.memory_space<vmem_shared>>
      %dma_start3A_280 = arith.constant 0 : i32
      %dma_start3A_281 = tpu.memref_slice %arg35[%add3A_40, %dma_start3A_280] : memref<100000x16xf32, #tpu.memory_space<vmem_shared>> -> memref<256x16xf32, #tpu.memory_space<vmem_shared>>
      tpu.enqueue_dma source(%arg11 : memref<256x16xf32, #tpu.memory_space<vmem>>) target(%dma_start3A_281 : memref<256x16xf32, #tpu.memory_space<vmem_shared>>) target_semaphore(%run_scoped3A : memref<!tpu.dma_semaphore, #tpu.memory_space<semaphore_mem>>)
      %dma_wait3A_282 = arith.constant 0 : i32
      %dma_wait3A_283 = tpu.memref_slice %arg35[%add3A_40, %dma_wait3A_282] : memref<100000x16xf32, #tpu.memory_space<vmem_shared>> -> memref<256x16xf32, #tpu.memory_space<vmem_shared>>
      %dma_wait3A_284 = arith.constant 0 : i32
      %dma_wait3A_285 = tpu.memref_slice %arg35[%add3A_40, %dma_wait3A_284] : memref<100000x16xf32, #tpu.memory_space<vmem_shared>> -> memref<256x16xf32, #tpu.memory_space<vmem_shared>>
      tpu.wait_dma2 semaphore(%run_scoped3A : memref<!tpu.dma_semaphore, #tpu.memory_space<semaphore_mem>>) src(%arg11 : memref<256x16xf32, #tpu.memory_space<vmem>>) dst(%dma_wait3A_285 : memref<256x16xf32, #tpu.memory_space<vmem_shared>>)
      tpu.yield
    }) : () -> ()
    %add3A_41 = arith.constant 4352 : i32
    %add3A_42 = arith.addi %multiple_of3A, %add3A_41 : i32
    "tpu.region"() ({
      %run_scoped3A = tpu.sem_alloc : memref<!tpu.dma_semaphore, #tpu.memory_space<semaphore_mem>>
      %dma_start3A_278 = arith.constant 0 : i32
      %dma_start3A_279 = tpu.memref_slice %arg35[%add3A_42, %dma_start3A_278] : memref<100000x16xf32, #tpu.memory_space<vmem_shared>> -> memref<256x16xf32, #tpu.memory_space<vmem_shared>>
      %dma_start3A_280 = arith.constant 0 : i32
      %dma_start3A_281 = tpu.memref_slice %arg35[%add3A_42, %dma_start3A_280] : memref<100000x16xf32, #tpu.memory_space<vmem_shared>> -> memref<256x16xf32, #tpu.memory_space<vmem_shared>>
      tpu.enqueue_dma source(%arg11 : memref<256x16xf32, #tpu.memory_space<vmem>>) target(%dma_start3A_281 : memref<256x16xf32, #tpu.memory_space<vmem_shared>>) target_semaphore(%run_scoped3A : memref<!tpu.dma_semaphore, #tpu.memory_space<semaphore_mem>>)
      %dma_wait3A_282 = arith.constant 0 : i32
      %dma_wait3A_283 = tpu.memref_slice %arg35[%add3A_42, %dma_wait3A_282] : memref<100000x16xf32, #tpu.memory_space<vmem_shared>> -> memref<256x16xf32, #tpu.memory_space<vmem_shared>>
      %dma_wait3A_284 = arith.constant 0 : i32
      %dma_wait3A_285 = tpu.memref_slice %arg35[%add3A_42, %dma_wait3A_284] : memref<100000x16xf32, #tpu.memory_space<vmem_shared>> -> memref<256x16xf32, #tpu.memory_space<vmem_shared>>
      tpu.wait_dma2 semaphore(%run_scoped3A : memref<!tpu.dma_semaphore, #tpu.memory_space<semaphore_mem>>) src(%arg11 : memref<256x16xf32, #tpu.memory_space<vmem>>) dst(%dma_wait3A_285 : memref<256x16xf32, #tpu.memory_space<vmem_shared>>)
      tpu.yield
    }) : () -> ()
    %add3A_43 = arith.constant 4608 : i32
    %add3A_44 = arith.addi %multiple_of3A, %add3A_43 : i32
    "tpu.region"() ({
      %run_scoped3A = tpu.sem_alloc : memref<!tpu.dma_semaphore, #tpu.memory_space<semaphore_mem>>
      %dma_start3A_278 = arith.constant 0 : i32
      %dma_start3A_279 = tpu.memref_slice %arg35[%add3A_44, %dma_start3A_278] : memref<100000x16xf32, #tpu.memory_space<vmem_shared>> -> memref<256x16xf32, #tpu.memory_space<vmem_shared>>
      %dma_start3A_280 = arith.constant 0 : i32
      %dma_start3A_281 = tpu.memref_slice %arg35[%add3A_44, %dma_start3A_280] : memref<100000x16xf32, #tpu.memory_space<vmem_shared>> -> memref<256x16xf32, #tpu.memory_space<vmem_shared>>
      tpu.enqueue_dma source(%arg11 : memref<256x16xf32, #tpu.memory_space<vmem>>) target(%dma_start3A_281 : memref<256x16xf32, #tpu.memory_space<vmem_shared>>) target_semaphore(%run_scoped3A : memref<!tpu.dma_semaphore, #tpu.memory_space<semaphore_mem>>)
      %dma_wait3A_282 = arith.constant 0 : i32
      %dma_wait3A_283 = tpu.memref_slice %arg35[%add3A_44, %dma_wait3A_282] : memref<100000x16xf32, #tpu.memory_space<vmem_shared>> -> memref<256x16xf32, #tpu.memory_space<vmem_shared>>
      %dma_wait3A_284 = arith.constant 0 : i32
      %dma_wait3A_285 = tpu.memref_slice %arg35[%add3A_44, %dma_wait3A_284] : memref<100000x16xf32, #tpu.memory_space<vmem_shared>> -> memref<256x16xf32, #tpu.memory_space<vmem_shared>>
      tpu.wait_dma2 semaphore(%run_scoped3A : memref<!tpu.dma_semaphore, #tpu.memory_space<semaphore_mem>>) src(%arg11 : memref<256x16xf32, #tpu.memory_space<vmem>>) dst(%dma_wait3A_285 : memref<256x16xf32, #tpu.memory_space<vmem_shared>>)
      tpu.yield
    }) : () -> ()
    %add3A_45 = arith.constant 4864 : i32
    %add3A_46 = arith.addi %multiple_of3A, %add3A_45 : i32
    "tpu.region"() ({
      %run_scoped3A = tpu.sem_alloc : memref<!tpu.dma_semaphore, #tpu.memory_space<semaphore_mem>>
      %dma_start3A_278 = arith.constant 0 : i32
      %dma_start3A_279 = tpu.memref_slice %arg35[%add3A_46, %dma_start3A_278] : memref<100000x16xf32, #tpu.memory_space<vmem_shared>> -> memref<256x16xf32, #tpu.memory_space<vmem_shared>>
      %dma_start3A_280 = arith.constant 0 : i32
      %dma_start3A_281 = tpu.memref_slice %arg35[%add3A_46, %dma_start3A_280] : memref<100000x16xf32, #tpu.memory_space<vmem_shared>> -> memref<256x16xf32, #tpu.memory_space<vmem_shared>>
      tpu.enqueue_dma source(%arg11 : memref<256x16xf32, #tpu.memory_space<vmem>>) target(%dma_start3A_281 : memref<256x16xf32, #tpu.memory_space<vmem_shared>>) target_semaphore(%run_scoped3A : memref<!tpu.dma_semaphore, #tpu.memory_space<semaphore_mem>>)
      %dma_wait3A_282 = arith.constant 0 : i32
      %dma_wait3A_283 = tpu.memref_slice %arg35[%add3A_46, %dma_wait3A_282] : memref<100000x16xf32, #tpu.memory_space<vmem_shared>> -> memref<256x16xf32, #tpu.memory_space<vmem_shared>>
      %dma_wait3A_284 = arith.constant 0 : i32
      %dma_wait3A_285 = tpu.memref_slice %arg35[%add3A_46, %dma_wait3A_284] : memref<100000x16xf32, #tpu.memory_space<vmem_shared>> -> memref<256x16xf32, #tpu.memory_space<vmem_shared>>
      tpu.wait_dma2 semaphore(%run_scoped3A : memref<!tpu.dma_semaphore, #tpu.memory_space<semaphore_mem>>) src(%arg11 : memref<256x16xf32, #tpu.memory_space<vmem>>) dst(%dma_wait3A_285 : memref<256x16xf32, #tpu.memory_space<vmem_shared>>)
      tpu.yield
    }) : () -> ()
    %add3A_47 = arith.constant 5120 : i32
    %add3A_48 = arith.addi %multiple_of3A, %add3A_47 : i32
    "tpu.region"() ({
      %run_scoped3A = tpu.sem_alloc : memref<!tpu.dma_semaphore, #tpu.memory_space<semaphore_mem>>
      %dma_start3A_278 = arith.constant 0 : i32
      %dma_start3A_279 = tpu.memref_slice %arg35[%add3A_48, %dma_start3A_278] : memref<100000x16xf32, #tpu.memory_space<vmem_shared>> -> memref<256x16xf32, #tpu.memory_space<vmem_shared>>
      %dma_start3A_280 = arith.constant 0 : i32
      %dma_start3A_281 = tpu.memref_slice %arg35[%add3A_48, %dma_start3A_280] : memref<100000x16xf32, #tpu.memory_space<vmem_shared>> -> memref<256x16xf32, #tpu.memory_space<vmem_shared>>
      tpu.enqueue_dma source(%arg11 : memref<256x16xf32, #tpu.memory_space<vmem>>) target(%dma_start3A_281 : memref<256x16xf32, #tpu.memory_space<vmem_shared>>) target_semaphore(%run_scoped3A : memref<!tpu.dma_semaphore, #tpu.memory_space<semaphore_mem>>)
      %dma_wait3A_282 = arith.constant 0 : i32
      %dma_wait3A_283 = tpu.memref_slice %arg35[%add3A_48, %dma_wait3A_282] : memref<100000x16xf32, #tpu.memory_space<vmem_shared>> -> memref<256x16xf32, #tpu.memory_space<vmem_shared>>
      %dma_wait3A_284 = arith.constant 0 : i32
      %dma_wait3A_285 = tpu.memref_slice %arg35[%add3A_48, %dma_wait3A_284] : memref<100000x16xf32, #tpu.memory_space<vmem_shared>> -> memref<256x16xf32, #tpu.memory_space<vmem_shared>>
      tpu.wait_dma2 semaphore(%run_scoped3A : memref<!tpu.dma_semaphore, #tpu.memory_space<semaphore_mem>>) src(%arg11 : memref<256x16xf32, #tpu.memory_space<vmem>>) dst(%dma_wait3A_285 : memref<256x16xf32, #tpu.memory_space<vmem_shared>>)
      tpu.yield
    }) : () -> ()
    %add3A_49 = arith.constant 5376 : i32
    %add3A_50 = arith.addi %multiple_of3A, %add3A_49 : i32
    "tpu.region"() ({
      %run_scoped3A = tpu.sem_alloc : memref<!tpu.dma_semaphore, #tpu.memory_space<semaphore_mem>>
      %dma_start3A_278 = arith.constant 0 : i32
      %dma_start3A_279 = tpu.memref_slice %arg35[%add3A_50, %dma_start3A_278] : memref<100000x16xf32, #tpu.memory_space<vmem_shared>> -> memref<256x16xf32, #tpu.memory_space<vmem_shared>>
      %dma_start3A_280 = arith.constant 0 : i32
      %dma_start3A_281 = tpu.memref_slice %arg35[%add3A_50, %dma_start3A_280] : memref<100000x16xf32, #tpu.memory_space<vmem_shared>> -> memref<256x16xf32, #tpu.memory_space<vmem_shared>>
      tpu.enqueue_dma source(%arg11 : memref<256x16xf32, #tpu.memory_space<vmem>>) target(%dma_start3A_281 : memref<256x16xf32, #tpu.memory_space<vmem_shared>>) target_semaphore(%run_scoped3A : memref<!tpu.dma_semaphore, #tpu.memory_space<semaphore_mem>>)
      %dma_wait3A_282 = arith.constant 0 : i32
      %dma_wait3A_283 = tpu.memref_slice %arg35[%add3A_50, %dma_wait3A_282] : memref<100000x16xf32, #tpu.memory_space<vmem_shared>> -> memref<256x16xf32, #tpu.memory_space<vmem_shared>>
      %dma_wait3A_284 = arith.constant 0 : i32
      %dma_wait3A_285 = tpu.memref_slice %arg35[%add3A_50, %dma_wait3A_284] : memref<100000x16xf32, #tpu.memory_space<vmem_shared>> -> memref<256x16xf32, #tpu.memory_space<vmem_shared>>
      tpu.wait_dma2 semaphore(%run_scoped3A : memref<!tpu.dma_semaphore, #tpu.memory_space<semaphore_mem>>) src(%arg11 : memref<256x16xf32, #tpu.memory_space<vmem>>) dst(%dma_wait3A_285 : memref<256x16xf32, #tpu.memory_space<vmem_shared>>)
      tpu.yield
    }) : () -> ()
    %add3A_51 = arith.constant 5632 : i32
    %add3A_52 = arith.addi %multiple_of3A, %add3A_51 : i32
    "tpu.region"() ({
      %run_scoped3A = tpu.sem_alloc : memref<!tpu.dma_semaphore, #tpu.memory_space<semaphore_mem>>
      %dma_start3A_278 = arith.constant 0 : i32
      %dma_start3A_279 = tpu.memref_slice %arg35[%add3A_52, %dma_start3A_278] : memref<100000x16xf32, #tpu.memory_space<vmem_shared>> -> memref<256x16xf32, #tpu.memory_space<vmem_shared>>
      %dma_start3A_280 = arith.constant 0 : i32
      %dma_start3A_281 = tpu.memref_slice %arg35[%add3A_52, %dma_start3A_280] : memref<100000x16xf32, #tpu.memory_space<vmem_shared>> -> memref<256x16xf32, #tpu.memory_space<vmem_shared>>
      tpu.enqueue_dma source(%arg11 : memref<256x16xf32, #tpu.memory_space<vmem>>) target(%dma_start3A_281 : memref<256x16xf32, #tpu.memory_space<vmem_shared>>) target_semaphore(%run_scoped3A : memref<!tpu.dma_semaphore, #tpu.memory_space<semaphore_mem>>)
      %dma_wait3A_282 = arith.constant 0 : i32
      %dma_wait3A_283 = tpu.memref_slice %arg35[%add3A_52, %dma_wait3A_282] : memref<100000x16xf32, #tpu.memory_space<vmem_shared>> -> memref<256x16xf32, #tpu.memory_space<vmem_shared>>
      %dma_wait3A_284 = arith.constant 0 : i32
      %dma_wait3A_285 = tpu.memref_slice %arg35[%add3A_52, %dma_wait3A_284] : memref<100000x16xf32, #tpu.memory_space<vmem_shared>> -> memref<256x16xf32, #tpu.memory_space<vmem_shared>>
      tpu.wait_dma2 semaphore(%run_scoped3A : memref<!tpu.dma_semaphore, #tpu.memory_space<semaphore_mem>>) src(%arg11 : memref<256x16xf32, #tpu.memory_space<vmem>>) dst(%dma_wait3A_285 : memref<256x16xf32, #tpu.memory_space<vmem_shared>>)
      tpu.yield
    }) : () -> ()
    %add3A_53 = arith.constant 5888 : i32
    %add3A_54 = arith.addi %multiple_of3A, %add3A_53 : i32
    "tpu.region"() ({
      %run_scoped3A = tpu.sem_alloc : memref<!tpu.dma_semaphore, #tpu.memory_space<semaphore_mem>>
      %dma_start3A_278 = arith.constant 0 : i32
      %dma_start3A_279 = tpu.memref_slice %arg35[%add3A_54, %dma_start3A_278] : memref<100000x16xf32, #tpu.memory_space<vmem_shared>> -> memref<256x16xf32, #tpu.memory_space<vmem_shared>>
      %dma_start3A_280 = arith.constant 0 : i32
      %dma_start3A_281 = tpu.memref_slice %arg35[%add3A_54, %dma_start3A_280] : memref<100000x16xf32, #tpu.memory_space<vmem_shared>> -> memref<256x16xf32, #tpu.memory_space<vmem_shared>>
      tpu.enqueue_dma source(%arg11 : memref<256x16xf32, #tpu.memory_space<vmem>>) target(%dma_start3A_281 : memref<256x16xf32, #tpu.memory_space<vmem_shared>>) target_semaphore(%run_scoped3A : memref<!tpu.dma_semaphore, #tpu.memory_space<semaphore_mem>>)
      %dma_wait3A_282 = arith.constant 0 : i32
      %dma_wait3A_283 = tpu.memref_slice %arg35[%add3A_54, %dma_wait3A_282] : memref<100000x16xf32, #tpu.memory_space<vmem_shared>> -> memref<256x16xf32, #tpu.memory_space<vmem_shared>>
      %dma_wait3A_284 = arith.constant 0 : i32
      %dma_wait3A_285 = tpu.memref_slice %arg35[%add3A_54, %dma_wait3A_284] : memref<100000x16xf32, #tpu.memory_space<vmem_shared>> -> memref<256x16xf32, #tpu.memory_space<vmem_shared>>
      tpu.wait_dma2 semaphore(%run_scoped3A : memref<!tpu.dma_semaphore, #tpu.memory_space<semaphore_mem>>) src(%arg11 : memref<256x16xf32, #tpu.memory_space<vmem>>) dst(%dma_wait3A_285 : memref<256x16xf32, #tpu.memory_space<vmem_shared>>)
      tpu.yield
    }) : () -> ()
    %lt3A = arith.constant 15 : i32
    %lt3A_55 = arith.cmpi slt, %arg1, %lt3A : i32
    %convert_element_type3A = arith.extui %lt3A_55 : i1 to i32
    %cond3A = arith.constant 0 : i32
    %cond3A_56 = arith.cmpi ne, %convert_element_type3A, %cond3A : i32
    scf.if %cond3A_56 {
      %add3A_278 = arith.constant 6144 : i32
      %add3A_279 = arith.addi %multiple_of3A, %add3A_278 : i32
      "tpu.region"() ({
        %run_scoped3A = tpu.sem_alloc : memref<!tpu.dma_semaphore, #tpu.memory_space<semaphore_mem>>
        %dma_start3A_280 = arith.constant 0 : i32
        %dma_start3A_281 = arith.constant 0 : i32
        %dma_start3A_282 = tpu.memref_slice %arg11[%dma_start3A_280, %dma_start3A_281] : memref<256x16xf32, #tpu.memory_space<vmem>> -> memref<112x16xf32, #tpu.memory_space<vmem>>
        %dma_start3A_283 = arith.constant 0 : i32
        %dma_start3A_284 = tpu.memref_slice %arg35[%add3A_279, %dma_start3A_283] : memref<100000x16xf32, #tpu.memory_space<vmem_shared>> -> memref<112x16xf32, #tpu.memory_space<vmem_shared>>
        %dma_start3A_285 = arith.constant 0 : i32
        %dma_start3A_286 = tpu.memref_slice %arg35[%add3A_279, %dma_start3A_285] : memref<100000x16xf32, #tpu.memory_space<vmem_shared>> -> memref<112x16xf32, #tpu.memory_space<vmem_shared>>
        %dma_start3A_287 = arith.constant 0 : i32
        %dma_start3A_288 = arith.constant 0 : i32
        %dma_start3A_289 = tpu.memref_slice %arg11[%dma_start3A_287, %dma_start3A_288] : memref<256x16xf32, #tpu.memory_space<vmem>> -> memref<112x16xf32, #tpu.memory_space<vmem>>
        tpu.enqueue_dma source(%dma_start3A_289 : memref<112x16xf32, #tpu.memory_space<vmem>>) target(%dma_start3A_286 : memref<112x16xf32, #tpu.memory_space<vmem_shared>>) target_semaphore(%run_scoped3A : memref<!tpu.dma_semaphore, #tpu.memory_space<semaphore_mem>>)
        %dma_wait3A_290 = arith.constant 0 : i32
        %dma_wait3A_291 = arith.constant 0 : i32
        %dma_wait3A_292 = tpu.memref_slice %arg11[%dma_wait3A_290, %dma_wait3A_291] : memref<256x16xf32, #tpu.memory_space<vmem>> -> memref<112x16xf32, #tpu.memory_space<vmem>>
        %dma_wait3A_293 = arith.constant 0 : i32
        %dma_wait3A_294 = tpu.memref_slice %arg35[%add3A_279, %dma_wait3A_293] : memref<100000x16xf32, #tpu.memory_space<vmem_shared>> -> memref<112x16xf32, #tpu.memory_space<vmem_shared>>
        %dma_wait3A_295 = arith.constant 0 : i32
        %dma_wait3A_296 = tpu.memref_slice %arg35[%add3A_279, %dma_wait3A_295] : memref<100000x16xf32, #tpu.memory_space<vmem_shared>> -> memref<112x16xf32, #tpu.memory_space<vmem_shared>>
        %dma_wait3A_297 = arith.constant 0 : i32
        %dma_wait3A_298 = arith.constant 0 : i32
        %dma_wait3A_299 = tpu.memref_slice %arg11[%dma_wait3A_297, %dma_wait3A_298] : memref<256x16xf32, #tpu.memory_space<vmem>> -> memref<112x16xf32, #tpu.memory_space<vmem>>
        tpu.wait_dma2 semaphore(%run_scoped3A : memref<!tpu.dma_semaphore, #tpu.memory_space<semaphore_mem>>) src(%dma_wait3A_299 : memref<112x16xf32, #tpu.memory_space<vmem>>) dst(%dma_wait3A_296 : memref<112x16xf32, #tpu.memory_space<vmem_shared>>)
        tpu.yield
      }) : () -> ()
    } else {
    }
    %eq3A = arith.constant 15 : i32
    %eq3A_57 = arith.cmpi eq, %arg1, %eq3A : i32
    %convert_element_type3A_58 = arith.extui %eq3A_57 : i1 to i32
    %cond3A_59 = arith.constant 0 : i32
    %cond3A_60 = arith.cmpi ne, %convert_element_type3A_58, %cond3A_59 : i32
    scf.if %cond3A_60 {
      %add3A_278 = arith.constant 6144 : i32
      %add3A_279 = arith.addi %multiple_of3A, %add3A_278 : i32
      "tpu.region"() ({
        %run_scoped3A = tpu.sem_alloc : memref<!tpu.dma_semaphore, #tpu.memory_space<semaphore_mem>>
        %dma_start3A_280 = arith.constant 0 : i32
        %dma_start3A_281 = arith.constant 0 : i32
        %dma_start3A_282 = tpu.memref_slice %arg11[%dma_start3A_280, %dma_start3A_281] : memref<256x16xf32, #tpu.memory_space<vmem>> -> memref<16x16xf32, #tpu.memory_space<vmem>>
        %dma_start3A_283 = arith.constant 0 : i32
        %dma_start3A_284 = tpu.memref_slice %arg35[%add3A_279, %dma_start3A_283] : memref<100000x16xf32, #tpu.memory_space<vmem_shared>> -> memref<16x16xf32, #tpu.memory_space<vmem_shared>>
        %dma_start3A_285 = arith.constant 0 : i32
        %dma_start3A_286 = tpu.memref_slice %arg35[%add3A_279, %dma_start3A_285] : memref<100000x16xf32, #tpu.memory_space<vmem_shared>> -> memref<16x16xf32, #tpu.memory_space<vmem_shared>>
        %dma_start3A_287 = arith.constant 0 : i32
        %dma_start3A_288 = arith.constant 0 : i32
        %dma_start3A_289 = tpu.memref_slice %arg11[%dma_start3A_287, %dma_start3A_288] : memref<256x16xf32, #tpu.memory_space<vmem>> -> memref<16x16xf32, #tpu.memory_space<vmem>>
        tpu.enqueue_dma source(%dma_start3A_289 : memref<16x16xf32, #tpu.memory_space<vmem>>) target(%dma_start3A_286 : memref<16x16xf32, #tpu.memory_space<vmem_shared>>) target_semaphore(%run_scoped3A : memref<!tpu.dma_semaphore, #tpu.memory_space<semaphore_mem>>)
        %dma_wait3A_290 = arith.constant 0 : i32
        %dma_wait3A_291 = arith.constant 0 : i32
        %dma_wait3A_292 = tpu.memref_slice %arg11[%dma_wait3A_290, %dma_wait3A_291] : memref<256x16xf32, #tpu.memory_space<vmem>> -> memref<16x16xf32, #tpu.memory_space<vmem>>
        %dma_wait3A_293 = arith.constant 0 : i32
        %dma_wait3A_294 = tpu.memref_slice %arg35[%add3A_279, %dma_wait3A_293] : memref<100000x16xf32, #tpu.memory_space<vmem_shared>> -> memref<16x16xf32, #tpu.memory_space<vmem_shared>>
        %dma_wait3A_295 = arith.constant 0 : i32
        %dma_wait3A_296 = tpu.memref_slice %arg35[%add3A_279, %dma_wait3A_295] : memref<100000x16xf32, #tpu.memory_space<vmem_shared>> -> memref<16x16xf32, #tpu.memory_space<vmem_shared>>
        %dma_wait3A_297 = arith.constant 0 : i32
        %dma_wait3A_298 = arith.constant 0 : i32
        %dma_wait3A_299 = tpu.memref_slice %arg11[%dma_wait3A_297, %dma_wait3A_298] : memref<256x16xf32, #tpu.memory_space<vmem>> -> memref<16x16xf32, #tpu.memory_space<vmem>>
        tpu.wait_dma2 semaphore(%run_scoped3A : memref<!tpu.dma_semaphore, #tpu.memory_space<semaphore_mem>>) src(%dma_wait3A_299 : memref<16x16xf32, #tpu.memory_space<vmem>>) dst(%dma_wait3A_296 : memref<16x16xf32, #tpu.memory_space<vmem_shared>>)
        tpu.yield
      }) : () -> ()
    } else {
    }
    %barrier3A = arith.constant 0 : index
    tpu.barrier barrier_id(%barrier3A)
    %mul3A_61 = arith.constant 102400 : i32
    %mul3A_62 = arith.muli %arg1, %mul3A_61 : i32
    %add3A_63 = arith.constant 0 : i32
    %add3A_64 = arith.addi %mul3A_62, %add3A_63 : i32
    %multiple_of3A_65 = tpu.assume_multiple %add3A_64, 256 : i32
    %jit3A = arith.constant 128 : i32
    %div3A = arith.divsi %multiple_of3A_65, %jit3A : i32
    %sign3A = arith.constant 0 : i32
    %sign3A_66 = arith.cmpi sgt, %multiple_of3A_65, %sign3A : i32
    %sign3A_67 = arith.extui %sign3A_66 : i1 to i32
    %sign3A_68 = arith.constant 0 : i32
    %sign3A_69 = arith.cmpi slt, %multiple_of3A_65, %sign3A_68 : i32
    %sign3A_70 = arith.extui %sign3A_69 : i1 to i32
    %sign3A_71 = arith.subi %sign3A_67, %sign3A_70 : i32
    %sign3A_72 = arith.constant 0 : i32
    %sign3A_73 = arith.cmpi sgt, %jit3A, %sign3A_72 : i32
    %sign3A_74 = arith.extui %sign3A_73 : i1 to i32
    %sign3A_75 = arith.constant 0 : i32
    %sign3A_76 = arith.cmpi slt, %jit3A, %sign3A_75 : i32
    %sign3A_77 = arith.extui %sign3A_76 : i1 to i32
    %sign3A_78 = arith.subi %sign3A_74, %sign3A_77 : i32
    %ne3A = arith.cmpi ne, %sign3A_71, %sign3A_78 : i32
    %rem3A = arith.remsi %multiple_of3A_65, %jit3A : i32
    %ne3A_79 = arith.constant 0 : i32
    %ne3A_80 = arith.cmpi ne, %rem3A, %ne3A_79 : i32
    %and3A = arith.andi %ne3A, %ne3A_80 : i1
    %sub3A = arith.constant 1 : i32
    %sub3A_81 = arith.subi %div3A, %sub3A : i32
    %select_n3A = arith.select %and3A, %sub3A_81, %div3A : i32
    %multiple_of3A_82 = tpu.assume_multiple %select_n3A, 2 : i32
    "tpu.region"() ({
      %run_scoped3A = tpu.sem_alloc : memref<!tpu.dma_semaphore, #tpu.memory_space<semaphore_mem>>
      %dma_start3A_278 = arith.constant 0 : i32
      %dma_start3A_279 = tpu.memref_slice %arg3[%multiple_of3A_82, %dma_start3A_278] : memref<12800x128xi32, #tpu.memory_space<hbm>> -> memref<2x128xi32, #tpu.memory_space<hbm>>
      %dma_start3A_280 = arith.constant 0 : i32
      %dma_start3A_281 = tpu.memref_slice %arg3[%multiple_of3A_82, %dma_start3A_280] : memref<12800x128xi32, #tpu.memory_space<hbm>> -> memref<2x128xi32, #tpu.memory_space<hbm>>
      tpu.enqueue_dma source(%dma_start3A_281 : memref<2x128xi32, #tpu.memory_space<hbm>>) target(%arg7 : memref<2x128xi32, #tpu.memory_space<vmem>>) target_semaphore(%run_scoped3A : memref<!tpu.dma_semaphore, #tpu.memory_space<semaphore_mem>>)
      %dma_wait3A_282 = arith.constant 0 : i32
      %dma_wait3A_283 = tpu.memref_slice %arg3[%multiple_of3A_82, %dma_wait3A_282] : memref<12800x128xi32, #tpu.memory_space<hbm>> -> memref<2x128xi32, #tpu.memory_space<hbm>>
      %dma_wait3A_284 = arith.constant 0 : i32
      %dma_wait3A_285 = tpu.memref_slice %arg3[%multiple_of3A_82, %dma_wait3A_284] : memref<12800x128xi32, #tpu.memory_space<hbm>> -> memref<2x128xi32, #tpu.memory_space<hbm>>
      tpu.wait_dma2 semaphore(%run_scoped3A : memref<!tpu.dma_semaphore, #tpu.memory_space<semaphore_mem>>) src(%dma_wait3A_285 : memref<2x128xi32, #tpu.memory_space<hbm>>) dst(%arg7 : memref<2x128xi32, #tpu.memory_space<vmem>>)
      tpu.yield
    }) : () -> ()
    "tpu.region"() ({
      %run_scoped3A = tpu.sem_alloc : memref<!tpu.dma_semaphore, #tpu.memory_space<semaphore_mem>>
      %dma_start3A_278 = arith.constant 0 : i32
      %dma_start3A_279 = tpu.memref_slice %arg4[%multiple_of3A_82, %dma_start3A_278] : memref<12800x128xi32, #tpu.memory_space<hbm>> -> memref<2x128xi32, #tpu.memory_space<hbm>>
      %dma_start3A_280 = arith.constant 0 : i32
      %dma_start3A_281 = tpu.memref_slice %arg4[%multiple_of3A_82, %dma_start3A_280] : memref<12800x128xi32, #tpu.memory_space<hbm>> -> memref<2x128xi32, #tpu.memory_space<hbm>>
      tpu.enqueue_dma source(%dma_start3A_281 : memref<2x128xi32, #tpu.memory_space<hbm>>) target(%arg9 : memref<2x128xi32, #tpu.memory_space<vmem>>) target_semaphore(%run_scoped3A : memref<!tpu.dma_semaphore, #tpu.memory_space<semaphore_mem>>)
      %dma_wait3A_282 = arith.constant 0 : i32
      %dma_wait3A_283 = tpu.memref_slice %arg4[%multiple_of3A_82, %dma_wait3A_282] : memref<12800x128xi32, #tpu.memory_space<hbm>> -> memref<2x128xi32, #tpu.memory_space<hbm>>
      %dma_wait3A_284 = arith.constant 0 : i32
      %dma_wait3A_285 = tpu.memref_slice %arg4[%multiple_of3A_82, %dma_wait3A_284] : memref<12800x128xi32, #tpu.memory_space<hbm>> -> memref<2x128xi32, #tpu.memory_space<hbm>>
      tpu.wait_dma2 semaphore(%run_scoped3A : memref<!tpu.dma_semaphore, #tpu.memory_space<semaphore_mem>>) src(%dma_wait3A_285 : memref<2x128xi32, #tpu.memory_space<hbm>>) dst(%arg9 : memref<2x128xi32, #tpu.memory_space<vmem>>)
      tpu.yield
    }) : () -> ()
    "tpu.region"() ({
      %run_scoped3A = tpu.sem_alloc : memref<!tpu.dma_semaphore, #tpu.memory_space<semaphore_mem>>
      %dma_start3A_278 = tpu.memref_slice %arg5[%multiple_of3A_65] : memref<1638400xf32, #tpu.memory_space<hbm>> -> memref<256xf32, #tpu.memory_space<hbm>>
      %dma_start3A_279 = tpu.memref_slice %arg5[%multiple_of3A_65] : memref<1638400xf32, #tpu.memory_space<hbm>> -> memref<256xf32, #tpu.memory_space<hbm>>
      tpu.enqueue_dma source(%dma_start3A_279 : memref<256xf32, #tpu.memory_space<hbm>>) target(%arg10 : memref<256xf32, #tpu.memory_space<vmem>>) target_semaphore(%run_scoped3A : memref<!tpu.dma_semaphore, #tpu.memory_space<semaphore_mem>>)
      %dma_wait3A_280 = tpu.memref_slice %arg5[%multiple_of3A_65] : memref<1638400xf32, #tpu.memory_space<hbm>> -> memref<256xf32, #tpu.memory_space<hbm>>
      %dma_wait3A_281 = tpu.memref_slice %arg5[%multiple_of3A_65] : memref<1638400xf32, #tpu.memory_space<hbm>> -> memref<256xf32, #tpu.memory_space<hbm>>
      tpu.wait_dma2 semaphore(%run_scoped3A : memref<!tpu.dma_semaphore, #tpu.memory_space<semaphore_mem>>) src(%dma_wait3A_281 : memref<256xf32, #tpu.memory_space<hbm>>) dst(%arg10 : memref<256xf32, #tpu.memory_space<vmem>>)
      tpu.yield
    }) : () -> ()
    %scan3A_83 = arith.constant 0 : i32
    %scan3A_84 = arith.constant 0 : i32
    %scan3A_85 = arith.constant 8 : i32
    %scan3A_86 = arith.addi %scan3A_84, %scan3A_85 : i32
    %scan3A_87 = arith.constant 1 : i32
    scf.for %scan3A_278 = %scan3A_84 to %scan3A_86 step %scan3A_87  : i32 {
      %mul3A_279 = arith.constant 16 : i32
      %mul3A_280 = arith.muli %scan3A_278, %mul3A_279 : i32
      %get3A = arith.constant 0 : i32
      %get3A_281 = arith.index_cast %get3A : i32 to index
      %get3A_282 = arith.index_cast %mul3A_280 : i32 to index
      %get3A_283 = tpu.vector_load %arg7[%get3A_281, %get3A_282] {strides = array<i32>} : memref<2x128xi32, #tpu.memory_space<vmem>>, vector<1x16xi32>,
      %get3A_284 = vector.shape_cast %get3A_283 : vector<1x16xi32> to vector<16xi32>
      %add3A_285 = vector.broadcast %mul3A_0 : i32 to vector<16xi32>
      %add3A_286 = arith.addi %get3A_284, %add3A_285 : vector<16xi32>
      %mul3A_287 = arith.constant 16 : i32
      %mul3A_288 = arith.muli %scan3A_278, %mul3A_287 : i32
      %swap3A = arith.constant 0 : i32
      %swap3A_289 = arith.index_cast %swap3A : i32 to index
      %swap3A_290 = arith.index_cast %mul3A_288 : i32 to index
      %swap3A_291 = tpu.vector_load %arg8[%swap3A_289, %swap3A_290] {strides = array<i32>} : memref<2x128xi32, #tpu.memory_space<vmem>>, vector<1x16xi32>,
      %swap3A_292 = vector.shape_cast %swap3A_291 : vector<1x16xi32> to vector<16xi32>
      %swap3A_293 = vector.shape_cast %add3A_286 : vector<16xi32> to vector<1x16xi32>
      tpu.vector_store %arg8[%swap3A_289, %swap3A_290], %swap3A_293 {strides = array<i32>} : memref<2x128xi32, #tpu.memory_space<vmem>>, vector<1x16xi32>,
    }
    %scan3A_88 = arith.constant 8 : i32
    %scan3A_89 = arith.constant 0 : i32
    %scan3A_90 = arith.constant 0 : i32
    %scan3A_91 = arith.constant 8 : i32
    %scan3A_92 = arith.addi %scan3A_90, %scan3A_91 : i32
    %scan3A_93 = arith.constant 1 : i32
    scf.for %scan3A_278 = %scan3A_90 to %scan3A_92 step %scan3A_93  : i32 {
      %mul3A_279 = arith.constant 16 : i32
      %mul3A_280 = arith.muli %scan3A_278, %mul3A_279 : i32
      %get3A = arith.constant 1 : i32
      %get3A_281 = arith.index_cast %get3A : i32 to index
      %get3A_282 = arith.index_cast %mul3A_280 : i32 to index
      %get3A_283 = tpu.vector_load %arg7[%get3A_281, %get3A_282] {strides = array<i32>} : memref<2x128xi32, #tpu.memory_space<vmem>>, vector<1x16xi32>,
      %get3A_284 = vector.shape_cast %get3A_283 : vector<1x16xi32> to vector<16xi32>
      %add3A_285 = vector.broadcast %mul3A_0 : i32 to vector<16xi32>
      %add3A_286 = arith.addi %get3A_284, %add3A_285 : vector<16xi32>
      %mul3A_287 = arith.constant 16 : i32
      %mul3A_288 = arith.muli %scan3A_278, %mul3A_287 : i32
      %swap3A = arith.constant 1 : i32
      %swap3A_289 = arith.index_cast %swap3A : i32 to index
      %swap3A_290 = arith.index_cast %mul3A_288 : i32 to index
      %swap3A_291 = tpu.vector_load %arg8[%swap3A_289, %swap3A_290] {strides = array<i32>} : memref<2x128xi32, #tpu.memory_space<vmem>>, vector<1x16xi32>,
      %swap3A_292 = vector.shape_cast %swap3A_291 : vector<1x16xi32> to vector<16xi32>
      %swap3A_293 = vector.shape_cast %add3A_286 : vector<16xi32> to vector<1x16xi32>
      tpu.vector_store %arg8[%swap3A_289, %swap3A_290], %swap3A_293 {strides = array<i32>} : memref<2x128xi32, #tpu.memory_space<vmem>>, vector<1x16xi32>,
    }
    %scan3A_94 = arith.constant 8 : i32
    %dma_start3A = arith.constant 0 : i32
    %dma_start3A_95 = arith.constant 0 : i32
    %dma_start3A_96 = arith.constant 0 : i32
    %dma_start3A_97 = tpu.memref_slice %arg11[%dma_start3A_95, %dma_start3A_96] : memref<256x16xf32, #tpu.memory_space<vmem>> -> memref<128x16xf32, #tpu.memory_space<vmem>>
    %dma_start3A_98 = arith.constant 0 : i32
    %dma_start3A_99 = tpu.memref_slice %arg8[%dma_start3A, %dma_start3A_98] : memref<2x128xi32, #tpu.memory_space<vmem>> -> memref<1x128xi32, #tpu.memory_space<vmem>>
    %dma_start3A_100 = tpu.memref_squeeze %dma_start3A_99 : memref<1x128xi32, #tpu.memory_space<vmem>> -> memref<128xi32, #tpu.memory_space<vmem>>
    %dma_start3A_101 = arith.constant 0 : i32
    %dma_start3A_102 = arith.constant 0 : i32
    %dma_start3A_103 = tpu.memref_slice %arg2[%dma_start3A_101, %dma_start3A_102] : memref<200000x16xf32, #tpu.memory_space<hbm>> -> memref<200000x16xf32, #tpu.memory_space<hbm>>
    tpu.enqueue_indirect_dma source(%dma_start3A_103 : memref<200000x16xf32, #tpu.memory_space<hbm>>) target(%dma_start3A_97 : memref<128x16xf32, #tpu.memory_space<vmem>>) offsets(%dma_start3A_100 : memref<128xi32, #tpu.memory_space<vmem>>) semaphore(%arg12 : memref<!tpu.dma_semaphore, #tpu.memory_space<semaphore_mem>>)
    %dma_start3A_104 = arith.constant 1 : i32
    %dma_start3A_105 = arith.constant 128 : i32
    %dma_start3A_106 = arith.constant 0 : i32
    %dma_start3A_107 = tpu.memref_slice %arg11[%dma_start3A_105, %dma_start3A_106] : memref<256x16xf32, #tpu.memory_space<vmem>> -> memref<128x16xf32, #tpu.memory_space<vmem>>
    %dma_start3A_108 = arith.constant 0 : i32
    %dma_start3A_109 = tpu.memref_slice %arg8[%dma_start3A_104, %dma_start3A_108] : memref<2x128xi32, #tpu.memory_space<vmem>> -> memref<1x128xi32, #tpu.memory_space<vmem>>
    %dma_start3A_110 = tpu.memref_squeeze %dma_start3A_109 : memref<1x128xi32, #tpu.memory_space<vmem>> -> memref<128xi32, #tpu.memory_space<vmem>>
    %dma_start3A_111 = arith.constant 0 : i32
    %dma_start3A_112 = arith.constant 0 : i32
    %dma_start3A_113 = tpu.memref_slice %arg2[%dma_start3A_111, %dma_start3A_112] : memref<200000x16xf32, #tpu.memory_space<hbm>> -> memref<200000x16xf32, #tpu.memory_space<hbm>>
    tpu.enqueue_indirect_dma source(%dma_start3A_113 : memref<200000x16xf32, #tpu.memory_space<hbm>>) target(%dma_start3A_107 : memref<128x16xf32, #tpu.memory_space<vmem>>) offsets(%dma_start3A_110 : memref<128xi32, #tpu.memory_space<vmem>>) semaphore(%arg12 : memref<!tpu.dma_semaphore, #tpu.memory_space<semaphore_mem>>)
    %mul3A_114 = arith.constant 102400 : i32
    %mul3A_115 = arith.muli %arg1, %mul3A_114 : i32
    %add3A_116 = arith.constant 256 : i32
    %add3A_117 = arith.addi %mul3A_115, %add3A_116 : i32
    %multiple_of3A_118 = tpu.assume_multiple %add3A_117, 256 : i32
    %jit3A_119 = arith.constant 128 : i32
    %div3A_120 = arith.divsi %multiple_of3A_118, %jit3A_119 : i32
    %sign3A_121 = arith.constant 0 : i32
    %sign3A_122 = arith.cmpi sgt, %multiple_of3A_118, %sign3A_121 : i32
    %sign3A_123 = arith.extui %sign3A_122 : i1 to i32
    %sign3A_124 = arith.constant 0 : i32
    %sign3A_125 = arith.cmpi slt, %multiple_of3A_118, %sign3A_124 : i32
    %sign3A_126 = arith.extui %sign3A_125 : i1 to i32
    %sign3A_127 = arith.subi %sign3A_123, %sign3A_126 : i32
    %sign3A_128 = arith.constant 0 : i32
    %sign3A_129 = arith.cmpi sgt, %jit3A_119, %sign3A_128 : i32
    %sign3A_130 = arith.extui %sign3A_129 : i1 to i32
    %sign3A_131 = arith.constant 0 : i32
    %sign3A_132 = arith.cmpi slt, %jit3A_119, %sign3A_131 : i32
    %sign3A_133 = arith.extui %sign3A_132 : i1 to i32
    %sign3A_134 = arith.subi %sign3A_130, %sign3A_133 : i32
    %ne3A_135 = arith.cmpi ne, %sign3A_127, %sign3A_134 : i32
    %rem3A_136 = arith.remsi %multiple_of3A_118, %jit3A_119 : i32
    %ne3A_137 = arith.constant 0 : i32
    %ne3A_138 = arith.cmpi ne, %rem3A_136, %ne3A_137 : i32
    %and3A_139 = arith.andi %ne3A_135, %ne3A_138 : i1
    %sub3A_140 = arith.constant 1 : i32
    %sub3A_141 = arith.subi %div3A_120, %sub3A_140 : i32
    %select_n3A_142 = arith.select %and3A_139, %sub3A_141, %div3A_120 : i32
    %multiple_of3A_143 = tpu.assume_multiple %select_n3A_142, 2 : i32
    "tpu.region"() ({
      %run_scoped3A = tpu.sem_alloc : memref<!tpu.dma_semaphore, #tpu.memory_space<semaphore_mem>>
      %dma_start3A_278 = arith.constant 0 : i32
      %dma_start3A_279 = tpu.memref_slice %arg3[%multiple_of3A_143, %dma_start3A_278] : memref<12800x128xi32, #tpu.memory_space<hbm>> -> memref<2x128xi32, #tpu.memory_space<hbm>>
      %dma_start3A_280 = arith.constant 0 : i32
      %dma_start3A_281 = tpu.memref_slice %arg3[%multiple_of3A_143, %dma_start3A_280] : memref<12800x128xi32, #tpu.memory_space<hbm>> -> memref<2x128xi32, #tpu.memory_space<hbm>>
      tpu.enqueue_dma source(%dma_start3A_281 : memref<2x128xi32, #tpu.memory_space<hbm>>) target(%arg14 : memref<2x128xi32, #tpu.memory_space<vmem>>) target_semaphore(%run_scoped3A : memref<!tpu.dma_semaphore, #tpu.memory_space<semaphore_mem>>)
      %dma_wait3A_282 = arith.constant 0 : i32
      %dma_wait3A_283 = tpu.memref_slice %arg3[%multiple_of3A_143, %dma_wait3A_282] : memref<12800x128xi32, #tpu.memory_space<hbm>> -> memref<2x128xi32, #tpu.memory_space<hbm>>
      %dma_wait3A_284 = arith.constant 0 : i32
      %dma_wait3A_285 = tpu.memref_slice %arg3[%multiple_of3A_143, %dma_wait3A_284] : memref<12800x128xi32, #tpu.memory_space<hbm>> -> memref<2x128xi32, #tpu.memory_space<hbm>>
      tpu.wait_dma2 semaphore(%run_scoped3A : memref<!tpu.dma_semaphore, #tpu.memory_space<semaphore_mem>>) src(%dma_wait3A_285 : memref<2x128xi32, #tpu.memory_space<hbm>>) dst(%arg14 : memref<2x128xi32, #tpu.memory_space<vmem>>)
      tpu.yield
    }) : () -> ()
    "tpu.region"() ({
      %run_scoped3A = tpu.sem_alloc : memref<!tpu.dma_semaphore, #tpu.memory_space<semaphore_mem>>
      %dma_start3A_278 = arith.constant 0 : i32
      %dma_start3A_279 = tpu.memref_slice %arg4[%multiple_of3A_143, %dma_start3A_278] : memref<12800x128xi32, #tpu.memory_space<hbm>> -> memref<2x128xi32, #tpu.memory_space<hbm>>
      %dma_start3A_280 = arith.constant 0 : i32
      %dma_start3A_281 = tpu.memref_slice %arg4[%multiple_of3A_143, %dma_start3A_280] : memref<12800x128xi32, #tpu.memory_space<hbm>> -> memref<2x128xi32, #tpu.memory_space<hbm>>
      tpu.enqueue_dma source(%dma_start3A_281 : memref<2x128xi32, #tpu.memory_space<hbm>>) target(%arg16 : memref<2x128xi32, #tpu.memory_space<vmem>>) target_semaphore(%run_scoped3A : memref<!tpu.dma_semaphore, #tpu.memory_space<semaphore_mem>>)
      %dma_wait3A_282 = arith.constant 0 : i32
      %dma_wait3A_283 = tpu.memref_slice %arg4[%multiple_of3A_143, %dma_wait3A_282] : memref<12800x128xi32, #tpu.memory_space<hbm>> -> memref<2x128xi32, #tpu.memory_space<hbm>>
      %dma_wait3A_284 = arith.constant 0 : i32
      %dma_wait3A_285 = tpu.memref_slice %arg4[%multiple_of3A_143, %dma_wait3A_284] : memref<12800x128xi32, #tpu.memory_space<hbm>> -> memref<2x128xi32, #tpu.memory_space<hbm>>
      tpu.wait_dma2 semaphore(%run_scoped3A : memref<!tpu.dma_semaphore, #tpu.memory_space<semaphore_mem>>) src(%dma_wait3A_285 : memref<2x128xi32, #tpu.memory_space<hbm>>) dst(%arg16 : memref<2x128xi32, #tpu.memory_space<vmem>>)
      tpu.yield
    }) : () -> ()
    "tpu.region"() ({
      %run_scoped3A = tpu.sem_alloc : memref<!tpu.dma_semaphore, #tpu.memory_space<semaphore_mem>>
      %dma_start3A_278 = tpu.memref_slice %arg5[%multiple_of3A_118] : memref<1638400xf32, #tpu.memory_space<hbm>> -> memref<256xf32, #tpu.memory_space<hbm>>
      %dma_start3A_279 = tpu.memref_slice %arg5[%multiple_of3A_118] : memref<1638400xf32, #tpu.memory_space<hbm>> -> memref<256xf32, #tpu.memory_space<hbm>>
      tpu.enqueue_dma source(%dma_start3A_279 : memref<256xf32, #tpu.memory_space<hbm>>) target(%arg17 : memref<256xf32, #tpu.memory_space<vmem>>) target_semaphore(%run_scoped3A : memref<!tpu.dma_semaphore, #tpu.memory_space<semaphore_mem>>)
      %dma_wait3A_280 = tpu.memref_slice %arg5[%multiple_of3A_118] : memref<1638400xf32, #tpu.memory_space<hbm>> -> memref<256xf32, #tpu.memory_space<hbm>>
      %dma_wait3A_281 = tpu.memref_slice %arg5[%multiple_of3A_118] : memref<1638400xf32, #tpu.memory_space<hbm>> -> memref<256xf32, #tpu.memory_space<hbm>>
      tpu.wait_dma2 semaphore(%run_scoped3A : memref<!tpu.dma_semaphore, #tpu.memory_space<semaphore_mem>>) src(%dma_wait3A_281 : memref<256xf32, #tpu.memory_space<hbm>>) dst(%arg17 : memref<256xf32, #tpu.memory_space<vmem>>)
      tpu.yield
    }) : () -> ()
    %scan3A_144 = arith.constant 0 : i32
    %scan3A_145 = arith.constant 0 : i32
    %scan3A_146 = arith.constant 8 : i32
    %scan3A_147 = arith.addi %scan3A_145, %scan3A_146 : i32
    %scan3A_148 = arith.constant 1 : i32
    scf.for %scan3A_278 = %scan3A_145 to %scan3A_147 step %scan3A_148  : i32 {
      %mul3A_279 = arith.constant 16 : i32
      %mul3A_280 = arith.muli %scan3A_278, %mul3A_279 : i32
      %get3A = arith.constant 0 : i32
      %get3A_281 = arith.index_cast %get3A : i32 to index
      %get3A_282 = arith.index_cast %mul3A_280 : i32 to index
      %get3A_283 = tpu.vector_load %arg14[%get3A_281, %get3A_282] {strides = array<i32>} : memref<2x128xi32, #tpu.memory_space<vmem>>, vector<1x16xi32>,
      %get3A_284 = vector.shape_cast %get3A_283 : vector<1x16xi32> to vector<16xi32>
      %add3A_285 = vector.broadcast %mul3A_0 : i32 to vector<16xi32>
      %add3A_286 = arith.addi %get3A_284, %add3A_285 : vector<16xi32>
      %mul3A_287 = arith.constant 16 : i32
      %mul3A_288 = arith.muli %scan3A_278, %mul3A_287 : i32
      %swap3A = arith.constant 0 : i32
      %swap3A_289 = arith.index_cast %swap3A : i32 to index
      %swap3A_290 = arith.index_cast %mul3A_288 : i32 to index
      %swap3A_291 = tpu.vector_load %arg15[%swap3A_289, %swap3A_290] {strides = array<i32>} : memref<2x128xi32, #tpu.memory_space<vmem>>, vector<1x16xi32>,
      %swap3A_292 = vector.shape_cast %swap3A_291 : vector<1x16xi32> to vector<16xi32>
      %swap3A_293 = vector.shape_cast %add3A_286 : vector<16xi32> to vector<1x16xi32>
      tpu.vector_store %arg15[%swap3A_289, %swap3A_290], %swap3A_293 {strides = array<i32>} : memref<2x128xi32, #tpu.memory_space<vmem>>, vector<1x16xi32>,
    }
    %scan3A_149 = arith.constant 8 : i32
    %scan3A_150 = arith.constant 0 : i32
    %scan3A_151 = arith.constant 0 : i32
    %scan3A_152 = arith.constant 8 : i32
    %scan3A_153 = arith.addi %scan3A_151, %scan3A_152 : i32
    %scan3A_154 = arith.constant 1 : i32
    scf.for %scan3A_278 = %scan3A_151 to %scan3A_153 step %scan3A_154  : i32 {
      %mul3A_279 = arith.constant 16 : i32
      %mul3A_280 = arith.muli %scan3A_278, %mul3A_279 : i32
      %get3A = arith.constant 1 : i32
      %get3A_281 = arith.index_cast %get3A : i32 to index
      %get3A_282 = arith.index_cast %mul3A_280 : i32 to index
      %get3A_283 = tpu.vector_load %arg14[%get3A_281, %get3A_282] {strides = array<i32>} : memref<2x128xi32, #tpu.memory_space<vmem>>, vector<1x16xi32>,
      %get3A_284 = vector.shape_cast %get3A_283 : vector<1x16xi32> to vector<16xi32>
      %add3A_285 = vector.broadcast %mul3A_0 : i32 to vector<16xi32>
      %add3A_286 = arith.addi %get3A_284, %add3A_285 : vector<16xi32>
      %mul3A_287 = arith.constant 16 : i32
      %mul3A_288 = arith.muli %scan3A_278, %mul3A_287 : i32
      %swap3A = arith.constant 1 : i32
      %swap3A_289 = arith.index_cast %swap3A : i32 to index
      %swap3A_290 = arith.index_cast %mul3A_288 : i32 to index
      %swap3A_291 = tpu.vector_load %arg15[%swap3A_289, %swap3A_290] {strides = array<i32>} : memref<2x128xi32, #tpu.memory_space<vmem>>, vector<1x16xi32>,
      %swap3A_292 = vector.shape_cast %swap3A_291 : vector<1x16xi32> to vector<16xi32>
      %swap3A_293 = vector.shape_cast %add3A_286 : vector<16xi32> to vector<1x16xi32>
      tpu.vector_store %arg15[%swap3A_289, %swap3A_290], %swap3A_293 {strides = array<i32>} : memref<2x128xi32, #tpu.memory_space<vmem>>, vector<1x16xi32>,
    }
    %scan3A_155 = arith.constant 8 : i32
    %dma_start3A_156 = arith.constant 0 : i32
    %dma_start3A_157 = arith.constant 0 : i32
    %dma_start3A_158 = arith.constant 0 : i32
    %dma_start3A_159 = tpu.memref_slice %arg18[%dma_start3A_157, %dma_start3A_158] : memref<256x16xf32, #tpu.memory_space<vmem>> -> memref<128x16xf32, #tpu.memory_space<vmem>>
    %dma_start3A_160 = arith.constant 0 : i32
    %dma_start3A_161 = tpu.memref_slice %arg15[%dma_start3A_156, %dma_start3A_160] : memref<2x128xi32, #tpu.memory_space<vmem>> -> memref<1x128xi32, #tpu.memory_space<vmem>>
    %dma_start3A_162 = tpu.memref_squeeze %dma_start3A_161 : memref<1x128xi32, #tpu.memory_space<vmem>> -> memref<128xi32, #tpu.memory_space<vmem>>
    %dma_start3A_163 = arith.constant 0 : i32
    %dma_start3A_164 = arith.constant 0 : i32
    %dma_start3A_165 = tpu.memref_slice %arg2[%dma_start3A_163, %dma_start3A_164] : memref<200000x16xf32, #tpu.memory_space<hbm>> -> memref<200000x16xf32, #tpu.memory_space<hbm>>
    tpu.enqueue_indirect_dma source(%dma_start3A_165 : memref<200000x16xf32, #tpu.memory_space<hbm>>) target(%dma_start3A_159 : memref<128x16xf32, #tpu.memory_space<vmem>>) offsets(%dma_start3A_162 : memref<128xi32, #tpu.memory_space<vmem>>) semaphore(%arg19 : memref<!tpu.dma_semaphore, #tpu.memory_space<semaphore_mem>>)
    %dma_start3A_166 = arith.constant 1 : i32
    %dma_start3A_167 = arith.constant 128 : i32
    %dma_start3A_168 = arith.constant 0 : i32
    %dma_start3A_169 = tpu.memref_slice %arg18[%dma_start3A_167, %dma_start3A_168] : memref<256x16xf32, #tpu.memory_space<vmem>> -> memref<128x16xf32, #tpu.memory_space<vmem>>
    %dma_start3A_170 = arith.constant 0 : i32
    %dma_start3A_171 = tpu.memref_slice %arg15[%dma_start3A_166, %dma_start3A_170] : memref<2x128xi32, #tpu.memory_space<vmem>> -> memref<1x128xi32, #tpu.memory_space<vmem>>
    %dma_start3A_172 = tpu.memref_squeeze %dma_start3A_171 : memref<1x128xi32, #tpu.memory_space<vmem>> -> memref<128xi32, #tpu.memory_space<vmem>>
    %dma_start3A_173 = arith.constant 0 : i32
    %dma_start3A_174 = arith.constant 0 : i32
    %dma_start3A_175 = tpu.memref_slice %arg2[%dma_start3A_173, %dma_start3A_174] : memref<200000x16xf32, #tpu.memory_space<hbm>> -> memref<200000x16xf32, #tpu.memory_space<hbm>>
    tpu.enqueue_indirect_dma source(%dma_start3A_175 : memref<200000x16xf32, #tpu.memory_space<hbm>>) target(%dma_start3A_169 : memref<128x16xf32, #tpu.memory_space<vmem>>) offsets(%dma_start3A_172 : memref<128xi32, #tpu.memory_space<vmem>>) semaphore(%arg19 : memref<!tpu.dma_semaphore, #tpu.memory_space<semaphore_mem>>)
    %mul3A_176 = arith.constant 102400 : i32
    %mul3A_177 = arith.muli %arg1, %mul3A_176 : i32
    %add3A_178 = arith.constant 512 : i32
    %add3A_179 = arith.addi %mul3A_177, %add3A_178 : i32
    %multiple_of3A_180 = tpu.assume_multiple %add3A_179, 256 : i32
    %jit3A_181 = arith.constant 128 : i32
    %div3A_182 = arith.divsi %multiple_of3A_180, %jit3A_181 : i32
    %sign3A_183 = arith.constant 0 : i32
    %sign3A_184 = arith.cmpi sgt, %multiple_of3A_180, %sign3A_183 : i32
    %sign3A_185 = arith.extui %sign3A_184 : i1 to i32
    %sign3A_186 = arith.constant 0 : i32
    %sign3A_187 = arith.cmpi slt, %multiple_of3A_180, %sign3A_186 : i32
    %sign3A_188 = arith.extui %sign3A_187 : i1 to i32
    %sign3A_189 = arith.subi %sign3A_185, %sign3A_188 : i32
    %sign3A_190 = arith.constant 0 : i32
    %sign3A_191 = arith.cmpi sgt, %jit3A_181, %sign3A_190 : i32
    %sign3A_192 = arith.extui %sign3A_191 : i1 to i32
    %sign3A_193 = arith.constant 0 : i32
    %sign3A_194 = arith.cmpi slt, %jit3A_181, %sign3A_193 : i32
    %sign3A_195 = arith.extui %sign3A_194 : i1 to i32
    %sign3A_196 = arith.subi %sign3A_192, %sign3A_195 : i32
    %ne3A_197 = arith.cmpi ne, %sign3A_189, %sign3A_196 : i32
    %rem3A_198 = arith.remsi %multiple_of3A_180, %jit3A_181 : i32
    %ne3A_199 = arith.constant 0 : i32
    %ne3A_200 = arith.cmpi ne, %rem3A_198, %ne3A_199 : i32
    %and3A_201 = arith.andi %ne3A_197, %ne3A_200 : i1
    %sub3A_202 = arith.constant 1 : i32
    %sub3A_203 = arith.subi %div3A_182, %sub3A_202 : i32
    %select_n3A_204 = arith.select %and3A_201, %sub3A_203, %div3A_182 : i32
    %multiple_of3A_205 = tpu.assume_multiple %select_n3A_204, 2 : i32
    "tpu.region"() ({
      %run_scoped3A = tpu.sem_alloc : memref<!tpu.dma_semaphore, #tpu.memory_space<semaphore_mem>>
      %dma_start3A_278 = arith.constant 0 : i32
      %dma_start3A_279 = tpu.memref_slice %arg3[%multiple_of3A_205, %dma_start3A_278] : memref<12800x128xi32, #tpu.memory_space<hbm>> -> memref<2x128xi32, #tpu.memory_space<hbm>>
      %dma_start3A_280 = arith.constant 0 : i32
      %dma_start3A_281 = tpu.memref_slice %arg3[%multiple_of3A_205, %dma_start3A_280] : memref<12800x128xi32, #tpu.memory_space<hbm>> -> memref<2x128xi32, #tpu.memory_space<hbm>>
      tpu.enqueue_dma source(%dma_start3A_281 : memref<2x128xi32, #tpu.memory_space<hbm>>) target(%arg21 : memref<2x128xi32, #tpu.memory_space<vmem>>) target_semaphore(%run_scoped3A : memref<!tpu.dma_semaphore, #tpu.memory_space<semaphore_mem>>)
      %dma_wait3A_282 = arith.constant 0 : i32
      %dma_wait3A_283 = tpu.memref_slice %arg3[%multiple_of3A_205, %dma_wait3A_282] : memref<12800x128xi32, #tpu.memory_space<hbm>> -> memref<2x128xi32, #tpu.memory_space<hbm>>
      %dma_wait3A_284 = arith.constant 0 : i32
      %dma_wait3A_285 = tpu.memref_slice %arg3[%multiple_of3A_205, %dma_wait3A_284] : memref<12800x128xi32, #tpu.memory_space<hbm>> -> memref<2x128xi32, #tpu.memory_space<hbm>>
      tpu.wait_dma2 semaphore(%run_scoped3A : memref<!tpu.dma_semaphore, #tpu.memory_space<semaphore_mem>>) src(%dma_wait3A_285 : memref<2x128xi32, #tpu.memory_space<hbm>>) dst(%arg21 : memref<2x128xi32, #tpu.memory_space<vmem>>)
      tpu.yield
    }) : () -> ()
    "tpu.region"() ({
      %run_scoped3A = tpu.sem_alloc : memref<!tpu.dma_semaphore, #tpu.memory_space<semaphore_mem>>
      %dma_start3A_278 = arith.constant 0 : i32
      %dma_start3A_279 = tpu.memref_slice %arg4[%multiple_of3A_205, %dma_start3A_278] : memref<12800x128xi32, #tpu.memory_space<hbm>> -> memref<2x128xi32, #tpu.memory_space<hbm>>
      %dma_start3A_280 = arith.constant 0 : i32
      %dma_start3A_281 = tpu.memref_slice %arg4[%multiple_of3A_205, %dma_start3A_280] : memref<12800x128xi32, #tpu.memory_space<hbm>> -> memref<2x128xi32, #tpu.memory_space<hbm>>
      tpu.enqueue_dma source(%dma_start3A_281 : memref<2x128xi32, #tpu.memory_space<hbm>>) target(%arg23 : memref<2x128xi32, #tpu.memory_space<vmem>>) target_semaphore(%run_scoped3A : memref<!tpu.dma_semaphore, #tpu.memory_space<semaphore_mem>>)
      %dma_wait3A_282 = arith.constant 0 : i32
      %dma_wait3A_283 = tpu.memref_slice %arg4[%multiple_of3A_205, %dma_wait3A_282] : memref<12800x128xi32, #tpu.memory_space<hbm>> -> memref<2x128xi32, #tpu.memory_space<hbm>>
      %dma_wait3A_284 = arith.constant 0 : i32
      %dma_wait3A_285 = tpu.memref_slice %arg4[%multiple_of3A_205, %dma_wait3A_284] : memref<12800x128xi32, #tpu.memory_space<hbm>> -> memref<2x128xi32, #tpu.memory_space<hbm>>
      tpu.wait_dma2 semaphore(%run_scoped3A : memref<!tpu.dma_semaphore, #tpu.memory_space<semaphore_mem>>) src(%dma_wait3A_285 : memref<2x128xi32, #tpu.memory_space<hbm>>) dst(%arg23 : memref<2x128xi32, #tpu.memory_space<vmem>>)
      tpu.yield
    }) : () -> ()
    "tpu.region"() ({
      %run_scoped3A = tpu.sem_alloc : memref<!tpu.dma_semaphore, #tpu.memory_space<semaphore_mem>>
      %dma_start3A_278 = tpu.memref_slice %arg5[%multiple_of3A_180] : memref<1638400xf32, #tpu.memory_space<hbm>> -> memref<256xf32, #tpu.memory_space<hbm>>
      %dma_start3A_279 = tpu.memref_slice %arg5[%multiple_of3A_180] : memref<1638400xf32, #tpu.memory_space<hbm>> -> memref<256xf32, #tpu.memory_space<hbm>>
      tpu.enqueue_dma source(%dma_start3A_279 : memref<256xf32, #tpu.memory_space<hbm>>) target(%arg24 : memref<256xf32, #tpu.memory_space<vmem>>) target_semaphore(%run_scoped3A : memref<!tpu.dma_semaphore, #tpu.memory_space<semaphore_mem>>)
      %dma_wait3A_280 = tpu.memref_slice %arg5[%multiple_of3A_180] : memref<1638400xf32, #tpu.memory_space<hbm>> -> memref<256xf32, #tpu.memory_space<hbm>>
      %dma_wait3A_281 = tpu.memref_slice %arg5[%multiple_of3A_180] : memref<1638400xf32, #tpu.memory_space<hbm>> -> memref<256xf32, #tpu.memory_space<hbm>>
      tpu.wait_dma2 semaphore(%run_scoped3A : memref<!tpu.dma_semaphore, #tpu.memory_space<semaphore_mem>>) src(%dma_wait3A_281 : memref<256xf32, #tpu.memory_space<hbm>>) dst(%arg24 : memref<256xf32, #tpu.memory_space<vmem>>)
      tpu.yield
    }) : () -> ()
    %scan3A_206 = arith.constant 0 : i32
    %scan3A_207 = arith.constant 0 : i32
    %scan3A_208 = arith.constant 8 : i32
    %scan3A_209 = arith.addi %scan3A_207, %scan3A_208 : i32
    %scan3A_210 = arith.constant 1 : i32
    scf.for %scan3A_278 = %scan3A_207 to %scan3A_209 step %scan3A_210  : i32 {
      %mul3A_279 = arith.constant 16 : i32
      %mul3A_280 = arith.muli %scan3A_278, %mul3A_279 : i32
      %get3A = arith.constant 0 : i32
      %get3A_281 = arith.index_cast %get3A : i32 to index
      %get3A_282 = arith.index_cast %mul3A_280 : i32 to index
      %get3A_283 = tpu.vector_load %arg21[%get3A_281, %get3A_282] {strides = array<i32>} : memref<2x128xi32, #tpu.memory_space<vmem>>, vector<1x16xi32>,
      %get3A_284 = vector.shape_cast %get3A_283 : vector<1x16xi32> to vector<16xi32>
      %add3A_285 = vector.broadcast %mul3A_0 : i32 to vector<16xi32>
      %add3A_286 = arith.addi %get3A_284, %add3A_285 : vector<16xi32>
      %mul3A_287 = arith.constant 16 : i32
      %mul3A_288 = arith.muli %scan3A_278, %mul3A_287 : i32
      %swap3A = arith.constant 0 : i32
      %swap3A_289 = arith.index_cast %swap3A : i32 to index
      %swap3A_290 = arith.index_cast %mul3A_288 : i32 to index
      %swap3A_291 = tpu.vector_load %arg22[%swap3A_289, %swap3A_290] {strides = array<i32>} : memref<2x128xi32, #tpu.memory_space<vmem>>, vector<1x16xi32>,
      %swap3A_292 = vector.shape_cast %swap3A_291 : vector<1x16xi32> to vector<16xi32>
      %swap3A_293 = vector.shape_cast %add3A_286 : vector<16xi32> to vector<1x16xi32>
      tpu.vector_store %arg22[%swap3A_289, %swap3A_290], %swap3A_293 {strides = array<i32>} : memref<2x128xi32, #tpu.memory_space<vmem>>, vector<1x16xi32>,
    }
    %scan3A_211 = arith.constant 8 : i32
    %scan3A_212 = arith.constant 0 : i32
    %scan3A_213 = arith.constant 0 : i32
    %scan3A_214 = arith.constant 8 : i32
    %scan3A_215 = arith.addi %scan3A_213, %scan3A_214 : i32
    %scan3A_216 = arith.constant 1 : i32
    scf.for %scan3A_278 = %scan3A_213 to %scan3A_215 step %scan3A_216  : i32 {
      %mul3A_279 = arith.constant 16 : i32
      %mul3A_280 = arith.muli %scan3A_278, %mul3A_279 : i32
      %get3A = arith.constant 1 : i32
      %get3A_281 = arith.index_cast %get3A : i32 to index
      %get3A_282 = arith.index_cast %mul3A_280 : i32 to index
      %get3A_283 = tpu.vector_load %arg21[%get3A_281, %get3A_282] {strides = array<i32>} : memref<2x128xi32, #tpu.memory_space<vmem>>, vector<1x16xi32>,
      %get3A_284 = vector.shape_cast %get3A_283 : vector<1x16xi32> to vector<16xi32>
      %add3A_285 = vector.broadcast %mul3A_0 : i32 to vector<16xi32>
      %add3A_286 = arith.addi %get3A_284, %add3A_285 : vector<16xi32>
      %mul3A_287 = arith.constant 16 : i32
      %mul3A_288 = arith.muli %scan3A_278, %mul3A_287 : i32
      %swap3A = arith.constant 1 : i32
      %swap3A_289 = arith.index_cast %swap3A : i32 to index
      %swap3A_290 = arith.index_cast %mul3A_288 : i32 to index
      %swap3A_291 = tpu.vector_load %arg22[%swap3A_289, %swap3A_290] {strides = array<i32>} : memref<2x128xi32, #tpu.memory_space<vmem>>, vector<1x16xi32>,
      %swap3A_292 = vector.shape_cast %swap3A_291 : vector<1x16xi32> to vector<16xi32>
      %swap3A_293 = vector.shape_cast %add3A_286 : vector<16xi32> to vector<1x16xi32>
      tpu.vector_store %arg22[%swap3A_289, %swap3A_290], %swap3A_293 {strides = array<i32>} : memref<2x128xi32, #tpu.memory_space<vmem>>, vector<1x16xi32>,
    }
    %scan3A_217 = arith.constant 8 : i32
    %dma_start3A_218 = arith.constant 0 : i32
    %dma_start3A_219 = arith.constant 0 : i32
    %dma_start3A_220 = arith.constant 0 : i32
    %dma_start3A_221 = tpu.memref_slice %arg25[%dma_start3A_219, %dma_start3A_220] : memref<256x16xf32, #tpu.memory_space<vmem>> -> memref<128x16xf32, #tpu.memory_space<vmem>>
    %dma_start3A_222 = arith.constant 0 : i32
    %dma_start3A_223 = tpu.memref_slice %arg22[%dma_start3A_218, %dma_start3A_222] : memref<2x128xi32, #tpu.memory_space<vmem>> -> memref<1x128xi32, #tpu.memory_space<vmem>>
    %dma_start3A_224 = tpu.memref_squeeze %dma_start3A_223 : memref<1x128xi32, #tpu.memory_space<vmem>> -> memref<128xi32, #tpu.memory_space<vmem>>
    %dma_start3A_225 = arith.constant 0 : i32
    %dma_start3A_226 = arith.constant 0 : i32
    %dma_start3A_227 = tpu.memref_slice %arg2[%dma_start3A_225, %dma_start3A_226] : memref<200000x16xf32, #tpu.memory_space<hbm>> -> memref<200000x16xf32, #tpu.memory_space<hbm>>
    tpu.enqueue_indirect_dma source(%dma_start3A_227 : memref<200000x16xf32, #tpu.memory_space<hbm>>) target(%dma_start3A_221 : memref<128x16xf32, #tpu.memory_space<vmem>>) offsets(%dma_start3A_224 : memref<128xi32, #tpu.memory_space<vmem>>) semaphore(%arg26 : memref<!tpu.dma_semaphore, #tpu.memory_space<semaphore_mem>>)
    %dma_start3A_228 = arith.constant 1 : i32
    %dma_start3A_229 = arith.constant 128 : i32
    %dma_start3A_230 = arith.constant 0 : i32
    %dma_start3A_231 = tpu.memref_slice %arg25[%dma_start3A_229, %dma_start3A_230] : memref<256x16xf32, #tpu.memory_space<vmem>> -> memref<128x16xf32, #tpu.memory_space<vmem>>
    %dma_start3A_232 = arith.constant 0 : i32
    %dma_start3A_233 = tpu.memref_slice %arg22[%dma_start3A_228, %dma_start3A_232] : memref<2x128xi32, #tpu.memory_space<vmem>> -> memref<1x128xi32, #tpu.memory_space<vmem>>
    %dma_start3A_234 = tpu.memref_squeeze %dma_start3A_233 : memref<1x128xi32, #tpu.memory_space<vmem>> -> memref<128xi32, #tpu.memory_space<vmem>>
    %dma_start3A_235 = arith.constant 0 : i32
    %dma_start3A_236 = arith.constant 0 : i32
    %dma_start3A_237 = tpu.memref_slice %arg2[%dma_start3A_235, %dma_start3A_236] : memref<200000x16xf32, #tpu.memory_space<hbm>> -> memref<200000x16xf32, #tpu.memory_space<hbm>>
    tpu.enqueue_indirect_dma source(%dma_start3A_237 : memref<200000x16xf32, #tpu.memory_space<hbm>>) target(%dma_start3A_231 : memref<128x16xf32, #tpu.memory_space<vmem>>) offsets(%dma_start3A_234 : memref<128xi32, #tpu.memory_space<vmem>>) semaphore(%arg26 : memref<!tpu.dma_semaphore, #tpu.memory_space<semaphore_mem>>)
    %scan3A_238 = arith.constant 0 : i32
    %scan3A_239 = arith.constant 0 : i32
    %scan3A_240 = arith.constant 100 : i32
    %scan3A_241 = arith.addi %scan3A_239, %scan3A_240 : i32
    %scan3A_242 = arith.constant 1 : i32
    scf.for %scan3A_278 = %scan3A_239 to %scan3A_241 step %scan3A_242  : i32 {
      %mul3A_279 = arith.constant 4 : i32
      %mul3A_280 = arith.muli %scan3A_278, %mul3A_279 : i32
      %dma_wait3A_281 = arith.constant 0 : i32
      %dma_wait3A_282 = arith.constant 0 : i32
      %dma_wait3A_283 = tpu.memref_slice %arg2[%dma_wait3A_281, %dma_wait3A_282] : memref<200000x16xf32, #tpu.memory_space<hbm>> -> memref<256x16xf32, #tpu.memory_space<hbm>>
      %dma_wait3A_284 = arith.constant 0 : i32
      %dma_wait3A_285 = arith.constant 0 : i32
      %dma_wait3A_286 = tpu.memref_slice %arg2[%dma_wait3A_284, %dma_wait3A_285] : memref<200000x16xf32, #tpu.memory_space<hbm>> -> memref<256x16xf32, #tpu.memory_space<hbm>>
      tpu.wait_dma2 semaphore(%arg12 : memref<!tpu.dma_semaphore, #tpu.memory_space<semaphore_mem>>) src(%dma_wait3A_286 : memref<256x16xf32, #tpu.memory_space<hbm>>) dst(%arg11 : memref<256x16xf32, #tpu.memory_space<vmem>>)
      %scan3A_287 = arith.constant 0 : i32
      %scan3A_288 = arith.constant 0 : i32
      %scan3A_289 = arith.constant 16 : i32
      %scan3A_290 = arith.addi %scan3A_288, %scan3A_289 : i32
      %scan3A_291 = arith.constant 1 : i32
      scf.for %scan3A_515 = %scan3A_288 to %scan3A_290 step %scan3A_291  : i32 {
        %mul3A_516 = arith.constant 16 : i32
        %mul3A_517 = arith.muli %scan3A_515, %mul3A_516 : i32
        %get3A = arith.index_cast %mul3A_517 : i32 to index
        %get3A_518 = tpu.vector_load %arg10[%get3A] {strides = array<i32>} : memref<256xf32, #tpu.memory_space<vmem>>, vector<16xf32>,
        %get3A_519 = vector.shape_cast %get3A_518 : vector<16xf32> to vector<16xf32>
        %broadcast_in_dim3A = arith.constant 0 : i32
        %broadcast_in_dim3A_520 = vector.broadcast %broadcast_in_dim3A : i32 to vector<16xi32>
        %lt3A_521 = arith.constant 0 : i32
        %lt3A_522 = vector.broadcast %lt3A_521 : i32 to vector<16xi32>
        %lt3A_523 = arith.cmpi slt, %broadcast_in_dim3A_520, %lt3A_522 : vector<16xi32>
        %add3A_524 = arith.constant 16 : i32
        %add3A_525 = vector.broadcast %add3A_524 : i32 to vector<16xi32>
        %add3A_526 = arith.addi %broadcast_in_dim3A_520, %add3A_525 : vector<16xi32>
        %select_n3A_527 = arith.select %lt3A_523, %add3A_526, %broadcast_in_dim3A_520 : vector<16xi1>, vector<16xi32>
        %broadcast_in_dim3A_528 = vector.shape_cast %select_n3A_527 : vector<16xi32> to vector<16x1xi32>
        %gather3A = vector.shape_cast %broadcast_in_dim3A_528 : vector<16x1xi32> to vector<16xi32>
        %gather3A_529 = tpu.dynamic_gather %get3A_519[%gather3A] in [0] : vector<16xf32>, vector<16xi32> -> vector<16xf32>
        %mul3A_530 = arith.constant 16 : i32
        %mul3A_531 = arith.muli %scan3A_515, %mul3A_530 : i32
        %add3A_532 = arith.constant 0 : i32
        %add3A_533 = arith.addi %mul3A_531, %add3A_532 : i32
        %get3A_534 = arith.index_cast %add3A_533 : i32 to index
        %get3A_535 = arith.constant 0 : index
        %get3A_536 = tpu.vector_load %arg11[%get3A_534, %get3A_535] {strides = array<i32>} : memref<256x16xf32, #tpu.memory_space<vmem>>, vector<1x16xf32>,
        %get3A_537 = vector.shape_cast %get3A_536 : vector<1x16xf32> to vector<16xf32>
        %mul3A_538 = arith.mulf %get3A_537, %gather3A_529 : vector<16xf32>
        %swap3A = arith.index_cast %add3A_533 : i32 to index
        %swap3A_539 = arith.constant 0 : index
        %swap3A_540 = tpu.vector_load %arg11[%swap3A, %swap3A_539] {strides = array<i32>} : memref<256x16xf32, #tpu.memory_space<vmem>>, vector<1x16xf32>,
        %swap3A_541 = vector.shape_cast %swap3A_540 : vector<1x16xf32> to vector<16xf32>
        %swap3A_542 = vector.shape_cast %mul3A_538 : vector<16xf32> to vector<1x16xf32>
        tpu.vector_store %arg11[%swap3A, %swap3A_539], %swap3A_542 {strides = array<i32>} : memref<256x16xf32, #tpu.memory_space<vmem>>, vector<1x16xf32>,
        %broadcast_in_dim3A_543 = arith.constant 1 : i32
        %broadcast_in_dim3A_544 = vector.broadcast %broadcast_in_dim3A_543 : i32 to vector<16xi32>
        %lt3A_545 = arith.constant 0 : i32
        %lt3A_546 = vector.broadcast %lt3A_545 : i32 to vector<16xi32>
        %lt3A_547 = arith.cmpi slt, %broadcast_in_dim3A_544, %lt3A_546 : vector<16xi32>
        %add3A_548 = arith.constant 16 : i32
        %add3A_549 = vector.broadcast %add3A_548 : i32 to vector<16xi32>
        %add3A_550 = arith.addi %broadcast_in_dim3A_544, %add3A_549 : vector<16xi32>
        %select_n3A_551 = arith.select %lt3A_547, %add3A_550, %broadcast_in_dim3A_544 : vector<16xi1>, vector<16xi32>
        %broadcast_in_dim3A_552 = vector.shape_cast %select_n3A_551 : vector<16xi32> to vector<16x1xi32>
        %gather3A_553 = vector.shape_cast %broadcast_in_dim3A_552 : vector<16x1xi32> to vector<16xi32>
        %gather3A_554 = tpu.dynamic_gather %get3A_519[%gather3A_553] in [0] : vector<16xf32>, vector<16xi32> -> vector<16xf32>
        %mul3A_555 = arith.constant 16 : i32
        %mul3A_556 = arith.muli %scan3A_515, %mul3A_555 : i32
        %add3A_557 = arith.constant 1 : i32
        %add3A_558 = arith.addi %mul3A_556, %add3A_557 : i32
        %get3A_559 = arith.index_cast %add3A_558 : i32 to index
        %get3A_560 = arith.constant 0 : index
        %get3A_561 = tpu.vector_load %arg11[%get3A_559, %get3A_560] {strides = array<i32>} : memref<256x16xf32, #tpu.memory_space<vmem>>, vector<1x16xf32>,
        %get3A_562 = vector.shape_cast %get3A_561 : vector<1x16xf32> to vector<16xf32>
        %mul3A_563 = arith.mulf %get3A_562, %gather3A_554 : vector<16xf32>
        %swap3A_564 = arith.index_cast %add3A_558 : i32 to index
        %swap3A_565 = arith.constant 0 : index
        %swap3A_566 = tpu.vector_load %arg11[%swap3A_564, %swap3A_565] {strides = array<i32>} : memref<256x16xf32, #tpu.memory_space<vmem>>, vector<1x16xf32>,
        %swap3A_567 = vector.shape_cast %swap3A_566 : vector<1x16xf32> to vector<16xf32>
        %swap3A_568 = vector.shape_cast %mul3A_563 : vector<16xf32> to vector<1x16xf32>
        tpu.vector_store %arg11[%swap3A_564, %swap3A_565], %swap3A_568 {strides = array<i32>} : memref<256x16xf32, #tpu.memory_space<vmem>>, vector<1x16xf32>,
        %broadcast_in_dim3A_569 = arith.constant 2 : i32
        %broadcast_in_dim3A_570 = vector.broadcast %broadcast_in_dim3A_569 : i32 to vector<16xi32>
        %lt3A_571 = arith.constant 0 : i32
        %lt3A_572 = vector.broadcast %lt3A_571 : i32 to vector<16xi32>
        %lt3A_573 = arith.cmpi slt, %broadcast_in_dim3A_570, %lt3A_572 : vector<16xi32>
        %add3A_574 = arith.constant 16 : i32
        %add3A_575 = vector.broadcast %add3A_574 : i32 to vector<16xi32>
        %add3A_576 = arith.addi %broadcast_in_dim3A_570, %add3A_575 : vector<16xi32>
        %select_n3A_577 = arith.select %lt3A_573, %add3A_576, %broadcast_in_dim3A_570 : vector<16xi1>, vector<16xi32>
        %broadcast_in_dim3A_578 = vector.shape_cast %select_n3A_577 : vector<16xi32> to vector<16x1xi32>
        %gather3A_579 = vector.shape_cast %broadcast_in_dim3A_578 : vector<16x1xi32> to vector<16xi32>
        %gather3A_580 = tpu.dynamic_gather %get3A_519[%gather3A_579] in [0] : vector<16xf32>, vector<16xi32> -> vector<16xf32>
        %mul3A_581 = arith.constant 16 : i32
        %mul3A_582 = arith.muli %scan3A_515, %mul3A_581 : i32
        %add3A_583 = arith.constant 2 : i32
        %add3A_584 = arith.addi %mul3A_582, %add3A_583 : i32
        %get3A_585 = arith.index_cast %add3A_584 : i32 to index
        %get3A_586 = arith.constant 0 : index
        %get3A_587 = tpu.vector_load %arg11[%get3A_585, %get3A_586] {strides = array<i32>} : memref<256x16xf32, #tpu.memory_space<vmem>>, vector<1x16xf32>,
        %get3A_588 = vector.shape_cast %get3A_587 : vector<1x16xf32> to vector<16xf32>
        %mul3A_589 = arith.mulf %get3A_588, %gather3A_580 : vector<16xf32>
        %swap3A_590 = arith.index_cast %add3A_584 : i32 to index
        %swap3A_591 = arith.constant 0 : index
        %swap3A_592 = tpu.vector_load %arg11[%swap3A_590, %swap3A_591] {strides = array<i32>} : memref<256x16xf32, #tpu.memory_space<vmem>>, vector<1x16xf32>,
        %swap3A_593 = vector.shape_cast %swap3A_592 : vector<1x16xf32> to vector<16xf32>
        %swap3A_594 = vector.shape_cast %mul3A_589 : vector<16xf32> to vector<1x16xf32>
        tpu.vector_store %arg11[%swap3A_590, %swap3A_591], %swap3A_594 {strides = array<i32>} : memref<256x16xf32, #tpu.memory_space<vmem>>, vector<1x16xf32>,
        %broadcast_in_dim3A_595 = arith.constant 3 : i32
        %broadcast_in_dim3A_596 = vector.broadcast %broadcast_in_dim3A_595 : i32 to vector<16xi32>
        %lt3A_597 = arith.constant 0 : i32
        %lt3A_598 = vector.broadcast %lt3A_597 : i32 to vector<16xi32>
        %lt3A_599 = arith.cmpi slt, %broadcast_in_dim3A_596, %lt3A_598 : vector<16xi32>
        %add3A_600 = arith.constant 16 : i32
        %add3A_601 = vector.broadcast %add3A_600 : i32 to vector<16xi32>
        %add3A_602 = arith.addi %broadcast_in_dim3A_596, %add3A_601 : vector<16xi32>
        %select_n3A_603 = arith.select %lt3A_599, %add3A_602, %broadcast_in_dim3A_596 : vector<16xi1>, vector<16xi32>
        %broadcast_in_dim3A_604 = vector.shape_cast %select_n3A_603 : vector<16xi32> to vector<16x1xi32>
        %gather3A_605 = vector.shape_cast %broadcast_in_dim3A_604 : vector<16x1xi32> to vector<16xi32>
        %gather3A_606 = tpu.dynamic_gather %get3A_519[%gather3A_605] in [0] : vector<16xf32>, vector<16xi32> -> vector<16xf32>
        %mul3A_607 = arith.constant 16 : i32
        %mul3A_608 = arith.muli %scan3A_515, %mul3A_607 : i32
        %add3A_609 = arith.constant 3 : i32
        %add3A_610 = arith.addi %mul3A_608, %add3A_609 : i32
        %get3A_611 = arith.index_cast %add3A_610 : i32 to index
        %get3A_612 = arith.constant 0 : index
        %get3A_613 = tpu.vector_load %arg11[%get3A_611, %get3A_612] {strides = array<i32>} : memref<256x16xf32, #tpu.memory_space<vmem>>, vector<1x16xf32>,
        %get3A_614 = vector.shape_cast %get3A_613 : vector<1x16xf32> to vector<16xf32>
        %mul3A_615 = arith.mulf %get3A_614, %gather3A_606 : vector<16xf32>
        %swap3A_616 = arith.index_cast %add3A_610 : i32 to index
        %swap3A_617 = arith.constant 0 : index
        %swap3A_618 = tpu.vector_load %arg11[%swap3A_616, %swap3A_617] {strides = array<i32>} : memref<256x16xf32, #tpu.memory_space<vmem>>, vector<1x16xf32>,
        %swap3A_619 = vector.shape_cast %swap3A_618 : vector<1x16xf32> to vector<16xf32>
        %swap3A_620 = vector.shape_cast %mul3A_615 : vector<16xf32> to vector<1x16xf32>
        tpu.vector_store %arg11[%swap3A_616, %swap3A_617], %swap3A_620 {strides = array<i32>} : memref<256x16xf32, #tpu.memory_space<vmem>>, vector<1x16xf32>,
        %broadcast_in_dim3A_621 = arith.constant 4 : i32
        %broadcast_in_dim3A_622 = vector.broadcast %broadcast_in_dim3A_621 : i32 to vector<16xi32>
        %lt3A_623 = arith.constant 0 : i32
        %lt3A_624 = vector.broadcast %lt3A_623 : i32 to vector<16xi32>
        %lt3A_625 = arith.cmpi slt, %broadcast_in_dim3A_622, %lt3A_624 : vector<16xi32>
        %add3A_626 = arith.constant 16 : i32
        %add3A_627 = vector.broadcast %add3A_626 : i32 to vector<16xi32>
        %add3A_628 = arith.addi %broadcast_in_dim3A_622, %add3A_627 : vector<16xi32>
        %select_n3A_629 = arith.select %lt3A_625, %add3A_628, %broadcast_in_dim3A_622 : vector<16xi1>, vector<16xi32>
        %broadcast_in_dim3A_630 = vector.shape_cast %select_n3A_629 : vector<16xi32> to vector<16x1xi32>
        %gather3A_631 = vector.shape_cast %broadcast_in_dim3A_630 : vector<16x1xi32> to vector<16xi32>
        %gather3A_632 = tpu.dynamic_gather %get3A_519[%gather3A_631] in [0] : vector<16xf32>, vector<16xi32> -> vector<16xf32>
        %mul3A_633 = arith.constant 16 : i32
        %mul3A_634 = arith.muli %scan3A_515, %mul3A_633 : i32
        %add3A_635 = arith.constant 4 : i32
        %add3A_636 = arith.addi %mul3A_634, %add3A_635 : i32
        %get3A_637 = arith.index_cast %add3A_636 : i32 to index
        %get3A_638 = arith.constant 0 : index
        %get3A_639 = tpu.vector_load %arg11[%get3A_637, %get3A_638] {strides = array<i32>} : memref<256x16xf32, #tpu.memory_space<vmem>>, vector<1x16xf32>,
        %get3A_640 = vector.shape_cast %get3A_639 : vector<1x16xf32> to vector<16xf32>
        %mul3A_641 = arith.mulf %get3A_640, %gather3A_632 : vector<16xf32>
        %swap3A_642 = arith.index_cast %add3A_636 : i32 to index
        %swap3A_643 = arith.constant 0 : index
        %swap3A_644 = tpu.vector_load %arg11[%swap3A_642, %swap3A_643] {strides = array<i32>} : memref<256x16xf32, #tpu.memory_space<vmem>>, vector<1x16xf32>,
        %swap3A_645 = vector.shape_cast %swap3A_644 : vector<1x16xf32> to vector<16xf32>
        %swap3A_646 = vector.shape_cast %mul3A_641 : vector<16xf32> to vector<1x16xf32>
        tpu.vector_store %arg11[%swap3A_642, %swap3A_643], %swap3A_646 {strides = array<i32>} : memref<256x16xf32, #tpu.memory_space<vmem>>, vector<1x16xf32>,
        %broadcast_in_dim3A_647 = arith.constant 5 : i32
        %broadcast_in_dim3A_648 = vector.broadcast %broadcast_in_dim3A_647 : i32 to vector<16xi32>
        %lt3A_649 = arith.constant 0 : i32
        %lt3A_650 = vector.broadcast %lt3A_649 : i32 to vector<16xi32>
        %lt3A_651 = arith.cmpi slt, %broadcast_in_dim3A_648, %lt3A_650 : vector<16xi32>
        %add3A_652 = arith.constant 16 : i32
        %add3A_653 = vector.broadcast %add3A_652 : i32 to vector<16xi32>
        %add3A_654 = arith.addi %broadcast_in_dim3A_648, %add3A_653 : vector<16xi32>
        %select_n3A_655 = arith.select %lt3A_651, %add3A_654, %broadcast_in_dim3A_648 : vector<16xi1>, vector<16xi32>
        %broadcast_in_dim3A_656 = vector.shape_cast %select_n3A_655 : vector<16xi32> to vector<16x1xi32>
        %gather3A_657 = vector.shape_cast %broadcast_in_dim3A_656 : vector<16x1xi32> to vector<16xi32>
        %gather3A_658 = tpu.dynamic_gather %get3A_519[%gather3A_657] in [0] : vector<16xf32>, vector<16xi32> -> vector<16xf32>
        %mul3A_659 = arith.constant 16 : i32
        %mul3A_660 = arith.muli %scan3A_515, %mul3A_659 : i32
        %add3A_661 = arith.constant 5 : i32
        %add3A_662 = arith.addi %mul3A_660, %add3A_661 : i32
        %get3A_663 = arith.index_cast %add3A_662 : i32 to index
        %get3A_664 = arith.constant 0 : index
        %get3A_665 = tpu.vector_load %arg11[%get3A_663, %get3A_664] {strides = array<i32>} : memref<256x16xf32, #tpu.memory_space<vmem>>, vector<1x16xf32>,
        %get3A_666 = vector.shape_cast %get3A_665 : vector<1x16xf32> to vector<16xf32>
        %mul3A_667 = arith.mulf %get3A_666, %gather3A_658 : vector<16xf32>
        %swap3A_668 = arith.index_cast %add3A_662 : i32 to index
        %swap3A_669 = arith.constant 0 : index
        %swap3A_670 = tpu.vector_load %arg11[%swap3A_668, %swap3A_669] {strides = array<i32>} : memref<256x16xf32, #tpu.memory_space<vmem>>, vector<1x16xf32>,
        %swap3A_671 = vector.shape_cast %swap3A_670 : vector<1x16xf32> to vector<16xf32>
        %swap3A_672 = vector.shape_cast %mul3A_667 : vector<16xf32> to vector<1x16xf32>
        tpu.vector_store %arg11[%swap3A_668, %swap3A_669], %swap3A_672 {strides = array<i32>} : memref<256x16xf32, #tpu.memory_space<vmem>>, vector<1x16xf32>,
        %broadcast_in_dim3A_673 = arith.constant 6 : i32
        %broadcast_in_dim3A_674 = vector.broadcast %broadcast_in_dim3A_673 : i32 to vector<16xi32>
        %lt3A_675 = arith.constant 0 : i32
        %lt3A_676 = vector.broadcast %lt3A_675 : i32 to vector<16xi32>
        %lt3A_677 = arith.cmpi slt, %broadcast_in_dim3A_674, %lt3A_676 : vector<16xi32>
        %add3A_678 = arith.constant 16 : i32
        %add3A_679 = vector.broadcast %add3A_678 : i32 to vector<16xi32>
        %add3A_680 = arith.addi %broadcast_in_dim3A_674, %add3A_679 : vector<16xi32>
        %select_n3A_681 = arith.select %lt3A_677, %add3A_680, %broadcast_in_dim3A_674 : vector<16xi1>, vector<16xi32>
        %broadcast_in_dim3A_682 = vector.shape_cast %select_n3A_681 : vector<16xi32> to vector<16x1xi32>
        %gather3A_683 = vector.shape_cast %broadcast_in_dim3A_682 : vector<16x1xi32> to vector<16xi32>
        %gather3A_684 = tpu.dynamic_gather %get3A_519[%gather3A_683] in [0] : vector<16xf32>, vector<16xi32> -> vector<16xf32>
        %mul3A_685 = arith.constant 16 : i32
        %mul3A_686 = arith.muli %scan3A_515, %mul3A_685 : i32
        %add3A_687 = arith.constant 6 : i32
        %add3A_688 = arith.addi %mul3A_686, %add3A_687 : i32
        %get3A_689 = arith.index_cast %add3A_688 : i32 to index
        %get3A_690 = arith.constant 0 : index
        %get3A_691 = tpu.vector_load %arg11[%get3A_689, %get3A_690] {strides = array<i32>} : memref<256x16xf32, #tpu.memory_space<vmem>>, vector<1x16xf32>,
        %get3A_692 = vector.shape_cast %get3A_691 : vector<1x16xf32> to vector<16xf32>
        %mul3A_693 = arith.mulf %get3A_692, %gather3A_684 : vector<16xf32>
        %swap3A_694 = arith.index_cast %add3A_688 : i32 to index
        %swap3A_695 = arith.constant 0 : index
        %swap3A_696 = tpu.vector_load %arg11[%swap3A_694, %swap3A_695] {strides = array<i32>} : memref<256x16xf32, #tpu.memory_space<vmem>>, vector<1x16xf32>,
        %swap3A_697 = vector.shape_cast %swap3A_696 : vector<1x16xf32> to vector<16xf32>
        %swap3A_698 = vector.shape_cast %mul3A_693 : vector<16xf32> to vector<1x16xf32>
        tpu.vector_store %arg11[%swap3A_694, %swap3A_695], %swap3A_698 {strides = array<i32>} : memref<256x16xf32, #tpu.memory_space<vmem>>, vector<1x16xf32>,
        %broadcast_in_dim3A_699 = arith.constant 7 : i32
        %broadcast_in_dim3A_700 = vector.broadcast %broadcast_in_dim3A_699 : i32 to vector<16xi32>
        %lt3A_701 = arith.constant 0 : i32
        %lt3A_702 = vector.broadcast %lt3A_701 : i32 to vector<16xi32>
        %lt3A_703 = arith.cmpi slt, %broadcast_in_dim3A_700, %lt3A_702 : vector<16xi32>
        %add3A_704 = arith.constant 16 : i32
        %add3A_705 = vector.broadcast %add3A_704 : i32 to vector<16xi32>
        %add3A_706 = arith.addi %broadcast_in_dim3A_700, %add3A_705 : vector<16xi32>
        %select_n3A_707 = arith.select %lt3A_703, %add3A_706, %broadcast_in_dim3A_700 : vector<16xi1>, vector<16xi32>
        %broadcast_in_dim3A_708 = vector.shape_cast %select_n3A_707 : vector<16xi32> to vector<16x1xi32>
        %gather3A_709 = vector.shape_cast %broadcast_in_dim3A_708 : vector<16x1xi32> to vector<16xi32>
        %gather3A_710 = tpu.dynamic_gather %get3A_519[%gather3A_709] in [0] : vector<16xf32>, vector<16xi32> -> vector<16xf32>
        %mul3A_711 = arith.constant 16 : i32
        %mul3A_712 = arith.muli %scan3A_515, %mul3A_711 : i32
        %add3A_713 = arith.constant 7 : i32
        %add3A_714 = arith.addi %mul3A_712, %add3A_713 : i32
        %get3A_715 = arith.index_cast %add3A_714 : i32 to index
        %get3A_716 = arith.constant 0 : index
        %get3A_717 = tpu.vector_load %arg11[%get3A_715, %get3A_716] {strides = array<i32>} : memref<256x16xf32, #tpu.memory_space<vmem>>, vector<1x16xf32>,
        %get3A_718 = vector.shape_cast %get3A_717 : vector<1x16xf32> to vector<16xf32>
        %mul3A_719 = arith.mulf %get3A_718, %gather3A_710 : vector<16xf32>
        %swap3A_720 = arith.index_cast %add3A_714 : i32 to index
        %swap3A_721 = arith.constant 0 : index
        %swap3A_722 = tpu.vector_load %arg11[%swap3A_720, %swap3A_721] {strides = array<i32>} : memref<256x16xf32, #tpu.memory_space<vmem>>, vector<1x16xf32>,
        %swap3A_723 = vector.shape_cast %swap3A_722 : vector<1x16xf32> to vector<16xf32>
        %swap3A_724 = vector.shape_cast %mul3A_719 : vector<16xf32> to vector<1x16xf32>
        tpu.vector_store %arg11[%swap3A_720, %swap3A_721], %swap3A_724 {strides = array<i32>} : memref<256x16xf32, #tpu.memory_space<vmem>>, vector<1x16xf32>,
        %broadcast_in_dim3A_725 = arith.constant 8 : i32
        %broadcast_in_dim3A_726 = vector.broadcast %broadcast_in_dim3A_725 : i32 to vector<16xi32>
        %lt3A_727 = arith.constant 0 : i32
        %lt3A_728 = vector.broadcast %lt3A_727 : i32 to vector<16xi32>
        %lt3A_729 = arith.cmpi slt, %broadcast_in_dim3A_726, %lt3A_728 : vector<16xi32>
        %add3A_730 = arith.constant 16 : i32
        %add3A_731 = vector.broadcast %add3A_730 : i32 to vector<16xi32>
        %add3A_732 = arith.addi %broadcast_in_dim3A_726, %add3A_731 : vector<16xi32>
        %select_n3A_733 = arith.select %lt3A_729, %add3A_732, %broadcast_in_dim3A_726 : vector<16xi1>, vector<16xi32>
        %broadcast_in_dim3A_734 = vector.shape_cast %select_n3A_733 : vector<16xi32> to vector<16x1xi32>
        %gather3A_735 = vector.shape_cast %broadcast_in_dim3A_734 : vector<16x1xi32> to vector<16xi32>
        %gather3A_736 = tpu.dynamic_gather %get3A_519[%gather3A_735] in [0] : vector<16xf32>, vector<16xi32> -> vector<16xf32>
        %mul3A_737 = arith.constant 16 : i32
        %mul3A_738 = arith.muli %scan3A_515, %mul3A_737 : i32
        %add3A_739 = arith.constant 8 : i32
        %add3A_740 = arith.addi %mul3A_738, %add3A_739 : i32
        %get3A_741 = arith.index_cast %add3A_740 : i32 to index
        %get3A_742 = arith.constant 0 : index
        %get3A_743 = tpu.vector_load %arg11[%get3A_741, %get3A_742] {strides = array<i32>} : memref<256x16xf32, #tpu.memory_space<vmem>>, vector<1x16xf32>,
        %get3A_744 = vector.shape_cast %get3A_743 : vector<1x16xf32> to vector<16xf32>
        %mul3A_745 = arith.mulf %get3A_744, %gather3A_736 : vector<16xf32>
        %swap3A_746 = arith.index_cast %add3A_740 : i32 to index
        %swap3A_747 = arith.constant 0 : index
        %swap3A_748 = tpu.vector_load %arg11[%swap3A_746, %swap3A_747] {strides = array<i32>} : memref<256x16xf32, #tpu.memory_space<vmem>>, vector<1x16xf32>,
        %swap3A_749 = vector.shape_cast %swap3A_748 : vector<1x16xf32> to vector<16xf32>
        %swap3A_750 = vector.shape_cast %mul3A_745 : vector<16xf32> to vector<1x16xf32>
        tpu.vector_store %arg11[%swap3A_746, %swap3A_747], %swap3A_750 {strides = array<i32>} : memref<256x16xf32, #tpu.memory_space<vmem>>, vector<1x16xf32>,
        %broadcast_in_dim3A_751 = arith.constant 9 : i32
        %broadcast_in_dim3A_752 = vector.broadcast %broadcast_in_dim3A_751 : i32 to vector<16xi32>
        %lt3A_753 = arith.constant 0 : i32
        %lt3A_754 = vector.broadcast %lt3A_753 : i32 to vector<16xi32>
        %lt3A_755 = arith.cmpi slt, %broadcast_in_dim3A_752, %lt3A_754 : vector<16xi32>
        %add3A_756 = arith.constant 16 : i32
        %add3A_757 = vector.broadcast %add3A_756 : i32 to vector<16xi32>
        %add3A_758 = arith.addi %broadcast_in_dim3A_752, %add3A_757 : vector<16xi32>
        %select_n3A_759 = arith.select %lt3A_755, %add3A_758, %broadcast_in_dim3A_752 : vector<16xi1>, vector<16xi32>
        %broadcast_in_dim3A_760 = vector.shape_cast %select_n3A_759 : vector<16xi32> to vector<16x1xi32>
        %gather3A_761 = vector.shape_cast %broadcast_in_dim3A_760 : vector<16x1xi32> to vector<16xi32>
        %gather3A_762 = tpu.dynamic_gather %get3A_519[%gather3A_761] in [0] : vector<16xf32>, vector<16xi32> -> vector<16xf32>
        %mul3A_763 = arith.constant 16 : i32
        %mul3A_764 = arith.muli %scan3A_515, %mul3A_763 : i32
        %add3A_765 = arith.constant 9 : i32
        %add3A_766 = arith.addi %mul3A_764, %add3A_765 : i32
        %get3A_767 = arith.index_cast %add3A_766 : i32 to index
        %get3A_768 = arith.constant 0 : index
        %get3A_769 = tpu.vector_load %arg11[%get3A_767, %get3A_768] {strides = array<i32>} : memref<256x16xf32, #tpu.memory_space<vmem>>, vector<1x16xf32>,
        %get3A_770 = vector.shape_cast %get3A_769 : vector<1x16xf32> to vector<16xf32>
        %mul3A_771 = arith.mulf %get3A_770, %gather3A_762 : vector<16xf32>
        %swap3A_772 = arith.index_cast %add3A_766 : i32 to index
        %swap3A_773 = arith.constant 0 : index
        %swap3A_774 = tpu.vector_load %arg11[%swap3A_772, %swap3A_773] {strides = array<i32>} : memref<256x16xf32, #tpu.memory_space<vmem>>, vector<1x16xf32>,
        %swap3A_775 = vector.shape_cast %swap3A_774 : vector<1x16xf32> to vector<16xf32>
        %swap3A_776 = vector.shape_cast %mul3A_771 : vector<16xf32> to vector<1x16xf32>
        tpu.vector_store %arg11[%swap3A_772, %swap3A_773], %swap3A_776 {strides = array<i32>} : memref<256x16xf32, #tpu.memory_space<vmem>>, vector<1x16xf32>,
        %broadcast_in_dim3A_777 = arith.constant 10 : i32
        %broadcast_in_dim3A_778 = vector.broadcast %broadcast_in_dim3A_777 : i32 to vector<16xi32>
        %lt3A_779 = arith.constant 0 : i32
        %lt3A_780 = vector.broadcast %lt3A_779 : i32 to vector<16xi32>
        %lt3A_781 = arith.cmpi slt, %broadcast_in_dim3A_778, %lt3A_780 : vector<16xi32>
        %add3A_782 = arith.constant 16 : i32
        %add3A_783 = vector.broadcast %add3A_782 : i32 to vector<16xi32>
        %add3A_784 = arith.addi %broadcast_in_dim3A_778, %add3A_783 : vector<16xi32>
        %select_n3A_785 = arith.select %lt3A_781, %add3A_784, %broadcast_in_dim3A_778 : vector<16xi1>, vector<16xi32>
        %broadcast_in_dim3A_786 = vector.shape_cast %select_n3A_785 : vector<16xi32> to vector<16x1xi32>
        %gather3A_787 = vector.shape_cast %broadcast_in_dim3A_786 : vector<16x1xi32> to vector<16xi32>
        %gather3A_788 = tpu.dynamic_gather %get3A_519[%gather3A_787] in [0] : vector<16xf32>, vector<16xi32> -> vector<16xf32>
        %mul3A_789 = arith.constant 16 : i32
        %mul3A_790 = arith.muli %scan3A_515, %mul3A_789 : i32
        %add3A_791 = arith.constant 10 : i32
        %add3A_792 = arith.addi %mul3A_790, %add3A_791 : i32
        %get3A_793 = arith.index_cast %add3A_792 : i32 to index
        %get3A_794 = arith.constant 0 : index
        %get3A_795 = tpu.vector_load %arg11[%get3A_793, %get3A_794] {strides = array<i32>} : memref<256x16xf32, #tpu.memory_space<vmem>>, vector<1x16xf32>,
        %get3A_796 = vector.shape_cast %get3A_795 : vector<1x16xf32> to vector<16xf32>
        %mul3A_797 = arith.mulf %get3A_796, %gather3A_788 : vector<16xf32>
        %swap3A_798 = arith.index_cast %add3A_792 : i32 to index
        %swap3A_799 = arith.constant 0 : index
        %swap3A_800 = tpu.vector_load %arg11[%swap3A_798, %swap3A_799] {strides = array<i32>} : memref<256x16xf32, #tpu.memory_space<vmem>>, vector<1x16xf32>,
        %swap3A_801 = vector.shape_cast %swap3A_800 : vector<1x16xf32> to vector<16xf32>
        %swap3A_802 = vector.shape_cast %mul3A_797 : vector<16xf32> to vector<1x16xf32>
        tpu.vector_store %arg11[%swap3A_798, %swap3A_799], %swap3A_802 {strides = array<i32>} : memref<256x16xf32, #tpu.memory_space<vmem>>, vector<1x16xf32>,
        %broadcast_in_dim3A_803 = arith.constant 11 : i32
        %broadcast_in_dim3A_804 = vector.broadcast %broadcast_in_dim3A_803 : i32 to vector<16xi32>
        %lt3A_805 = arith.constant 0 : i32
        %lt3A_806 = vector.broadcast %lt3A_805 : i32 to vector<16xi32>
        %lt3A_807 = arith.cmpi slt, %broadcast_in_dim3A_804, %lt3A_806 : vector<16xi32>
        %add3A_808 = arith.constant 16 : i32
        %add3A_809 = vector.broadcast %add3A_808 : i32 to vector<16xi32>
        %add3A_810 = arith.addi %broadcast_in_dim3A_804, %add3A_809 : vector<16xi32>
        %select_n3A_811 = arith.select %lt3A_807, %add3A_810, %broadcast_in_dim3A_804 : vector<16xi1>, vector<16xi32>
        %broadcast_in_dim3A_812 = vector.shape_cast %select_n3A_811 : vector<16xi32> to vector<16x1xi32>
        %gather3A_813 = vector.shape_cast %broadcast_in_dim3A_812 : vector<16x1xi32> to vector<16xi32>
        %gather3A_814 = tpu.dynamic_gather %get3A_519[%gather3A_813] in [0] : vector<16xf32>, vector<16xi32> -> vector<16xf32>
        %mul3A_815 = arith.constant 16 : i32
        %mul3A_816 = arith.muli %scan3A_515, %mul3A_815 : i32
        %add3A_817 = arith.constant 11 : i32
        %add3A_818 = arith.addi %mul3A_816, %add3A_817 : i32
        %get3A_819 = arith.index_cast %add3A_818 : i32 to index
        %get3A_820 = arith.constant 0 : index
        %get3A_821 = tpu.vector_load %arg11[%get3A_819, %get3A_820] {strides = array<i32>} : memref<256x16xf32, #tpu.memory_space<vmem>>, vector<1x16xf32>,
        %get3A_822 = vector.shape_cast %get3A_821 : vector<1x16xf32> to vector<16xf32>
        %mul3A_823 = arith.mulf %get3A_822, %gather3A_814 : vector<16xf32>
        %swap3A_824 = arith.index_cast %add3A_818 : i32 to index
        %swap3A_825 = arith.constant 0 : index
        %swap3A_826 = tpu.vector_load %arg11[%swap3A_824, %swap3A_825] {strides = array<i32>} : memref<256x16xf32, #tpu.memory_space<vmem>>, vector<1x16xf32>,
        %swap3A_827 = vector.shape_cast %swap3A_826 : vector<1x16xf32> to vector<16xf32>
        %swap3A_828 = vector.shape_cast %mul3A_823 : vector<16xf32> to vector<1x16xf32>
        tpu.vector_store %arg11[%swap3A_824, %swap3A_825], %swap3A_828 {strides = array<i32>} : memref<256x16xf32, #tpu.memory_space<vmem>>, vector<1x16xf32>,
        %broadcast_in_dim3A_829 = arith.constant 12 : i32
        %broadcast_in_dim3A_830 = vector.broadcast %broadcast_in_dim3A_829 : i32 to vector<16xi32>
        %lt3A_831 = arith.constant 0 : i32
        %lt3A_832 = vector.broadcast %lt3A_831 : i32 to vector<16xi32>
        %lt3A_833 = arith.cmpi slt, %broadcast_in_dim3A_830, %lt3A_832 : vector<16xi32>
        %add3A_834 = arith.constant 16 : i32
        %add3A_835 = vector.broadcast %add3A_834 : i32 to vector<16xi32>
        %add3A_836 = arith.addi %broadcast_in_dim3A_830, %add3A_835 : vector<16xi32>
        %select_n3A_837 = arith.select %lt3A_833, %add3A_836, %broadcast_in_dim3A_830 : vector<16xi1>, vector<16xi32>
        %broadcast_in_dim3A_838 = vector.shape_cast %select_n3A_837 : vector<16xi32> to vector<16x1xi32>
        %gather3A_839 = vector.shape_cast %broadcast_in_dim3A_838 : vector<16x1xi32> to vector<16xi32>
        %gather3A_840 = tpu.dynamic_gather %get3A_519[%gather3A_839] in [0] : vector<16xf32>, vector<16xi32> -> vector<16xf32>
        %mul3A_841 = arith.constant 16 : i32
        %mul3A_842 = arith.muli %scan3A_515, %mul3A_841 : i32
        %add3A_843 = arith.constant 12 : i32
        %add3A_844 = arith.addi %mul3A_842, %add3A_843 : i32
        %get3A_845 = arith.index_cast %add3A_844 : i32 to index
        %get3A_846 = arith.constant 0 : index
        %get3A_847 = tpu.vector_load %arg11[%get3A_845, %get3A_846] {strides = array<i32>} : memref<256x16xf32, #tpu.memory_space<vmem>>, vector<1x16xf32>,
        %get3A_848 = vector.shape_cast %get3A_847 : vector<1x16xf32> to vector<16xf32>
        %mul3A_849 = arith.mulf %get3A_848, %gather3A_840 : vector<16xf32>
        %swap3A_850 = arith.index_cast %add3A_844 : i32 to index
        %swap3A_851 = arith.constant 0 : index
        %swap3A_852 = tpu.vector_load %arg11[%swap3A_850, %swap3A_851] {strides = array<i32>} : memref<256x16xf32, #tpu.memory_space<vmem>>, vector<1x16xf32>,
        %swap3A_853 = vector.shape_cast %swap3A_852 : vector<1x16xf32> to vector<16xf32>
        %swap3A_854 = vector.shape_cast %mul3A_849 : vector<16xf32> to vector<1x16xf32>
        tpu.vector_store %arg11[%swap3A_850, %swap3A_851], %swap3A_854 {strides = array<i32>} : memref<256x16xf32, #tpu.memory_space<vmem>>, vector<1x16xf32>,
        %broadcast_in_dim3A_855 = arith.constant 13 : i32
        %broadcast_in_dim3A_856 = vector.broadcast %broadcast_in_dim3A_855 : i32 to vector<16xi32>
        %lt3A_857 = arith.constant 0 : i32
        %lt3A_858 = vector.broadcast %lt3A_857 : i32 to vector<16xi32>
        %lt3A_859 = arith.cmpi slt, %broadcast_in_dim3A_856, %lt3A_858 : vector<16xi32>
        %add3A_860 = arith.constant 16 : i32
        %add3A_861 = vector.broadcast %add3A_860 : i32 to vector<16xi32>
        %add3A_862 = arith.addi %broadcast_in_dim3A_856, %add3A_861 : vector<16xi32>
        %select_n3A_863 = arith.select %lt3A_859, %add3A_862, %broadcast_in_dim3A_856 : vector<16xi1>, vector<16xi32>
        %broadcast_in_dim3A_864 = vector.shape_cast %select_n3A_863 : vector<16xi32> to vector<16x1xi32>
        %gather3A_865 = vector.shape_cast %broadcast_in_dim3A_864 : vector<16x1xi32> to vector<16xi32>
        %gather3A_866 = tpu.dynamic_gather %get3A_519[%gather3A_865] in [0] : vector<16xf32>, vector<16xi32> -> vector<16xf32>
        %mul3A_867 = arith.constant 16 : i32
        %mul3A_868 = arith.muli %scan3A_515, %mul3A_867 : i32
        %add3A_869 = arith.constant 13 : i32
        %add3A_870 = arith.addi %mul3A_868, %add3A_869 : i32
        %get3A_871 = arith.index_cast %add3A_870 : i32 to index
        %get3A_872 = arith.constant 0 : index
        %get3A_873 = tpu.vector_load %arg11[%get3A_871, %get3A_872] {strides = array<i32>} : memref<256x16xf32, #tpu.memory_space<vmem>>, vector<1x16xf32>,
        %get3A_874 = vector.shape_cast %get3A_873 : vector<1x16xf32> to vector<16xf32>
        %mul3A_875 = arith.mulf %get3A_874, %gather3A_866 : vector<16xf32>
        %swap3A_876 = arith.index_cast %add3A_870 : i32 to index
        %swap3A_877 = arith.constant 0 : index
        %swap3A_878 = tpu.vector_load %arg11[%swap3A_876, %swap3A_877] {strides = array<i32>} : memref<256x16xf32, #tpu.memory_space<vmem>>, vector<1x16xf32>,
        %swap3A_879 = vector.shape_cast %swap3A_878 : vector<1x16xf32> to vector<16xf32>
        %swap3A_880 = vector.shape_cast %mul3A_875 : vector<16xf32> to vector<1x16xf32>
        tpu.vector_store %arg11[%swap3A_876, %swap3A_877], %swap3A_880 {strides = array<i32>} : memref<256x16xf32, #tpu.memory_space<vmem>>, vector<1x16xf32>,
        %broadcast_in_dim3A_881 = arith.constant 14 : i32
        %broadcast_in_dim3A_882 = vector.broadcast %broadcast_in_dim3A_881 : i32 to vector<16xi32>
        %lt3A_883 = arith.constant 0 : i32
        %lt3A_884 = vector.broadcast %lt3A_883 : i32 to vector<16xi32>
        %lt3A_885 = arith.cmpi slt, %broadcast_in_dim3A_882, %lt3A_884 : vector<16xi32>
        %add3A_886 = arith.constant 16 : i32
        %add3A_887 = vector.broadcast %add3A_886 : i32 to vector<16xi32>
        %add3A_888 = arith.addi %broadcast_in_dim3A_882, %add3A_887 : vector<16xi32>
        %select_n3A_889 = arith.select %lt3A_885, %add3A_888, %broadcast_in_dim3A_882 : vector<16xi1>, vector<16xi32>
        %broadcast_in_dim3A_890 = vector.shape_cast %select_n3A_889 : vector<16xi32> to vector<16x1xi32>
        %gather3A_891 = vector.shape_cast %broadcast_in_dim3A_890 : vector<16x1xi32> to vector<16xi32>
        %gather3A_892 = tpu.dynamic_gather %get3A_519[%gather3A_891] in [0] : vector<16xf32>, vector<16xi32> -> vector<16xf32>
        %mul3A_893 = arith.constant 16 : i32
        %mul3A_894 = arith.muli %scan3A_515, %mul3A_893 : i32
        %add3A_895 = arith.constant 14 : i32
        %add3A_896 = arith.addi %mul3A_894, %add3A_895 : i32
        %get3A_897 = arith.index_cast %add3A_896 : i32 to index
        %get3A_898 = arith.constant 0 : index
        %get3A_899 = tpu.vector_load %arg11[%get3A_897, %get3A_898] {strides = array<i32>} : memref<256x16xf32, #tpu.memory_space<vmem>>, vector<1x16xf32>,
        %get3A_900 = vector.shape_cast %get3A_899 : vector<1x16xf32> to vector<16xf32>
        %mul3A_901 = arith.mulf %get3A_900, %gather3A_892 : vector<16xf32>
        %swap3A_902 = arith.index_cast %add3A_896 : i32 to index
        %swap3A_903 = arith.constant 0 : index
        %swap3A_904 = tpu.vector_load %arg11[%swap3A_902, %swap3A_903] {strides = array<i32>} : memref<256x16xf32, #tpu.memory_space<vmem>>, vector<1x16xf32>,
        %swap3A_905 = vector.shape_cast %swap3A_904 : vector<1x16xf32> to vector<16xf32>
        %swap3A_906 = vector.shape_cast %mul3A_901 : vector<16xf32> to vector<1x16xf32>
        tpu.vector_store %arg11[%swap3A_902, %swap3A_903], %swap3A_906 {strides = array<i32>} : memref<256x16xf32, #tpu.memory_space<vmem>>, vector<1x16xf32>,
        %broadcast_in_dim3A_907 = arith.constant 15 : i32
        %broadcast_in_dim3A_908 = vector.broadcast %broadcast_in_dim3A_907 : i32 to vector<16xi32>
        %lt3A_909 = arith.constant 0 : i32
        %lt3A_910 = vector.broadcast %lt3A_909 : i32 to vector<16xi32>
        %lt3A_911 = arith.cmpi slt, %broadcast_in_dim3A_908, %lt3A_910 : vector<16xi32>
        %add3A_912 = arith.constant 16 : i32
        %add3A_913 = vector.broadcast %add3A_912 : i32 to vector<16xi32>
        %add3A_914 = arith.addi %broadcast_in_dim3A_908, %add3A_913 : vector<16xi32>
        %select_n3A_915 = arith.select %lt3A_911, %add3A_914, %broadcast_in_dim3A_908 : vector<16xi1>, vector<16xi32>
        %broadcast_in_dim3A_916 = vector.shape_cast %select_n3A_915 : vector<16xi32> to vector<16x1xi32>
        %gather3A_917 = vector.shape_cast %broadcast_in_dim3A_916 : vector<16x1xi32> to vector<16xi32>
        %gather3A_918 = tpu.dynamic_gather %get3A_519[%gather3A_917] in [0] : vector<16xf32>, vector<16xi32> -> vector<16xf32>
        %mul3A_919 = arith.constant 16 : i32
        %mul3A_920 = arith.muli %scan3A_515, %mul3A_919 : i32
        %add3A_921 = arith.constant 15 : i32
        %add3A_922 = arith.addi %mul3A_920, %add3A_921 : i32
        %get3A_923 = arith.index_cast %add3A_922 : i32 to index
        %get3A_924 = arith.constant 0 : index
        %get3A_925 = tpu.vector_load %arg11[%get3A_923, %get3A_924] {strides = array<i32>} : memref<256x16xf32, #tpu.memory_space<vmem>>, vector<1x16xf32>,
        %get3A_926 = vector.shape_cast %get3A_925 : vector<1x16xf32> to vector<16xf32>
        %mul3A_927 = arith.mulf %get3A_926, %gather3A_918 : vector<16xf32>
        %swap3A_928 = arith.index_cast %add3A_922 : i32 to index
        %swap3A_929 = arith.constant 0 : index
        %swap3A_930 = tpu.vector_load %arg11[%swap3A_928, %swap3A_929] {strides = array<i32>} : memref<256x16xf32, #tpu.memory_space<vmem>>, vector<1x16xf32>,
        %swap3A_931 = vector.shape_cast %swap3A_930 : vector<1x16xf32> to vector<16xf32>
        %swap3A_932 = vector.shape_cast %mul3A_927 : vector<16xf32> to vector<1x16xf32>
        tpu.vector_store %arg11[%swap3A_928, %swap3A_929], %swap3A_932 {strides = array<i32>} : memref<256x16xf32, #tpu.memory_space<vmem>>, vector<1x16xf32>,
      }
      %scan3A_292 = arith.constant 16 : i32
      %dma_start3A_293 = arith.constant 0 : i32
      %dma_start3A_294 = arith.constant 0 : i32
      %dma_start3A_295 = arith.constant 0 : i32
      %dma_start3A_296 = tpu.memref_slice %arg11[%dma_start3A_294, %dma_start3A_295] : memref<256x16xf32, #tpu.memory_space<vmem>> -> memref<128x16xf32, #tpu.memory_space<vmem>>
      %dma_start3A_297 = arith.constant 0 : i32
      %dma_start3A_298 = tpu.memref_slice %arg9[%dma_start3A_293, %dma_start3A_297] : memref<2x128xi32, #tpu.memory_space<vmem>> -> memref<1x128xi32, #tpu.memory_space<vmem>>
      %dma_start3A_299 = tpu.memref_squeeze %dma_start3A_298 : memref<1x128xi32, #tpu.memory_space<vmem>> -> memref<128xi32, #tpu.memory_space<vmem>>
      %dma_start3A_300 = arith.constant 0 : i32
      %dma_start3A_301 = arith.constant 0 : i32
      %dma_start3A_302 = tpu.memref_slice %arg35[%dma_start3A_300, %dma_start3A_301] : memref<100000x16xf32, #tpu.memory_space<vmem_shared>> -> memref<100000x16xf32, #tpu.memory_space<vmem_shared>>
      tpu.enqueue_indirect_dma source(%dma_start3A_296 : memref<128x16xf32, #tpu.memory_space<vmem>>) target(%dma_start3A_302 : memref<100000x16xf32, #tpu.memory_space<vmem_shared>>) offsets(%dma_start3A_299 : memref<128xi32, #tpu.memory_space<vmem>>) semaphore(%arg13 : memref<!tpu.dma_semaphore, #tpu.memory_space<semaphore_mem>>) {add = true}
      %dma_start3A_303 = arith.constant 1 : i32
      %dma_start3A_304 = arith.constant 128 : i32
      %dma_start3A_305 = arith.constant 0 : i32
      %dma_start3A_306 = tpu.memref_slice %arg11[%dma_start3A_304, %dma_start3A_305] : memref<256x16xf32, #tpu.memory_space<vmem>> -> memref<128x16xf32, #tpu.memory_space<vmem>>
      %dma_start3A_307 = arith.constant 0 : i32
      %dma_start3A_308 = tpu.memref_slice %arg9[%dma_start3A_303, %dma_start3A_307] : memref<2x128xi32, #tpu.memory_space<vmem>> -> memref<1x128xi32, #tpu.memory_space<vmem>>
      %dma_start3A_309 = tpu.memref_squeeze %dma_start3A_308 : memref<1x128xi32, #tpu.memory_space<vmem>> -> memref<128xi32, #tpu.memory_space<vmem>>
      %dma_start3A_310 = arith.constant 0 : i32
      %dma_start3A_311 = arith.constant 0 : i32
      %dma_start3A_312 = tpu.memref_slice %arg35[%dma_start3A_310, %dma_start3A_311] : memref<100000x16xf32, #tpu.memory_space<vmem_shared>> -> memref<100000x16xf32, #tpu.memory_space<vmem_shared>>
      tpu.enqueue_indirect_dma source(%dma_start3A_306 : memref<128x16xf32, #tpu.memory_space<vmem>>) target(%dma_start3A_312 : memref<100000x16xf32, #tpu.memory_space<vmem_shared>>) offsets(%dma_start3A_309 : memref<128xi32, #tpu.memory_space<vmem>>) semaphore(%arg13 : memref<!tpu.dma_semaphore, #tpu.memory_space<semaphore_mem>>) {add = true}
      %add3A_313 = arith.constant 0 : i32
      %add3A_314 = arith.addi %mul3A_280, %add3A_313 : i32
      %add3A_315 = arith.constant 4 : i32
      %add3A_316 = arith.addi %add3A_314, %add3A_315 : i32
      %sub3A_317 = arith.constant 1 : i32
      %sub3A_318 = arith.subi %add3A_316, %sub3A_317 : i32
      %gt3A = arith.constant 0 : i32
      %gt3A_319 = arith.cmpi sgt, %scan3A_278, %gt3A : i32
      %convert_element_type3A_320 = arith.extui %gt3A_319 : i1 to i32
      %cond3A_321 = arith.constant 0 : i32
      %cond3A_322 = arith.cmpi ne, %convert_element_type3A_320, %cond3A_321 : i32
      scf.if %cond3A_322 {
        %dma_wait3A_515 = arith.constant 0 : i32
        %dma_wait3A_516 = arith.constant 0 : i32
        %dma_wait3A_517 = tpu.memref_slice %arg2[%dma_wait3A_515, %dma_wait3A_516] : memref<200000x16xf32, #tpu.memory_space<hbm>> -> memref<256x16xf32, #tpu.memory_space<hbm>>
        %dma_wait3A_518 = arith.constant 0 : i32
        %dma_wait3A_519 = arith.constant 0 : i32
        %dma_wait3A_520 = tpu.memref_slice %arg2[%dma_wait3A_518, %dma_wait3A_519] : memref<200000x16xf32, #tpu.memory_space<hbm>> -> memref<256x16xf32, #tpu.memory_space<hbm>>
        tpu.wait_dma2 semaphore(%arg34 : memref<!tpu.dma_semaphore, #tpu.memory_space<semaphore_mem>>) src(%dma_wait3A_520 : memref<256x16xf32, #tpu.memory_space<hbm>>) dst(%arg32 : memref<256x16xf32, #tpu.memory_space<vmem>>)
      } else {
      }
      %mul3A_323 = arith.constant 102400 : i32
      %mul3A_324 = arith.muli %arg1, %mul3A_323 : i32
      %mul3A_325 = arith.constant 256 : i32
      %mul3A_326 = arith.muli %sub3A_318, %mul3A_325 : i32
      %add3A_327 = arith.addi %mul3A_324, %mul3A_326 : i32
      %multiple_of3A_328 = tpu.assume_multiple %add3A_327, 256 : i32
      %jit3A_329 = arith.constant 128 : i32
      %div3A_330 = arith.divsi %multiple_of3A_328, %jit3A_329 : i32
      %sign3A_331 = arith.constant 0 : i32
      %sign3A_332 = arith.cmpi sgt, %multiple_of3A_328, %sign3A_331 : i32
      %sign3A_333 = arith.extui %sign3A_332 : i1 to i32
      %sign3A_334 = arith.constant 0 : i32
      %sign3A_335 = arith.cmpi slt, %multiple_of3A_328, %sign3A_334 : i32
      %sign3A_336 = arith.extui %sign3A_335 : i1 to i32
      %sign3A_337 = arith.subi %sign3A_333, %sign3A_336 : i32
      %sign3A_338 = arith.constant 0 : i32
      %sign3A_339 = arith.cmpi sgt, %jit3A_329, %sign3A_338 : i32
      %sign3A_340 = arith.extui %sign3A_339 : i1 to i32
      %sign3A_341 = arith.constant 0 : i32
      %sign3A_342 = arith.cmpi slt, %jit3A_329, %sign3A_341 : i32
      %sign3A_343 = arith.extui %sign3A_342 : i1 to i32
      %sign3A_344 = arith.subi %sign3A_340, %sign3A_343 : i32
      %ne3A_345 = arith.cmpi ne, %sign3A_337, %sign3A_344 : i32
      %rem3A_346 = arith.remsi %multiple_of3A_328, %jit3A_329 : i32
      %ne3A_347 = arith.constant 0 : i32
      %ne3A_348 = arith.cmpi ne, %rem3A_346, %ne3A_347 : i32
      %and3A_349 = arith.andi %ne3A_345, %ne3A_348 : i1
      %sub3A_350 = arith.constant 1 : i32
      %sub3A_351 = arith.subi %div3A_330, %sub3A_350 : i32
      %select_n3A_352 = arith.select %and3A_349, %sub3A_351, %div3A_330 : i32
      %multiple_of3A_353 = tpu.assume_multiple %select_n3A_352, 2 : i32
      "tpu.region"() ({
        %run_scoped3A = tpu.sem_alloc : memref<!tpu.dma_semaphore, #tpu.memory_space<semaphore_mem>>
        %dma_start3A_515 = arith.constant 0 : i32
        %dma_start3A_516 = tpu.memref_slice %arg3[%multiple_of3A_353, %dma_start3A_515] : memref<12800x128xi32, #tpu.memory_space<hbm>> -> memref<2x128xi32, #tpu.memory_space<hbm>>
        %dma_start3A_517 = arith.constant 0 : i32
        %dma_start3A_518 = tpu.memref_slice %arg3[%multiple_of3A_353, %dma_start3A_517] : memref<12800x128xi32, #tpu.memory_space<hbm>> -> memref<2x128xi32, #tpu.memory_space<hbm>>
        tpu.enqueue_dma source(%dma_start3A_518 : memref<2x128xi32, #tpu.memory_space<hbm>>) target(%arg28 : memref<2x128xi32, #tpu.memory_space<vmem>>) target_semaphore(%run_scoped3A : memref<!tpu.dma_semaphore, #tpu.memory_space<semaphore_mem>>)
        %dma_wait3A_519 = arith.constant 0 : i32
        %dma_wait3A_520 = tpu.memref_slice %arg3[%multiple_of3A_353, %dma_wait3A_519] : memref<12800x128xi32, #tpu.memory_space<hbm>> -> memref<2x128xi32, #tpu.memory_space<hbm>>
        %dma_wait3A_521 = arith.constant 0 : i32
        %dma_wait3A_522 = tpu.memref_slice %arg3[%multiple_of3A_353, %dma_wait3A_521] : memref<12800x128xi32, #tpu.memory_space<hbm>> -> memref<2x128xi32, #tpu.memory_space<hbm>>
        tpu.wait_dma2 semaphore(%run_scoped3A : memref<!tpu.dma_semaphore, #tpu.memory_space<semaphore_mem>>) src(%dma_wait3A_522 : memref<2x128xi32, #tpu.memory_space<hbm>>) dst(%arg28 : memref<2x128xi32, #tpu.memory_space<vmem>>)
        tpu.yield
      }) : () -> ()
      "tpu.region"() ({
        %run_scoped3A = tpu.sem_alloc : memref<!tpu.dma_semaphore, #tpu.memory_space<semaphore_mem>>
        %dma_start3A_515 = arith.constant 0 : i32
        %dma_start3A_516 = tpu.memref_slice %arg4[%multiple_of3A_353, %dma_start3A_515] : memref<12800x128xi32, #tpu.memory_space<hbm>> -> memref<2x128xi32, #tpu.memory_space<hbm>>
        %dma_start3A_517 = arith.constant 0 : i32
        %dma_start3A_518 = tpu.memref_slice %arg4[%multiple_of3A_353, %dma_start3A_517] : memref<12800x128xi32, #tpu.memory_space<hbm>> -> memref<2x128xi32, #tpu.memory_space<hbm>>
        tpu.enqueue_dma source(%dma_start3A_518 : memref<2x128xi32, #tpu.memory_space<hbm>>) target(%arg30 : memref<2x128xi32, #tpu.memory_space<vmem>>) target_semaphore(%run_scoped3A : memref<!tpu.dma_semaphore, #tpu.memory_space<semaphore_mem>>)
        %dma_wait3A_519 = arith.constant 0 : i32
        %dma_wait3A_520 = tpu.memref_slice %arg4[%multiple_of3A_353, %dma_wait3A_519] : memref<12800x128xi32, #tpu.memory_space<hbm>> -> memref<2x128xi32, #tpu.memory_space<hbm>>
        %dma_wait3A_521 = arith.constant 0 : i32
        %dma_wait3A_522 = tpu.memref_slice %arg4[%multiple_of3A_353, %dma_wait3A_521] : memref<12800x128xi32, #tpu.memory_space<hbm>> -> memref<2x128xi32, #tpu.memory_space<hbm>>
        tpu.wait_dma2 semaphore(%run_scoped3A : memref<!tpu.dma_semaphore, #tpu.memory_space<semaphore_mem>>) src(%dma_wait3A_522 : memref<2x128xi32, #tpu.memory_space<hbm>>) dst(%arg30 : memref<2x128xi32, #tpu.memory_space<vmem>>)
        tpu.yield
      }) : () -> ()
      "tpu.region"() ({
        %run_scoped3A = tpu.sem_alloc : memref<!tpu.dma_semaphore, #tpu.memory_space<semaphore_mem>>
        %dma_start3A_515 = tpu.memref_slice %arg5[%multiple_of3A_328] : memref<1638400xf32, #tpu.memory_space<hbm>> -> memref<256xf32, #tpu.memory_space<hbm>>
        %dma_start3A_516 = tpu.memref_slice %arg5[%multiple_of3A_328] : memref<1638400xf32, #tpu.memory_space<hbm>> -> memref<256xf32, #tpu.memory_space<hbm>>
        tpu.enqueue_dma source(%dma_start3A_516 : memref<256xf32, #tpu.memory_space<hbm>>) target(%arg31 : memref<256xf32, #tpu.memory_space<vmem>>) target_semaphore(%run_scoped3A : memref<!tpu.dma_semaphore, #tpu.memory_space<semaphore_mem>>)
        %dma_wait3A_517 = tpu.memref_slice %arg5[%multiple_of3A_328] : memref<1638400xf32, #tpu.memory_space<hbm>> -> memref<256xf32, #tpu.memory_space<hbm>>
        %dma_wait3A_518 = tpu.memref_slice %arg5[%multiple_of3A_328] : memref<1638400xf32, #tpu.memory_space<hbm>> -> memref<256xf32, #tpu.memory_space<hbm>>
        tpu.wait_dma2 semaphore(%run_scoped3A : memref<!tpu.dma_semaphore, #tpu.memory_space<semaphore_mem>>) src(%dma_wait3A_518 : memref<256xf32, #tpu.memory_space<hbm>>) dst(%arg31 : memref<256xf32, #tpu.memory_space<vmem>>)
        tpu.yield
      }) : () -> ()
      %scan3A_354 = arith.constant 0 : i32
      %scan3A_355 = arith.constant 0 : i32
      %scan3A_356 = arith.constant 8 : i32
      %scan3A_357 = arith.addi %scan3A_355, %scan3A_356 : i32
      %scan3A_358 = arith.constant 1 : i32
      scf.for %scan3A_515 = %scan3A_355 to %scan3A_357 step %scan3A_358  : i32 {
        %mul3A_516 = arith.constant 16 : i32
        %mul3A_517 = arith.muli %scan3A_515, %mul3A_516 : i32
        %get3A = arith.constant 0 : i32
        %get3A_518 = arith.index_cast %get3A : i32 to index
        %get3A_519 = arith.index_cast %mul3A_517 : i32 to index
        %get3A_520 = tpu.vector_load %arg28[%get3A_518, %get3A_519] {strides = array<i32>} : memref<2x128xi32, #tpu.memory_space<vmem>>, vector<1x16xi32>,
        %get3A_521 = vector.shape_cast %get3A_520 : vector<1x16xi32> to vector<16xi32>
        %add3A_522 = vector.broadcast %mul3A_0 : i32 to vector<16xi32>
        %add3A_523 = arith.addi %get3A_521, %add3A_522 : vector<16xi32>
        %mul3A_524 = arith.constant 16 : i32
        %mul3A_525 = arith.muli %scan3A_515, %mul3A_524 : i32
        %swap3A = arith.constant 0 : i32
        %swap3A_526 = arith.index_cast %swap3A : i32 to index
        %swap3A_527 = arith.index_cast %mul3A_525 : i32 to index
        %swap3A_528 = tpu.vector_load %arg29[%swap3A_526, %swap3A_527] {strides = array<i32>} : memref<2x128xi32, #tpu.memory_space<vmem>>, vector<1x16xi32>,
        %swap3A_529 = vector.shape_cast %swap3A_528 : vector<1x16xi32> to vector<16xi32>
        %swap3A_530 = vector.shape_cast %add3A_523 : vector<16xi32> to vector<1x16xi32>
        tpu.vector_store %arg29[%swap3A_526, %swap3A_527], %swap3A_530 {strides = array<i32>} : memref<2x128xi32, #tpu.memory_space<vmem>>, vector<1x16xi32>,
      }
      %scan3A_359 = arith.constant 8 : i32
      %scan3A_360 = arith.constant 0 : i32
      %scan3A_361 = arith.constant 0 : i32
      %scan3A_362 = arith.constant 8 : i32
      %scan3A_363 = arith.addi %scan3A_361, %scan3A_362 : i32
      %scan3A_364 = arith.constant 1 : i32
      scf.for %scan3A_515 = %scan3A_361 to %scan3A_363 step %scan3A_364  : i32 {
        %mul3A_516 = arith.constant 16 : i32
        %mul3A_517 = arith.muli %scan3A_515, %mul3A_516 : i32
        %get3A = arith.constant 1 : i32
        %get3A_518 = arith.index_cast %get3A : i32 to index
        %get3A_519 = arith.index_cast %mul3A_517 : i32 to index
        %get3A_520 = tpu.vector_load %arg28[%get3A_518, %get3A_519] {strides = array<i32>} : memref<2x128xi32, #tpu.memory_space<vmem>>, vector<1x16xi32>,
        %get3A_521 = vector.shape_cast %get3A_520 : vector<1x16xi32> to vector<16xi32>
        %add3A_522 = vector.broadcast %mul3A_0 : i32 to vector<16xi32>
        %add3A_523 = arith.addi %get3A_521, %add3A_522 : vector<16xi32>
        %mul3A_524 = arith.constant 16 : i32
        %mul3A_525 = arith.muli %scan3A_515, %mul3A_524 : i32
        %swap3A = arith.constant 1 : i32
        %swap3A_526 = arith.index_cast %swap3A : i32 to index
        %swap3A_527 = arith.index_cast %mul3A_525 : i32 to index
        %swap3A_528 = tpu.vector_load %arg29[%swap3A_526, %swap3A_527] {strides = array<i32>} : memref<2x128xi32, #tpu.memory_space<vmem>>, vector<1x16xi32>,
        %swap3A_529 = vector.shape_cast %swap3A_528 : vector<1x16xi32> to vector<16xi32>
        %swap3A_530 = vector.shape_cast %add3A_523 : vector<16xi32> to vector<1x16xi32>
        tpu.vector_store %arg29[%swap3A_526, %swap3A_527], %swap3A_530 {strides = array<i32>} : memref<2x128xi32, #tpu.memory_space<vmem>>, vector<1x16xi32>,
      }
      %scan3A_365 = arith.constant 8 : i32
      %dma_start3A_366 = arith.constant 0 : i32
      %dma_start3A_367 = arith.constant 0 : i32
      %dma_start3A_368 = arith.constant 0 : i32
      %dma_start3A_369 = tpu.memref_slice %arg32[%dma_start3A_367, %dma_start3A_368] : memref<256x16xf32, #tpu.memory_space<vmem>> -> memref<128x16xf32, #tpu.memory_space<vmem>>
      %dma_start3A_370 = arith.constant 0 : i32
      %dma_start3A_371 = tpu.memref_slice %arg29[%dma_start3A_366, %dma_start3A_370] : memref<2x128xi32, #tpu.memory_space<vmem>> -> memref<1x128xi32, #tpu.memory_space<vmem>>
      %dma_start3A_372 = tpu.memref_squeeze %dma_start3A_371 : memref<1x128xi32, #tpu.memory_space<vmem>> -> memref<128xi32, #tpu.memory_space<vmem>>
      %dma_start3A_373 = arith.constant 0 : i32
      %dma_start3A_374 = arith.constant 0 : i32
      %dma_start3A_375 = tpu.memref_slice %arg2[%dma_start3A_373, %dma_start3A_374] : memref<200000x16xf32, #tpu.memory_space<hbm>> -> memref<200000x16xf32, #tpu.memory_space<hbm>>
      tpu.enqueue_indirect_dma source(%dma_start3A_375 : memref<200000x16xf32, #tpu.memory_space<hbm>>) target(%dma_start3A_369 : memref<128x16xf32, #tpu.memory_space<vmem>>) offsets(%dma_start3A_372 : memref<128xi32, #tpu.memory_space<vmem>>) semaphore(%arg33 : memref<!tpu.dma_semaphore, #tpu.memory_space<semaphore_mem>>)
      %dma_start3A_376 = arith.constant 1 : i32
      %dma_start3A_377 = arith.constant 128 : i32
      %dma_start3A_378 = arith.constant 0 : i32
      %dma_start3A_379 = tpu.memref_slice %arg32[%dma_start3A_377, %dma_start3A_378] : memref<256x16xf32, #tpu.memory_space<vmem>> -> memref<128x16xf32, #tpu.memory_space<vmem>>
      %dma_start3A_380 = arith.constant 0 : i32
      %dma_start3A_381 = tpu.memref_slice %arg29[%dma_start3A_376, %dma_start3A_380] : memref<2x128xi32, #tpu.memory_space<vmem>> -> memref<1x128xi32, #tpu.memory_space<vmem>>
      %dma_start3A_382 = tpu.memref_squeeze %dma_start3A_381 : memref<1x128xi32, #tpu.memory_space<vmem>> -> memref<128xi32, #tpu.memory_space<vmem>>
      %dma_start3A_383 = arith.constant 0 : i32
      %dma_start3A_384 = arith.constant 0 : i32
      %dma_start3A_385 = tpu.memref_slice %arg2[%dma_start3A_383, %dma_start3A_384] : memref<200000x16xf32, #tpu.memory_space<hbm>> -> memref<200000x16xf32, #tpu.memory_space<hbm>>
      tpu.enqueue_indirect_dma source(%dma_start3A_385 : memref<200000x16xf32, #tpu.memory_space<hbm>>) target(%dma_start3A_379 : memref<128x16xf32, #tpu.memory_space<vmem>>) offsets(%dma_start3A_382 : memref<128xi32, #tpu.memory_space<vmem>>) semaphore(%arg33 : memref<!tpu.dma_semaphore, #tpu.memory_space<semaphore_mem>>)
      %dma_wait3A_386 = arith.constant 0 : i32
      %dma_wait3A_387 = arith.constant 0 : i32
      %dma_wait3A_388 = tpu.memref_slice %arg2[%dma_wait3A_386, %dma_wait3A_387] : memref<200000x16xf32, #tpu.memory_space<hbm>> -> memref<256x16xf32, #tpu.memory_space<hbm>>
      %dma_wait3A_389 = arith.constant 0 : i32
      %dma_wait3A_390 = arith.constant 0 : i32
      %dma_wait3A_391 = tpu.memref_slice %arg2[%dma_wait3A_389, %dma_wait3A_390] : memref<200000x16xf32, #tpu.memory_space<hbm>> -> memref<256x16xf32, #tpu.memory_space<hbm>>
      tpu.wait_dma2 semaphore(%arg19 : memref<!tpu.dma_semaphore, #tpu.memory_space<semaphore_mem>>) src(%dma_wait3A_391 : memref<256x16xf32, #tpu.memory_space<hbm>>) dst(%arg18 : memref<256x16xf32, #tpu.memory_space<vmem>>)
      %scan3A_392 = arith.constant 0 : i32
      %scan3A_393 = arith.constant 0 : i32
      %scan3A_394 = arith.constant 16 : i32
      %scan3A_395 = arith.addi %scan3A_393, %scan3A_394 : i32
      %scan3A_396 = arith.constant 1 : i32
      scf.for %scan3A_515 = %scan3A_393 to %scan3A_395 step %scan3A_396  : i32 {
        %mul3A_516 = arith.constant 16 : i32
        %mul3A_517 = arith.muli %scan3A_515, %mul3A_516 : i32
        %get3A = arith.index_cast %mul3A_517 : i32 to index
        %get3A_518 = tpu.vector_load %arg17[%get3A] {strides = array<i32>} : memref<256xf32, #tpu.memory_space<vmem>>, vector<16xf32>,
        %get3A_519 = vector.shape_cast %get3A_518 : vector<16xf32> to vector<16xf32>
        %broadcast_in_dim3A = arith.constant 0 : i32
        %broadcast_in_dim3A_520 = vector.broadcast %broadcast_in_dim3A : i32 to vector<16xi32>
        %lt3A_521 = arith.constant 0 : i32
        %lt3A_522 = vector.broadcast %lt3A_521 : i32 to vector<16xi32>
        %lt3A_523 = arith.cmpi slt, %broadcast_in_dim3A_520, %lt3A_522 : vector<16xi32>
        %add3A_524 = arith.constant 16 : i32
        %add3A_525 = vector.broadcast %add3A_524 : i32 to vector<16xi32>
        %add3A_526 = arith.addi %broadcast_in_dim3A_520, %add3A_525 : vector<16xi32>
        %select_n3A_527 = arith.select %lt3A_523, %add3A_526, %broadcast_in_dim3A_520 : vector<16xi1>, vector<16xi32>
        %broadcast_in_dim3A_528 = vector.shape_cast %select_n3A_527 : vector<16xi32> to vector<16x1xi32>
        %gather3A = vector.shape_cast %broadcast_in_dim3A_528 : vector<16x1xi32> to vector<16xi32>
        %gather3A_529 = tpu.dynamic_gather %get3A_519[%gather3A] in [0] : vector<16xf32>, vector<16xi32> -> vector<16xf32>
        %mul3A_530 = arith.constant 16 : i32
        %mul3A_531 = arith.muli %scan3A_515, %mul3A_530 : i32
        %add3A_532 = arith.constant 0 : i32
        %add3A_533 = arith.addi %mul3A_531, %add3A_532 : i32
        %get3A_534 = arith.index_cast %add3A_533 : i32 to index
        %get3A_535 = arith.constant 0 : index
        %get3A_536 = tpu.vector_load %arg18[%get3A_534, %get3A_535] {strides = array<i32>} : memref<256x16xf32, #tpu.memory_space<vmem>>, vector<1x16xf32>,
        %get3A_537 = vector.shape_cast %get3A_536 : vector<1x16xf32> to vector<16xf32>
        %mul3A_538 = arith.mulf %get3A_537, %gather3A_529 : vector<16xf32>
        %swap3A = arith.index_cast %add3A_533 : i32 to index
        %swap3A_539 = arith.constant 0 : index
        %swap3A_540 = tpu.vector_load %arg18[%swap3A, %swap3A_539] {strides = array<i32>} : memref<256x16xf32, #tpu.memory_space<vmem>>, vector<1x16xf32>,
        %swap3A_541 = vector.shape_cast %swap3A_540 : vector<1x16xf32> to vector<16xf32>
        %swap3A_542 = vector.shape_cast %mul3A_538 : vector<16xf32> to vector<1x16xf32>
        tpu.vector_store %arg18[%swap3A, %swap3A_539], %swap3A_542 {strides = array<i32>} : memref<256x16xf32, #tpu.memory_space<vmem>>, vector<1x16xf32>,
        %broadcast_in_dim3A_543 = arith.constant 1 : i32
        %broadcast_in_dim3A_544 = vector.broadcast %broadcast_in_dim3A_543 : i32 to vector<16xi32>
        %lt3A_545 = arith.constant 0 : i32
        %lt3A_546 = vector.broadcast %lt3A_545 : i32 to vector<16xi32>
        %lt3A_547 = arith.cmpi slt, %broadcast_in_dim3A_544, %lt3A_546 : vector<16xi32>
        %add3A_548 = arith.constant 16 : i32
        %add3A_549 = vector.broadcast %add3A_548 : i32 to vector<16xi32>
        %add3A_550 = arith.addi %broadcast_in_dim3A_544, %add3A_549 : vector<16xi32>
        %select_n3A_551 = arith.select %lt3A_547, %add3A_550, %broadcast_in_dim3A_544 : vector<16xi1>, vector<16xi32>
        %broadcast_in_dim3A_552 = vector.shape_cast %select_n3A_551 : vector<16xi32> to vector<16x1xi32>
        %gather3A_553 = vector.shape_cast %broadcast_in_dim3A_552 : vector<16x1xi32> to vector<16xi32>
        %gather3A_554 = tpu.dynamic_gather %get3A_519[%gather3A_553] in [0] : vector<16xf32>, vector<16xi32> -> vector<16xf32>
        %mul3A_555 = arith.constant 16 : i32
        %mul3A_556 = arith.muli %scan3A_515, %mul3A_555 : i32
        %add3A_557 = arith.constant 1 : i32
        %add3A_558 = arith.addi %mul3A_556, %add3A_557 : i32
        %get3A_559 = arith.index_cast %add3A_558 : i32 to index
        %get3A_560 = arith.constant 0 : index
        %get3A_561 = tpu.vector_load %arg18[%get3A_559, %get3A_560] {strides = array<i32>} : memref<256x16xf32, #tpu.memory_space<vmem>>, vector<1x16xf32>,
        %get3A_562 = vector.shape_cast %get3A_561 : vector<1x16xf32> to vector<16xf32>
        %mul3A_563 = arith.mulf %get3A_562, %gather3A_554 : vector<16xf32>
        %swap3A_564 = arith.index_cast %add3A_558 : i32 to index
        %swap3A_565 = arith.constant 0 : index
        %swap3A_566 = tpu.vector_load %arg18[%swap3A_564, %swap3A_565] {strides = array<i32>} : memref<256x16xf32, #tpu.memory_space<vmem>>, vector<1x16xf32>,
        %swap3A_567 = vector.shape_cast %swap3A_566 : vector<1x16xf32> to vector<16xf32>
        %swap3A_568 = vector.shape_cast %mul3A_563 : vector<16xf32> to vector<1x16xf32>
        tpu.vector_store %arg18[%swap3A_564, %swap3A_565], %swap3A_568 {strides = array<i32>} : memref<256x16xf32, #tpu.memory_space<vmem>>, vector<1x16xf32>,
        %broadcast_in_dim3A_569 = arith.constant 2 : i32
        %broadcast_in_dim3A_570 = vector.broadcast %broadcast_in_dim3A_569 : i32 to vector<16xi32>
        %lt3A_571 = arith.constant 0 : i32
        %lt3A_572 = vector.broadcast %lt3A_571 : i32 to vector<16xi32>
        %lt3A_573 = arith.cmpi slt, %broadcast_in_dim3A_570, %lt3A_572 : vector<16xi32>
        %add3A_574 = arith.constant 16 : i32
        %add3A_575 = vector.broadcast %add3A_574 : i32 to vector<16xi32>
        %add3A_576 = arith.addi %broadcast_in_dim3A_570, %add3A_575 : vector<16xi32>
        %select_n3A_577 = arith.select %lt3A_573, %add3A_576, %broadcast_in_dim3A_570 : vector<16xi1>, vector<16xi32>
        %broadcast_in_dim3A_578 = vector.shape_cast %select_n3A_577 : vector<16xi32> to vector<16x1xi32>
        %gather3A_579 = vector.shape_cast %broadcast_in_dim3A_578 : vector<16x1xi32> to vector<16xi32>
        %gather3A_580 = tpu.dynamic_gather %get3A_519[%gather3A_579] in [0] : vector<16xf32>, vector<16xi32> -> vector<16xf32>
        %mul3A_581 = arith.constant 16 : i32
        %mul3A_582 = arith.muli %scan3A_515, %mul3A_581 : i32
        %add3A_583 = arith.constant 2 : i32
        %add3A_584 = arith.addi %mul3A_582, %add3A_583 : i32
        %get3A_585 = arith.index_cast %add3A_584 : i32 to index
        %get3A_586 = arith.constant 0 : index
        %get3A_587 = tpu.vector_load %arg18[%get3A_585, %get3A_586] {strides = array<i32>} : memref<256x16xf32, #tpu.memory_space<vmem>>, vector<1x16xf32>,
        %get3A_588 = vector.shape_cast %get3A_587 : vector<1x16xf32> to vector<16xf32>
        %mul3A_589 = arith.mulf %get3A_588, %gather3A_580 : vector<16xf32>
        %swap3A_590 = arith.index_cast %add3A_584 : i32 to index
        %swap3A_591 = arith.constant 0 : index
        %swap3A_592 = tpu.vector_load %arg18[%swap3A_590, %swap3A_591] {strides = array<i32>} : memref<256x16xf32, #tpu.memory_space<vmem>>, vector<1x16xf32>,
        %swap3A_593 = vector.shape_cast %swap3A_592 : vector<1x16xf32> to vector<16xf32>
        %swap3A_594 = vector.shape_cast %mul3A_589 : vector<16xf32> to vector<1x16xf32>
        tpu.vector_store %arg18[%swap3A_590, %swap3A_591], %swap3A_594 {strides = array<i32>} : memref<256x16xf32, #tpu.memory_space<vmem>>, vector<1x16xf32>,
        %broadcast_in_dim3A_595 = arith.constant 3 : i32
        %broadcast_in_dim3A_596 = vector.broadcast %broadcast_in_dim3A_595 : i32 to vector<16xi32>
        %lt3A_597 = arith.constant 0 : i32
        %lt3A_598 = vector.broadcast %lt3A_597 : i32 to vector<16xi32>
        %lt3A_599 = arith.cmpi slt, %broadcast_in_dim3A_596, %lt3A_598 : vector<16xi32>
        %add3A_600 = arith.constant 16 : i32
        %add3A_601 = vector.broadcast %add3A_600 : i32 to vector<16xi32>
        %add3A_602 = arith.addi %broadcast_in_dim3A_596, %add3A_601 : vector<16xi32>
        %select_n3A_603 = arith.select %lt3A_599, %add3A_602, %broadcast_in_dim3A_596 : vector<16xi1>, vector<16xi32>
        %broadcast_in_dim3A_604 = vector.shape_cast %select_n3A_603 : vector<16xi32> to vector<16x1xi32>
        %gather3A_605 = vector.shape_cast %broadcast_in_dim3A_604 : vector<16x1xi32> to vector<16xi32>
        %gather3A_606 = tpu.dynamic_gather %get3A_519[%gather3A_605] in [0] : vector<16xf32>, vector<16xi32> -> vector<16xf32>
        %mul3A_607 = arith.constant 16 : i32
        %mul3A_608 = arith.muli %scan3A_515, %mul3A_607 : i32
        %add3A_609 = arith.constant 3 : i32
        %add3A_610 = arith.addi %mul3A_608, %add3A_609 : i32
        %get3A_611 = arith.index_cast %add3A_610 : i32 to index
        %get3A_612 = arith.constant 0 : index
        %get3A_613 = tpu.vector_load %arg18[%get3A_611, %get3A_612] {strides = array<i32>} : memref<256x16xf32, #tpu.memory_space<vmem>>, vector<1x16xf32>,
        %get3A_614 = vector.shape_cast %get3A_613 : vector<1x16xf32> to vector<16xf32>
        %mul3A_615 = arith.mulf %get3A_614, %gather3A_606 : vector<16xf32>
        %swap3A_616 = arith.index_cast %add3A_610 : i32 to index
        %swap3A_617 = arith.constant 0 : index
        %swap3A_618 = tpu.vector_load %arg18[%swap3A_616, %swap3A_617] {strides = array<i32>} : memref<256x16xf32, #tpu.memory_space<vmem>>, vector<1x16xf32>,
        %swap3A_619 = vector.shape_cast %swap3A_618 : vector<1x16xf32> to vector<16xf32>
        %swap3A_620 = vector.shape_cast %mul3A_615 : vector<16xf32> to vector<1x16xf32>
        tpu.vector_store %arg18[%swap3A_616, %swap3A_617], %swap3A_620 {strides = array<i32>} : memref<256x16xf32, #tpu.memory_space<vmem>>, vector<1x16xf32>,
        %broadcast_in_dim3A_621 = arith.constant 4 : i32
        %broadcast_in_dim3A_622 = vector.broadcast %broadcast_in_dim3A_621 : i32 to vector<16xi32>
        %lt3A_623 = arith.constant 0 : i32
        %lt3A_624 = vector.broadcast %lt3A_623 : i32 to vector<16xi32>
        %lt3A_625 = arith.cmpi slt, %broadcast_in_dim3A_622, %lt3A_624 : vector<16xi32>
        %add3A_626 = arith.constant 16 : i32
        %add3A_627 = vector.broadcast %add3A_626 : i32 to vector<16xi32>
        %add3A_628 = arith.addi %broadcast_in_dim3A_622, %add3A_627 : vector<16xi32>
        %select_n3A_629 = arith.select %lt3A_625, %add3A_628, %broadcast_in_dim3A_622 : vector<16xi1>, vector<16xi32>
        %broadcast_in_dim3A_630 = vector.shape_cast %select_n3A_629 : vector<16xi32> to vector<16x1xi32>
        %gather3A_631 = vector.shape_cast %broadcast_in_dim3A_630 : vector<16x1xi32> to vector<16xi32>
        %gather3A_632 = tpu.dynamic_gather %get3A_519[%gather3A_631] in [0] : vector<16xf32>, vector<16xi32> -> vector<16xf32>
        %mul3A_633 = arith.constant 16 : i32
        %mul3A_634 = arith.muli %scan3A_515, %mul3A_633 : i32
        %add3A_635 = arith.constant 4 : i32
        %add3A_636 = arith.addi %mul3A_634, %add3A_635 : i32
        %get3A_637 = arith.index_cast %add3A_636 : i32 to index
        %get3A_638 = arith.constant 0 : index
        %get3A_639 = tpu.vector_load %arg18[%get3A_637, %get3A_638] {strides = array<i32>} : memref<256x16xf32, #tpu.memory_space<vmem>>, vector<1x16xf32>,
        %get3A_640 = vector.shape_cast %get3A_639 : vector<1x16xf32> to vector<16xf32>
        %mul3A_641 = arith.mulf %get3A_640, %gather3A_632 : vector<16xf32>
        %swap3A_642 = arith.index_cast %add3A_636 : i32 to index
        %swap3A_643 = arith.constant 0 : index
        %swap3A_644 = tpu.vector_load %arg18[%swap3A_642, %swap3A_643] {strides = array<i32>} : memref<256x16xf32, #tpu.memory_space<vmem>>, vector<1x16xf32>,
        %swap3A_645 = vector.shape_cast %swap3A_644 : vector<1x16xf32> to vector<16xf32>
        %swap3A_646 = vector.shape_cast %mul3A_641 : vector<16xf32> to vector<1x16xf32>
        tpu.vector_store %arg18[%swap3A_642, %swap3A_643], %swap3A_646 {strides = array<i32>} : memref<256x16xf32, #tpu.memory_space<vmem>>, vector<1x16xf32>,
        %broadcast_in_dim3A_647 = arith.constant 5 : i32
        %broadcast_in_dim3A_648 = vector.broadcast %broadcast_in_dim3A_647 : i32 to vector<16xi32>
        %lt3A_649 = arith.constant 0 : i32
        %lt3A_650 = vector.broadcast %lt3A_649 : i32 to vector<16xi32>
        %lt3A_651 = arith.cmpi slt, %broadcast_in_dim3A_648, %lt3A_650 : vector<16xi32>
        %add3A_652 = arith.constant 16 : i32
        %add3A_653 = vector.broadcast %add3A_652 : i32 to vector<16xi32>
        %add3A_654 = arith.addi %broadcast_in_dim3A_648, %add3A_653 : vector<16xi32>
        %select_n3A_655 = arith.select %lt3A_651, %add3A_654, %broadcast_in_dim3A_648 : vector<16xi1>, vector<16xi32>
        %broadcast_in_dim3A_656 = vector.shape_cast %select_n3A_655 : vector<16xi32> to vector<16x1xi32>
        %gather3A_657 = vector.shape_cast %broadcast_in_dim3A_656 : vector<16x1xi32> to vector<16xi32>
        %gather3A_658 = tpu.dynamic_gather %get3A_519[%gather3A_657] in [0] : vector<16xf32>, vector<16xi32> -> vector<16xf32>
        %mul3A_659 = arith.constant 16 : i32
        %mul3A_660 = arith.muli %scan3A_515, %mul3A_659 : i32
        %add3A_661 = arith.constant 5 : i32
        %add3A_662 = arith.addi %mul3A_660, %add3A_661 : i32
        %get3A_663 = arith.index_cast %add3A_662 : i32 to index
        %get3A_664 = arith.constant 0 : index
        %get3A_665 = tpu.vector_load %arg18[%get3A_663, %get3A_664] {strides = array<i32>} : memref<256x16xf32, #tpu.memory_space<vmem>>, vector<1x16xf32>,
        %get3A_666 = vector.shape_cast %get3A_665 : vector<1x16xf32> to vector<16xf32>
        %mul3A_667 = arith.mulf %get3A_666, %gather3A_658 : vector<16xf32>
        %swap3A_668 = arith.index_cast %add3A_662 : i32 to index
        %swap3A_669 = arith.constant 0 : index
        %swap3A_670 = tpu.vector_load %arg18[%swap3A_668, %swap3A_669] {strides = array<i32>} : memref<256x16xf32, #tpu.memory_space<vmem>>, vector<1x16xf32>,
        %swap3A_671 = vector.shape_cast %swap3A_670 : vector<1x16xf32> to vector<16xf32>
        %swap3A_672 = vector.shape_cast %mul3A_667 : vector<16xf32> to vector<1x16xf32>
        tpu.vector_store %arg18[%swap3A_668, %swap3A_669], %swap3A_672 {strides = array<i32>} : memref<256x16xf32, #tpu.memory_space<vmem>>, vector<1x16xf32>,
        %broadcast_in_dim3A_673 = arith.constant 6 : i32
        %broadcast_in_dim3A_674 = vector.broadcast %broadcast_in_dim3A_673 : i32 to vector<16xi32>
        %lt3A_675 = arith.constant 0 : i32
        %lt3A_676 = vector.broadcast %lt3A_675 : i32 to vector<16xi32>
        %lt3A_677 = arith.cmpi slt, %broadcast_in_dim3A_674, %lt3A_676 : vector<16xi32>
        %add3A_678 = arith.constant 16 : i32
        %add3A_679 = vector.broadcast %add3A_678 : i32 to vector<16xi32>
        %add3A_680 = arith.addi %broadcast_in_dim3A_674, %add3A_679 : vector<16xi32>
        %select_n3A_681 = arith.select %lt3A_677, %add3A_680, %broadcast_in_dim3A_674 : vector<16xi1>, vector<16xi32>
        %broadcast_in_dim3A_682 = vector.shape_cast %select_n3A_681 : vector<16xi32> to vector<16x1xi32>
        %gather3A_683 = vector.shape_cast %broadcast_in_dim3A_682 : vector<16x1xi32> to vector<16xi32>
        %gather3A_684 = tpu.dynamic_gather %get3A_519[%gather3A_683] in [0] : vector<16xf32>, vector<16xi32> -> vector<16xf32>
        %mul3A_685 = arith.constant 16 : i32
        %mul3A_686 = arith.muli %scan3A_515, %mul3A_685 : i32
        %add3A_687 = arith.constant 6 : i32
        %add3A_688 = arith.addi %mul3A_686, %add3A_687 : i32
        %get3A_689 = arith.index_cast %add3A_688 : i32 to index
        %get3A_690 = arith.constant 0 : index
        %get3A_691 = tpu.vector_load %arg18[%get3A_689, %get3A_690] {strides = array<i32>} : memref<256x16xf32, #tpu.memory_space<vmem>>, vector<1x16xf32>,
        %get3A_692 = vector.shape_cast %get3A_691 : vector<1x16xf32> to vector<16xf32>
        %mul3A_693 = arith.mulf %get3A_692, %gather3A_684 : vector<16xf32>
        %swap3A_694 = arith.index_cast %add3A_688 : i32 to index
        %swap3A_695 = arith.constant 0 : index
        %swap3A_696 = tpu.vector_load %arg18[%swap3A_694, %swap3A_695] {strides = array<i32>} : memref<256x16xf32, #tpu.memory_space<vmem>>, vector<1x16xf32>,
        %swap3A_697 = vector.shape_cast %swap3A_696 : vector<1x16xf32> to vector<16xf32>
        %swap3A_698 = vector.shape_cast %mul3A_693 : vector<16xf32> to vector<1x16xf32>
        tpu.vector_store %arg18[%swap3A_694, %swap3A_695], %swap3A_698 {strides = array<i32>} : memref<256x16xf32, #tpu.memory_space<vmem>>, vector<1x16xf32>,
        %broadcast_in_dim3A_699 = arith.constant 7 : i32
        %broadcast_in_dim3A_700 = vector.broadcast %broadcast_in_dim3A_699 : i32 to vector<16xi32>
        %lt3A_701 = arith.constant 0 : i32
        %lt3A_702 = vector.broadcast %lt3A_701 : i32 to vector<16xi32>
        %lt3A_703 = arith.cmpi slt, %broadcast_in_dim3A_700, %lt3A_702 : vector<16xi32>
        %add3A_704 = arith.constant 16 : i32
        %add3A_705 = vector.broadcast %add3A_704 : i32 to vector<16xi32>
        %add3A_706 = arith.addi %broadcast_in_dim3A_700, %add3A_705 : vector<16xi32>
        %select_n3A_707 = arith.select %lt3A_703, %add3A_706, %broadcast_in_dim3A_700 : vector<16xi1>, vector<16xi32>
        %broadcast_in_dim3A_708 = vector.shape_cast %select_n3A_707 : vector<16xi32> to vector<16x1xi32>
        %gather3A_709 = vector.shape_cast %broadcast_in_dim3A_708 : vector<16x1xi32> to vector<16xi32>
        %gather3A_710 = tpu.dynamic_gather %get3A_519[%gather3A_709] in [0] : vector<16xf32>, vector<16xi32> -> vector<16xf32>
        %mul3A_711 = arith.constant 16 : i32
        %mul3A_712 = arith.muli %scan3A_515, %mul3A_711 : i32
        %add3A_713 = arith.constant 7 : i32
        %add3A_714 = arith.addi %mul3A_712, %add3A_713 : i32
        %get3A_715 = arith.index_cast %add3A_714 : i32 to index
        %get3A_716 = arith.constant 0 : index
        %get3A_717 = tpu.vector_load %arg18[%get3A_715, %get3A_716] {strides = array<i32>} : memref<256x16xf32, #tpu.memory_space<vmem>>, vector<1x16xf32>,
        %get3A_718 = vector.shape_cast %get3A_717 : vector<1x16xf32> to vector<16xf32>
        %mul3A_719 = arith.mulf %get3A_718, %gather3A_710 : vector<16xf32>
        %swap3A_720 = arith.index_cast %add3A_714 : i32 to index
        %swap3A_721 = arith.constant 0 : index
        %swap3A_722 = tpu.vector_load %arg18[%swap3A_720, %swap3A_721] {strides = array<i32>} : memref<256x16xf32, #tpu.memory_space<vmem>>, vector<1x16xf32>,
        %swap3A_723 = vector.shape_cast %swap3A_722 : vector<1x16xf32> to vector<16xf32>
        %swap3A_724 = vector.shape_cast %mul3A_719 : vector<16xf32> to vector<1x16xf32>
        tpu.vector_store %arg18[%swap3A_720, %swap3A_721], %swap3A_724 {strides = array<i32>} : memref<256x16xf32, #tpu.memory_space<vmem>>, vector<1x16xf32>,
        %broadcast_in_dim3A_725 = arith.constant 8 : i32
        %broadcast_in_dim3A_726 = vector.broadcast %broadcast_in_dim3A_725 : i32 to vector<16xi32>
        %lt3A_727 = arith.constant 0 : i32
        %lt3A_728 = vector.broadcast %lt3A_727 : i32 to vector<16xi32>
        %lt3A_729 = arith.cmpi slt, %broadcast_in_dim3A_726, %lt3A_728 : vector<16xi32>
        %add3A_730 = arith.constant 16 : i32
        %add3A_731 = vector.broadcast %add3A_730 : i32 to vector<16xi32>
        %add3A_732 = arith.addi %broadcast_in_dim3A_726, %add3A_731 : vector<16xi32>
        %select_n3A_733 = arith.select %lt3A_729, %add3A_732, %broadcast_in_dim3A_726 : vector<16xi1>, vector<16xi32>
        %broadcast_in_dim3A_734 = vector.shape_cast %select_n3A_733 : vector<16xi32> to vector<16x1xi32>
        %gather3A_735 = vector.shape_cast %broadcast_in_dim3A_734 : vector<16x1xi32> to vector<16xi32>
        %gather3A_736 = tpu.dynamic_gather %get3A_519[%gather3A_735] in [0] : vector<16xf32>, vector<16xi32> -> vector<16xf32>
        %mul3A_737 = arith.constant 16 : i32
        %mul3A_738 = arith.muli %scan3A_515, %mul3A_737 : i32
        %add3A_739 = arith.constant 8 : i32
        %add3A_740 = arith.addi %mul3A_738, %add3A_739 : i32
        %get3A_741 = arith.index_cast %add3A_740 : i32 to index
        %get3A_742 = arith.constant 0 : index
        %get3A_743 = tpu.vector_load %arg18[%get3A_741, %get3A_742] {strides = array<i32>} : memref<256x16xf32, #tpu.memory_space<vmem>>, vector<1x16xf32>,
        %get3A_744 = vector.shape_cast %get3A_743 : vector<1x16xf32> to vector<16xf32>
        %mul3A_745 = arith.mulf %get3A_744, %gather3A_736 : vector<16xf32>
        %swap3A_746 = arith.index_cast %add3A_740 : i32 to index
        %swap3A_747 = arith.constant 0 : index
        %swap3A_748 = tpu.vector_load %arg18[%swap3A_746, %swap3A_747] {strides = array<i32>} : memref<256x16xf32, #tpu.memory_space<vmem>>, vector<1x16xf32>,
        %swap3A_749 = vector.shape_cast %swap3A_748 : vector<1x16xf32> to vector<16xf32>
        %swap3A_750 = vector.shape_cast %mul3A_745 : vector<16xf32> to vector<1x16xf32>
        tpu.vector_store %arg18[%swap3A_746, %swap3A_747], %swap3A_750 {strides = array<i32>} : memref<256x16xf32, #tpu.memory_space<vmem>>, vector<1x16xf32>,
        %broadcast_in_dim3A_751 = arith.constant 9 : i32
        %broadcast_in_dim3A_752 = vector.broadcast %broadcast_in_dim3A_751 : i32 to vector<16xi32>
        %lt3A_753 = arith.constant 0 : i32
        %lt3A_754 = vector.broadcast %lt3A_753 : i32 to vector<16xi32>
        %lt3A_755 = arith.cmpi slt, %broadcast_in_dim3A_752, %lt3A_754 : vector<16xi32>
        %add3A_756 = arith.constant 16 : i32
        %add3A_757 = vector.broadcast %add3A_756 : i32 to vector<16xi32>
        %add3A_758 = arith.addi %broadcast_in_dim3A_752, %add3A_757 : vector<16xi32>
        %select_n3A_759 = arith.select %lt3A_755, %add3A_758, %broadcast_in_dim3A_752 : vector<16xi1>, vector<16xi32>
        %broadcast_in_dim3A_760 = vector.shape_cast %select_n3A_759 : vector<16xi32> to vector<16x1xi32>
        %gather3A_761 = vector.shape_cast %broadcast_in_dim3A_760 : vector<16x1xi32> to vector<16xi32>
        %gather3A_762 = tpu.dynamic_gather %get3A_519[%gather3A_761] in [0] : vector<16xf32>, vector<16xi32> -> vector<16xf32>
        %mul3A_763 = arith.constant 16 : i32
        %mul3A_764 = arith.muli %scan3A_515, %mul3A_763 : i32
        %add3A_765 = arith.constant 9 : i32
        %add3A_766 = arith.addi %mul3A_764, %add3A_765 : i32
        %get3A_767 = arith.index_cast %add3A_766 : i32 to index
        %get3A_768 = arith.constant 0 : index
        %get3A_769 = tpu.vector_load %arg18[%get3A_767, %get3A_768] {strides = array<i32>} : memref<256x16xf32, #tpu.memory_space<vmem>>, vector<1x16xf32>,
        %get3A_770 = vector.shape_cast %get3A_769 : vector<1x16xf32> to vector<16xf32>
        %mul3A_771 = arith.mulf %get3A_770, %gather3A_762 : vector<16xf32>
        %swap3A_772 = arith.index_cast %add3A_766 : i32 to index
        %swap3A_773 = arith.constant 0 : index
        %swap3A_774 = tpu.vector_load %arg18[%swap3A_772, %swap3A_773] {strides = array<i32>} : memref<256x16xf32, #tpu.memory_space<vmem>>, vector<1x16xf32>,
        %swap3A_775 = vector.shape_cast %swap3A_774 : vector<1x16xf32> to vector<16xf32>
        %swap3A_776 = vector.shape_cast %mul3A_771 : vector<16xf32> to vector<1x16xf32>
        tpu.vector_store %arg18[%swap3A_772, %swap3A_773], %swap3A_776 {strides = array<i32>} : memref<256x16xf32, #tpu.memory_space<vmem>>, vector<1x16xf32>,
        %broadcast_in_dim3A_777 = arith.constant 10 : i32
        %broadcast_in_dim3A_778 = vector.broadcast %broadcast_in_dim3A_777 : i32 to vector<16xi32>
        %lt3A_779 = arith.constant 0 : i32
        %lt3A_780 = vector.broadcast %lt3A_779 : i32 to vector<16xi32>
        %lt3A_781 = arith.cmpi slt, %broadcast_in_dim3A_778, %lt3A_780 : vector<16xi32>
        %add3A_782 = arith.constant 16 : i32
        %add3A_783 = vector.broadcast %add3A_782 : i32 to vector<16xi32>
        %add3A_784 = arith.addi %broadcast_in_dim3A_778, %add3A_783 : vector<16xi32>
        %select_n3A_785 = arith.select %lt3A_781, %add3A_784, %broadcast_in_dim3A_778 : vector<16xi1>, vector<16xi32>
        %broadcast_in_dim3A_786 = vector.shape_cast %select_n3A_785 : vector<16xi32> to vector<16x1xi32>
        %gather3A_787 = vector.shape_cast %broadcast_in_dim3A_786 : vector<16x1xi32> to vector<16xi32>
        %gather3A_788 = tpu.dynamic_gather %get3A_519[%gather3A_787] in [0] : vector<16xf32>, vector<16xi32> -> vector<16xf32>
        %mul3A_789 = arith.constant 16 : i32
        %mul3A_790 = arith.muli %scan3A_515, %mul3A_789 : i32
        %add3A_791 = arith.constant 10 : i32
        %add3A_792 = arith.addi %mul3A_790, %add3A_791 : i32
        %get3A_793 = arith.index_cast %add3A_792 : i32 to index
        %get3A_794 = arith.constant 0 : index
        %get3A_795 = tpu.vector_load %arg18[%get3A_793, %get3A_794] {strides = array<i32>} : memref<256x16xf32, #tpu.memory_space<vmem>>, vector<1x16xf32>,
        %get3A_796 = vector.shape_cast %get3A_795 : vector<1x16xf32> to vector<16xf32>
        %mul3A_797 = arith.mulf %get3A_796, %gather3A_788 : vector<16xf32>
        %swap3A_798 = arith.index_cast %add3A_792 : i32 to index
        %swap3A_799 = arith.constant 0 : index
        %swap3A_800 = tpu.vector_load %arg18[%swap3A_798, %swap3A_799] {strides = array<i32>} : memref<256x16xf32, #tpu.memory_space<vmem>>, vector<1x16xf32>,
        %swap3A_801 = vector.shape_cast %swap3A_800 : vector<1x16xf32> to vector<16xf32>
        %swap3A_802 = vector.shape_cast %mul3A_797 : vector<16xf32> to vector<1x16xf32>
        tpu.vector_store %arg18[%swap3A_798, %swap3A_799], %swap3A_802 {strides = array<i32>} : memref<256x16xf32, #tpu.memory_space<vmem>>, vector<1x16xf32>,
        %broadcast_in_dim3A_803 = arith.constant 11 : i32
        %broadcast_in_dim3A_804 = vector.broadcast %broadcast_in_dim3A_803 : i32 to vector<16xi32>
        %lt3A_805 = arith.constant 0 : i32
        %lt3A_806 = vector.broadcast %lt3A_805 : i32 to vector<16xi32>
        %lt3A_807 = arith.cmpi slt, %broadcast_in_dim3A_804, %lt3A_806 : vector<16xi32>
        %add3A_808 = arith.constant 16 : i32
        %add3A_809 = vector.broadcast %add3A_808 : i32 to vector<16xi32>
        %add3A_810 = arith.addi %broadcast_in_dim3A_804, %add3A_809 : vector<16xi32>
        %select_n3A_811 = arith.select %lt3A_807, %add3A_810, %broadcast_in_dim3A_804 : vector<16xi1>, vector<16xi32>
        %broadcast_in_dim3A_812 = vector.shape_cast %select_n3A_811 : vector<16xi32> to vector<16x1xi32>
        %gather3A_813 = vector.shape_cast %broadcast_in_dim3A_812 : vector<16x1xi32> to vector<16xi32>
        %gather3A_814 = tpu.dynamic_gather %get3A_519[%gather3A_813] in [0] : vector<16xf32>, vector<16xi32> -> vector<16xf32>
        %mul3A_815 = arith.constant 16 : i32
        %mul3A_816 = arith.muli %scan3A_515, %mul3A_815 : i32
        %add3A_817 = arith.constant 11 : i32
        %add3A_818 = arith.addi %mul3A_816, %add3A_817 : i32
        %get3A_819 = arith.index_cast %add3A_818 : i32 to index
        %get3A_820 = arith.constant 0 : index
        %get3A_821 = tpu.vector_load %arg18[%get3A_819, %get3A_820] {strides = array<i32>} : memref<256x16xf32, #tpu.memory_space<vmem>>, vector<1x16xf32>,
        %get3A_822 = vector.shape_cast %get3A_821 : vector<1x16xf32> to vector<16xf32>
        %mul3A_823 = arith.mulf %get3A_822, %gather3A_814 : vector<16xf32>
        %swap3A_824 = arith.index_cast %add3A_818 : i32 to index
        %swap3A_825 = arith.constant 0 : index
        %swap3A_826 = tpu.vector_load %arg18[%swap3A_824, %swap3A_825] {strides = array<i32>} : memref<256x16xf32, #tpu.memory_space<vmem>>, vector<1x16xf32>,
        %swap3A_827 = vector.shape_cast %swap3A_826 : vector<1x16xf32> to vector<16xf32>
        %swap3A_828 = vector.shape_cast %mul3A_823 : vector<16xf32> to vector<1x16xf32>
        tpu.vector_store %arg18[%swap3A_824, %swap3A_825], %swap3A_828 {strides = array<i32>} : memref<256x16xf32, #tpu.memory_space<vmem>>, vector<1x16xf32>,
        %broadcast_in_dim3A_829 = arith.constant 12 : i32
        %broadcast_in_dim3A_830 = vector.broadcast %broadcast_in_dim3A_829 : i32 to vector<16xi32>
        %lt3A_831 = arith.constant 0 : i32
        %lt3A_832 = vector.broadcast %lt3A_831 : i32 to vector<16xi32>
        %lt3A_833 = arith.cmpi slt, %broadcast_in_dim3A_830, %lt3A_832 : vector<16xi32>
        %add3A_834 = arith.constant 16 : i32
        %add3A_835 = vector.broadcast %add3A_834 : i32 to vector<16xi32>
        %add3A_836 = arith.addi %broadcast_in_dim3A_830, %add3A_835 : vector<16xi32>
        %select_n3A_837 = arith.select %lt3A_833, %add3A_836, %broadcast_in_dim3A_830 : vector<16xi1>, vector<16xi32>
        %broadcast_in_dim3A_838 = vector.shape_cast %select_n3A_837 : vector<16xi32> to vector<16x1xi32>
        %gather3A_839 = vector.shape_cast %broadcast_in_dim3A_838 : vector<16x1xi32> to vector<16xi32>
        %gather3A_840 = tpu.dynamic_gather %get3A_519[%gather3A_839] in [0] : vector<16xf32>, vector<16xi32> -> vector<16xf32>
        %mul3A_841 = arith.constant 16 : i32
        %mul3A_842 = arith.muli %scan3A_515, %mul3A_841 : i32
        %add3A_843 = arith.constant 12 : i32
        %add3A_844 = arith.addi %mul3A_842, %add3A_843 : i32
        %get3A_845 = arith.index_cast %add3A_844 : i32 to index
        %get3A_846 = arith.constant 0 : index
        %get3A_847 = tpu.vector_load %arg18[%get3A_845, %get3A_846] {strides = array<i32>} : memref<256x16xf32, #tpu.memory_space<vmem>>, vector<1x16xf32>,
        %get3A_848 = vector.shape_cast %get3A_847 : vector<1x16xf32> to vector<16xf32>
        %mul3A_849 = arith.mulf %get3A_848, %gather3A_840 : vector<16xf32>
        %swap3A_850 = arith.index_cast %add3A_844 : i32 to index
        %swap3A_851 = arith.constant 0 : index
        %swap3A_852 = tpu.vector_load %arg18[%swap3A_850, %swap3A_851] {strides = array<i32>} : memref<256x16xf32, #tpu.memory_space<vmem>>, vector<1x16xf32>,
        %swap3A_853 = vector.shape_cast %swap3A_852 : vector<1x16xf32> to vector<16xf32>
        %swap3A_854 = vector.shape_cast %mul3A_849 : vector<16xf32> to vector<1x16xf32>
        tpu.vector_store %arg18[%swap3A_850, %swap3A_851], %swap3A_854 {strides = array<i32>} : memref<256x16xf32, #tpu.memory_space<vmem>>, vector<1x16xf32>,
        %broadcast_in_dim3A_855 = arith.constant 13 : i32
        %broadcast_in_dim3A_856 = vector.broadcast %broadcast_in_dim3A_855 : i32 to vector<16xi32>
        %lt3A_857 = arith.constant 0 : i32
        %lt3A_858 = vector.broadcast %lt3A_857 : i32 to vector<16xi32>
        %lt3A_859 = arith.cmpi slt, %broadcast_in_dim3A_856, %lt3A_858 : vector<16xi32>
        %add3A_860 = arith.constant 16 : i32
        %add3A_861 = vector.broadcast %add3A_860 : i32 to vector<16xi32>
        %add3A_862 = arith.addi %broadcast_in_dim3A_856, %add3A_861 : vector<16xi32>
        %select_n3A_863 = arith.select %lt3A_859, %add3A_862, %broadcast_in_dim3A_856 : vector<16xi1>, vector<16xi32>
        %broadcast_in_dim3A_864 = vector.shape_cast %select_n3A_863 : vector<16xi32> to vector<16x1xi32>
        %gather3A_865 = vector.shape_cast %broadcast_in_dim3A_864 : vector<16x1xi32> to vector<16xi32>
        %gather3A_866 = tpu.dynamic_gather %get3A_519[%gather3A_865] in [0] : vector<16xf32>, vector<16xi32> -> vector<16xf32>
        %mul3A_867 = arith.constant 16 : i32
        %mul3A_868 = arith.muli %scan3A_515, %mul3A_867 : i32
        %add3A_869 = arith.constant 13 : i32
        %add3A_870 = arith.addi %mul3A_868, %add3A_869 : i32
        %get3A_871 = arith.index_cast %add3A_870 : i32 to index
        %get3A_872 = arith.constant 0 : index
        %get3A_873 = tpu.vector_load %arg18[%get3A_871, %get3A_872] {strides = array<i32>} : memref<256x16xf32, #tpu.memory_space<vmem>>, vector<1x16xf32>,
        %get3A_874 = vector.shape_cast %get3A_873 : vector<1x16xf32> to vector<16xf32>
        %mul3A_875 = arith.mulf %get3A_874, %gather3A_866 : vector<16xf32>
        %swap3A_876 = arith.index_cast %add3A_870 : i32 to index
        %swap3A_877 = arith.constant 0 : index
        %swap3A_878 = tpu.vector_load %arg18[%swap3A_876, %swap3A_877] {strides = array<i32>} : memref<256x16xf32, #tpu.memory_space<vmem>>, vector<1x16xf32>,
        %swap3A_879 = vector.shape_cast %swap3A_878 : vector<1x16xf32> to vector<16xf32>
        %swap3A_880 = vector.shape_cast %mul3A_875 : vector<16xf32> to vector<1x16xf32>
        tpu.vector_store %arg18[%swap3A_876, %swap3A_877], %swap3A_880 {strides = array<i32>} : memref<256x16xf32, #tpu.memory_space<vmem>>, vector<1x16xf32>,
        %broadcast_in_dim3A_881 = arith.constant 14 : i32
        %broadcast_in_dim3A_882 = vector.broadcast %broadcast_in_dim3A_881 : i32 to vector<16xi32>
        %lt3A_883 = arith.constant 0 : i32
        %lt3A_884 = vector.broadcast %lt3A_883 : i32 to vector<16xi32>
        %lt3A_885 = arith.cmpi slt, %broadcast_in_dim3A_882, %lt3A_884 : vector<16xi32>
        %add3A_886 = arith.constant 16 : i32
        %add3A_887 = vector.broadcast %add3A_886 : i32 to vector<16xi32>
        %add3A_888 = arith.addi %broadcast_in_dim3A_882, %add3A_887 : vector<16xi32>
        %select_n3A_889 = arith.select %lt3A_885, %add3A_888, %broadcast_in_dim3A_882 : vector<16xi1>, vector<16xi32>
        %broadcast_in_dim3A_890 = vector.shape_cast %select_n3A_889 : vector<16xi32> to vector<16x1xi32>
        %gather3A_891 = vector.shape_cast %broadcast_in_dim3A_890 : vector<16x1xi32> to vector<16xi32>
        %gather3A_892 = tpu.dynamic_gather %get3A_519[%gather3A_891] in [0] : vector<16xf32>, vector<16xi32> -> vector<16xf32>
        %mul3A_893 = arith.constant 16 : i32
        %mul3A_894 = arith.muli %scan3A_515, %mul3A_893 : i32
        %add3A_895 = arith.constant 14 : i32
        %add3A_896 = arith.addi %mul3A_894, %add3A_895 : i32
        %get3A_897 = arith.index_cast %add3A_896 : i32 to index
        %get3A_898 = arith.constant 0 : index
        %get3A_899 = tpu.vector_load %arg18[%get3A_897, %get3A_898] {strides = array<i32>} : memref<256x16xf32, #tpu.memory_space<vmem>>, vector<1x16xf32>,
        %get3A_900 = vector.shape_cast %get3A_899 : vector<1x16xf32> to vector<16xf32>
        %mul3A_901 = arith.mulf %get3A_900, %gather3A_892 : vector<16xf32>
        %swap3A_902 = arith.index_cast %add3A_896 : i32 to index
        %swap3A_903 = arith.constant 0 : index
        %swap3A_904 = tpu.vector_load %arg18[%swap3A_902, %swap3A_903] {strides = array<i32>} : memref<256x16xf32, #tpu.memory_space<vmem>>, vector<1x16xf32>,
        %swap3A_905 = vector.shape_cast %swap3A_904 : vector<1x16xf32> to vector<16xf32>
        %swap3A_906 = vector.shape_cast %mul3A_901 : vector<16xf32> to vector<1x16xf32>
        tpu.vector_store %arg18[%swap3A_902, %swap3A_903], %swap3A_906 {strides = array<i32>} : memref<256x16xf32, #tpu.memory_space<vmem>>, vector<1x16xf32>,
        %broadcast_in_dim3A_907 = arith.constant 15 : i32
        %broadcast_in_dim3A_908 = vector.broadcast %broadcast_in_dim3A_907 : i32 to vector<16xi32>
        %lt3A_909 = arith.constant 0 : i32
        %lt3A_910 = vector.broadcast %lt3A_909 : i32 to vector<16xi32>
        %lt3A_911 = arith.cmpi slt, %broadcast_in_dim3A_908, %lt3A_910 : vector<16xi32>
        %add3A_912 = arith.constant 16 : i32
        %add3A_913 = vector.broadcast %add3A_912 : i32 to vector<16xi32>
        %add3A_914 = arith.addi %broadcast_in_dim3A_908, %add3A_913 : vector<16xi32>
        %select_n3A_915 = arith.select %lt3A_911, %add3A_914, %broadcast_in_dim3A_908 : vector<16xi1>, vector<16xi32>
        %broadcast_in_dim3A_916 = vector.shape_cast %select_n3A_915 : vector<16xi32> to vector<16x1xi32>
        %gather3A_917 = vector.shape_cast %broadcast_in_dim3A_916 : vector<16x1xi32> to vector<16xi32>
        %gather3A_918 = tpu.dynamic_gather %get3A_519[%gather3A_917] in [0] : vector<16xf32>, vector<16xi32> -> vector<16xf32>
        %mul3A_919 = arith.constant 16 : i32
        %mul3A_920 = arith.muli %scan3A_515, %mul3A_919 : i32
        %add3A_921 = arith.constant 15 : i32
        %add3A_922 = arith.addi %mul3A_920, %add3A_921 : i32
        %get3A_923 = arith.index_cast %add3A_922 : i32 to index
        %get3A_924 = arith.constant 0 : index
        %get3A_925 = tpu.vector_load %arg18[%get3A_923, %get3A_924] {strides = array<i32>} : memref<256x16xf32, #tpu.memory_space<vmem>>, vector<1x16xf32>,
        %get3A_926 = vector.shape_cast %get3A_925 : vector<1x16xf32> to vector<16xf32>
        %mul3A_927 = arith.mulf %get3A_926, %gather3A_918 : vector<16xf32>
        %swap3A_928 = arith.index_cast %add3A_922 : i32 to index
        %swap3A_929 = arith.constant 0 : index
        %swap3A_930 = tpu.vector_load %arg18[%swap3A_928, %swap3A_929] {strides = array<i32>} : memref<256x16xf32, #tpu.memory_space<vmem>>, vector<1x16xf32>,
        %swap3A_931 = vector.shape_cast %swap3A_930 : vector<1x16xf32> to vector<16xf32>
        %swap3A_932 = vector.shape_cast %mul3A_927 : vector<16xf32> to vector<1x16xf32>
        tpu.vector_store %arg18[%swap3A_928, %swap3A_929], %swap3A_932 {strides = array<i32>} : memref<256x16xf32, #tpu.memory_space<vmem>>, vector<1x16xf32>,
      }
      %scan3A_397 = arith.constant 16 : i32
      %dma_start3A_398 = arith.constant 0 : i32
      %dma_start3A_399 = arith.constant 0 : i32
      %dma_start3A_400 = arith.constant 0 : i32
      %dma_start3A_401 = tpu.memref_slice %arg18[%dma_start3A_399, %dma_start3A_400] : memref<256x16xf32, #tpu.memory_space<vmem>> -> memref<128x16xf32, #tpu.memory_space<vmem>>
      %dma_start3A_402 = arith.constant 0 : i32
      %dma_start3A_403 = tpu.memref_slice %arg16[%dma_start3A_398, %dma_start3A_402] : memref<2x128xi32, #tpu.memory_space<vmem>> -> memref<1x128xi32, #tpu.memory_space<vmem>>
      %dma_start3A_404 = tpu.memref_squeeze %dma_start3A_403 : memref<1x128xi32, #tpu.memory_space<vmem>> -> memref<128xi32, #tpu.memory_space<vmem>>
      %dma_start3A_405 = arith.constant 0 : i32
      %dma_start3A_406 = arith.constant 0 : i32
      %dma_start3A_407 = tpu.memref_slice %arg35[%dma_start3A_405, %dma_start3A_406] : memref<100000x16xf32, #tpu.memory_space<vmem_shared>> -> memref<100000x16xf32, #tpu.memory_space<vmem_shared>>
      tpu.enqueue_indirect_dma source(%dma_start3A_401 : memref<128x16xf32, #tpu.memory_space<vmem>>) target(%dma_start3A_407 : memref<100000x16xf32, #tpu.memory_space<vmem_shared>>) offsets(%dma_start3A_404 : memref<128xi32, #tpu.memory_space<vmem>>) semaphore(%arg20 : memref<!tpu.dma_semaphore, #tpu.memory_space<semaphore_mem>>) {add = true}
      %dma_start3A_408 = arith.constant 1 : i32
      %dma_start3A_409 = arith.constant 128 : i32
      %dma_start3A_410 = arith.constant 0 : i32
      %dma_start3A_411 = tpu.memref_slice %arg18[%dma_start3A_409, %dma_start3A_410] : memref<256x16xf32, #tpu.memory_space<vmem>> -> memref<128x16xf32, #tpu.memory_space<vmem>>
      %dma_start3A_412 = arith.constant 0 : i32
      %dma_start3A_413 = tpu.memref_slice %arg16[%dma_start3A_408, %dma_start3A_412] : memref<2x128xi32, #tpu.memory_space<vmem>> -> memref<1x128xi32, #tpu.memory_space<vmem>>
      %dma_start3A_414 = tpu.memref_squeeze %dma_start3A_413 : memref<1x128xi32, #tpu.memory_space<vmem>> -> memref<128xi32, #tpu.memory_space<vmem>>
      %dma_start3A_415 = arith.constant 0 : i32
      %dma_start3A_416 = arith.constant 0 : i32
      %dma_start3A_417 = tpu.memref_slice %arg35[%dma_start3A_415, %dma_start3A_416] : memref<100000x16xf32, #tpu.memory_space<vmem_shared>> -> memref<100000x16xf32, #tpu.memory_space<vmem_shared>>
      tpu.enqueue_indirect_dma source(%dma_start3A_411 : memref<128x16xf32, #tpu.memory_space<vmem>>) target(%dma_start3A_417 : memref<100000x16xf32, #tpu.memory_space<vmem_shared>>) offsets(%dma_start3A_414 : memref<128xi32, #tpu.memory_space<vmem>>) semaphore(%arg20 : memref<!tpu.dma_semaphore, #tpu.memory_space<semaphore_mem>>) {add = true}
      %add3A_418 = arith.constant 1 : i32
      %add3A_419 = arith.addi %mul3A_280, %add3A_418 : i32
      %add3A_420 = arith.constant 4 : i32
      %add3A_421 = arith.addi %add3A_419, %add3A_420 : i32
      %sub3A_422 = arith.constant 1 : i32
      %sub3A_423 = arith.subi %add3A_421, %sub3A_422 : i32
      %lt3A_424 = arith.constant 99 : i32
      %lt3A_425 = arith.cmpi slt, %scan3A_278, %lt3A_424 : i32
      %convert_element_type3A_426 = arith.extui %lt3A_425 : i1 to i32
      %cond3A_427 = arith.constant 0 : i32
      %cond3A_428 = arith.cmpi ne, %convert_element_type3A_426, %cond3A_427 : i32
      scf.if %cond3A_428 {
        %dma_wait3A_515 = arith.constant 0 : i32
        %dma_wait3A_516 = arith.constant 0 : i32
        %dma_wait3A_517 = tpu.memref_slice %arg2[%dma_wait3A_515, %dma_wait3A_516] : memref<200000x16xf32, #tpu.memory_space<hbm>> -> memref<256x16xf32, #tpu.memory_space<hbm>>
        %dma_wait3A_518 = arith.constant 0 : i32
        %dma_wait3A_519 = arith.constant 0 : i32
        %dma_wait3A_520 = tpu.memref_slice %arg2[%dma_wait3A_518, %dma_wait3A_519] : memref<200000x16xf32, #tpu.memory_space<hbm>> -> memref<256x16xf32, #tpu.memory_space<hbm>>
        tpu.wait_dma2 semaphore(%arg13 : memref<!tpu.dma_semaphore, #tpu.memory_space<semaphore_mem>>) src(%dma_wait3A_520 : memref<256x16xf32, #tpu.memory_space<hbm>>) dst(%arg11 : memref<256x16xf32, #tpu.memory_space<vmem>>)
        %mul3A_521 = arith.constant 102400 : i32
        %mul3A_522 = arith.muli %arg1, %mul3A_521 : i32
        %mul3A_523 = arith.constant 256 : i32
        %mul3A_524 = arith.muli %sub3A_423, %mul3A_523 : i32
        %add3A_525 = arith.addi %mul3A_522, %mul3A_524 : i32
        %multiple_of3A_526 = tpu.assume_multiple %add3A_525, 256 : i32
        %jit3A_527 = arith.constant 128 : i32
        %div3A_528 = arith.divsi %multiple_of3A_526, %jit3A_527 : i32
        %sign3A_529 = arith.constant 0 : i32
        %sign3A_530 = arith.cmpi sgt, %multiple_of3A_526, %sign3A_529 : i32
        %sign3A_531 = arith.extui %sign3A_530 : i1 to i32
        %sign3A_532 = arith.constant 0 : i32
        %sign3A_533 = arith.cmpi slt, %multiple_of3A_526, %sign3A_532 : i32
        %sign3A_534 = arith.extui %sign3A_533 : i1 to i32
        %sign3A_535 = arith.subi %sign3A_531, %sign3A_534 : i32
        %sign3A_536 = arith.constant 0 : i32
        %sign3A_537 = arith.cmpi sgt, %jit3A_527, %sign3A_536 : i32
        %sign3A_538 = arith.extui %sign3A_537 : i1 to i32
        %sign3A_539 = arith.constant 0 : i32
        %sign3A_540 = arith.cmpi slt, %jit3A_527, %sign3A_539 : i32
        %sign3A_541 = arith.extui %sign3A_540 : i1 to i32
        %sign3A_542 = arith.subi %sign3A_538, %sign3A_541 : i32
        %ne3A_543 = arith.cmpi ne, %sign3A_535, %sign3A_542 : i32
        %rem3A_544 = arith.remsi %multiple_of3A_526, %jit3A_527 : i32
        %ne3A_545 = arith.constant 0 : i32
        %ne3A_546 = arith.cmpi ne, %rem3A_544, %ne3A_545 : i32
        %and3A_547 = arith.andi %ne3A_543, %ne3A_546 : i1
        %sub3A_548 = arith.constant 1 : i32
        %sub3A_549 = arith.subi %div3A_528, %sub3A_548 : i32
        %select_n3A_550 = arith.select %and3A_547, %sub3A_549, %div3A_528 : i32
        %multiple_of3A_551 = tpu.assume_multiple %select_n3A_550, 2 : i32
        "tpu.region"() ({
          %run_scoped3A = tpu.sem_alloc : memref<!tpu.dma_semaphore, #tpu.memory_space<semaphore_mem>>
          %dma_start3A_584 = arith.constant 0 : i32
          %dma_start3A_585 = tpu.memref_slice %arg3[%multiple_of3A_551, %dma_start3A_584] : memref<12800x128xi32, #tpu.memory_space<hbm>> -> memref<2x128xi32, #tpu.memory_space<hbm>>
          %dma_start3A_586 = arith.constant 0 : i32
          %dma_start3A_587 = tpu.memref_slice %arg3[%multiple_of3A_551, %dma_start3A_586] : memref<12800x128xi32, #tpu.memory_space<hbm>> -> memref<2x128xi32, #tpu.memory_space<hbm>>
          tpu.enqueue_dma source(%dma_start3A_587 : memref<2x128xi32, #tpu.memory_space<hbm>>) target(%arg7 : memref<2x128xi32, #tpu.memory_space<vmem>>) target_semaphore(%run_scoped3A : memref<!tpu.dma_semaphore, #tpu.memory_space<semaphore_mem>>)
          %dma_wait3A_588 = arith.constant 0 : i32
          %dma_wait3A_589 = tpu.memref_slice %arg3[%multiple_of3A_551, %dma_wait3A_588] : memref<12800x128xi32, #tpu.memory_space<hbm>> -> memref<2x128xi32, #tpu.memory_space<hbm>>
          %dma_wait3A_590 = arith.constant 0 : i32
          %dma_wait3A_591 = tpu.memref_slice %arg3[%multiple_of3A_551, %dma_wait3A_590] : memref<12800x128xi32, #tpu.memory_space<hbm>> -> memref<2x128xi32, #tpu.memory_space<hbm>>
          tpu.wait_dma2 semaphore(%run_scoped3A : memref<!tpu.dma_semaphore, #tpu.memory_space<semaphore_mem>>) src(%dma_wait3A_591 : memref<2x128xi32, #tpu.memory_space<hbm>>) dst(%arg7 : memref<2x128xi32, #tpu.memory_space<vmem>>)
          tpu.yield
        }) : () -> ()
        "tpu.region"() ({
          %run_scoped3A = tpu.sem_alloc : memref<!tpu.dma_semaphore, #tpu.memory_space<semaphore_mem>>
          %dma_start3A_584 = arith.constant 0 : i32
          %dma_start3A_585 = tpu.memref_slice %arg4[%multiple_of3A_551, %dma_start3A_584] : memref<12800x128xi32, #tpu.memory_space<hbm>> -> memref<2x128xi32, #tpu.memory_space<hbm>>
          %dma_start3A_586 = arith.constant 0 : i32
          %dma_start3A_587 = tpu.memref_slice %arg4[%multiple_of3A_551, %dma_start3A_586] : memref<12800x128xi32, #tpu.memory_space<hbm>> -> memref<2x128xi32, #tpu.memory_space<hbm>>
          tpu.enqueue_dma source(%dma_start3A_587 : memref<2x128xi32, #tpu.memory_space<hbm>>) target(%arg9 : memref<2x128xi32, #tpu.memory_space<vmem>>) target_semaphore(%run_scoped3A : memref<!tpu.dma_semaphore, #tpu.memory_space<semaphore_mem>>)
          %dma_wait3A_588 = arith.constant 0 : i32
          %dma_wait3A_589 = tpu.memref_slice %arg4[%multiple_of3A_551, %dma_wait3A_588] : memref<12800x128xi32, #tpu.memory_space<hbm>> -> memref<2x128xi32, #tpu.memory_space<hbm>>
          %dma_wait3A_590 = arith.constant 0 : i32
          %dma_wait3A_591 = tpu.memref_slice %arg4[%multiple_of3A_551, %dma_wait3A_590] : memref<12800x128xi32, #tpu.memory_space<hbm>> -> memref<2x128xi32, #tpu.memory_space<hbm>>
          tpu.wait_dma2 semaphore(%run_scoped3A : memref<!tpu.dma_semaphore, #tpu.memory_space<semaphore_mem>>) src(%dma_wait3A_591 : memref<2x128xi32, #tpu.memory_space<hbm>>) dst(%arg9 : memref<2x128xi32, #tpu.memory_space<vmem>>)
          tpu.yield
        }) : () -> ()
        "tpu.region"() ({
          %run_scoped3A = tpu.sem_alloc : memref<!tpu.dma_semaphore, #tpu.memory_space<semaphore_mem>>
          %dma_start3A_584 = tpu.memref_slice %arg5[%multiple_of3A_526] : memref<1638400xf32, #tpu.memory_space<hbm>> -> memref<256xf32, #tpu.memory_space<hbm>>
          %dma_start3A_585 = tpu.memref_slice %arg5[%multiple_of3A_526] : memref<1638400xf32, #tpu.memory_space<hbm>> -> memref<256xf32, #tpu.memory_space<hbm>>
          tpu.enqueue_dma source(%dma_start3A_585 : memref<256xf32, #tpu.memory_space<hbm>>) target(%arg10 : memref<256xf32, #tpu.memory_space<vmem>>) target_semaphore(%run_scoped3A : memref<!tpu.dma_semaphore, #tpu.memory_space<semaphore_mem>>)
          %dma_wait3A_586 = tpu.memref_slice %arg5[%multiple_of3A_526] : memref<1638400xf32, #tpu.memory_space<hbm>> -> memref<256xf32, #tpu.memory_space<hbm>>
          %dma_wait3A_587 = tpu.memref_slice %arg5[%multiple_of3A_526] : memref<1638400xf32, #tpu.memory_space<hbm>> -> memref<256xf32, #tpu.memory_space<hbm>>
          tpu.wait_dma2 semaphore(%run_scoped3A : memref<!tpu.dma_semaphore, #tpu.memory_space<semaphore_mem>>) src(%dma_wait3A_587 : memref<256xf32, #tpu.memory_space<hbm>>) dst(%arg10 : memref<256xf32, #tpu.memory_space<vmem>>)
          tpu.yield
        }) : () -> ()
        %scan3A_552 = arith.constant 0 : i32
        %scan3A_553 = arith.constant 0 : i32
        %scan3A_554 = arith.constant 8 : i32
        %scan3A_555 = arith.addi %scan3A_553, %scan3A_554 : i32
        %scan3A_556 = arith.constant 1 : i32
        scf.for %scan3A_584 = %scan3A_553 to %scan3A_555 step %scan3A_556  : i32 {
          %mul3A_585 = arith.constant 16 : i32
          %mul3A_586 = arith.muli %scan3A_584, %mul3A_585 : i32
          %get3A = arith.constant 0 : i32
          %get3A_587 = arith.index_cast %get3A : i32 to index
          %get3A_588 = arith.index_cast %mul3A_586 : i32 to index
          %get3A_589 = tpu.vector_load %arg7[%get3A_587, %get3A_588] {strides = array<i32>} : memref<2x128xi32, #tpu.memory_space<vmem>>, vector<1x16xi32>,
          %get3A_590 = vector.shape_cast %get3A_589 : vector<1x16xi32> to vector<16xi32>
          %add3A_591 = vector.broadcast %mul3A_0 : i32 to vector<16xi32>
          %add3A_592 = arith.addi %get3A_590, %add3A_591 : vector<16xi32>
          %mul3A_593 = arith.constant 16 : i32
          %mul3A_594 = arith.muli %scan3A_584, %mul3A_593 : i32
          %swap3A = arith.constant 0 : i32
          %swap3A_595 = arith.index_cast %swap3A : i32 to index
          %swap3A_596 = arith.index_cast %mul3A_594 : i32 to index
          %swap3A_597 = tpu.vector_load %arg8[%swap3A_595, %swap3A_596] {strides = array<i32>} : memref<2x128xi32, #tpu.memory_space<vmem>>, vector<1x16xi32>,
          %swap3A_598 = vector.shape_cast %swap3A_597 : vector<1x16xi32> to vector<16xi32>
          %swap3A_599 = vector.shape_cast %add3A_592 : vector<16xi32> to vector<1x16xi32>
          tpu.vector_store %arg8[%swap3A_595, %swap3A_596], %swap3A_599 {strides = array<i32>} : memref<2x128xi32, #tpu.memory_space<vmem>>, vector<1x16xi32>,
        }
        %scan3A_557 = arith.constant 8 : i32
        %scan3A_558 = arith.constant 0 : i32
        %scan3A_559 = arith.constant 0 : i32
        %scan3A_560 = arith.constant 8 : i32
        %scan3A_561 = arith.addi %scan3A_559, %scan3A_560 : i32
        %scan3A_562 = arith.constant 1 : i32
        scf.for %scan3A_584 = %scan3A_559 to %scan3A_561 step %scan3A_562  : i32 {
          %mul3A_585 = arith.constant 16 : i32
          %mul3A_586 = arith.muli %scan3A_584, %mul3A_585 : i32
          %get3A = arith.constant 1 : i32
          %get3A_587 = arith.index_cast %get3A : i32 to index
          %get3A_588 = arith.index_cast %mul3A_586 : i32 to index
          %get3A_589 = tpu.vector_load %arg7[%get3A_587, %get3A_588] {strides = array<i32>} : memref<2x128xi32, #tpu.memory_space<vmem>>, vector<1x16xi32>,
          %get3A_590 = vector.shape_cast %get3A_589 : vector<1x16xi32> to vector<16xi32>
          %add3A_591 = vector.broadcast %mul3A_0 : i32 to vector<16xi32>
          %add3A_592 = arith.addi %get3A_590, %add3A_591 : vector<16xi32>
          %mul3A_593 = arith.constant 16 : i32
          %mul3A_594 = arith.muli %scan3A_584, %mul3A_593 : i32
          %swap3A = arith.constant 1 : i32
          %swap3A_595 = arith.index_cast %swap3A : i32 to index
          %swap3A_596 = arith.index_cast %mul3A_594 : i32 to index
          %swap3A_597 = tpu.vector_load %arg8[%swap3A_595, %swap3A_596] {strides = array<i32>} : memref<2x128xi32, #tpu.memory_space<vmem>>, vector<1x16xi32>,
          %swap3A_598 = vector.shape_cast %swap3A_597 : vector<1x16xi32> to vector<16xi32>
          %swap3A_599 = vector.shape_cast %add3A_592 : vector<16xi32> to vector<1x16xi32>
          tpu.vector_store %arg8[%swap3A_595, %swap3A_596], %swap3A_599 {strides = array<i32>} : memref<2x128xi32, #tpu.memory_space<vmem>>, vector<1x16xi32>,
        }
        %scan3A_563 = arith.constant 8 : i32
        %dma_start3A_564 = arith.constant 0 : i32
        %dma_start3A_565 = arith.constant 0 : i32
        %dma_start3A_566 = arith.constant 0 : i32
        %dma_start3A_567 = tpu.memref_slice %arg11[%dma_start3A_565, %dma_start3A_566] : memref<256x16xf32, #tpu.memory_space<vmem>> -> memref<128x16xf32, #tpu.memory_space<vmem>>
        %dma_start3A_568 = arith.constant 0 : i32
        %dma_start3A_569 = tpu.memref_slice %arg8[%dma_start3A_564, %dma_start3A_568] : memref<2x128xi32, #tpu.memory_space<vmem>> -> memref<1x128xi32, #tpu.memory_space<vmem>>
        %dma_start3A_570 = tpu.memref_squeeze %dma_start3A_569 : memref<1x128xi32, #tpu.memory_space<vmem>> -> memref<128xi32, #tpu.memory_space<vmem>>
        %dma_start3A_571 = arith.constant 0 : i32
        %dma_start3A_572 = arith.constant 0 : i32
        %dma_start3A_573 = tpu.memref_slice %arg2[%dma_start3A_571, %dma_start3A_572] : memref<200000x16xf32, #tpu.memory_space<hbm>> -> memref<200000x16xf32, #tpu.memory_space<hbm>>
        tpu.enqueue_indirect_dma source(%dma_start3A_573 : memref<200000x16xf32, #tpu.memory_space<hbm>>) target(%dma_start3A_567 : memref<128x16xf32, #tpu.memory_space<vmem>>) offsets(%dma_start3A_570 : memref<128xi32, #tpu.memory_space<vmem>>) semaphore(%arg12 : memref<!tpu.dma_semaphore, #tpu.memory_space<semaphore_mem>>)
        %dma_start3A_574 = arith.constant 1 : i32
        %dma_start3A_575 = arith.constant 128 : i32
        %dma_start3A_576 = arith.constant 0 : i32
        %dma_start3A_577 = tpu.memref_slice %arg11[%dma_start3A_575, %dma_start3A_576] : memref<256x16xf32, #tpu.memory_space<vmem>> -> memref<128x16xf32, #tpu.memory_space<vmem>>
        %dma_start3A_578 = arith.constant 0 : i32
        %dma_start3A_579 = tpu.memref_slice %arg8[%dma_start3A_574, %dma_start3A_578] : memref<2x128xi32, #tpu.memory_space<vmem>> -> memref<1x128xi32, #tpu.memory_space<vmem>>
        %dma_start3A_580 = tpu.memref_squeeze %dma_start3A_579 : memref<1x128xi32, #tpu.memory_space<vmem>> -> memref<128xi32, #tpu.memory_space<vmem>>
        %dma_start3A_581 = arith.constant 0 : i32
        %dma_start3A_582 = arith.constant 0 : i32
        %dma_start3A_583 = tpu.memref_slice %arg2[%dma_start3A_581, %dma_start3A_582] : memref<200000x16xf32, #tpu.memory_space<hbm>> -> memref<200000x16xf32, #tpu.memory_space<hbm>>
        tpu.enqueue_indirect_dma source(%dma_start3A_583 : memref<200000x16xf32, #tpu.memory_space<hbm>>) target(%dma_start3A_577 : memref<128x16xf32, #tpu.memory_space<vmem>>) offsets(%dma_start3A_580 : memref<128xi32, #tpu.memory_space<vmem>>) semaphore(%arg12 : memref<!tpu.dma_semaphore, #tpu.memory_space<semaphore_mem>>)
      } else {
      }
      %dma_wait3A_429 = arith.constant 0 : i32
      %dma_wait3A_430 = arith.constant 0 : i32
      %dma_wait3A_431 = tpu.memref_slice %arg2[%dma_wait3A_429, %dma_wait3A_430] : memref<200000x16xf32, #tpu.memory_space<hbm>> -> memref<256x16xf32, #tpu.memory_space<hbm>>
      %dma_wait3A_432 = arith.constant 0 : i32
      %dma_wait3A_433 = arith.constant 0 : i32
      %dma_wait3A_434 = tpu.memref_slice %arg2[%dma_wait3A_432, %dma_wait3A_433] : memref<200000x16xf32, #tpu.memory_space<hbm>> -> memref<256x16xf32, #tpu.memory_space<hbm>>
      tpu.wait_dma2 semaphore(%arg26 : memref<!tpu.dma_semaphore, #tpu.memory_space<semaphore_mem>>) src(%dma_wait3A_434 : memref<256x16xf32, #tpu.memory_space<hbm>>) dst(%arg25 : memref<256x16xf32, #tpu.memory_space<vmem>>)
      %scan3A_435 = arith.constant 0 : i32
      %scan3A_436 = arith.constant 0 : i32
      %scan3A_437 = arith.constant 16 : i32
      %scan3A_438 = arith.addi %scan3A_436, %scan3A_437 : i32
      %scan3A_439 = arith.constant 1 : i32
      scf.for %scan3A_515 = %scan3A_436 to %scan3A_438 step %scan3A_439  : i32 {
        %mul3A_516 = arith.constant 16 : i32
        %mul3A_517 = arith.muli %scan3A_515, %mul3A_516 : i32
        %get3A = arith.index_cast %mul3A_517 : i32 to index
        %get3A_518 = tpu.vector_load %arg24[%get3A] {strides = array<i32>} : memref<256xf32, #tpu.memory_space<vmem>>, vector<16xf32>,
        %get3A_519 = vector.shape_cast %get3A_518 : vector<16xf32> to vector<16xf32>
        %broadcast_in_dim3A = arith.constant 0 : i32
        %broadcast_in_dim3A_520 = vector.broadcast %broadcast_in_dim3A : i32 to vector<16xi32>
        %lt3A_521 = arith.constant 0 : i32
        %lt3A_522 = vector.broadcast %lt3A_521 : i32 to vector<16xi32>
        %lt3A_523 = arith.cmpi slt, %broadcast_in_dim3A_520, %lt3A_522 : vector<16xi32>
        %add3A_524 = arith.constant 16 : i32
        %add3A_525 = vector.broadcast %add3A_524 : i32 to vector<16xi32>
        %add3A_526 = arith.addi %broadcast_in_dim3A_520, %add3A_525 : vector<16xi32>
        %select_n3A_527 = arith.select %lt3A_523, %add3A_526, %broadcast_in_dim3A_520 : vector<16xi1>, vector<16xi32>
        %broadcast_in_dim3A_528 = vector.shape_cast %select_n3A_527 : vector<16xi32> to vector<16x1xi32>
        %gather3A = vector.shape_cast %broadcast_in_dim3A_528 : vector<16x1xi32> to vector<16xi32>
        %gather3A_529 = tpu.dynamic_gather %get3A_519[%gather3A] in [0] : vector<16xf32>, vector<16xi32> -> vector<16xf32>
        %mul3A_530 = arith.constant 16 : i32
        %mul3A_531 = arith.muli %scan3A_515, %mul3A_530 : i32
        %add3A_532 = arith.constant 0 : i32
        %add3A_533 = arith.addi %mul3A_531, %add3A_532 : i32
        %get3A_534 = arith.index_cast %add3A_533 : i32 to index
        %get3A_535 = arith.constant 0 : index
        %get3A_536 = tpu.vector_load %arg25[%get3A_534, %get3A_535] {strides = array<i32>} : memref<256x16xf32, #tpu.memory_space<vmem>>, vector<1x16xf32>,
        %get3A_537 = vector.shape_cast %get3A_536 : vector<1x16xf32> to vector<16xf32>
        %mul3A_538 = arith.mulf %get3A_537, %gather3A_529 : vector<16xf32>
        %swap3A = arith.index_cast %add3A_533 : i32 to index
        %swap3A_539 = arith.constant 0 : index
        %swap3A_540 = tpu.vector_load %arg25[%swap3A, %swap3A_539] {strides = array<i32>} : memref<256x16xf32, #tpu.memory_space<vmem>>, vector<1x16xf32>,
        %swap3A_541 = vector.shape_cast %swap3A_540 : vector<1x16xf32> to vector<16xf32>
        %swap3A_542 = vector.shape_cast %mul3A_538 : vector<16xf32> to vector<1x16xf32>
        tpu.vector_store %arg25[%swap3A, %swap3A_539], %swap3A_542 {strides = array<i32>} : memref<256x16xf32, #tpu.memory_space<vmem>>, vector<1x16xf32>,
        %broadcast_in_dim3A_543 = arith.constant 1 : i32
        %broadcast_in_dim3A_544 = vector.broadcast %broadcast_in_dim3A_543 : i32 to vector<16xi32>
        %lt3A_545 = arith.constant 0 : i32
        %lt3A_546 = vector.broadcast %lt3A_545 : i32 to vector<16xi32>
        %lt3A_547 = arith.cmpi slt, %broadcast_in_dim3A_544, %lt3A_546 : vector<16xi32>
        %add3A_548 = arith.constant 16 : i32
        %add3A_549 = vector.broadcast %add3A_548 : i32 to vector<16xi32>
        %add3A_550 = arith.addi %broadcast_in_dim3A_544, %add3A_549 : vector<16xi32>
        %select_n3A_551 = arith.select %lt3A_547, %add3A_550, %broadcast_in_dim3A_544 : vector<16xi1>, vector<16xi32>
        %broadcast_in_dim3A_552 = vector.shape_cast %select_n3A_551 : vector<16xi32> to vector<16x1xi32>
        %gather3A_553 = vector.shape_cast %broadcast_in_dim3A_552 : vector<16x1xi32> to vector<16xi32>
        %gather3A_554 = tpu.dynamic_gather %get3A_519[%gather3A_553] in [0] : vector<16xf32>, vector<16xi32> -> vector<16xf32>
        %mul3A_555 = arith.constant 16 : i32
        %mul3A_556 = arith.muli %scan3A_515, %mul3A_555 : i32
        %add3A_557 = arith.constant 1 : i32
        %add3A_558 = arith.addi %mul3A_556, %add3A_557 : i32
        %get3A_559 = arith.index_cast %add3A_558 : i32 to index
        %get3A_560 = arith.constant 0 : index
        %get3A_561 = tpu.vector_load %arg25[%get3A_559, %get3A_560] {strides = array<i32>} : memref<256x16xf32, #tpu.memory_space<vmem>>, vector<1x16xf32>,
        %get3A_562 = vector.shape_cast %get3A_561 : vector<1x16xf32> to vector<16xf32>
        %mul3A_563 = arith.mulf %get3A_562, %gather3A_554 : vector<16xf32>
        %swap3A_564 = arith.index_cast %add3A_558 : i32 to index
        %swap3A_565 = arith.constant 0 : index
        %swap3A_566 = tpu.vector_load %arg25[%swap3A_564, %swap3A_565] {strides = array<i32>} : memref<256x16xf32, #tpu.memory_space<vmem>>, vector<1x16xf32>,
        %swap3A_567 = vector.shape_cast %swap3A_566 : vector<1x16xf32> to vector<16xf32>
        %swap3A_568 = vector.shape_cast %mul3A_563 : vector<16xf32> to vector<1x16xf32>
        tpu.vector_store %arg25[%swap3A_564, %swap3A_565], %swap3A_568 {strides = array<i32>} : memref<256x16xf32, #tpu.memory_space<vmem>>, vector<1x16xf32>,
        %broadcast_in_dim3A_569 = arith.constant 2 : i32
        %broadcast_in_dim3A_570 = vector.broadcast %broadcast_in_dim3A_569 : i32 to vector<16xi32>
        %lt3A_571 = arith.constant 0 : i32
        %lt3A_572 = vector.broadcast %lt3A_571 : i32 to vector<16xi32>
        %lt3A_573 = arith.cmpi slt, %broadcast_in_dim3A_570, %lt3A_572 : vector<16xi32>
        %add3A_574 = arith.constant 16 : i32
        %add3A_575 = vector.broadcast %add3A_574 : i32 to vector<16xi32>
        %add3A_576 = arith.addi %broadcast_in_dim3A_570, %add3A_575 : vector<16xi32>
        %select_n3A_577 = arith.select %lt3A_573, %add3A_576, %broadcast_in_dim3A_570 : vector<16xi1>, vector<16xi32>
        %broadcast_in_dim3A_578 = vector.shape_cast %select_n3A_577 : vector<16xi32> to vector<16x1xi32>
        %gather3A_579 = vector.shape_cast %broadcast_in_dim3A_578 : vector<16x1xi32> to vector<16xi32>
        %gather3A_580 = tpu.dynamic_gather %get3A_519[%gather3A_579] in [0] : vector<16xf32>, vector<16xi32> -> vector<16xf32>
        %mul3A_581 = arith.constant 16 : i32
        %mul3A_582 = arith.muli %scan3A_515, %mul3A_581 : i32
        %add3A_583 = arith.constant 2 : i32
        %add3A_584 = arith.addi %mul3A_582, %add3A_583 : i32
        %get3A_585 = arith.index_cast %add3A_584 : i32 to index
        %get3A_586 = arith.constant 0 : index
        %get3A_587 = tpu.vector_load %arg25[%get3A_585, %get3A_586] {strides = array<i32>} : memref<256x16xf32, #tpu.memory_space<vmem>>, vector<1x16xf32>,
        %get3A_588 = vector.shape_cast %get3A_587 : vector<1x16xf32> to vector<16xf32>
        %mul3A_589 = arith.mulf %get3A_588, %gather3A_580 : vector<16xf32>
        %swap3A_590 = arith.index_cast %add3A_584 : i32 to index
        %swap3A_591 = arith.constant 0 : index
        %swap3A_592 = tpu.vector_load %arg25[%swap3A_590, %swap3A_591] {strides = array<i32>} : memref<256x16xf32, #tpu.memory_space<vmem>>, vector<1x16xf32>,
        %swap3A_593 = vector.shape_cast %swap3A_592 : vector<1x16xf32> to vector<16xf32>
        %swap3A_594 = vector.shape_cast %mul3A_589 : vector<16xf32> to vector<1x16xf32>
        tpu.vector_store %arg25[%swap3A_590, %swap3A_591], %swap3A_594 {strides = array<i32>} : memref<256x16xf32, #tpu.memory_space<vmem>>, vector<1x16xf32>,
        %broadcast_in_dim3A_595 = arith.constant 3 : i32
        %broadcast_in_dim3A_596 = vector.broadcast %broadcast_in_dim3A_595 : i32 to vector<16xi32>
        %lt3A_597 = arith.constant 0 : i32
        %lt3A_598 = vector.broadcast %lt3A_597 : i32 to vector<16xi32>
        %lt3A_599 = arith.cmpi slt, %broadcast_in_dim3A_596, %lt3A_598 : vector<16xi32>
        %add3A_600 = arith.constant 16 : i32
        %add3A_601 = vector.broadcast %add3A_600 : i32 to vector<16xi32>
        %add3A_602 = arith.addi %broadcast_in_dim3A_596, %add3A_601 : vector<16xi32>
        %select_n3A_603 = arith.select %lt3A_599, %add3A_602, %broadcast_in_dim3A_596 : vector<16xi1>, vector<16xi32>
        %broadcast_in_dim3A_604 = vector.shape_cast %select_n3A_603 : vector<16xi32> to vector<16x1xi32>
        %gather3A_605 = vector.shape_cast %broadcast_in_dim3A_604 : vector<16x1xi32> to vector<16xi32>
        %gather3A_606 = tpu.dynamic_gather %get3A_519[%gather3A_605] in [0] : vector<16xf32>, vector<16xi32> -> vector<16xf32>
        %mul3A_607 = arith.constant 16 : i32
        %mul3A_608 = arith.muli %scan3A_515, %mul3A_607 : i32
        %add3A_609 = arith.constant 3 : i32
        %add3A_610 = arith.addi %mul3A_608, %add3A_609 : i32
        %get3A_611 = arith.index_cast %add3A_610 : i32 to index
        %get3A_612 = arith.constant 0 : index
        %get3A_613 = tpu.vector_load %arg25[%get3A_611, %get3A_612] {strides = array<i32>} : memref<256x16xf32, #tpu.memory_space<vmem>>, vector<1x16xf32>,
        %get3A_614 = vector.shape_cast %get3A_613 : vector<1x16xf32> to vector<16xf32>
        %mul3A_615 = arith.mulf %get3A_614, %gather3A_606 : vector<16xf32>
        %swap3A_616 = arith.index_cast %add3A_610 : i32 to index
        %swap3A_617 = arith.constant 0 : index
        %swap3A_618 = tpu.vector_load %arg25[%swap3A_616, %swap3A_617] {strides = array<i32>} : memref<256x16xf32, #tpu.memory_space<vmem>>, vector<1x16xf32>,
        %swap3A_619 = vector.shape_cast %swap3A_618 : vector<1x16xf32> to vector<16xf32>
        %swap3A_620 = vector.shape_cast %mul3A_615 : vector<16xf32> to vector<1x16xf32>
        tpu.vector_store %arg25[%swap3A_616, %swap3A_617], %swap3A_620 {strides = array<i32>} : memref<256x16xf32, #tpu.memory_space<vmem>>, vector<1x16xf32>,
        %broadcast_in_dim3A_621 = arith.constant 4 : i32
        %broadcast_in_dim3A_622 = vector.broadcast %broadcast_in_dim3A_621 : i32 to vector<16xi32>
        %lt3A_623 = arith.constant 0 : i32
        %lt3A_624 = vector.broadcast %lt3A_623 : i32 to vector<16xi32>
        %lt3A_625 = arith.cmpi slt, %broadcast_in_dim3A_622, %lt3A_624 : vector<16xi32>
        %add3A_626 = arith.constant 16 : i32
        %add3A_627 = vector.broadcast %add3A_626 : i32 to vector<16xi32>
        %add3A_628 = arith.addi %broadcast_in_dim3A_622, %add3A_627 : vector<16xi32>
        %select_n3A_629 = arith.select %lt3A_625, %add3A_628, %broadcast_in_dim3A_622 : vector<16xi1>, vector<16xi32>
        %broadcast_in_dim3A_630 = vector.shape_cast %select_n3A_629 : vector<16xi32> to vector<16x1xi32>
        %gather3A_631 = vector.shape_cast %broadcast_in_dim3A_630 : vector<16x1xi32> to vector<16xi32>
        %gather3A_632 = tpu.dynamic_gather %get3A_519[%gather3A_631] in [0] : vector<16xf32>, vector<16xi32> -> vector<16xf32>
        %mul3A_633 = arith.constant 16 : i32
        %mul3A_634 = arith.muli %scan3A_515, %mul3A_633 : i32
        %add3A_635 = arith.constant 4 : i32
        %add3A_636 = arith.addi %mul3A_634, %add3A_635 : i32
        %get3A_637 = arith.index_cast %add3A_636 : i32 to index
        %get3A_638 = arith.constant 0 : index
        %get3A_639 = tpu.vector_load %arg25[%get3A_637, %get3A_638] {strides = array<i32>} : memref<256x16xf32, #tpu.memory_space<vmem>>, vector<1x16xf32>,
        %get3A_640 = vector.shape_cast %get3A_639 : vector<1x16xf32> to vector<16xf32>
        %mul3A_641 = arith.mulf %get3A_640, %gather3A_632 : vector<16xf32>
        %swap3A_642 = arith.index_cast %add3A_636 : i32 to index
        %swap3A_643 = arith.constant 0 : index
        %swap3A_644 = tpu.vector_load %arg25[%swap3A_642, %swap3A_643] {strides = array<i32>} : memref<256x16xf32, #tpu.memory_space<vmem>>, vector<1x16xf32>,
        %swap3A_645 = vector.shape_cast %swap3A_644 : vector<1x16xf32> to vector<16xf32>
        %swap3A_646 = vector.shape_cast %mul3A_641 : vector<16xf32> to vector<1x16xf32>
        tpu.vector_store %arg25[%swap3A_642, %swap3A_643], %swap3A_646 {strides = array<i32>} : memref<256x16xf32, #tpu.memory_space<vmem>>, vector<1x16xf32>,
        %broadcast_in_dim3A_647 = arith.constant 5 : i32
        %broadcast_in_dim3A_648 = vector.broadcast %broadcast_in_dim3A_647 : i32 to vector<16xi32>
        %lt3A_649 = arith.constant 0 : i32
        %lt3A_650 = vector.broadcast %lt3A_649 : i32 to vector<16xi32>
        %lt3A_651 = arith.cmpi slt, %broadcast_in_dim3A_648, %lt3A_650 : vector<16xi32>
        %add3A_652 = arith.constant 16 : i32
        %add3A_653 = vector.broadcast %add3A_652 : i32 to vector<16xi32>
        %add3A_654 = arith.addi %broadcast_in_dim3A_648, %add3A_653 : vector<16xi32>
        %select_n3A_655 = arith.select %lt3A_651, %add3A_654, %broadcast_in_dim3A_648 : vector<16xi1>, vector<16xi32>
        %broadcast_in_dim3A_656 = vector.shape_cast %select_n3A_655 : vector<16xi32> to vector<16x1xi32>
        %gather3A_657 = vector.shape_cast %broadcast_in_dim3A_656 : vector<16x1xi32> to vector<16xi32>
        %gather3A_658 = tpu.dynamic_gather %get3A_519[%gather3A_657] in [0] : vector<16xf32>, vector<16xi32> -> vector<16xf32>
        %mul3A_659 = arith.constant 16 : i32
        %mul3A_660 = arith.muli %scan3A_515, %mul3A_659 : i32
        %add3A_661 = arith.constant 5 : i32
        %add3A_662 = arith.addi %mul3A_660, %add3A_661 : i32
        %get3A_663 = arith.index_cast %add3A_662 : i32 to index
        %get3A_664 = arith.constant 0 : index
        %get3A_665 = tpu.vector_load %arg25[%get3A_663, %get3A_664] {strides = array<i32>} : memref<256x16xf32, #tpu.memory_space<vmem>>, vector<1x16xf32>,
        %get3A_666 = vector.shape_cast %get3A_665 : vector<1x16xf32> to vector<16xf32>
        %mul3A_667 = arith.mulf %get3A_666, %gather3A_658 : vector<16xf32>
        %swap3A_668 = arith.index_cast %add3A_662 : i32 to index
        %swap3A_669 = arith.constant 0 : index
        %swap3A_670 = tpu.vector_load %arg25[%swap3A_668, %swap3A_669] {strides = array<i32>} : memref<256x16xf32, #tpu.memory_space<vmem>>, vector<1x16xf32>,
        %swap3A_671 = vector.shape_cast %swap3A_670 : vector<1x16xf32> to vector<16xf32>
        %swap3A_672 = vector.shape_cast %mul3A_667 : vector<16xf32> to vector<1x16xf32>
        tpu.vector_store %arg25[%swap3A_668, %swap3A_669], %swap3A_672 {strides = array<i32>} : memref<256x16xf32, #tpu.memory_space<vmem>>, vector<1x16xf32>,
        %broadcast_in_dim3A_673 = arith.constant 6 : i32
        %broadcast_in_dim3A_674 = vector.broadcast %broadcast_in_dim3A_673 : i32 to vector<16xi32>
        %lt3A_675 = arith.constant 0 : i32
        %lt3A_676 = vector.broadcast %lt3A_675 : i32 to vector<16xi32>
        %lt3A_677 = arith.cmpi slt, %broadcast_in_dim3A_674, %lt3A_676 : vector<16xi32>
        %add3A_678 = arith.constant 16 : i32
        %add3A_679 = vector.broadcast %add3A_678 : i32 to vector<16xi32>
        %add3A_680 = arith.addi %broadcast_in_dim3A_674, %add3A_679 : vector<16xi32>
        %select_n3A_681 = arith.select %lt3A_677, %add3A_680, %broadcast_in_dim3A_674 : vector<16xi1>, vector<16xi32>
        %broadcast_in_dim3A_682 = vector.shape_cast %select_n3A_681 : vector<16xi32> to vector<16x1xi32>
        %gather3A_683 = vector.shape_cast %broadcast_in_dim3A_682 : vector<16x1xi32> to vector<16xi32>
        %gather3A_684 = tpu.dynamic_gather %get3A_519[%gather3A_683] in [0] : vector<16xf32>, vector<16xi32> -> vector<16xf32>
        %mul3A_685 = arith.constant 16 : i32
        %mul3A_686 = arith.muli %scan3A_515, %mul3A_685 : i32
        %add3A_687 = arith.constant 6 : i32
        %add3A_688 = arith.addi %mul3A_686, %add3A_687 : i32
        %get3A_689 = arith.index_cast %add3A_688 : i32 to index
        %get3A_690 = arith.constant 0 : index
        %get3A_691 = tpu.vector_load %arg25[%get3A_689, %get3A_690] {strides = array<i32>} : memref<256x16xf32, #tpu.memory_space<vmem>>, vector<1x16xf32>,
        %get3A_692 = vector.shape_cast %get3A_691 : vector<1x16xf32> to vector<16xf32>
        %mul3A_693 = arith.mulf %get3A_692, %gather3A_684 : vector<16xf32>
        %swap3A_694 = arith.index_cast %add3A_688 : i32 to index
        %swap3A_695 = arith.constant 0 : index
        %swap3A_696 = tpu.vector_load %arg25[%swap3A_694, %swap3A_695] {strides = array<i32>} : memref<256x16xf32, #tpu.memory_space<vmem>>, vector<1x16xf32>,
        %swap3A_697 = vector.shape_cast %swap3A_696 : vector<1x16xf32> to vector<16xf32>
        %swap3A_698 = vector.shape_cast %mul3A_693 : vector<16xf32> to vector<1x16xf32>
        tpu.vector_store %arg25[%swap3A_694, %swap3A_695], %swap3A_698 {strides = array<i32>} : memref<256x16xf32, #tpu.memory_space<vmem>>, vector<1x16xf32>,
        %broadcast_in_dim3A_699 = arith.constant 7 : i32
        %broadcast_in_dim3A_700 = vector.broadcast %broadcast_in_dim3A_699 : i32 to vector<16xi32>
        %lt3A_701 = arith.constant 0 : i32
        %lt3A_702 = vector.broadcast %lt3A_701 : i32 to vector<16xi32>
        %lt3A_703 = arith.cmpi slt, %broadcast_in_dim3A_700, %lt3A_702 : vector<16xi32>
        %add3A_704 = arith.constant 16 : i32
        %add3A_705 = vector.broadcast %add3A_704 : i32 to vector<16xi32>
        %add3A_706 = arith.addi %broadcast_in_dim3A_700, %add3A_705 : vector<16xi32>
        %select_n3A_707 = arith.select %lt3A_703, %add3A_706, %broadcast_in_dim3A_700 : vector<16xi1>, vector<16xi32>
        %broadcast_in_dim3A_708 = vector.shape_cast %select_n3A_707 : vector<16xi32> to vector<16x1xi32>
        %gather3A_709 = vector.shape_cast %broadcast_in_dim3A_708 : vector<16x1xi32> to vector<16xi32>
        %gather3A_710 = tpu.dynamic_gather %get3A_519[%gather3A_709] in [0] : vector<16xf32>, vector<16xi32> -> vector<16xf32>
        %mul3A_711 = arith.constant 16 : i32
        %mul3A_712 = arith.muli %scan3A_515, %mul3A_711 : i32
        %add3A_713 = arith.constant 7 : i32
        %add3A_714 = arith.addi %mul3A_712, %add3A_713 : i32
        %get3A_715 = arith.index_cast %add3A_714 : i32 to index
        %get3A_716 = arith.constant 0 : index
        %get3A_717 = tpu.vector_load %arg25[%get3A_715, %get3A_716] {strides = array<i32>} : memref<256x16xf32, #tpu.memory_space<vmem>>, vector<1x16xf32>,
        %get3A_718 = vector.shape_cast %get3A_717 : vector<1x16xf32> to vector<16xf32>
        %mul3A_719 = arith.mulf %get3A_718, %gather3A_710 : vector<16xf32>
        %swap3A_720 = arith.index_cast %add3A_714 : i32 to index
        %swap3A_721 = arith.constant 0 : index
        %swap3A_722 = tpu.vector_load %arg25[%swap3A_720, %swap3A_721] {strides = array<i32>} : memref<256x16xf32, #tpu.memory_space<vmem>>, vector<1x16xf32>,
        %swap3A_723 = vector.shape_cast %swap3A_722 : vector<1x16xf32> to vector<16xf32>
        %swap3A_724 = vector.shape_cast %mul3A_719 : vector<16xf32> to vector<1x16xf32>
        tpu.vector_store %arg25[%swap3A_720, %swap3A_721], %swap3A_724 {strides = array<i32>} : memref<256x16xf32, #tpu.memory_space<vmem>>, vector<1x16xf32>,
        %broadcast_in_dim3A_725 = arith.constant 8 : i32
        %broadcast_in_dim3A_726 = vector.broadcast %broadcast_in_dim3A_725 : i32 to vector<16xi32>
        %lt3A_727 = arith.constant 0 : i32
        %lt3A_728 = vector.broadcast %lt3A_727 : i32 to vector<16xi32>
        %lt3A_729 = arith.cmpi slt, %broadcast_in_dim3A_726, %lt3A_728 : vector<16xi32>
        %add3A_730 = arith.constant 16 : i32
        %add3A_731 = vector.broadcast %add3A_730 : i32 to vector<16xi32>
        %add3A_732 = arith.addi %broadcast_in_dim3A_726, %add3A_731 : vector<16xi32>
        %select_n3A_733 = arith.select %lt3A_729, %add3A_732, %broadcast_in_dim3A_726 : vector<16xi1>, vector<16xi32>
        %broadcast_in_dim3A_734 = vector.shape_cast %select_n3A_733 : vector<16xi32> to vector<16x1xi32>
        %gather3A_735 = vector.shape_cast %broadcast_in_dim3A_734 : vector<16x1xi32> to vector<16xi32>
        %gather3A_736 = tpu.dynamic_gather %get3A_519[%gather3A_735] in [0] : vector<16xf32>, vector<16xi32> -> vector<16xf32>
        %mul3A_737 = arith.constant 16 : i32
        %mul3A_738 = arith.muli %scan3A_515, %mul3A_737 : i32
        %add3A_739 = arith.constant 8 : i32
        %add3A_740 = arith.addi %mul3A_738, %add3A_739 : i32
        %get3A_741 = arith.index_cast %add3A_740 : i32 to index
        %get3A_742 = arith.constant 0 : index
        %get3A_743 = tpu.vector_load %arg25[%get3A_741, %get3A_742] {strides = array<i32>} : memref<256x16xf32, #tpu.memory_space<vmem>>, vector<1x16xf32>,
        %get3A_744 = vector.shape_cast %get3A_743 : vector<1x16xf32> to vector<16xf32>
        %mul3A_745 = arith.mulf %get3A_744, %gather3A_736 : vector<16xf32>
        %swap3A_746 = arith.index_cast %add3A_740 : i32 to index
        %swap3A_747 = arith.constant 0 : index
        %swap3A_748 = tpu.vector_load %arg25[%swap3A_746, %swap3A_747] {strides = array<i32>} : memref<256x16xf32, #tpu.memory_space<vmem>>, vector<1x16xf32>,
        %swap3A_749 = vector.shape_cast %swap3A_748 : vector<1x16xf32> to vector<16xf32>
        %swap3A_750 = vector.shape_cast %mul3A_745 : vector<16xf32> to vector<1x16xf32>
        tpu.vector_store %arg25[%swap3A_746, %swap3A_747], %swap3A_750 {strides = array<i32>} : memref<256x16xf32, #tpu.memory_space<vmem>>, vector<1x16xf32>,
        %broadcast_in_dim3A_751 = arith.constant 9 : i32
        %broadcast_in_dim3A_752 = vector.broadcast %broadcast_in_dim3A_751 : i32 to vector<16xi32>
        %lt3A_753 = arith.constant 0 : i32
        %lt3A_754 = vector.broadcast %lt3A_753 : i32 to vector<16xi32>
        %lt3A_755 = arith.cmpi slt, %broadcast_in_dim3A_752, %lt3A_754 : vector<16xi32>
        %add3A_756 = arith.constant 16 : i32
        %add3A_757 = vector.broadcast %add3A_756 : i32 to vector<16xi32>
        %add3A_758 = arith.addi %broadcast_in_dim3A_752, %add3A_757 : vector<16xi32>
        %select_n3A_759 = arith.select %lt3A_755, %add3A_758, %broadcast_in_dim3A_752 : vector<16xi1>, vector<16xi32>
        %broadcast_in_dim3A_760 = vector.shape_cast %select_n3A_759 : vector<16xi32> to vector<16x1xi32>
        %gather3A_761 = vector.shape_cast %broadcast_in_dim3A_760 : vector<16x1xi32> to vector<16xi32>
        %gather3A_762 = tpu.dynamic_gather %get3A_519[%gather3A_761] in [0] : vector<16xf32>, vector<16xi32> -> vector<16xf32>
        %mul3A_763 = arith.constant 16 : i32
        %mul3A_764 = arith.muli %scan3A_515, %mul3A_763 : i32
        %add3A_765 = arith.constant 9 : i32
        %add3A_766 = arith.addi %mul3A_764, %add3A_765 : i32
        %get3A_767 = arith.index_cast %add3A_766 : i32 to index
        %get3A_768 = arith.constant 0 : index
        %get3A_769 = tpu.vector_load %arg25[%get3A_767, %get3A_768] {strides = array<i32>} : memref<256x16xf32, #tpu.memory_space<vmem>>, vector<1x16xf32>,
        %get3A_770 = vector.shape_cast %get3A_769 : vector<1x16xf32> to vector<16xf32>
        %mul3A_771 = arith.mulf %get3A_770, %gather3A_762 : vector<16xf32>
        %swap3A_772 = arith.index_cast %add3A_766 : i32 to index
        %swap3A_773 = arith.constant 0 : index
        %swap3A_774 = tpu.vector_load %arg25[%swap3A_772, %swap3A_773] {strides = array<i32>} : memref<256x16xf32, #tpu.memory_space<vmem>>, vector<1x16xf32>,
        %swap3A_775 = vector.shape_cast %swap3A_774 : vector<1x16xf32> to vector<16xf32>
        %swap3A_776 = vector.shape_cast %mul3A_771 : vector<16xf32> to vector<1x16xf32>
        tpu.vector_store %arg25[%swap3A_772, %swap3A_773], %swap3A_776 {strides = array<i32>} : memref<256x16xf32, #tpu.memory_space<vmem>>, vector<1x16xf32>,
        %broadcast_in_dim3A_777 = arith.constant 10 : i32
        %broadcast_in_dim3A_778 = vector.broadcast %broadcast_in_dim3A_777 : i32 to vector<16xi32>
        %lt3A_779 = arith.constant 0 : i32
        %lt3A_780 = vector.broadcast %lt3A_779 : i32 to vector<16xi32>
        %lt3A_781 = arith.cmpi slt, %broadcast_in_dim3A_778, %lt3A_780 : vector<16xi32>
        %add3A_782 = arith.constant 16 : i32
        %add3A_783 = vector.broadcast %add3A_782 : i32 to vector<16xi32>
        %add3A_784 = arith.addi %broadcast_in_dim3A_778, %add3A_783 : vector<16xi32>
        %select_n3A_785 = arith.select %lt3A_781, %add3A_784, %broadcast_in_dim3A_778 : vector<16xi1>, vector<16xi32>
        %broadcast_in_dim3A_786 = vector.shape_cast %select_n3A_785 : vector<16xi32> to vector<16x1xi32>
        %gather3A_787 = vector.shape_cast %broadcast_in_dim3A_786 : vector<16x1xi32> to vector<16xi32>
        %gather3A_788 = tpu.dynamic_gather %get3A_519[%gather3A_787] in [0] : vector<16xf32>, vector<16xi32> -> vector<16xf32>
        %mul3A_789 = arith.constant 16 : i32
        %mul3A_790 = arith.muli %scan3A_515, %mul3A_789 : i32
        %add3A_791 = arith.constant 10 : i32
        %add3A_792 = arith.addi %mul3A_790, %add3A_791 : i32
        %get3A_793 = arith.index_cast %add3A_792 : i32 to index
        %get3A_794 = arith.constant 0 : index
        %get3A_795 = tpu.vector_load %arg25[%get3A_793, %get3A_794] {strides = array<i32>} : memref<256x16xf32, #tpu.memory_space<vmem>>, vector<1x16xf32>,
        %get3A_796 = vector.shape_cast %get3A_795 : vector<1x16xf32> to vector<16xf32>
        %mul3A_797 = arith.mulf %get3A_796, %gather3A_788 : vector<16xf32>
        %swap3A_798 = arith.index_cast %add3A_792 : i32 to index
        %swap3A_799 = arith.constant 0 : index
        %swap3A_800 = tpu.vector_load %arg25[%swap3A_798, %swap3A_799] {strides = array<i32>} : memref<256x16xf32, #tpu.memory_space<vmem>>, vector<1x16xf32>,
        %swap3A_801 = vector.shape_cast %swap3A_800 : vector<1x16xf32> to vector<16xf32>
        %swap3A_802 = vector.shape_cast %mul3A_797 : vector<16xf32> to vector<1x16xf32>
        tpu.vector_store %arg25[%swap3A_798, %swap3A_799], %swap3A_802 {strides = array<i32>} : memref<256x16xf32, #tpu.memory_space<vmem>>, vector<1x16xf32>,
        %broadcast_in_dim3A_803 = arith.constant 11 : i32
        %broadcast_in_dim3A_804 = vector.broadcast %broadcast_in_dim3A_803 : i32 to vector<16xi32>
        %lt3A_805 = arith.constant 0 : i32
        %lt3A_806 = vector.broadcast %lt3A_805 : i32 to vector<16xi32>
        %lt3A_807 = arith.cmpi slt, %broadcast_in_dim3A_804, %lt3A_806 : vector<16xi32>
        %add3A_808 = arith.constant 16 : i32
        %add3A_809 = vector.broadcast %add3A_808 : i32 to vector<16xi32>
        %add3A_810 = arith.addi %broadcast_in_dim3A_804, %add3A_809 : vector<16xi32>
        %select_n3A_811 = arith.select %lt3A_807, %add3A_810, %broadcast_in_dim3A_804 : vector<16xi1>, vector<16xi32>
        %broadcast_in_dim3A_812 = vector.shape_cast %select_n3A_811 : vector<16xi32> to vector<16x1xi32>
        %gather3A_813 = vector.shape_cast %broadcast_in_dim3A_812 : vector<16x1xi32> to vector<16xi32>
        %gather3A_814 = tpu.dynamic_gather %get3A_519[%gather3A_813] in [0] : vector<16xf32>, vector<16xi32> -> vector<16xf32>
        %mul3A_815 = arith.constant 16 : i32
        %mul3A_816 = arith.muli %scan3A_515, %mul3A_815 : i32
        %add3A_817 = arith.constant 11 : i32
        %add3A_818 = arith.addi %mul3A_816, %add3A_817 : i32
        %get3A_819 = arith.index_cast %add3A_818 : i32 to index
        %get3A_820 = arith.constant 0 : index
        %get3A_821 = tpu.vector_load %arg25[%get3A_819, %get3A_820] {strides = array<i32>} : memref<256x16xf32, #tpu.memory_space<vmem>>, vector<1x16xf32>,
        %get3A_822 = vector.shape_cast %get3A_821 : vector<1x16xf32> to vector<16xf32>
        %mul3A_823 = arith.mulf %get3A_822, %gather3A_814 : vector<16xf32>
        %swap3A_824 = arith.index_cast %add3A_818 : i32 to index
        %swap3A_825 = arith.constant 0 : index
        %swap3A_826 = tpu.vector_load %arg25[%swap3A_824, %swap3A_825] {strides = array<i32>} : memref<256x16xf32, #tpu.memory_space<vmem>>, vector<1x16xf32>,
        %swap3A_827 = vector.shape_cast %swap3A_826 : vector<1x16xf32> to vector<16xf32>
        %swap3A_828 = vector.shape_cast %mul3A_823 : vector<16xf32> to vector<1x16xf32>
        tpu.vector_store %arg25[%swap3A_824, %swap3A_825], %swap3A_828 {strides = array<i32>} : memref<256x16xf32, #tpu.memory_space<vmem>>, vector<1x16xf32>,
        %broadcast_in_dim3A_829 = arith.constant 12 : i32
        %broadcast_in_dim3A_830 = vector.broadcast %broadcast_in_dim3A_829 : i32 to vector<16xi32>
        %lt3A_831 = arith.constant 0 : i32
        %lt3A_832 = vector.broadcast %lt3A_831 : i32 to vector<16xi32>
        %lt3A_833 = arith.cmpi slt, %broadcast_in_dim3A_830, %lt3A_832 : vector<16xi32>
        %add3A_834 = arith.constant 16 : i32
        %add3A_835 = vector.broadcast %add3A_834 : i32 to vector<16xi32>
        %add3A_836 = arith.addi %broadcast_in_dim3A_830, %add3A_835 : vector<16xi32>
        %select_n3A_837 = arith.select %lt3A_833, %add3A_836, %broadcast_in_dim3A_830 : vector<16xi1>, vector<16xi32>
        %broadcast_in_dim3A_838 = vector.shape_cast %select_n3A_837 : vector<16xi32> to vector<16x1xi32>
        %gather3A_839 = vector.shape_cast %broadcast_in_dim3A_838 : vector<16x1xi32> to vector<16xi32>
        %gather3A_840 = tpu.dynamic_gather %get3A_519[%gather3A_839] in [0] : vector<16xf32>, vector<16xi32> -> vector<16xf32>
        %mul3A_841 = arith.constant 16 : i32
        %mul3A_842 = arith.muli %scan3A_515, %mul3A_841 : i32
        %add3A_843 = arith.constant 12 : i32
        %add3A_844 = arith.addi %mul3A_842, %add3A_843 : i32
        %get3A_845 = arith.index_cast %add3A_844 : i32 to index
        %get3A_846 = arith.constant 0 : index
        %get3A_847 = tpu.vector_load %arg25[%get3A_845, %get3A_846] {strides = array<i32>} : memref<256x16xf32, #tpu.memory_space<vmem>>, vector<1x16xf32>,
        %get3A_848 = vector.shape_cast %get3A_847 : vector<1x16xf32> to vector<16xf32>
        %mul3A_849 = arith.mulf %get3A_848, %gather3A_840 : vector<16xf32>
        %swap3A_850 = arith.index_cast %add3A_844 : i32 to index
        %swap3A_851 = arith.constant 0 : index
        %swap3A_852 = tpu.vector_load %arg25[%swap3A_850, %swap3A_851] {strides = array<i32>} : memref<256x16xf32, #tpu.memory_space<vmem>>, vector<1x16xf32>,
        %swap3A_853 = vector.shape_cast %swap3A_852 : vector<1x16xf32> to vector<16xf32>
        %swap3A_854 = vector.shape_cast %mul3A_849 : vector<16xf32> to vector<1x16xf32>
        tpu.vector_store %arg25[%swap3A_850, %swap3A_851], %swap3A_854 {strides = array<i32>} : memref<256x16xf32, #tpu.memory_space<vmem>>, vector<1x16xf32>,
        %broadcast_in_dim3A_855 = arith.constant 13 : i32
        %broadcast_in_dim3A_856 = vector.broadcast %broadcast_in_dim3A_855 : i32 to vector<16xi32>
        %lt3A_857 = arith.constant 0 : i32
        %lt3A_858 = vector.broadcast %lt3A_857 : i32 to vector<16xi32>
        %lt3A_859 = arith.cmpi slt, %broadcast_in_dim3A_856, %lt3A_858 : vector<16xi32>
        %add3A_860 = arith.constant 16 : i32
        %add3A_861 = vector.broadcast %add3A_860 : i32 to vector<16xi32>
        %add3A_862 = arith.addi %broadcast_in_dim3A_856, %add3A_861 : vector<16xi32>
        %select_n3A_863 = arith.select %lt3A_859, %add3A_862, %broadcast_in_dim3A_856 : vector<16xi1>, vector<16xi32>
        %broadcast_in_dim3A_864 = vector.shape_cast %select_n3A_863 : vector<16xi32> to vector<16x1xi32>
        %gather3A_865 = vector.shape_cast %broadcast_in_dim3A_864 : vector<16x1xi32> to vector<16xi32>
        %gather3A_866 = tpu.dynamic_gather %get3A_519[%gather3A_865] in [0] : vector<16xf32>, vector<16xi32> -> vector<16xf32>
        %mul3A_867 = arith.constant 16 : i32
        %mul3A_868 = arith.muli %scan3A_515, %mul3A_867 : i32
        %add3A_869 = arith.constant 13 : i32
        %add3A_870 = arith.addi %mul3A_868, %add3A_869 : i32
        %get3A_871 = arith.index_cast %add3A_870 : i32 to index
        %get3A_872 = arith.constant 0 : index
        %get3A_873 = tpu.vector_load %arg25[%get3A_871, %get3A_872] {strides = array<i32>} : memref<256x16xf32, #tpu.memory_space<vmem>>, vector<1x16xf32>,
        %get3A_874 = vector.shape_cast %get3A_873 : vector<1x16xf32> to vector<16xf32>
        %mul3A_875 = arith.mulf %get3A_874, %gather3A_866 : vector<16xf32>
        %swap3A_876 = arith.index_cast %add3A_870 : i32 to index
        %swap3A_877 = arith.constant 0 : index
        %swap3A_878 = tpu.vector_load %arg25[%swap3A_876, %swap3A_877] {strides = array<i32>} : memref<256x16xf32, #tpu.memory_space<vmem>>, vector<1x16xf32>,
        %swap3A_879 = vector.shape_cast %swap3A_878 : vector<1x16xf32> to vector<16xf32>
        %swap3A_880 = vector.shape_cast %mul3A_875 : vector<16xf32> to vector<1x16xf32>
        tpu.vector_store %arg25[%swap3A_876, %swap3A_877], %swap3A_880 {strides = array<i32>} : memref<256x16xf32, #tpu.memory_space<vmem>>, vector<1x16xf32>,
        %broadcast_in_dim3A_881 = arith.constant 14 : i32
        %broadcast_in_dim3A_882 = vector.broadcast %broadcast_in_dim3A_881 : i32 to vector<16xi32>
        %lt3A_883 = arith.constant 0 : i32
        %lt3A_884 = vector.broadcast %lt3A_883 : i32 to vector<16xi32>
        %lt3A_885 = arith.cmpi slt, %broadcast_in_dim3A_882, %lt3A_884 : vector<16xi32>
        %add3A_886 = arith.constant 16 : i32
        %add3A_887 = vector.broadcast %add3A_886 : i32 to vector<16xi32>
        %add3A_888 = arith.addi %broadcast_in_dim3A_882, %add3A_887 : vector<16xi32>
        %select_n3A_889 = arith.select %lt3A_885, %add3A_888, %broadcast_in_dim3A_882 : vector<16xi1>, vector<16xi32>
        %broadcast_in_dim3A_890 = vector.shape_cast %select_n3A_889 : vector<16xi32> to vector<16x1xi32>
        %gather3A_891 = vector.shape_cast %broadcast_in_dim3A_890 : vector<16x1xi32> to vector<16xi32>
        %gather3A_892 = tpu.dynamic_gather %get3A_519[%gather3A_891] in [0] : vector<16xf32>, vector<16xi32> -> vector<16xf32>
        %mul3A_893 = arith.constant 16 : i32
        %mul3A_894 = arith.muli %scan3A_515, %mul3A_893 : i32
        %add3A_895 = arith.constant 14 : i32
        %add3A_896 = arith.addi %mul3A_894, %add3A_895 : i32
        %get3A_897 = arith.index_cast %add3A_896 : i32 to index
        %get3A_898 = arith.constant 0 : index
        %get3A_899 = tpu.vector_load %arg25[%get3A_897, %get3A_898] {strides = array<i32>} : memref<256x16xf32, #tpu.memory_space<vmem>>, vector<1x16xf32>,
        %get3A_900 = vector.shape_cast %get3A_899 : vector<1x16xf32> to vector<16xf32>
        %mul3A_901 = arith.mulf %get3A_900, %gather3A_892 : vector<16xf32>
        %swap3A_902 = arith.index_cast %add3A_896 : i32 to index
        %swap3A_903 = arith.constant 0 : index
        %swap3A_904 = tpu.vector_load %arg25[%swap3A_902, %swap3A_903] {strides = array<i32>} : memref<256x16xf32, #tpu.memory_space<vmem>>, vector<1x16xf32>,
        %swap3A_905 = vector.shape_cast %swap3A_904 : vector<1x16xf32> to vector<16xf32>
        %swap3A_906 = vector.shape_cast %mul3A_901 : vector<16xf32> to vector<1x16xf32>
        tpu.vector_store %arg25[%swap3A_902, %swap3A_903], %swap3A_906 {strides = array<i32>} : memref<256x16xf32, #tpu.memory_space<vmem>>, vector<1x16xf32>,
        %broadcast_in_dim3A_907 = arith.constant 15 : i32
        %broadcast_in_dim3A_908 = vector.broadcast %broadcast_in_dim3A_907 : i32 to vector<16xi32>
        %lt3A_909 = arith.constant 0 : i32
        %lt3A_910 = vector.broadcast %lt3A_909 : i32 to vector<16xi32>
        %lt3A_911 = arith.cmpi slt, %broadcast_in_dim3A_908, %lt3A_910 : vector<16xi32>
        %add3A_912 = arith.constant 16 : i32
        %add3A_913 = vector.broadcast %add3A_912 : i32 to vector<16xi32>
        %add3A_914 = arith.addi %broadcast_in_dim3A_908, %add3A_913 : vector<16xi32>
        %select_n3A_915 = arith.select %lt3A_911, %add3A_914, %broadcast_in_dim3A_908 : vector<16xi1>, vector<16xi32>
        %broadcast_in_dim3A_916 = vector.shape_cast %select_n3A_915 : vector<16xi32> to vector<16x1xi32>
        %gather3A_917 = vector.shape_cast %broadcast_in_dim3A_916 : vector<16x1xi32> to vector<16xi32>
        %gather3A_918 = tpu.dynamic_gather %get3A_519[%gather3A_917] in [0] : vector<16xf32>, vector<16xi32> -> vector<16xf32>
        %mul3A_919 = arith.constant 16 : i32
        %mul3A_920 = arith.muli %scan3A_515, %mul3A_919 : i32
        %add3A_921 = arith.constant 15 : i32
        %add3A_922 = arith.addi %mul3A_920, %add3A_921 : i32
        %get3A_923 = arith.index_cast %add3A_922 : i32 to index
        %get3A_924 = arith.constant 0 : index
        %get3A_925 = tpu.vector_load %arg25[%get3A_923, %get3A_924] {strides = array<i32>} : memref<256x16xf32, #tpu.memory_space<vmem>>, vector<1x16xf32>,
        %get3A_926 = vector.shape_cast %get3A_925 : vector<1x16xf32> to vector<16xf32>
        %mul3A_927 = arith.mulf %get3A_926, %gather3A_918 : vector<16xf32>
        %swap3A_928 = arith.index_cast %add3A_922 : i32 to index
        %swap3A_929 = arith.constant 0 : index
        %swap3A_930 = tpu.vector_load %arg25[%swap3A_928, %swap3A_929] {strides = array<i32>} : memref<256x16xf32, #tpu.memory_space<vmem>>, vector<1x16xf32>,
        %swap3A_931 = vector.shape_cast %swap3A_930 : vector<1x16xf32> to vector<16xf32>
        %swap3A_932 = vector.shape_cast %mul3A_927 : vector<16xf32> to vector<1x16xf32>
        tpu.vector_store %arg25[%swap3A_928, %swap3A_929], %swap3A_932 {strides = array<i32>} : memref<256x16xf32, #tpu.memory_space<vmem>>, vector<1x16xf32>,
      }
      %scan3A_440 = arith.constant 16 : i32
      %dma_start3A_441 = arith.constant 0 : i32
      %dma_start3A_442 = arith.constant 0 : i32
      %dma_start3A_443 = arith.constant 0 : i32
      %dma_start3A_444 = tpu.memref_slice %arg25[%dma_start3A_442, %dma_start3A_443] : memref<256x16xf32, #tpu.memory_space<vmem>> -> memref<128x16xf32, #tpu.memory_space<vmem>>
      %dma_start3A_445 = arith.constant 0 : i32
      %dma_start3A_446 = tpu.memref_slice %arg23[%dma_start3A_441, %dma_start3A_445] : memref<2x128xi32, #tpu.memory_space<vmem>> -> memref<1x128xi32, #tpu.memory_space<vmem>>
      %dma_start3A_447 = tpu.memref_squeeze %dma_start3A_446 : memref<1x128xi32, #tpu.memory_space<vmem>> -> memref<128xi32, #tpu.memory_space<vmem>>
      %dma_start3A_448 = arith.constant 0 : i32
      %dma_start3A_449 = arith.constant 0 : i32
      %dma_start3A_450 = tpu.memref_slice %arg35[%dma_start3A_448, %dma_start3A_449] : memref<100000x16xf32, #tpu.memory_space<vmem_shared>> -> memref<100000x16xf32, #tpu.memory_space<vmem_shared>>
      tpu.enqueue_indirect_dma source(%dma_start3A_444 : memref<128x16xf32, #tpu.memory_space<vmem>>) target(%dma_start3A_450 : memref<100000x16xf32, #tpu.memory_space<vmem_shared>>) offsets(%dma_start3A_447 : memref<128xi32, #tpu.memory_space<vmem>>) semaphore(%arg27 : memref<!tpu.dma_semaphore, #tpu.memory_space<semaphore_mem>>) {add = true}
      %dma_start3A_451 = arith.constant 1 : i32
      %dma_start3A_452 = arith.constant 128 : i32
      %dma_start3A_453 = arith.constant 0 : i32
      %dma_start3A_454 = tpu.memref_slice %arg25[%dma_start3A_452, %dma_start3A_453] : memref<256x16xf32, #tpu.memory_space<vmem>> -> memref<128x16xf32, #tpu.memory_space<vmem>>
      %dma_start3A_455 = arith.constant 0 : i32
      %dma_start3A_456 = tpu.memref_slice %arg23[%dma_start3A_451, %dma_start3A_455] : memref<2x128xi32, #tpu.memory_space<vmem>> -> memref<1x128xi32, #tpu.memory_space<vmem>>
      %dma_start3A_457 = tpu.memref_squeeze %dma_start3A_456 : memref<1x128xi32, #tpu.memory_space<vmem>> -> memref<128xi32, #tpu.memory_space<vmem>>
      %dma_start3A_458 = arith.constant 0 : i32
      %dma_start3A_459 = arith.constant 0 : i32
      %dma_start3A_460 = tpu.memref_slice %arg35[%dma_start3A_458, %dma_start3A_459] : memref<100000x16xf32, #tpu.memory_space<vmem_shared>> -> memref<100000x16xf32, #tpu.memory_space<vmem_shared>>
      tpu.enqueue_indirect_dma source(%dma_start3A_454 : memref<128x16xf32, #tpu.memory_space<vmem>>) target(%dma_start3A_460 : memref<100000x16xf32, #tpu.memory_space<vmem_shared>>) offsets(%dma_start3A_457 : memref<128xi32, #tpu.memory_space<vmem>>) semaphore(%arg27 : memref<!tpu.dma_semaphore, #tpu.memory_space<semaphore_mem>>) {add = true}
      %add3A_461 = arith.constant 2 : i32
      %add3A_462 = arith.addi %mul3A_280, %add3A_461 : i32
      %add3A_463 = arith.constant 4 : i32
      %add3A_464 = arith.addi %add3A_462, %add3A_463 : i32
      %sub3A_465 = arith.constant 1 : i32
      %sub3A_466 = arith.subi %add3A_464, %sub3A_465 : i32
      %lt3A_467 = arith.constant 99 : i32
      %lt3A_468 = arith.cmpi slt, %scan3A_278, %lt3A_467 : i32
      %convert_element_type3A_469 = arith.extui %lt3A_468 : i1 to i32
      %cond3A_470 = arith.constant 0 : i32
      %cond3A_471 = arith.cmpi ne, %convert_element_type3A_469, %cond3A_470 : i32
      scf.if %cond3A_471 {
        %dma_wait3A_515 = arith.constant 0 : i32
        %dma_wait3A_516 = arith.constant 0 : i32
        %dma_wait3A_517 = tpu.memref_slice %arg2[%dma_wait3A_515, %dma_wait3A_516] : memref<200000x16xf32, #tpu.memory_space<hbm>> -> memref<256x16xf32, #tpu.memory_space<hbm>>
        %dma_wait3A_518 = arith.constant 0 : i32
        %dma_wait3A_519 = arith.constant 0 : i32
        %dma_wait3A_520 = tpu.memref_slice %arg2[%dma_wait3A_518, %dma_wait3A_519] : memref<200000x16xf32, #tpu.memory_space<hbm>> -> memref<256x16xf32, #tpu.memory_space<hbm>>
        tpu.wait_dma2 semaphore(%arg20 : memref<!tpu.dma_semaphore, #tpu.memory_space<semaphore_mem>>) src(%dma_wait3A_520 : memref<256x16xf32, #tpu.memory_space<hbm>>) dst(%arg18 : memref<256x16xf32, #tpu.memory_space<vmem>>)
        %mul3A_521 = arith.constant 102400 : i32
        %mul3A_522 = arith.muli %arg1, %mul3A_521 : i32
        %mul3A_523 = arith.constant 256 : i32
        %mul3A_524 = arith.muli %sub3A_466, %mul3A_523 : i32
        %add3A_525 = arith.addi %mul3A_522, %mul3A_524 : i32
        %multiple_of3A_526 = tpu.assume_multiple %add3A_525, 256 : i32
        %jit3A_527 = arith.constant 128 : i32
        %div3A_528 = arith.divsi %multiple_of3A_526, %jit3A_527 : i32
        %sign3A_529 = arith.constant 0 : i32
        %sign3A_530 = arith.cmpi sgt, %multiple_of3A_526, %sign3A_529 : i32
        %sign3A_531 = arith.extui %sign3A_530 : i1 to i32
        %sign3A_532 = arith.constant 0 : i32
        %sign3A_533 = arith.cmpi slt, %multiple_of3A_526, %sign3A_532 : i32
        %sign3A_534 = arith.extui %sign3A_533 : i1 to i32
        %sign3A_535 = arith.subi %sign3A_531, %sign3A_534 : i32
        %sign3A_536 = arith.constant 0 : i32
        %sign3A_537 = arith.cmpi sgt, %jit3A_527, %sign3A_536 : i32
        %sign3A_538 = arith.extui %sign3A_537 : i1 to i32
        %sign3A_539 = arith.constant 0 : i32
        %sign3A_540 = arith.cmpi slt, %jit3A_527, %sign3A_539 : i32
        %sign3A_541 = arith.extui %sign3A_540 : i1 to i32
        %sign3A_542 = arith.subi %sign3A_538, %sign3A_541 : i32
        %ne3A_543 = arith.cmpi ne, %sign3A_535, %sign3A_542 : i32
        %rem3A_544 = arith.remsi %multiple_of3A_526, %jit3A_527 : i32
        %ne3A_545 = arith.constant 0 : i32
        %ne3A_546 = arith.cmpi ne, %rem3A_544, %ne3A_545 : i32
        %and3A_547 = arith.andi %ne3A_543, %ne3A_546 : i1
        %sub3A_548 = arith.constant 1 : i32
        %sub3A_549 = arith.subi %div3A_528, %sub3A_548 : i32
        %select_n3A_550 = arith.select %and3A_547, %sub3A_549, %div3A_528 : i32
        %multiple_of3A_551 = tpu.assume_multiple %select_n3A_550, 2 : i32
        "tpu.region"() ({
          %run_scoped3A = tpu.sem_alloc : memref<!tpu.dma_semaphore, #tpu.memory_space<semaphore_mem>>
          %dma_start3A_584 = arith.constant 0 : i32
          %dma_start3A_585 = tpu.memref_slice %arg3[%multiple_of3A_551, %dma_start3A_584] : memref<12800x128xi32, #tpu.memory_space<hbm>> -> memref<2x128xi32, #tpu.memory_space<hbm>>
          %dma_start3A_586 = arith.constant 0 : i32
          %dma_start3A_587 = tpu.memref_slice %arg3[%multiple_of3A_551, %dma_start3A_586] : memref<12800x128xi32, #tpu.memory_space<hbm>> -> memref<2x128xi32, #tpu.memory_space<hbm>>
          tpu.enqueue_dma source(%dma_start3A_587 : memref<2x128xi32, #tpu.memory_space<hbm>>) target(%arg14 : memref<2x128xi32, #tpu.memory_space<vmem>>) target_semaphore(%run_scoped3A : memref<!tpu.dma_semaphore, #tpu.memory_space<semaphore_mem>>)
          %dma_wait3A_588 = arith.constant 0 : i32
          %dma_wait3A_589 = tpu.memref_slice %arg3[%multiple_of3A_551, %dma_wait3A_588] : memref<12800x128xi32, #tpu.memory_space<hbm>> -> memref<2x128xi32, #tpu.memory_space<hbm>>
          %dma_wait3A_590 = arith.constant 0 : i32
          %dma_wait3A_591 = tpu.memref_slice %arg3[%multiple_of3A_551, %dma_wait3A_590] : memref<12800x128xi32, #tpu.memory_space<hbm>> -> memref<2x128xi32, #tpu.memory_space<hbm>>
          tpu.wait_dma2 semaphore(%run_scoped3A : memref<!tpu.dma_semaphore, #tpu.memory_space<semaphore_mem>>) src(%dma_wait3A_591 : memref<2x128xi32, #tpu.memory_space<hbm>>) dst(%arg14 : memref<2x128xi32, #tpu.memory_space<vmem>>)
          tpu.yield
        }) : () -> ()
        "tpu.region"() ({
          %run_scoped3A = tpu.sem_alloc : memref<!tpu.dma_semaphore, #tpu.memory_space<semaphore_mem>>
          %dma_start3A_584 = arith.constant 0 : i32
          %dma_start3A_585 = tpu.memref_slice %arg4[%multiple_of3A_551, %dma_start3A_584] : memref<12800x128xi32, #tpu.memory_space<hbm>> -> memref<2x128xi32, #tpu.memory_space<hbm>>
          %dma_start3A_586 = arith.constant 0 : i32
          %dma_start3A_587 = tpu.memref_slice %arg4[%multiple_of3A_551, %dma_start3A_586] : memref<12800x128xi32, #tpu.memory_space<hbm>> -> memref<2x128xi32, #tpu.memory_space<hbm>>
          tpu.enqueue_dma source(%dma_start3A_587 : memref<2x128xi32, #tpu.memory_space<hbm>>) target(%arg16 : memref<2x128xi32, #tpu.memory_space<vmem>>) target_semaphore(%run_scoped3A : memref<!tpu.dma_semaphore, #tpu.memory_space<semaphore_mem>>)
          %dma_wait3A_588 = arith.constant 0 : i32
          %dma_wait3A_589 = tpu.memref_slice %arg4[%multiple_of3A_551, %dma_wait3A_588] : memref<12800x128xi32, #tpu.memory_space<hbm>> -> memref<2x128xi32, #tpu.memory_space<hbm>>
          %dma_wait3A_590 = arith.constant 0 : i32
          %dma_wait3A_591 = tpu.memref_slice %arg4[%multiple_of3A_551, %dma_wait3A_590] : memref<12800x128xi32, #tpu.memory_space<hbm>> -> memref<2x128xi32, #tpu.memory_space<hbm>>
          tpu.wait_dma2 semaphore(%run_scoped3A : memref<!tpu.dma_semaphore, #tpu.memory_space<semaphore_mem>>) src(%dma_wait3A_591 : memref<2x128xi32, #tpu.memory_space<hbm>>) dst(%arg16 : memref<2x128xi32, #tpu.memory_space<vmem>>)
          tpu.yield
        }) : () -> ()
        "tpu.region"() ({
          %run_scoped3A = tpu.sem_alloc : memref<!tpu.dma_semaphore, #tpu.memory_space<semaphore_mem>>
          %dma_start3A_584 = tpu.memref_slice %arg5[%multiple_of3A_526] : memref<1638400xf32, #tpu.memory_space<hbm>> -> memref<256xf32, #tpu.memory_space<hbm>>
          %dma_start3A_585 = tpu.memref_slice %arg5[%multiple_of3A_526] : memref<1638400xf32, #tpu.memory_space<hbm>> -> memref<256xf32, #tpu.memory_space<hbm>>
          tpu.enqueue_dma source(%dma_start3A_585 : memref<256xf32, #tpu.memory_space<hbm>>) target(%arg17 : memref<256xf32, #tpu.memory_space<vmem>>) target_semaphore(%run_scoped3A : memref<!tpu.dma_semaphore, #tpu.memory_space<semaphore_mem>>)
          %dma_wait3A_586 = tpu.memref_slice %arg5[%multiple_of3A_526] : memref<1638400xf32, #tpu.memory_space<hbm>> -> memref<256xf32, #tpu.memory_space<hbm>>
          %dma_wait3A_587 = tpu.memref_slice %arg5[%multiple_of3A_526] : memref<1638400xf32, #tpu.memory_space<hbm>> -> memref<256xf32, #tpu.memory_space<hbm>>
          tpu.wait_dma2 semaphore(%run_scoped3A : memref<!tpu.dma_semaphore, #tpu.memory_space<semaphore_mem>>) src(%dma_wait3A_587 : memref<256xf32, #tpu.memory_space<hbm>>) dst(%arg17 : memref<256xf32, #tpu.memory_space<vmem>>)
          tpu.yield
        }) : () -> ()
        %scan3A_552 = arith.constant 0 : i32
        %scan3A_553 = arith.constant 0 : i32
        %scan3A_554 = arith.constant 8 : i32
        %scan3A_555 = arith.addi %scan3A_553, %scan3A_554 : i32
        %scan3A_556 = arith.constant 1 : i32
        scf.for %scan3A_584 = %scan3A_553 to %scan3A_555 step %scan3A_556  : i32 {
          %mul3A_585 = arith.constant 16 : i32
          %mul3A_586 = arith.muli %scan3A_584, %mul3A_585 : i32
          %get3A = arith.constant 0 : i32
          %get3A_587 = arith.index_cast %get3A : i32 to index
          %get3A_588 = arith.index_cast %mul3A_586 : i32 to index
          %get3A_589 = tpu.vector_load %arg14[%get3A_587, %get3A_588] {strides = array<i32>} : memref<2x128xi32, #tpu.memory_space<vmem>>, vector<1x16xi32>,
          %get3A_590 = vector.shape_cast %get3A_589 : vector<1x16xi32> to vector<16xi32>
          %add3A_591 = vector.broadcast %mul3A_0 : i32 to vector<16xi32>
          %add3A_592 = arith.addi %get3A_590, %add3A_591 : vector<16xi32>
          %mul3A_593 = arith.constant 16 : i32
          %mul3A_594 = arith.muli %scan3A_584, %mul3A_593 : i32
          %swap3A = arith.constant 0 : i32
          %swap3A_595 = arith.index_cast %swap3A : i32 to index
          %swap3A_596 = arith.index_cast %mul3A_594 : i32 to index
          %swap3A_597 = tpu.vector_load %arg15[%swap3A_595, %swap3A_596] {strides = array<i32>} : memref<2x128xi32, #tpu.memory_space<vmem>>, vector<1x16xi32>,
          %swap3A_598 = vector.shape_cast %swap3A_597 : vector<1x16xi32> to vector<16xi32>
          %swap3A_599 = vector.shape_cast %add3A_592 : vector<16xi32> to vector<1x16xi32>
          tpu.vector_store %arg15[%swap3A_595, %swap3A_596], %swap3A_599 {strides = array<i32>} : memref<2x128xi32, #tpu.memory_space<vmem>>, vector<1x16xi32>,
        }
        %scan3A_557 = arith.constant 8 : i32
        %scan3A_558 = arith.constant 0 : i32
        %scan3A_559 = arith.constant 0 : i32
        %scan3A_560 = arith.constant 8 : i32
        %scan3A_561 = arith.addi %scan3A_559, %scan3A_560 : i32
        %scan3A_562 = arith.constant 1 : i32
        scf.for %scan3A_584 = %scan3A_559 to %scan3A_561 step %scan3A_562  : i32 {
          %mul3A_585 = arith.constant 16 : i32
          %mul3A_586 = arith.muli %scan3A_584, %mul3A_585 : i32
          %get3A = arith.constant 1 : i32
          %get3A_587 = arith.index_cast %get3A : i32 to index
          %get3A_588 = arith.index_cast %mul3A_586 : i32 to index
          %get3A_589 = tpu.vector_load %arg14[%get3A_587, %get3A_588] {strides = array<i32>} : memref<2x128xi32, #tpu.memory_space<vmem>>, vector<1x16xi32>,
          %get3A_590 = vector.shape_cast %get3A_589 : vector<1x16xi32> to vector<16xi32>
          %add3A_591 = vector.broadcast %mul3A_0 : i32 to vector<16xi32>
          %add3A_592 = arith.addi %get3A_590, %add3A_591 : vector<16xi32>
          %mul3A_593 = arith.constant 16 : i32
          %mul3A_594 = arith.muli %scan3A_584, %mul3A_593 : i32
          %swap3A = arith.constant 1 : i32
          %swap3A_595 = arith.index_cast %swap3A : i32 to index
          %swap3A_596 = arith.index_cast %mul3A_594 : i32 to index
          %swap3A_597 = tpu.vector_load %arg15[%swap3A_595, %swap3A_596] {strides = array<i32>} : memref<2x128xi32, #tpu.memory_space<vmem>>, vector<1x16xi32>,
          %swap3A_598 = vector.shape_cast %swap3A_597 : vector<1x16xi32> to vector<16xi32>
          %swap3A_599 = vector.shape_cast %add3A_592 : vector<16xi32> to vector<1x16xi32>
          tpu.vector_store %arg15[%swap3A_595, %swap3A_596], %swap3A_599 {strides = array<i32>} : memref<2x128xi32, #tpu.memory_space<vmem>>, vector<1x16xi32>,
        }
        %scan3A_563 = arith.constant 8 : i32
        %dma_start3A_564 = arith.constant 0 : i32
        %dma_start3A_565 = arith.constant 0 : i32
        %dma_start3A_566 = arith.constant 0 : i32
        %dma_start3A_567 = tpu.memref_slice %arg18[%dma_start3A_565, %dma_start3A_566] : memref<256x16xf32, #tpu.memory_space<vmem>> -> memref<128x16xf32, #tpu.memory_space<vmem>>
        %dma_start3A_568 = arith.constant 0 : i32
        %dma_start3A_569 = tpu.memref_slice %arg15[%dma_start3A_564, %dma_start3A_568] : memref<2x128xi32, #tpu.memory_space<vmem>> -> memref<1x128xi32, #tpu.memory_space<vmem>>
        %dma_start3A_570 = tpu.memref_squeeze %dma_start3A_569 : memref<1x128xi32, #tpu.memory_space<vmem>> -> memref<128xi32, #tpu.memory_space<vmem>>
        %dma_start3A_571 = arith.constant 0 : i32
        %dma_start3A_572 = arith.constant 0 : i32
        %dma_start3A_573 = tpu.memref_slice %arg2[%dma_start3A_571, %dma_start3A_572] : memref<200000x16xf32, #tpu.memory_space<hbm>> -> memref<200000x16xf32, #tpu.memory_space<hbm>>
        tpu.enqueue_indirect_dma source(%dma_start3A_573 : memref<200000x16xf32, #tpu.memory_space<hbm>>) target(%dma_start3A_567 : memref<128x16xf32, #tpu.memory_space<vmem>>) offsets(%dma_start3A_570 : memref<128xi32, #tpu.memory_space<vmem>>) semaphore(%arg19 : memref<!tpu.dma_semaphore, #tpu.memory_space<semaphore_mem>>)
        %dma_start3A_574 = arith.constant 1 : i32
        %dma_start3A_575 = arith.constant 128 : i32
        %dma_start3A_576 = arith.constant 0 : i32
        %dma_start3A_577 = tpu.memref_slice %arg18[%dma_start3A_575, %dma_start3A_576] : memref<256x16xf32, #tpu.memory_space<vmem>> -> memref<128x16xf32, #tpu.memory_space<vmem>>
        %dma_start3A_578 = arith.constant 0 : i32
        %dma_start3A_579 = tpu.memref_slice %arg15[%dma_start3A_574, %dma_start3A_578] : memref<2x128xi32, #tpu.memory_space<vmem>> -> memref<1x128xi32, #tpu.memory_space<vmem>>
        %dma_start3A_580 = tpu.memref_squeeze %dma_start3A_579 : memref<1x128xi32, #tpu.memory_space<vmem>> -> memref<128xi32, #tpu.memory_space<vmem>>
        %dma_start3A_581 = arith.constant 0 : i32
        %dma_start3A_582 = arith.constant 0 : i32
        %dma_start3A_583 = tpu.memref_slice %arg2[%dma_start3A_581, %dma_start3A_582] : memref<200000x16xf32, #tpu.memory_space<hbm>> -> memref<200000x16xf32, #tpu.memory_space<hbm>>
        tpu.enqueue_indirect_dma source(%dma_start3A_583 : memref<200000x16xf32, #tpu.memory_space<hbm>>) target(%dma_start3A_577 : memref<128x16xf32, #tpu.memory_space<vmem>>) offsets(%dma_start3A_580 : memref<128xi32, #tpu.memory_space<vmem>>) semaphore(%arg19 : memref<!tpu.dma_semaphore, #tpu.memory_space<semaphore_mem>>)
      } else {
      }
      %dma_wait3A_472 = arith.constant 0 : i32
      %dma_wait3A_473 = arith.constant 0 : i32
      %dma_wait3A_474 = tpu.memref_slice %arg2[%dma_wait3A_472, %dma_wait3A_473] : memref<200000x16xf32, #tpu.memory_space<hbm>> -> memref<256x16xf32, #tpu.memory_space<hbm>>
      %dma_wait3A_475 = arith.constant 0 : i32
      %dma_wait3A_476 = arith.constant 0 : i32
      %dma_wait3A_477 = tpu.memref_slice %arg2[%dma_wait3A_475, %dma_wait3A_476] : memref<200000x16xf32, #tpu.memory_space<hbm>> -> memref<256x16xf32, #tpu.memory_space<hbm>>
      tpu.wait_dma2 semaphore(%arg33 : memref<!tpu.dma_semaphore, #tpu.memory_space<semaphore_mem>>) src(%dma_wait3A_477 : memref<256x16xf32, #tpu.memory_space<hbm>>) dst(%arg32 : memref<256x16xf32, #tpu.memory_space<vmem>>)
      %scan3A_478 = arith.constant 0 : i32
      %scan3A_479 = arith.constant 0 : i32
      %scan3A_480 = arith.constant 16 : i32
      %scan3A_481 = arith.addi %scan3A_479, %scan3A_480 : i32
      %scan3A_482 = arith.constant 1 : i32
      scf.for %scan3A_515 = %scan3A_479 to %scan3A_481 step %scan3A_482  : i32 {
        %mul3A_516 = arith.constant 16 : i32
        %mul3A_517 = arith.muli %scan3A_515, %mul3A_516 : i32
        %get3A = arith.index_cast %mul3A_517 : i32 to index
        %get3A_518 = tpu.vector_load %arg31[%get3A] {strides = array<i32>} : memref<256xf32, #tpu.memory_space<vmem>>, vector<16xf32>,
        %get3A_519 = vector.shape_cast %get3A_518 : vector<16xf32> to vector<16xf32>
        %broadcast_in_dim3A = arith.constant 0 : i32
        %broadcast_in_dim3A_520 = vector.broadcast %broadcast_in_dim3A : i32 to vector<16xi32>
        %lt3A_521 = arith.constant 0 : i32
        %lt3A_522 = vector.broadcast %lt3A_521 : i32 to vector<16xi32>
        %lt3A_523 = arith.cmpi slt, %broadcast_in_dim3A_520, %lt3A_522 : vector<16xi32>
        %add3A_524 = arith.constant 16 : i32
        %add3A_525 = vector.broadcast %add3A_524 : i32 to vector<16xi32>
        %add3A_526 = arith.addi %broadcast_in_dim3A_520, %add3A_525 : vector<16xi32>
        %select_n3A_527 = arith.select %lt3A_523, %add3A_526, %broadcast_in_dim3A_520 : vector<16xi1>, vector<16xi32>
        %broadcast_in_dim3A_528 = vector.shape_cast %select_n3A_527 : vector<16xi32> to vector<16x1xi32>
        %gather3A = vector.shape_cast %broadcast_in_dim3A_528 : vector<16x1xi32> to vector<16xi32>
        %gather3A_529 = tpu.dynamic_gather %get3A_519[%gather3A] in [0] : vector<16xf32>, vector<16xi32> -> vector<16xf32>
        %mul3A_530 = arith.constant 16 : i32
        %mul3A_531 = arith.muli %scan3A_515, %mul3A_530 : i32
        %add3A_532 = arith.constant 0 : i32
        %add3A_533 = arith.addi %mul3A_531, %add3A_532 : i32
        %get3A_534 = arith.index_cast %add3A_533 : i32 to index
        %get3A_535 = arith.constant 0 : index
        %get3A_536 = tpu.vector_load %arg32[%get3A_534, %get3A_535] {strides = array<i32>} : memref<256x16xf32, #tpu.memory_space<vmem>>, vector<1x16xf32>,
        %get3A_537 = vector.shape_cast %get3A_536 : vector<1x16xf32> to vector<16xf32>
        %mul3A_538 = arith.mulf %get3A_537, %gather3A_529 : vector<16xf32>
        %swap3A = arith.index_cast %add3A_533 : i32 to index
        %swap3A_539 = arith.constant 0 : index
        %swap3A_540 = tpu.vector_load %arg32[%swap3A, %swap3A_539] {strides = array<i32>} : memref<256x16xf32, #tpu.memory_space<vmem>>, vector<1x16xf32>,
        %swap3A_541 = vector.shape_cast %swap3A_540 : vector<1x16xf32> to vector<16xf32>
        %swap3A_542 = vector.shape_cast %mul3A_538 : vector<16xf32> to vector<1x16xf32>
        tpu.vector_store %arg32[%swap3A, %swap3A_539], %swap3A_542 {strides = array<i32>} : memref<256x16xf32, #tpu.memory_space<vmem>>, vector<1x16xf32>,
        %broadcast_in_dim3A_543 = arith.constant 1 : i32
        %broadcast_in_dim3A_544 = vector.broadcast %broadcast_in_dim3A_543 : i32 to vector<16xi32>
        %lt3A_545 = arith.constant 0 : i32
        %lt3A_546 = vector.broadcast %lt3A_545 : i32 to vector<16xi32>
        %lt3A_547 = arith.cmpi slt, %broadcast_in_dim3A_544, %lt3A_546 : vector<16xi32>
        %add3A_548 = arith.constant 16 : i32
        %add3A_549 = vector.broadcast %add3A_548 : i32 to vector<16xi32>
        %add3A_550 = arith.addi %broadcast_in_dim3A_544, %add3A_549 : vector<16xi32>
        %select_n3A_551 = arith.select %lt3A_547, %add3A_550, %broadcast_in_dim3A_544 : vector<16xi1>, vector<16xi32>
        %broadcast_in_dim3A_552 = vector.shape_cast %select_n3A_551 : vector<16xi32> to vector<16x1xi32>
        %gather3A_553 = vector.shape_cast %broadcast_in_dim3A_552 : vector<16x1xi32> to vector<16xi32>
        %gather3A_554 = tpu.dynamic_gather %get3A_519[%gather3A_553] in [0] : vector<16xf32>, vector<16xi32> -> vector<16xf32>
        %mul3A_555 = arith.constant 16 : i32
        %mul3A_556 = arith.muli %scan3A_515, %mul3A_555 : i32
        %add3A_557 = arith.constant 1 : i32
        %add3A_558 = arith.addi %mul3A_556, %add3A_557 : i32
        %get3A_559 = arith.index_cast %add3A_558 : i32 to index
        %get3A_560 = arith.constant 0 : index
        %get3A_561 = tpu.vector_load %arg32[%get3A_559, %get3A_560] {strides = array<i32>} : memref<256x16xf32, #tpu.memory_space<vmem>>, vector<1x16xf32>,
        %get3A_562 = vector.shape_cast %get3A_561 : vector<1x16xf32> to vector<16xf32>
        %mul3A_563 = arith.mulf %get3A_562, %gather3A_554 : vector<16xf32>
        %swap3A_564 = arith.index_cast %add3A_558 : i32 to index
        %swap3A_565 = arith.constant 0 : index
        %swap3A_566 = tpu.vector_load %arg32[%swap3A_564, %swap3A_565] {strides = array<i32>} : memref<256x16xf32, #tpu.memory_space<vmem>>, vector<1x16xf32>,
        %swap3A_567 = vector.shape_cast %swap3A_566 : vector<1x16xf32> to vector<16xf32>
        %swap3A_568 = vector.shape_cast %mul3A_563 : vector<16xf32> to vector<1x16xf32>
        tpu.vector_store %arg32[%swap3A_564, %swap3A_565], %swap3A_568 {strides = array<i32>} : memref<256x16xf32, #tpu.memory_space<vmem>>, vector<1x16xf32>,
        %broadcast_in_dim3A_569 = arith.constant 2 : i32
        %broadcast_in_dim3A_570 = vector.broadcast %broadcast_in_dim3A_569 : i32 to vector<16xi32>
        %lt3A_571 = arith.constant 0 : i32
        %lt3A_572 = vector.broadcast %lt3A_571 : i32 to vector<16xi32>
        %lt3A_573 = arith.cmpi slt, %broadcast_in_dim3A_570, %lt3A_572 : vector<16xi32>
        %add3A_574 = arith.constant 16 : i32
        %add3A_575 = vector.broadcast %add3A_574 : i32 to vector<16xi32>
        %add3A_576 = arith.addi %broadcast_in_dim3A_570, %add3A_575 : vector<16xi32>
        %select_n3A_577 = arith.select %lt3A_573, %add3A_576, %broadcast_in_dim3A_570 : vector<16xi1>, vector<16xi32>
        %broadcast_in_dim3A_578 = vector.shape_cast %select_n3A_577 : vector<16xi32> to vector<16x1xi32>
        %gather3A_579 = vector.shape_cast %broadcast_in_dim3A_578 : vector<16x1xi32> to vector<16xi32>
        %gather3A_580 = tpu.dynamic_gather %get3A_519[%gather3A_579] in [0] : vector<16xf32>, vector<16xi32> -> vector<16xf32>
        %mul3A_581 = arith.constant 16 : i32
        %mul3A_582 = arith.muli %scan3A_515, %mul3A_581 : i32
        %add3A_583 = arith.constant 2 : i32
        %add3A_584 = arith.addi %mul3A_582, %add3A_583 : i32
        %get3A_585 = arith.index_cast %add3A_584 : i32 to index
        %get3A_586 = arith.constant 0 : index
        %get3A_587 = tpu.vector_load %arg32[%get3A_585, %get3A_586] {strides = array<i32>} : memref<256x16xf32, #tpu.memory_space<vmem>>, vector<1x16xf32>,
        %get3A_588 = vector.shape_cast %get3A_587 : vector<1x16xf32> to vector<16xf32>
        %mul3A_589 = arith.mulf %get3A_588, %gather3A_580 : vector<16xf32>
        %swap3A_590 = arith.index_cast %add3A_584 : i32 to index
        %swap3A_591 = arith.constant 0 : index
        %swap3A_592 = tpu.vector_load %arg32[%swap3A_590, %swap3A_591] {strides = array<i32>} : memref<256x16xf32, #tpu.memory_space<vmem>>, vector<1x16xf32>,
        %swap3A_593 = vector.shape_cast %swap3A_592 : vector<1x16xf32> to vector<16xf32>
        %swap3A_594 = vector.shape_cast %mul3A_589 : vector<16xf32> to vector<1x16xf32>
        tpu.vector_store %arg32[%swap3A_590, %swap3A_591], %swap3A_594 {strides = array<i32>} : memref<256x16xf32, #tpu.memory_space<vmem>>, vector<1x16xf32>,
        %broadcast_in_dim3A_595 = arith.constant 3 : i32
        %broadcast_in_dim3A_596 = vector.broadcast %broadcast_in_dim3A_595 : i32 to vector<16xi32>
        %lt3A_597 = arith.constant 0 : i32
        %lt3A_598 = vector.broadcast %lt3A_597 : i32 to vector<16xi32>
        %lt3A_599 = arith.cmpi slt, %broadcast_in_dim3A_596, %lt3A_598 : vector<16xi32>
        %add3A_600 = arith.constant 16 : i32
        %add3A_601 = vector.broadcast %add3A_600 : i32 to vector<16xi32>
        %add3A_602 = arith.addi %broadcast_in_dim3A_596, %add3A_601 : vector<16xi32>
        %select_n3A_603 = arith.select %lt3A_599, %add3A_602, %broadcast_in_dim3A_596 : vector<16xi1>, vector<16xi32>
        %broadcast_in_dim3A_604 = vector.shape_cast %select_n3A_603 : vector<16xi32> to vector<16x1xi32>
        %gather3A_605 = vector.shape_cast %broadcast_in_dim3A_604 : vector<16x1xi32> to vector<16xi32>
        %gather3A_606 = tpu.dynamic_gather %get3A_519[%gather3A_605] in [0] : vector<16xf32>, vector<16xi32> -> vector<16xf32>
        %mul3A_607 = arith.constant 16 : i32
        %mul3A_608 = arith.muli %scan3A_515, %mul3A_607 : i32
        %add3A_609 = arith.constant 3 : i32
        %add3A_610 = arith.addi %mul3A_608, %add3A_609 : i32
        %get3A_611 = arith.index_cast %add3A_610 : i32 to index
        %get3A_612 = arith.constant 0 : index
        %get3A_613 = tpu.vector_load %arg32[%get3A_611, %get3A_612] {strides = array<i32>} : memref<256x16xf32, #tpu.memory_space<vmem>>, vector<1x16xf32>,
        %get3A_614 = vector.shape_cast %get3A_613 : vector<1x16xf32> to vector<16xf32>
        %mul3A_615 = arith.mulf %get3A_614, %gather3A_606 : vector<16xf32>
        %swap3A_616 = arith.index_cast %add3A_610 : i32 to index
        %swap3A_617 = arith.constant 0 : index
        %swap3A_618 = tpu.vector_load %arg32[%swap3A_616, %swap3A_617] {strides = array<i32>} : memref<256x16xf32, #tpu.memory_space<vmem>>, vector<1x16xf32>,
        %swap3A_619 = vector.shape_cast %swap3A_618 : vector<1x16xf32> to vector<16xf32>
        %swap3A_620 = vector.shape_cast %mul3A_615 : vector<16xf32> to vector<1x16xf32>
        tpu.vector_store %arg32[%swap3A_616, %swap3A_617], %swap3A_620 {strides = array<i32>} : memref<256x16xf32, #tpu.memory_space<vmem>>, vector<1x16xf32>,
        %broadcast_in_dim3A_621 = arith.constant 4 : i32
        %broadcast_in_dim3A_622 = vector.broadcast %broadcast_in_dim3A_621 : i32 to vector<16xi32>
        %lt3A_623 = arith.constant 0 : i32
        %lt3A_624 = vector.broadcast %lt3A_623 : i32 to vector<16xi32>
        %lt3A_625 = arith.cmpi slt, %broadcast_in_dim3A_622, %lt3A_624 : vector<16xi32>
        %add3A_626 = arith.constant 16 : i32
        %add3A_627 = vector.broadcast %add3A_626 : i32 to vector<16xi32>
        %add3A_628 = arith.addi %broadcast_in_dim3A_622, %add3A_627 : vector<16xi32>
        %select_n3A_629 = arith.select %lt3A_625, %add3A_628, %broadcast_in_dim3A_622 : vector<16xi1>, vector<16xi32>
        %broadcast_in_dim3A_630 = vector.shape_cast %select_n3A_629 : vector<16xi32> to vector<16x1xi32>
        %gather3A_631 = vector.shape_cast %broadcast_in_dim3A_630 : vector<16x1xi32> to vector<16xi32>
        %gather3A_632 = tpu.dynamic_gather %get3A_519[%gather3A_631] in [0] : vector<16xf32>, vector<16xi32> -> vector<16xf32>
        %mul3A_633 = arith.constant 16 : i32
        %mul3A_634 = arith.muli %scan3A_515, %mul3A_633 : i32
        %add3A_635 = arith.constant 4 : i32
        %add3A_636 = arith.addi %mul3A_634, %add3A_635 : i32
        %get3A_637 = arith.index_cast %add3A_636 : i32 to index
        %get3A_638 = arith.constant 0 : index
        %get3A_639 = tpu.vector_load %arg32[%get3A_637, %get3A_638] {strides = array<i32>} : memref<256x16xf32, #tpu.memory_space<vmem>>, vector<1x16xf32>,
        %get3A_640 = vector.shape_cast %get3A_639 : vector<1x16xf32> to vector<16xf32>
        %mul3A_641 = arith.mulf %get3A_640, %gather3A_632 : vector<16xf32>
        %swap3A_642 = arith.index_cast %add3A_636 : i32 to index
        %swap3A_643 = arith.constant 0 : index
        %swap3A_644 = tpu.vector_load %arg32[%swap3A_642, %swap3A_643] {strides = array<i32>} : memref<256x16xf32, #tpu.memory_space<vmem>>, vector<1x16xf32>,
        %swap3A_645 = vector.shape_cast %swap3A_644 : vector<1x16xf32> to vector<16xf32>
        %swap3A_646 = vector.shape_cast %mul3A_641 : vector<16xf32> to vector<1x16xf32>
        tpu.vector_store %arg32[%swap3A_642, %swap3A_643], %swap3A_646 {strides = array<i32>} : memref<256x16xf32, #tpu.memory_space<vmem>>, vector<1x16xf32>,
        %broadcast_in_dim3A_647 = arith.constant 5 : i32
        %broadcast_in_dim3A_648 = vector.broadcast %broadcast_in_dim3A_647 : i32 to vector<16xi32>
        %lt3A_649 = arith.constant 0 : i32
        %lt3A_650 = vector.broadcast %lt3A_649 : i32 to vector<16xi32>
        %lt3A_651 = arith.cmpi slt, %broadcast_in_dim3A_648, %lt3A_650 : vector<16xi32>
        %add3A_652 = arith.constant 16 : i32
        %add3A_653 = vector.broadcast %add3A_652 : i32 to vector<16xi32>
        %add3A_654 = arith.addi %broadcast_in_dim3A_648, %add3A_653 : vector<16xi32>
        %select_n3A_655 = arith.select %lt3A_651, %add3A_654, %broadcast_in_dim3A_648 : vector<16xi1>, vector<16xi32>
        %broadcast_in_dim3A_656 = vector.shape_cast %select_n3A_655 : vector<16xi32> to vector<16x1xi32>
        %gather3A_657 = vector.shape_cast %broadcast_in_dim3A_656 : vector<16x1xi32> to vector<16xi32>
        %gather3A_658 = tpu.dynamic_gather %get3A_519[%gather3A_657] in [0] : vector<16xf32>, vector<16xi32> -> vector<16xf32>
        %mul3A_659 = arith.constant 16 : i32
        %mul3A_660 = arith.muli %scan3A_515, %mul3A_659 : i32
        %add3A_661 = arith.constant 5 : i32
        %add3A_662 = arith.addi %mul3A_660, %add3A_661 : i32
        %get3A_663 = arith.index_cast %add3A_662 : i32 to index
        %get3A_664 = arith.constant 0 : index
        %get3A_665 = tpu.vector_load %arg32[%get3A_663, %get3A_664] {strides = array<i32>} : memref<256x16xf32, #tpu.memory_space<vmem>>, vector<1x16xf32>,
        %get3A_666 = vector.shape_cast %get3A_665 : vector<1x16xf32> to vector<16xf32>
        %mul3A_667 = arith.mulf %get3A_666, %gather3A_658 : vector<16xf32>
        %swap3A_668 = arith.index_cast %add3A_662 : i32 to index
        %swap3A_669 = arith.constant 0 : index
        %swap3A_670 = tpu.vector_load %arg32[%swap3A_668, %swap3A_669] {strides = array<i32>} : memref<256x16xf32, #tpu.memory_space<vmem>>, vector<1x16xf32>,
        %swap3A_671 = vector.shape_cast %swap3A_670 : vector<1x16xf32> to vector<16xf32>
        %swap3A_672 = vector.shape_cast %mul3A_667 : vector<16xf32> to vector<1x16xf32>
        tpu.vector_store %arg32[%swap3A_668, %swap3A_669], %swap3A_672 {strides = array<i32>} : memref<256x16xf32, #tpu.memory_space<vmem>>, vector<1x16xf32>,
        %broadcast_in_dim3A_673 = arith.constant 6 : i32
        %broadcast_in_dim3A_674 = vector.broadcast %broadcast_in_dim3A_673 : i32 to vector<16xi32>
        %lt3A_675 = arith.constant 0 : i32
        %lt3A_676 = vector.broadcast %lt3A_675 : i32 to vector<16xi32>
        %lt3A_677 = arith.cmpi slt, %broadcast_in_dim3A_674, %lt3A_676 : vector<16xi32>
        %add3A_678 = arith.constant 16 : i32
        %add3A_679 = vector.broadcast %add3A_678 : i32 to vector<16xi32>
        %add3A_680 = arith.addi %broadcast_in_dim3A_674, %add3A_679 : vector<16xi32>
        %select_n3A_681 = arith.select %lt3A_677, %add3A_680, %broadcast_in_dim3A_674 : vector<16xi1>, vector<16xi32>
        %broadcast_in_dim3A_682 = vector.shape_cast %select_n3A_681 : vector<16xi32> to vector<16x1xi32>
        %gather3A_683 = vector.shape_cast %broadcast_in_dim3A_682 : vector<16x1xi32> to vector<16xi32>
        %gather3A_684 = tpu.dynamic_gather %get3A_519[%gather3A_683] in [0] : vector<16xf32>, vector<16xi32> -> vector<16xf32>
        %mul3A_685 = arith.constant 16 : i32
        %mul3A_686 = arith.muli %scan3A_515, %mul3A_685 : i32
        %add3A_687 = arith.constant 6 : i32
        %add3A_688 = arith.addi %mul3A_686, %add3A_687 : i32
        %get3A_689 = arith.index_cast %add3A_688 : i32 to index
        %get3A_690 = arith.constant 0 : index
        %get3A_691 = tpu.vector_load %arg32[%get3A_689, %get3A_690] {strides = array<i32>} : memref<256x16xf32, #tpu.memory_space<vmem>>, vector<1x16xf32>,
        %get3A_692 = vector.shape_cast %get3A_691 : vector<1x16xf32> to vector<16xf32>
        %mul3A_693 = arith.mulf %get3A_692, %gather3A_684 : vector<16xf32>
        %swap3A_694 = arith.index_cast %add3A_688 : i32 to index
        %swap3A_695 = arith.constant 0 : index
        %swap3A_696 = tpu.vector_load %arg32[%swap3A_694, %swap3A_695] {strides = array<i32>} : memref<256x16xf32, #tpu.memory_space<vmem>>, vector<1x16xf32>,
        %swap3A_697 = vector.shape_cast %swap3A_696 : vector<1x16xf32> to vector<16xf32>
        %swap3A_698 = vector.shape_cast %mul3A_693 : vector<16xf32> to vector<1x16xf32>
        tpu.vector_store %arg32[%swap3A_694, %swap3A_695], %swap3A_698 {strides = array<i32>} : memref<256x16xf32, #tpu.memory_space<vmem>>, vector<1x16xf32>,
        %broadcast_in_dim3A_699 = arith.constant 7 : i32
        %broadcast_in_dim3A_700 = vector.broadcast %broadcast_in_dim3A_699 : i32 to vector<16xi32>
        %lt3A_701 = arith.constant 0 : i32
        %lt3A_702 = vector.broadcast %lt3A_701 : i32 to vector<16xi32>
        %lt3A_703 = arith.cmpi slt, %broadcast_in_dim3A_700, %lt3A_702 : vector<16xi32>
        %add3A_704 = arith.constant 16 : i32
        %add3A_705 = vector.broadcast %add3A_704 : i32 to vector<16xi32>
        %add3A_706 = arith.addi %broadcast_in_dim3A_700, %add3A_705 : vector<16xi32>
        %select_n3A_707 = arith.select %lt3A_703, %add3A_706, %broadcast_in_dim3A_700 : vector<16xi1>, vector<16xi32>
        %broadcast_in_dim3A_708 = vector.shape_cast %select_n3A_707 : vector<16xi32> to vector<16x1xi32>
        %gather3A_709 = vector.shape_cast %broadcast_in_dim3A_708 : vector<16x1xi32> to vector<16xi32>
        %gather3A_710 = tpu.dynamic_gather %get3A_519[%gather3A_709] in [0] : vector<16xf32>, vector<16xi32> -> vector<16xf32>
        %mul3A_711 = arith.constant 16 : i32
        %mul3A_712 = arith.muli %scan3A_515, %mul3A_711 : i32
        %add3A_713 = arith.constant 7 : i32
        %add3A_714 = arith.addi %mul3A_712, %add3A_713 : i32
        %get3A_715 = arith.index_cast %add3A_714 : i32 to index
        %get3A_716 = arith.constant 0 : index
        %get3A_717 = tpu.vector_load %arg32[%get3A_715, %get3A_716] {strides = array<i32>} : memref<256x16xf32, #tpu.memory_space<vmem>>, vector<1x16xf32>,
        %get3A_718 = vector.shape_cast %get3A_717 : vector<1x16xf32> to vector<16xf32>
        %mul3A_719 = arith.mulf %get3A_718, %gather3A_710 : vector<16xf32>
        %swap3A_720 = arith.index_cast %add3A_714 : i32 to index
        %swap3A_721 = arith.constant 0 : index
        %swap3A_722 = tpu.vector_load %arg32[%swap3A_720, %swap3A_721] {strides = array<i32>} : memref<256x16xf32, #tpu.memory_space<vmem>>, vector<1x16xf32>,
        %swap3A_723 = vector.shape_cast %swap3A_722 : vector<1x16xf32> to vector<16xf32>
        %swap3A_724 = vector.shape_cast %mul3A_719 : vector<16xf32> to vector<1x16xf32>
        tpu.vector_store %arg32[%swap3A_720, %swap3A_721], %swap3A_724 {strides = array<i32>} : memref<256x16xf32, #tpu.memory_space<vmem>>, vector<1x16xf32>,
        %broadcast_in_dim3A_725 = arith.constant 8 : i32
        %broadcast_in_dim3A_726 = vector.broadcast %broadcast_in_dim3A_725 : i32 to vector<16xi32>
        %lt3A_727 = arith.constant 0 : i32
        %lt3A_728 = vector.broadcast %lt3A_727 : i32 to vector<16xi32>
        %lt3A_729 = arith.cmpi slt, %broadcast_in_dim3A_726, %lt3A_728 : vector<16xi32>
        %add3A_730 = arith.constant 16 : i32
        %add3A_731 = vector.broadcast %add3A_730 : i32 to vector<16xi32>
        %add3A_732 = arith.addi %broadcast_in_dim3A_726, %add3A_731 : vector<16xi32>
        %select_n3A_733 = arith.select %lt3A_729, %add3A_732, %broadcast_in_dim3A_726 : vector<16xi1>, vector<16xi32>
        %broadcast_in_dim3A_734 = vector.shape_cast %select_n3A_733 : vector<16xi32> to vector<16x1xi32>
        %gather3A_735 = vector.shape_cast %broadcast_in_dim3A_734 : vector<16x1xi32> to vector<16xi32>
        %gather3A_736 = tpu.dynamic_gather %get3A_519[%gather3A_735] in [0] : vector<16xf32>, vector<16xi32> -> vector<16xf32>
        %mul3A_737 = arith.constant 16 : i32
        %mul3A_738 = arith.muli %scan3A_515, %mul3A_737 : i32
        %add3A_739 = arith.constant 8 : i32
        %add3A_740 = arith.addi %mul3A_738, %add3A_739 : i32
        %get3A_741 = arith.index_cast %add3A_740 : i32 to index
        %get3A_742 = arith.constant 0 : index
        %get3A_743 = tpu.vector_load %arg32[%get3A_741, %get3A_742] {strides = array<i32>} : memref<256x16xf32, #tpu.memory_space<vmem>>, vector<1x16xf32>,
        %get3A_744 = vector.shape_cast %get3A_743 : vector<1x16xf32> to vector<16xf32>
        %mul3A_745 = arith.mulf %get3A_744, %gather3A_736 : vector<16xf32>
        %swap3A_746 = arith.index_cast %add3A_740 : i32 to index
        %swap3A_747 = arith.constant 0 : index
        %swap3A_748 = tpu.vector_load %arg32[%swap3A_746, %swap3A_747] {strides = array<i32>} : memref<256x16xf32, #tpu.memory_space<vmem>>, vector<1x16xf32>,
        %swap3A_749 = vector.shape_cast %swap3A_748 : vector<1x16xf32> to vector<16xf32>
        %swap3A_750 = vector.shape_cast %mul3A_745 : vector<16xf32> to vector<1x16xf32>
        tpu.vector_store %arg32[%swap3A_746, %swap3A_747], %swap3A_750 {strides = array<i32>} : memref<256x16xf32, #tpu.memory_space<vmem>>, vector<1x16xf32>,
        %broadcast_in_dim3A_751 = arith.constant 9 : i32
        %broadcast_in_dim3A_752 = vector.broadcast %broadcast_in_dim3A_751 : i32 to vector<16xi32>
        %lt3A_753 = arith.constant 0 : i32
        %lt3A_754 = vector.broadcast %lt3A_753 : i32 to vector<16xi32>
        %lt3A_755 = arith.cmpi slt, %broadcast_in_dim3A_752, %lt3A_754 : vector<16xi32>
        %add3A_756 = arith.constant 16 : i32
        %add3A_757 = vector.broadcast %add3A_756 : i32 to vector<16xi32>
        %add3A_758 = arith.addi %broadcast_in_dim3A_752, %add3A_757 : vector<16xi32>
        %select_n3A_759 = arith.select %lt3A_755, %add3A_758, %broadcast_in_dim3A_752 : vector<16xi1>, vector<16xi32>
        %broadcast_in_dim3A_760 = vector.shape_cast %select_n3A_759 : vector<16xi32> to vector<16x1xi32>
        %gather3A_761 = vector.shape_cast %broadcast_in_dim3A_760 : vector<16x1xi32> to vector<16xi32>
        %gather3A_762 = tpu.dynamic_gather %get3A_519[%gather3A_761] in [0] : vector<16xf32>, vector<16xi32> -> vector<16xf32>
        %mul3A_763 = arith.constant 16 : i32
        %mul3A_764 = arith.muli %scan3A_515, %mul3A_763 : i32
        %add3A_765 = arith.constant 9 : i32
        %add3A_766 = arith.addi %mul3A_764, %add3A_765 : i32
        %get3A_767 = arith.index_cast %add3A_766 : i32 to index
        %get3A_768 = arith.constant 0 : index
        %get3A_769 = tpu.vector_load %arg32[%get3A_767, %get3A_768] {strides = array<i32>} : memref<256x16xf32, #tpu.memory_space<vmem>>, vector<1x16xf32>,
        %get3A_770 = vector.shape_cast %get3A_769 : vector<1x16xf32> to vector<16xf32>
        %mul3A_771 = arith.mulf %get3A_770, %gather3A_762 : vector<16xf32>
        %swap3A_772 = arith.index_cast %add3A_766 : i32 to index
        %swap3A_773 = arith.constant 0 : index
        %swap3A_774 = tpu.vector_load %arg32[%swap3A_772, %swap3A_773] {strides = array<i32>} : memref<256x16xf32, #tpu.memory_space<vmem>>, vector<1x16xf32>,
        %swap3A_775 = vector.shape_cast %swap3A_774 : vector<1x16xf32> to vector<16xf32>
        %swap3A_776 = vector.shape_cast %mul3A_771 : vector<16xf32> to vector<1x16xf32>
        tpu.vector_store %arg32[%swap3A_772, %swap3A_773], %swap3A_776 {strides = array<i32>} : memref<256x16xf32, #tpu.memory_space<vmem>>, vector<1x16xf32>,
        %broadcast_in_dim3A_777 = arith.constant 10 : i32
        %broadcast_in_dim3A_778 = vector.broadcast %broadcast_in_dim3A_777 : i32 to vector<16xi32>
        %lt3A_779 = arith.constant 0 : i32
        %lt3A_780 = vector.broadcast %lt3A_779 : i32 to vector<16xi32>
        %lt3A_781 = arith.cmpi slt, %broadcast_in_dim3A_778, %lt3A_780 : vector<16xi32>
        %add3A_782 = arith.constant 16 : i32
        %add3A_783 = vector.broadcast %add3A_782 : i32 to vector<16xi32>
        %add3A_784 = arith.addi %broadcast_in_dim3A_778, %add3A_783 : vector<16xi32>
        %select_n3A_785 = arith.select %lt3A_781, %add3A_784, %broadcast_in_dim3A_778 : vector<16xi1>, vector<16xi32>
        %broadcast_in_dim3A_786 = vector.shape_cast %select_n3A_785 : vector<16xi32> to vector<16x1xi32>
        %gather3A_787 = vector.shape_cast %broadcast_in_dim3A_786 : vector<16x1xi32> to vector<16xi32>
        %gather3A_788 = tpu.dynamic_gather %get3A_519[%gather3A_787] in [0] : vector<16xf32>, vector<16xi32> -> vector<16xf32>
        %mul3A_789 = arith.constant 16 : i32
        %mul3A_790 = arith.muli %scan3A_515, %mul3A_789 : i32
        %add3A_791 = arith.constant 10 : i32
        %add3A_792 = arith.addi %mul3A_790, %add3A_791 : i32
        %get3A_793 = arith.index_cast %add3A_792 : i32 to index
        %get3A_794 = arith.constant 0 : index
        %get3A_795 = tpu.vector_load %arg32[%get3A_793, %get3A_794] {strides = array<i32>} : memref<256x16xf32, #tpu.memory_space<vmem>>, vector<1x16xf32>,
        %get3A_796 = vector.shape_cast %get3A_795 : vector<1x16xf32> to vector<16xf32>
        %mul3A_797 = arith.mulf %get3A_796, %gather3A_788 : vector<16xf32>
        %swap3A_798 = arith.index_cast %add3A_792 : i32 to index
        %swap3A_799 = arith.constant 0 : index
        %swap3A_800 = tpu.vector_load %arg32[%swap3A_798, %swap3A_799] {strides = array<i32>} : memref<256x16xf32, #tpu.memory_space<vmem>>, vector<1x16xf32>,
        %swap3A_801 = vector.shape_cast %swap3A_800 : vector<1x16xf32> to vector<16xf32>
        %swap3A_802 = vector.shape_cast %mul3A_797 : vector<16xf32> to vector<1x16xf32>
        tpu.vector_store %arg32[%swap3A_798, %swap3A_799], %swap3A_802 {strides = array<i32>} : memref<256x16xf32, #tpu.memory_space<vmem>>, vector<1x16xf32>,
        %broadcast_in_dim3A_803 = arith.constant 11 : i32
        %broadcast_in_dim3A_804 = vector.broadcast %broadcast_in_dim3A_803 : i32 to vector<16xi32>
        %lt3A_805 = arith.constant 0 : i32
        %lt3A_806 = vector.broadcast %lt3A_805 : i32 to vector<16xi32>
        %lt3A_807 = arith.cmpi slt, %broadcast_in_dim3A_804, %lt3A_806 : vector<16xi32>
        %add3A_808 = arith.constant 16 : i32
        %add3A_809 = vector.broadcast %add3A_808 : i32 to vector<16xi32>
        %add3A_810 = arith.addi %broadcast_in_dim3A_804, %add3A_809 : vector<16xi32>
        %select_n3A_811 = arith.select %lt3A_807, %add3A_810, %broadcast_in_dim3A_804 : vector<16xi1>, vector<16xi32>
        %broadcast_in_dim3A_812 = vector.shape_cast %select_n3A_811 : vector<16xi32> to vector<16x1xi32>
        %gather3A_813 = vector.shape_cast %broadcast_in_dim3A_812 : vector<16x1xi32> to vector<16xi32>
        %gather3A_814 = tpu.dynamic_gather %get3A_519[%gather3A_813] in [0] : vector<16xf32>, vector<16xi32> -> vector<16xf32>
        %mul3A_815 = arith.constant 16 : i32
        %mul3A_816 = arith.muli %scan3A_515, %mul3A_815 : i32
        %add3A_817 = arith.constant 11 : i32
        %add3A_818 = arith.addi %mul3A_816, %add3A_817 : i32
        %get3A_819 = arith.index_cast %add3A_818 : i32 to index
        %get3A_820 = arith.constant 0 : index
        %get3A_821 = tpu.vector_load %arg32[%get3A_819, %get3A_820] {strides = array<i32>} : memref<256x16xf32, #tpu.memory_space<vmem>>, vector<1x16xf32>,
        %get3A_822 = vector.shape_cast %get3A_821 : vector<1x16xf32> to vector<16xf32>
        %mul3A_823 = arith.mulf %get3A_822, %gather3A_814 : vector<16xf32>
        %swap3A_824 = arith.index_cast %add3A_818 : i32 to index
        %swap3A_825 = arith.constant 0 : index
        %swap3A_826 = tpu.vector_load %arg32[%swap3A_824, %swap3A_825] {strides = array<i32>} : memref<256x16xf32, #tpu.memory_space<vmem>>, vector<1x16xf32>,
        %swap3A_827 = vector.shape_cast %swap3A_826 : vector<1x16xf32> to vector<16xf32>
        %swap3A_828 = vector.shape_cast %mul3A_823 : vector<16xf32> to vector<1x16xf32>
        tpu.vector_store %arg32[%swap3A_824, %swap3A_825], %swap3A_828 {strides = array<i32>} : memref<256x16xf32, #tpu.memory_space<vmem>>, vector<1x16xf32>,
        %broadcast_in_dim3A_829 = arith.constant 12 : i32
        %broadcast_in_dim3A_830 = vector.broadcast %broadcast_in_dim3A_829 : i32 to vector<16xi32>
        %lt3A_831 = arith.constant 0 : i32
        %lt3A_832 = vector.broadcast %lt3A_831 : i32 to vector<16xi32>
        %lt3A_833 = arith.cmpi slt, %broadcast_in_dim3A_830, %lt3A_832 : vector<16xi32>
        %add3A_834 = arith.constant 16 : i32
        %add3A_835 = vector.broadcast %add3A_834 : i32 to vector<16xi32>
        %add3A_836 = arith.addi %broadcast_in_dim3A_830, %add3A_835 : vector<16xi32>
        %select_n3A_837 = arith.select %lt3A_833, %add3A_836, %broadcast_in_dim3A_830 : vector<16xi1>, vector<16xi32>
        %broadcast_in_dim3A_838 = vector.shape_cast %select_n3A_837 : vector<16xi32> to vector<16x1xi32>
        %gather3A_839 = vector.shape_cast %broadcast_in_dim3A_838 : vector<16x1xi32> to vector<16xi32>
        %gather3A_840 = tpu.dynamic_gather %get3A_519[%gather3A_839] in [0] : vector<16xf32>, vector<16xi32> -> vector<16xf32>
        %mul3A_841 = arith.constant 16 : i32
        %mul3A_842 = arith.muli %scan3A_515, %mul3A_841 : i32
        %add3A_843 = arith.constant 12 : i32
        %add3A_844 = arith.addi %mul3A_842, %add3A_843 : i32
        %get3A_845 = arith.index_cast %add3A_844 : i32 to index
        %get3A_846 = arith.constant 0 : index
        %get3A_847 = tpu.vector_load %arg32[%get3A_845, %get3A_846] {strides = array<i32>} : memref<256x16xf32, #tpu.memory_space<vmem>>, vector<1x16xf32>,
        %get3A_848 = vector.shape_cast %get3A_847 : vector<1x16xf32> to vector<16xf32>
        %mul3A_849 = arith.mulf %get3A_848, %gather3A_840 : vector<16xf32>
        %swap3A_850 = arith.index_cast %add3A_844 : i32 to index
        %swap3A_851 = arith.constant 0 : index
        %swap3A_852 = tpu.vector_load %arg32[%swap3A_850, %swap3A_851] {strides = array<i32>} : memref<256x16xf32, #tpu.memory_space<vmem>>, vector<1x16xf32>,
        %swap3A_853 = vector.shape_cast %swap3A_852 : vector<1x16xf32> to vector<16xf32>
        %swap3A_854 = vector.shape_cast %mul3A_849 : vector<16xf32> to vector<1x16xf32>
        tpu.vector_store %arg32[%swap3A_850, %swap3A_851], %swap3A_854 {strides = array<i32>} : memref<256x16xf32, #tpu.memory_space<vmem>>, vector<1x16xf32>,
        %broadcast_in_dim3A_855 = arith.constant 13 : i32
        %broadcast_in_dim3A_856 = vector.broadcast %broadcast_in_dim3A_855 : i32 to vector<16xi32>
        %lt3A_857 = arith.constant 0 : i32
        %lt3A_858 = vector.broadcast %lt3A_857 : i32 to vector<16xi32>
        %lt3A_859 = arith.cmpi slt, %broadcast_in_dim3A_856, %lt3A_858 : vector<16xi32>
        %add3A_860 = arith.constant 16 : i32
        %add3A_861 = vector.broadcast %add3A_860 : i32 to vector<16xi32>
        %add3A_862 = arith.addi %broadcast_in_dim3A_856, %add3A_861 : vector<16xi32>
        %select_n3A_863 = arith.select %lt3A_859, %add3A_862, %broadcast_in_dim3A_856 : vector<16xi1>, vector<16xi32>
        %broadcast_in_dim3A_864 = vector.shape_cast %select_n3A_863 : vector<16xi32> to vector<16x1xi32>
        %gather3A_865 = vector.shape_cast %broadcast_in_dim3A_864 : vector<16x1xi32> to vector<16xi32>
        %gather3A_866 = tpu.dynamic_gather %get3A_519[%gather3A_865] in [0] : vector<16xf32>, vector<16xi32> -> vector<16xf32>
        %mul3A_867 = arith.constant 16 : i32
        %mul3A_868 = arith.muli %scan3A_515, %mul3A_867 : i32
        %add3A_869 = arith.constant 13 : i32
        %add3A_870 = arith.addi %mul3A_868, %add3A_869 : i32
        %get3A_871 = arith.index_cast %add3A_870 : i32 to index
        %get3A_872 = arith.constant 0 : index
        %get3A_873 = tpu.vector_load %arg32[%get3A_871, %get3A_872] {strides = array<i32>} : memref<256x16xf32, #tpu.memory_space<vmem>>, vector<1x16xf32>,
        %get3A_874 = vector.shape_cast %get3A_873 : vector<1x16xf32> to vector<16xf32>
        %mul3A_875 = arith.mulf %get3A_874, %gather3A_866 : vector<16xf32>
        %swap3A_876 = arith.index_cast %add3A_870 : i32 to index
        %swap3A_877 = arith.constant 0 : index
        %swap3A_878 = tpu.vector_load %arg32[%swap3A_876, %swap3A_877] {strides = array<i32>} : memref<256x16xf32, #tpu.memory_space<vmem>>, vector<1x16xf32>,
        %swap3A_879 = vector.shape_cast %swap3A_878 : vector<1x16xf32> to vector<16xf32>
        %swap3A_880 = vector.shape_cast %mul3A_875 : vector<16xf32> to vector<1x16xf32>
        tpu.vector_store %arg32[%swap3A_876, %swap3A_877], %swap3A_880 {strides = array<i32>} : memref<256x16xf32, #tpu.memory_space<vmem>>, vector<1x16xf32>,
        %broadcast_in_dim3A_881 = arith.constant 14 : i32
        %broadcast_in_dim3A_882 = vector.broadcast %broadcast_in_dim3A_881 : i32 to vector<16xi32>
        %lt3A_883 = arith.constant 0 : i32
        %lt3A_884 = vector.broadcast %lt3A_883 : i32 to vector<16xi32>
        %lt3A_885 = arith.cmpi slt, %broadcast_in_dim3A_882, %lt3A_884 : vector<16xi32>
        %add3A_886 = arith.constant 16 : i32
        %add3A_887 = vector.broadcast %add3A_886 : i32 to vector<16xi32>
        %add3A_888 = arith.addi %broadcast_in_dim3A_882, %add3A_887 : vector<16xi32>
        %select_n3A_889 = arith.select %lt3A_885, %add3A_888, %broadcast_in_dim3A_882 : vector<16xi1>, vector<16xi32>
        %broadcast_in_dim3A_890 = vector.shape_cast %select_n3A_889 : vector<16xi32> to vector<16x1xi32>
        %gather3A_891 = vector.shape_cast %broadcast_in_dim3A_890 : vector<16x1xi32> to vector<16xi32>
        %gather3A_892 = tpu.dynamic_gather %get3A_519[%gather3A_891] in [0] : vector<16xf32>, vector<16xi32> -> vector<16xf32>
        %mul3A_893 = arith.constant 16 : i32
        %mul3A_894 = arith.muli %scan3A_515, %mul3A_893 : i32
        %add3A_895 = arith.constant 14 : i32
        %add3A_896 = arith.addi %mul3A_894, %add3A_895 : i32
        %get3A_897 = arith.index_cast %add3A_896 : i32 to index
        %get3A_898 = arith.constant 0 : index
        %get3A_899 = tpu.vector_load %arg32[%get3A_897, %get3A_898] {strides = array<i32>} : memref<256x16xf32, #tpu.memory_space<vmem>>, vector<1x16xf32>,
        %get3A_900 = vector.shape_cast %get3A_899 : vector<1x16xf32> to vector<16xf32>
        %mul3A_901 = arith.mulf %get3A_900, %gather3A_892 : vector<16xf32>
        %swap3A_902 = arith.index_cast %add3A_896 : i32 to index
        %swap3A_903 = arith.constant 0 : index
        %swap3A_904 = tpu.vector_load %arg32[%swap3A_902, %swap3A_903] {strides = array<i32>} : memref<256x16xf32, #tpu.memory_space<vmem>>, vector<1x16xf32>,
        %swap3A_905 = vector.shape_cast %swap3A_904 : vector<1x16xf32> to vector<16xf32>
        %swap3A_906 = vector.shape_cast %mul3A_901 : vector<16xf32> to vector<1x16xf32>
        tpu.vector_store %arg32[%swap3A_902, %swap3A_903], %swap3A_906 {strides = array<i32>} : memref<256x16xf32, #tpu.memory_space<vmem>>, vector<1x16xf32>,
        %broadcast_in_dim3A_907 = arith.constant 15 : i32
        %broadcast_in_dim3A_908 = vector.broadcast %broadcast_in_dim3A_907 : i32 to vector<16xi32>
        %lt3A_909 = arith.constant 0 : i32
        %lt3A_910 = vector.broadcast %lt3A_909 : i32 to vector<16xi32>
        %lt3A_911 = arith.cmpi slt, %broadcast_in_dim3A_908, %lt3A_910 : vector<16xi32>
        %add3A_912 = arith.constant 16 : i32
        %add3A_913 = vector.broadcast %add3A_912 : i32 to vector<16xi32>
        %add3A_914 = arith.addi %broadcast_in_dim3A_908, %add3A_913 : vector<16xi32>
        %select_n3A_915 = arith.select %lt3A_911, %add3A_914, %broadcast_in_dim3A_908 : vector<16xi1>, vector<16xi32>
        %broadcast_in_dim3A_916 = vector.shape_cast %select_n3A_915 : vector<16xi32> to vector<16x1xi32>
        %gather3A_917 = vector.shape_cast %broadcast_in_dim3A_916 : vector<16x1xi32> to vector<16xi32>
        %gather3A_918 = tpu.dynamic_gather %get3A_519[%gather3A_917] in [0] : vector<16xf32>, vector<16xi32> -> vector<16xf32>
        %mul3A_919 = arith.constant 16 : i32
        %mul3A_920 = arith.muli %scan3A_515, %mul3A_919 : i32
        %add3A_921 = arith.constant 15 : i32
        %add3A_922 = arith.addi %mul3A_920, %add3A_921 : i32
        %get3A_923 = arith.index_cast %add3A_922 : i32 to index
        %get3A_924 = arith.constant 0 : index
        %get3A_925 = tpu.vector_load %arg32[%get3A_923, %get3A_924] {strides = array<i32>} : memref<256x16xf32, #tpu.memory_space<vmem>>, vector<1x16xf32>,
        %get3A_926 = vector.shape_cast %get3A_925 : vector<1x16xf32> to vector<16xf32>
        %mul3A_927 = arith.mulf %get3A_926, %gather3A_918 : vector<16xf32>
        %swap3A_928 = arith.index_cast %add3A_922 : i32 to index
        %swap3A_929 = arith.constant 0 : index
        %swap3A_930 = tpu.vector_load %arg32[%swap3A_928, %swap3A_929] {strides = array<i32>} : memref<256x16xf32, #tpu.memory_space<vmem>>, vector<1x16xf32>,
        %swap3A_931 = vector.shape_cast %swap3A_930 : vector<1x16xf32> to vector<16xf32>
        %swap3A_932 = vector.shape_cast %mul3A_927 : vector<16xf32> to vector<1x16xf32>
        tpu.vector_store %arg32[%swap3A_928, %swap3A_929], %swap3A_932 {strides = array<i32>} : memref<256x16xf32, #tpu.memory_space<vmem>>, vector<1x16xf32>,
      }
      %scan3A_483 = arith.constant 16 : i32
      %dma_start3A_484 = arith.constant 0 : i32
      %dma_start3A_485 = arith.constant 0 : i32
      %dma_start3A_486 = arith.constant 0 : i32
      %dma_start3A_487 = tpu.memref_slice %arg32[%dma_start3A_485, %dma_start3A_486] : memref<256x16xf32, #tpu.memory_space<vmem>> -> memref<128x16xf32, #tpu.memory_space<vmem>>
      %dma_start3A_488 = arith.constant 0 : i32
      %dma_start3A_489 = tpu.memref_slice %arg30[%dma_start3A_484, %dma_start3A_488] : memref<2x128xi32, #tpu.memory_space<vmem>> -> memref<1x128xi32, #tpu.memory_space<vmem>>
      %dma_start3A_490 = tpu.memref_squeeze %dma_start3A_489 : memref<1x128xi32, #tpu.memory_space<vmem>> -> memref<128xi32, #tpu.memory_space<vmem>>
      %dma_start3A_491 = arith.constant 0 : i32
      %dma_start3A_492 = arith.constant 0 : i32
      %dma_start3A_493 = tpu.memref_slice %arg35[%dma_start3A_491, %dma_start3A_492] : memref<100000x16xf32, #tpu.memory_space<vmem_shared>> -> memref<100000x16xf32, #tpu.memory_space<vmem_shared>>
      tpu.enqueue_indirect_dma source(%dma_start3A_487 : memref<128x16xf32, #tpu.memory_space<vmem>>) target(%dma_start3A_493 : memref<100000x16xf32, #tpu.memory_space<vmem_shared>>) offsets(%dma_start3A_490 : memref<128xi32, #tpu.memory_space<vmem>>) semaphore(%arg34 : memref<!tpu.dma_semaphore, #tpu.memory_space<semaphore_mem>>) {add = true}
      %dma_start3A_494 = arith.constant 1 : i32
      %dma_start3A_495 = arith.constant 128 : i32
      %dma_start3A_496 = arith.constant 0 : i32
      %dma_start3A_497 = tpu.memref_slice %arg32[%dma_start3A_495, %dma_start3A_496] : memref<256x16xf32, #tpu.memory_space<vmem>> -> memref<128x16xf32, #tpu.memory_space<vmem>>
      %dma_start3A_498 = arith.constant 0 : i32
      %dma_start3A_499 = tpu.memref_slice %arg30[%dma_start3A_494, %dma_start3A_498] : memref<2x128xi32, #tpu.memory_space<vmem>> -> memref<1x128xi32, #tpu.memory_space<vmem>>
      %dma_start3A_500 = tpu.memref_squeeze %dma_start3A_499 : memref<1x128xi32, #tpu.memory_space<vmem>> -> memref<128xi32, #tpu.memory_space<vmem>>
      %dma_start3A_501 = arith.constant 0 : i32
      %dma_start3A_502 = arith.constant 0 : i32
      %dma_start3A_503 = tpu.memref_slice %arg35[%dma_start3A_501, %dma_start3A_502] : memref<100000x16xf32, #tpu.memory_space<vmem_shared>> -> memref<100000x16xf32, #tpu.memory_space<vmem_shared>>
      tpu.enqueue_indirect_dma source(%dma_start3A_497 : memref<128x16xf32, #tpu.memory_space<vmem>>) target(%dma_start3A_503 : memref<100000x16xf32, #tpu.memory_space<vmem_shared>>) offsets(%dma_start3A_500 : memref<128xi32, #tpu.memory_space<vmem>>) semaphore(%arg34 : memref<!tpu.dma_semaphore, #tpu.memory_space<semaphore_mem>>) {add = true}
      %add3A_504 = arith.constant 3 : i32
      %add3A_505 = arith.addi %mul3A_280, %add3A_504 : i32
      %add3A_506 = arith.constant 4 : i32
      %add3A_507 = arith.addi %add3A_505, %add3A_506 : i32
      %sub3A_508 = arith.constant 1 : i32
      %sub3A_509 = arith.subi %add3A_507, %sub3A_508 : i32
      %lt3A_510 = arith.constant 99 : i32
      %lt3A_511 = arith.cmpi slt, %scan3A_278, %lt3A_510 : i32
      %convert_element_type3A_512 = arith.extui %lt3A_511 : i1 to i32
      %cond3A_513 = arith.constant 0 : i32
      %cond3A_514 = arith.cmpi ne, %convert_element_type3A_512, %cond3A_513 : i32
      scf.if %cond3A_514 {
        %dma_wait3A_515 = arith.constant 0 : i32
        %dma_wait3A_516 = arith.constant 0 : i32
        %dma_wait3A_517 = tpu.memref_slice %arg2[%dma_wait3A_515, %dma_wait3A_516] : memref<200000x16xf32, #tpu.memory_space<hbm>> -> memref<256x16xf32, #tpu.memory_space<hbm>>
        %dma_wait3A_518 = arith.constant 0 : i32
        %dma_wait3A_519 = arith.constant 0 : i32
        %dma_wait3A_520 = tpu.memref_slice %arg2[%dma_wait3A_518, %dma_wait3A_519] : memref<200000x16xf32, #tpu.memory_space<hbm>> -> memref<256x16xf32, #tpu.memory_space<hbm>>
        tpu.wait_dma2 semaphore(%arg27 : memref<!tpu.dma_semaphore, #tpu.memory_space<semaphore_mem>>) src(%dma_wait3A_520 : memref<256x16xf32, #tpu.memory_space<hbm>>) dst(%arg25 : memref<256x16xf32, #tpu.memory_space<vmem>>)
        %mul3A_521 = arith.constant 102400 : i32
        %mul3A_522 = arith.muli %arg1, %mul3A_521 : i32
        %mul3A_523 = arith.constant 256 : i32
        %mul3A_524 = arith.muli %sub3A_509, %mul3A_523 : i32
        %add3A_525 = arith.addi %mul3A_522, %mul3A_524 : i32
        %multiple_of3A_526 = tpu.assume_multiple %add3A_525, 256 : i32
        %jit3A_527 = arith.constant 128 : i32
        %div3A_528 = arith.divsi %multiple_of3A_526, %jit3A_527 : i32
        %sign3A_529 = arith.constant 0 : i32
        %sign3A_530 = arith.cmpi sgt, %multiple_of3A_526, %sign3A_529 : i32
        %sign3A_531 = arith.extui %sign3A_530 : i1 to i32
        %sign3A_532 = arith.constant 0 : i32
        %sign3A_533 = arith.cmpi slt, %multiple_of3A_526, %sign3A_532 : i32
        %sign3A_534 = arith.extui %sign3A_533 : i1 to i32
        %sign3A_535 = arith.subi %sign3A_531, %sign3A_534 : i32
        %sign3A_536 = arith.constant 0 : i32
        %sign3A_537 = arith.cmpi sgt, %jit3A_527, %sign3A_536 : i32
        %sign3A_538 = arith.extui %sign3A_537 : i1 to i32
        %sign3A_539 = arith.constant 0 : i32
        %sign3A_540 = arith.cmpi slt, %jit3A_527, %sign3A_539 : i32
        %sign3A_541 = arith.extui %sign3A_540 : i1 to i32
        %sign3A_542 = arith.subi %sign3A_538, %sign3A_541 : i32
        %ne3A_543 = arith.cmpi ne, %sign3A_535, %sign3A_542 : i32
        %rem3A_544 = arith.remsi %multiple_of3A_526, %jit3A_527 : i32
        %ne3A_545 = arith.constant 0 : i32
        %ne3A_546 = arith.cmpi ne, %rem3A_544, %ne3A_545 : i32
        %and3A_547 = arith.andi %ne3A_543, %ne3A_546 : i1
        %sub3A_548 = arith.constant 1 : i32
        %sub3A_549 = arith.subi %div3A_528, %sub3A_548 : i32
        %select_n3A_550 = arith.select %and3A_547, %sub3A_549, %div3A_528 : i32
        %multiple_of3A_551 = tpu.assume_multiple %select_n3A_550, 2 : i32
        "tpu.region"() ({
          %run_scoped3A = tpu.sem_alloc : memref<!tpu.dma_semaphore, #tpu.memory_space<semaphore_mem>>
          %dma_start3A_584 = arith.constant 0 : i32
          %dma_start3A_585 = tpu.memref_slice %arg3[%multiple_of3A_551, %dma_start3A_584] : memref<12800x128xi32, #tpu.memory_space<hbm>> -> memref<2x128xi32, #tpu.memory_space<hbm>>
          %dma_start3A_586 = arith.constant 0 : i32
          %dma_start3A_587 = tpu.memref_slice %arg3[%multiple_of3A_551, %dma_start3A_586] : memref<12800x128xi32, #tpu.memory_space<hbm>> -> memref<2x128xi32, #tpu.memory_space<hbm>>
          tpu.enqueue_dma source(%dma_start3A_587 : memref<2x128xi32, #tpu.memory_space<hbm>>) target(%arg21 : memref<2x128xi32, #tpu.memory_space<vmem>>) target_semaphore(%run_scoped3A : memref<!tpu.dma_semaphore, #tpu.memory_space<semaphore_mem>>)
          %dma_wait3A_588 = arith.constant 0 : i32
          %dma_wait3A_589 = tpu.memref_slice %arg3[%multiple_of3A_551, %dma_wait3A_588] : memref<12800x128xi32, #tpu.memory_space<hbm>> -> memref<2x128xi32, #tpu.memory_space<hbm>>
          %dma_wait3A_590 = arith.constant 0 : i32
          %dma_wait3A_591 = tpu.memref_slice %arg3[%multiple_of3A_551, %dma_wait3A_590] : memref<12800x128xi32, #tpu.memory_space<hbm>> -> memref<2x128xi32, #tpu.memory_space<hbm>>
          tpu.wait_dma2 semaphore(%run_scoped3A : memref<!tpu.dma_semaphore, #tpu.memory_space<semaphore_mem>>) src(%dma_wait3A_591 : memref<2x128xi32, #tpu.memory_space<hbm>>) dst(%arg21 : memref<2x128xi32, #tpu.memory_space<vmem>>)
          tpu.yield
        }) : () -> ()
        "tpu.region"() ({
          %run_scoped3A = tpu.sem_alloc : memref<!tpu.dma_semaphore, #tpu.memory_space<semaphore_mem>>
          %dma_start3A_584 = arith.constant 0 : i32
          %dma_start3A_585 = tpu.memref_slice %arg4[%multiple_of3A_551, %dma_start3A_584] : memref<12800x128xi32, #tpu.memory_space<hbm>> -> memref<2x128xi32, #tpu.memory_space<hbm>>
          %dma_start3A_586 = arith.constant 0 : i32
          %dma_start3A_587 = tpu.memref_slice %arg4[%multiple_of3A_551, %dma_start3A_586] : memref<12800x128xi32, #tpu.memory_space<hbm>> -> memref<2x128xi32, #tpu.memory_space<hbm>>
          tpu.enqueue_dma source(%dma_start3A_587 : memref<2x128xi32, #tpu.memory_space<hbm>>) target(%arg23 : memref<2x128xi32, #tpu.memory_space<vmem>>) target_semaphore(%run_scoped3A : memref<!tpu.dma_semaphore, #tpu.memory_space<semaphore_mem>>)
          %dma_wait3A_588 = arith.constant 0 : i32
          %dma_wait3A_589 = tpu.memref_slice %arg4[%multiple_of3A_551, %dma_wait3A_588] : memref<12800x128xi32, #tpu.memory_space<hbm>> -> memref<2x128xi32, #tpu.memory_space<hbm>>
          %dma_wait3A_590 = arith.constant 0 : i32
          %dma_wait3A_591 = tpu.memref_slice %arg4[%multiple_of3A_551, %dma_wait3A_590] : memref<12800x128xi32, #tpu.memory_space<hbm>> -> memref<2x128xi32, #tpu.memory_space<hbm>>
          tpu.wait_dma2 semaphore(%run_scoped3A : memref<!tpu.dma_semaphore, #tpu.memory_space<semaphore_mem>>) src(%dma_wait3A_591 : memref<2x128xi32, #tpu.memory_space<hbm>>) dst(%arg23 : memref<2x128xi32, #tpu.memory_space<vmem>>)
          tpu.yield
        }) : () -> ()
        "tpu.region"() ({
          %run_scoped3A = tpu.sem_alloc : memref<!tpu.dma_semaphore, #tpu.memory_space<semaphore_mem>>
          %dma_start3A_584 = tpu.memref_slice %arg5[%multiple_of3A_526] : memref<1638400xf32, #tpu.memory_space<hbm>> -> memref<256xf32, #tpu.memory_space<hbm>>
          %dma_start3A_585 = tpu.memref_slice %arg5[%multiple_of3A_526] : memref<1638400xf32, #tpu.memory_space<hbm>> -> memref<256xf32, #tpu.memory_space<hbm>>
          tpu.enqueue_dma source(%dma_start3A_585 : memref<256xf32, #tpu.memory_space<hbm>>) target(%arg24 : memref<256xf32, #tpu.memory_space<vmem>>) target_semaphore(%run_scoped3A : memref<!tpu.dma_semaphore, #tpu.memory_space<semaphore_mem>>)
          %dma_wait3A_586 = tpu.memref_slice %arg5[%multiple_of3A_526] : memref<1638400xf32, #tpu.memory_space<hbm>> -> memref<256xf32, #tpu.memory_space<hbm>>
          %dma_wait3A_587 = tpu.memref_slice %arg5[%multiple_of3A_526] : memref<1638400xf32, #tpu.memory_space<hbm>> -> memref<256xf32, #tpu.memory_space<hbm>>
          tpu.wait_dma2 semaphore(%run_scoped3A : memref<!tpu.dma_semaphore, #tpu.memory_space<semaphore_mem>>) src(%dma_wait3A_587 : memref<256xf32, #tpu.memory_space<hbm>>) dst(%arg24 : memref<256xf32, #tpu.memory_space<vmem>>)
          tpu.yield
        }) : () -> ()
        %scan3A_552 = arith.constant 0 : i32
        %scan3A_553 = arith.constant 0 : i32
        %scan3A_554 = arith.constant 8 : i32
        %scan3A_555 = arith.addi %scan3A_553, %scan3A_554 : i32
        %scan3A_556 = arith.constant 1 : i32
        scf.for %scan3A_584 = %scan3A_553 to %scan3A_555 step %scan3A_556  : i32 {
          %mul3A_585 = arith.constant 16 : i32
          %mul3A_586 = arith.muli %scan3A_584, %mul3A_585 : i32
          %get3A = arith.constant 0 : i32
          %get3A_587 = arith.index_cast %get3A : i32 to index
          %get3A_588 = arith.index_cast %mul3A_586 : i32 to index
          %get3A_589 = tpu.vector_load %arg21[%get3A_587, %get3A_588] {strides = array<i32>} : memref<2x128xi32, #tpu.memory_space<vmem>>, vector<1x16xi32>,
          %get3A_590 = vector.shape_cast %get3A_589 : vector<1x16xi32> to vector<16xi32>
          %add3A_591 = vector.broadcast %mul3A_0 : i32 to vector<16xi32>
          %add3A_592 = arith.addi %get3A_590, %add3A_591 : vector<16xi32>
          %mul3A_593 = arith.constant 16 : i32
          %mul3A_594 = arith.muli %scan3A_584, %mul3A_593 : i32
          %swap3A = arith.constant 0 : i32
          %swap3A_595 = arith.index_cast %swap3A : i32 to index
          %swap3A_596 = arith.index_cast %mul3A_594 : i32 to index
          %swap3A_597 = tpu.vector_load %arg22[%swap3A_595, %swap3A_596] {strides = array<i32>} : memref<2x128xi32, #tpu.memory_space<vmem>>, vector<1x16xi32>,
          %swap3A_598 = vector.shape_cast %swap3A_597 : vector<1x16xi32> to vector<16xi32>
          %swap3A_599 = vector.shape_cast %add3A_592 : vector<16xi32> to vector<1x16xi32>
          tpu.vector_store %arg22[%swap3A_595, %swap3A_596], %swap3A_599 {strides = array<i32>} : memref<2x128xi32, #tpu.memory_space<vmem>>, vector<1x16xi32>,
        }
        %scan3A_557 = arith.constant 8 : i32
        %scan3A_558 = arith.constant 0 : i32
        %scan3A_559 = arith.constant 0 : i32
        %scan3A_560 = arith.constant 8 : i32
        %scan3A_561 = arith.addi %scan3A_559, %scan3A_560 : i32
        %scan3A_562 = arith.constant 1 : i32
        scf.for %scan3A_584 = %scan3A_559 to %scan3A_561 step %scan3A_562  : i32 {
          %mul3A_585 = arith.constant 16 : i32
          %mul3A_586 = arith.muli %scan3A_584, %mul3A_585 : i32
          %get3A = arith.constant 1 : i32
          %get3A_587 = arith.index_cast %get3A : i32 to index
          %get3A_588 = arith.index_cast %mul3A_586 : i32 to index
          %get3A_589 = tpu.vector_load %arg21[%get3A_587, %get3A_588] {strides = array<i32>} : memref<2x128xi32, #tpu.memory_space<vmem>>, vector<1x16xi32>,
          %get3A_590 = vector.shape_cast %get3A_589 : vector<1x16xi32> to vector<16xi32>
          %add3A_591 = vector.broadcast %mul3A_0 : i32 to vector<16xi32>
          %add3A_592 = arith.addi %get3A_590, %add3A_591 : vector<16xi32>
          %mul3A_593 = arith.constant 16 : i32
          %mul3A_594 = arith.muli %scan3A_584, %mul3A_593 : i32
          %swap3A = arith.constant 1 : i32
          %swap3A_595 = arith.index_cast %swap3A : i32 to index
          %swap3A_596 = arith.index_cast %mul3A_594 : i32 to index
          %swap3A_597 = tpu.vector_load %arg22[%swap3A_595, %swap3A_596] {strides = array<i32>} : memref<2x128xi32, #tpu.memory_space<vmem>>, vector<1x16xi32>,
          %swap3A_598 = vector.shape_cast %swap3A_597 : vector<1x16xi32> to vector<16xi32>
          %swap3A_599 = vector.shape_cast %add3A_592 : vector<16xi32> to vector<1x16xi32>
          tpu.vector_store %arg22[%swap3A_595, %swap3A_596], %swap3A_599 {strides = array<i32>} : memref<2x128xi32, #tpu.memory_space<vmem>>, vector<1x16xi32>,
        }
        %scan3A_563 = arith.constant 8 : i32
        %dma_start3A_564 = arith.constant 0 : i32
        %dma_start3A_565 = arith.constant 0 : i32
        %dma_start3A_566 = arith.constant 0 : i32
        %dma_start3A_567 = tpu.memref_slice %arg25[%dma_start3A_565, %dma_start3A_566] : memref<256x16xf32, #tpu.memory_space<vmem>> -> memref<128x16xf32, #tpu.memory_space<vmem>>
        %dma_start3A_568 = arith.constant 0 : i32
        %dma_start3A_569 = tpu.memref_slice %arg22[%dma_start3A_564, %dma_start3A_568] : memref<2x128xi32, #tpu.memory_space<vmem>> -> memref<1x128xi32, #tpu.memory_space<vmem>>
        %dma_start3A_570 = tpu.memref_squeeze %dma_start3A_569 : memref<1x128xi32, #tpu.memory_space<vmem>> -> memref<128xi32, #tpu.memory_space<vmem>>
        %dma_start3A_571 = arith.constant 0 : i32
        %dma_start3A_572 = arith.constant 0 : i32
        %dma_start3A_573 = tpu.memref_slice %arg2[%dma_start3A_571, %dma_start3A_572] : memref<200000x16xf32, #tpu.memory_space<hbm>> -> memref<200000x16xf32, #tpu.memory_space<hbm>>
        tpu.enqueue_indirect_dma source(%dma_start3A_573 : memref<200000x16xf32, #tpu.memory_space<hbm>>) target(%dma_start3A_567 : memref<128x16xf32, #tpu.memory_space<vmem>>) offsets(%dma_start3A_570 : memref<128xi32, #tpu.memory_space<vmem>>) semaphore(%arg26 : memref<!tpu.dma_semaphore, #tpu.memory_space<semaphore_mem>>)
        %dma_start3A_574 = arith.constant 1 : i32
        %dma_start3A_575 = arith.constant 128 : i32
        %dma_start3A_576 = arith.constant 0 : i32
        %dma_start3A_577 = tpu.memref_slice %arg25[%dma_start3A_575, %dma_start3A_576] : memref<256x16xf32, #tpu.memory_space<vmem>> -> memref<128x16xf32, #tpu.memory_space<vmem>>
        %dma_start3A_578 = arith.constant 0 : i32
        %dma_start3A_579 = tpu.memref_slice %arg22[%dma_start3A_574, %dma_start3A_578] : memref<2x128xi32, #tpu.memory_space<vmem>> -> memref<1x128xi32, #tpu.memory_space<vmem>>
        %dma_start3A_580 = tpu.memref_squeeze %dma_start3A_579 : memref<1x128xi32, #tpu.memory_space<vmem>> -> memref<128xi32, #tpu.memory_space<vmem>>
        %dma_start3A_581 = arith.constant 0 : i32
        %dma_start3A_582 = arith.constant 0 : i32
        %dma_start3A_583 = tpu.memref_slice %arg2[%dma_start3A_581, %dma_start3A_582] : memref<200000x16xf32, #tpu.memory_space<hbm>> -> memref<200000x16xf32, #tpu.memory_space<hbm>>
        tpu.enqueue_indirect_dma source(%dma_start3A_583 : memref<200000x16xf32, #tpu.memory_space<hbm>>) target(%dma_start3A_577 : memref<128x16xf32, #tpu.memory_space<vmem>>) offsets(%dma_start3A_580 : memref<128xi32, #tpu.memory_space<vmem>>) semaphore(%arg26 : memref<!tpu.dma_semaphore, #tpu.memory_space<semaphore_mem>>)
      } else {
      }
    }
    %scan3A_243 = arith.constant 100 : i32
    %dma_wait3A = arith.constant 0 : i32
    %dma_wait3A_244 = arith.constant 0 : i32
    %dma_wait3A_245 = tpu.memref_slice %arg2[%dma_wait3A, %dma_wait3A_244] : memref<200000x16xf32, #tpu.memory_space<hbm>> -> memref<256x16xf32, #tpu.memory_space<hbm>>
    %dma_wait3A_246 = arith.constant 0 : i32
    %dma_wait3A_247 = arith.constant 0 : i32
    %dma_wait3A_248 = tpu.memref_slice %arg2[%dma_wait3A_246, %dma_wait3A_247] : memref<200000x16xf32, #tpu.memory_space<hbm>> -> memref<256x16xf32, #tpu.memory_space<hbm>>
    tpu.wait_dma2 semaphore(%arg13 : memref<!tpu.dma_semaphore, #tpu.memory_space<semaphore_mem>>) src(%dma_wait3A_248 : memref<256x16xf32, #tpu.memory_space<hbm>>) dst(%arg11 : memref<256x16xf32, #tpu.memory_space<vmem>>)
    %dma_wait3A_249 = arith.constant 0 : i32
    %dma_wait3A_250 = arith.constant 0 : i32
    %dma_wait3A_251 = tpu.memref_slice %arg2[%dma_wait3A_249, %dma_wait3A_250] : memref<200000x16xf32, #tpu.memory_space<hbm>> -> memref<256x16xf32, #tpu.memory_space<hbm>>
    %dma_wait3A_252 = arith.constant 0 : i32
    %dma_wait3A_253 = arith.constant 0 : i32
    %dma_wait3A_254 = tpu.memref_slice %arg2[%dma_wait3A_252, %dma_wait3A_253] : memref<200000x16xf32, #tpu.memory_space<hbm>> -> memref<256x16xf32, #tpu.memory_space<hbm>>
    tpu.wait_dma2 semaphore(%arg20 : memref<!tpu.dma_semaphore, #tpu.memory_space<semaphore_mem>>) src(%dma_wait3A_254 : memref<256x16xf32, #tpu.memory_space<hbm>>) dst(%arg18 : memref<256x16xf32, #tpu.memory_space<vmem>>)
    %dma_wait3A_255 = arith.constant 0 : i32
    %dma_wait3A_256 = arith.constant 0 : i32
    %dma_wait3A_257 = tpu.memref_slice %arg2[%dma_wait3A_255, %dma_wait3A_256] : memref<200000x16xf32, #tpu.memory_space<hbm>> -> memref<256x16xf32, #tpu.memory_space<hbm>>
    %dma_wait3A_258 = arith.constant 0 : i32
    %dma_wait3A_259 = arith.constant 0 : i32
    %dma_wait3A_260 = tpu.memref_slice %arg2[%dma_wait3A_258, %dma_wait3A_259] : memref<200000x16xf32, #tpu.memory_space<hbm>> -> memref<256x16xf32, #tpu.memory_space<hbm>>
    tpu.wait_dma2 semaphore(%arg27 : memref<!tpu.dma_semaphore, #tpu.memory_space<semaphore_mem>>) src(%dma_wait3A_260 : memref<256x16xf32, #tpu.memory_space<hbm>>) dst(%arg25 : memref<256x16xf32, #tpu.memory_space<vmem>>)
    %dma_wait3A_261 = arith.constant 0 : i32
    %dma_wait3A_262 = arith.constant 0 : i32
    %dma_wait3A_263 = tpu.memref_slice %arg2[%dma_wait3A_261, %dma_wait3A_262] : memref<200000x16xf32, #tpu.memory_space<hbm>> -> memref<256x16xf32, #tpu.memory_space<hbm>>
    %dma_wait3A_264 = arith.constant 0 : i32
    %dma_wait3A_265 = arith.constant 0 : i32
    %dma_wait3A_266 = tpu.memref_slice %arg2[%dma_wait3A_264, %dma_wait3A_265] : memref<200000x16xf32, #tpu.memory_space<hbm>> -> memref<256x16xf32, #tpu.memory_space<hbm>>
    tpu.wait_dma2 semaphore(%arg34 : memref<!tpu.dma_semaphore, #tpu.memory_space<semaphore_mem>>) src(%dma_wait3A_266 : memref<256x16xf32, #tpu.memory_space<hbm>>) dst(%arg32 : memref<256x16xf32, #tpu.memory_space<vmem>>)
    %barrier3A_267 = arith.constant 0 : index
    tpu.barrier barrier_id(%barrier3A_267)
    %lt3A_268 = arith.constant 15 : i32
    %lt3A_269 = arith.cmpi slt, %arg1, %lt3A_268 : i32
    %convert_element_type3A_270 = arith.extui %lt3A_269 : i1 to i32
    %cond3A_271 = arith.constant 0 : i32
    %cond3A_272 = arith.cmpi ne, %convert_element_type3A_270, %cond3A_271 : i32
    scf.if %cond3A_272 {
      "tpu.region"() ({
        %run_scoped3A = tpu.sem_alloc : memref<!tpu.dma_semaphore, #tpu.memory_space<semaphore_mem>>
        %dma_start3A_278 = arith.constant 0 : i32
        %dma_start3A_279 = tpu.memref_slice %arg6[%arg0, %multiple_of3A, %dma_start3A_278] : memref<2x100000x16xf32, #tpu.memory_space<hbm>> -> memref<1x6256x16xf32, #tpu.memory_space<hbm>>
        %dma_start3A_280 = tpu.memref_squeeze %dma_start3A_279 : memref<1x6256x16xf32, #tpu.memory_space<hbm>> -> memref<6256x16xf32, #tpu.memory_space<hbm>>
        %dma_start3A_281 = arith.constant 0 : i32
        %dma_start3A_282 = tpu.memref_slice %arg35[%multiple_of3A, %dma_start3A_281] : memref<100000x16xf32, #tpu.memory_space<vmem_shared>> -> memref<6256x16xf32, #tpu.memory_space<vmem_shared>>
        tpu.enqueue_dma source(%dma_start3A_282 : memref<6256x16xf32, #tpu.memory_space<vmem_shared>>) target(%dma_start3A_280 : memref<6256x16xf32, #tpu.memory_space<hbm>>) target_semaphore(%run_scoped3A : memref<!tpu.dma_semaphore, #tpu.memory_space<semaphore_mem>>)
        %dma_wait3A_283 = arith.constant 0 : i32
        %dma_wait3A_284 = tpu.memref_slice %arg6[%arg0, %multiple_of3A, %dma_wait3A_283] : memref<2x100000x16xf32, #tpu.memory_space<hbm>> -> memref<1x6256x16xf32, #tpu.memory_space<hbm>>
        %dma_wait3A_285 = tpu.memref_squeeze %dma_wait3A_284 : memref<1x6256x16xf32, #tpu.memory_space<hbm>> -> memref<6256x16xf32, #tpu.memory_space<hbm>>
        %dma_wait3A_286 = arith.constant 0 : i32
        %dma_wait3A_287 = tpu.memref_slice %arg35[%multiple_of3A, %dma_wait3A_286] : memref<100000x16xf32, #tpu.memory_space<vmem_shared>> -> memref<6256x16xf32, #tpu.memory_space<vmem_shared>>
        tpu.wait_dma2 semaphore(%run_scoped3A : memref<!tpu.dma_semaphore, #tpu.memory_space<semaphore_mem>>) src(%dma_wait3A_287 : memref<6256x16xf32, #tpu.memory_space<vmem_shared>>) dst(%dma_wait3A_285 : memref<6256x16xf32, #tpu.memory_space<hbm>>)
        tpu.yield
      }) : () -> ()
    } else {
    }
    %eq3A_273 = arith.constant 15 : i32
    %eq3A_274 = arith.cmpi eq, %arg1, %eq3A_273 : i32
    %convert_element_type3A_275 = arith.extui %eq3A_274 : i1 to i32
    %cond3A_276 = arith.constant 0 : i32
    %cond3A_277 = arith.cmpi ne, %convert_element_type3A_275, %cond3A_276 : i32
    scf.if %cond3A_277 {
      "tpu.region"() ({
        %run_scoped3A = tpu.sem_alloc : memref<!tpu.dma_semaphore, #tpu.memory_space<semaphore_mem>>
        %dma_start3A_278 = arith.constant 0 : i32
        %dma_start3A_279 = tpu.memref_slice %arg6[%arg0, %multiple_of3A, %dma_start3A_278] : memref<2x100000x16xf32, #tpu.memory_space<hbm>> -> memref<1x6160x16xf32, #tpu.memory_space<hbm>>
        %dma_start3A_280 = tpu.memref_squeeze %dma_start3A_279 : memref<1x6160x16xf32, #tpu.memory_space<hbm>> -> memref<6160x16xf32, #tpu.memory_space<hbm>>
        %dma_start3A_281 = arith.constant 0 : i32
        %dma_start3A_282 = tpu.memref_slice %arg35[%multiple_of3A, %dma_start3A_281] : memref<100000x16xf32, #tpu.memory_space<vmem_shared>> -> memref<6160x16xf32, #tpu.memory_space<vmem_shared>>
        tpu.enqueue_dma source(%dma_start3A_282 : memref<6160x16xf32, #tpu.memory_space<vmem_shared>>) target(%dma_start3A_280 : memref<6160x16xf32, #tpu.memory_space<hbm>>) target_semaphore(%run_scoped3A : memref<!tpu.dma_semaphore, #tpu.memory_space<semaphore_mem>>)
        %dma_wait3A_283 = arith.constant 0 : i32
        %dma_wait3A_284 = tpu.memref_slice %arg6[%arg0, %multiple_of3A, %dma_wait3A_283] : memref<2x100000x16xf32, #tpu.memory_space<hbm>> -> memref<1x6160x16xf32, #tpu.memory_space<hbm>>
        %dma_wait3A_285 = tpu.memref_squeeze %dma_wait3A_284 : memref<1x6160x16xf32, #tpu.memory_space<hbm>> -> memref<6160x16xf32, #tpu.memory_space<hbm>>
        %dma_wait3A_286 = arith.constant 0 : i32
        %dma_wait3A_287 = tpu.memref_slice %arg35[%multiple_of3A, %dma_wait3A_286] : memref<100000x16xf32, #tpu.memory_space<vmem_shared>> -> memref<6160x16xf32, #tpu.memory_space<vmem_shared>>
        tpu.wait_dma2 semaphore(%run_scoped3A : memref<!tpu.dma_semaphore, #tpu.memory_space<semaphore_mem>>) src(%dma_wait3A_287 : memref<6160x16xf32, #tpu.memory_space<vmem_shared>>) dst(%dma_wait3A_285 : memref<6160x16xf32, #tpu.memory_space<hbm>>)
        tpu.yield
      }) : () -> ()
    } else {
    }
    return
  }
}

#map = affine_map<(d0, d1) -> (0, 0)>
#map1 = affine_map<(d0, d1) -> (0)>
module attributes {stable_mosaic.version = 14 : i64} {
  func.func @body(%arg0: i32, %arg1: i32, %arg2: memref<12800x128xi32, #tpu.memory_space<hbm>>, %arg3: memref<1638400xf32, #tpu.memory_space<hbm>>, %arg4: memref<100000xf32, #tpu.memory_space<hbm>>, %arg5: memref<2x100000xf32, #tpu.memory_space<hbm>>, %arg6: memref<16x128xi32, #tpu.memory_space<vmem>>, %arg7: memref<2048xf32, #tpu.memory_space<vmem>>, %arg8: memref<100000xf32, #tpu.memory_space<vmem_shared>>) attributes {dimension_semantics = [#tpu.dimension_semantics<core_parallel>, #tpu.dimension_semantics<subcore_parallel>], iteration_bounds = array<i64: 2, 16>, scalar_prefetch = 0 : i64, scratch_operands = 3 : i64, tpu.core_type = #tpu.core_type<sc_vector_subcore>, window_params = [{transform_indices = #map}, {transform_indices = #map1}, {transform_indices = #map1}, {transform_indices = #map}]} {
    %mul3A = arith.constant 16 : i32
    %mul3A_0 = arith.muli %arg0, %mul3A : i32
    %add3A = arith.addi %mul3A_0, %arg1 : i32
    %eq3A = arith.constant 0 : i32
    %eq3A_1 = arith.cmpi eq, %arg1, %eq3A : i32
    %convert_element_type3A = arith.extui %eq3A_1 : i1 to i32
    %cond3A = arith.constant 0 : i32
    %cond3A_2 = arith.cmpi ne, %convert_element_type3A, %cond3A : i32
    scf.if %cond3A_2 {
      "tpu.region"() ({
        %run_scoped3A = tpu.sem_alloc : memref<!tpu.dma_semaphore, #tpu.memory_space<semaphore_mem>>
        tpu.enqueue_dma source(%arg4 : memref<100000xf32, #tpu.memory_space<hbm>>) target(%arg8 : memref<100000xf32, #tpu.memory_space<vmem_shared>>) target_semaphore(%run_scoped3A : memref<!tpu.dma_semaphore, #tpu.memory_space<semaphore_mem>>)
        tpu.wait_dma2 semaphore(%run_scoped3A : memref<!tpu.dma_semaphore, #tpu.memory_space<semaphore_mem>>) src(%arg4 : memref<100000xf32, #tpu.memory_space<hbm>>) dst(%arg8 : memref<100000xf32, #tpu.memory_space<vmem_shared>>)
        tpu.yield
      }) : () -> ()
    } else {
    }
    %barrier3A = arith.constant 0 : index
    tpu.barrier barrier_id(%barrier3A)
    %scan3A = arith.constant 0 : i32
    %scan3A_3 = arith.constant 0 : i32
    %scan3A_4 = arith.constant 25 : i32
    %scan3A_5 = arith.addi %scan3A_3, %scan3A_4 : i32
    %scan3A_6 = arith.constant 1 : i32
    scf.for %scan3A_14 = %scan3A_3 to %scan3A_5 step %scan3A_6  : i32 {
      %mul3A_15 = arith.constant 51200 : i32
      %mul3A_16 = arith.muli %add3A, %mul3A_15 : i32
      %mul3A_17 = arith.constant 2048 : i32
      %mul3A_18 = arith.muli %scan3A_14, %mul3A_17 : i32
      %add3A_19 = arith.addi %mul3A_16, %mul3A_18 : i32
      %multiple_of3A = tpu.assume_multiple %add3A_19, 2048 : i32
      %jit3A = arith.constant 128 : i32
      %div3A = arith.divsi %multiple_of3A, %jit3A : i32
      %sign3A = arith.constant 0 : i32
      %sign3A_20 = arith.cmpi sgt, %multiple_of3A, %sign3A : i32
      %sign3A_21 = arith.extui %sign3A_20 : i1 to i32
      %sign3A_22 = arith.constant 0 : i32
      %sign3A_23 = arith.cmpi slt, %multiple_of3A, %sign3A_22 : i32
      %sign3A_24 = arith.extui %sign3A_23 : i1 to i32
      %sign3A_25 = arith.subi %sign3A_21, %sign3A_24 : i32
      %sign3A_26 = arith.constant 0 : i32
      %sign3A_27 = arith.cmpi sgt, %jit3A, %sign3A_26 : i32
      %sign3A_28 = arith.extui %sign3A_27 : i1 to i32
      %sign3A_29 = arith.constant 0 : i32
      %sign3A_30 = arith.cmpi slt, %jit3A, %sign3A_29 : i32
      %sign3A_31 = arith.extui %sign3A_30 : i1 to i32
      %sign3A_32 = arith.subi %sign3A_28, %sign3A_31 : i32
      %ne3A = arith.cmpi ne, %sign3A_25, %sign3A_32 : i32
      %rem3A = arith.remsi %multiple_of3A, %jit3A : i32
      %ne3A_33 = arith.constant 0 : i32
      %ne3A_34 = arith.cmpi ne, %rem3A, %ne3A_33 : i32
      %and3A = arith.andi %ne3A, %ne3A_34 : i1
      %sub3A = arith.constant 1 : i32
      %sub3A_35 = arith.subi %div3A, %sub3A : i32
      %select_n3A = arith.select %and3A, %sub3A_35, %div3A : i32
      %multiple_of3A_36 = tpu.assume_multiple %select_n3A, 16 : i32
      "tpu.region"() ({
        %run_scoped3A_52 = tpu.sem_alloc : memref<!tpu.dma_semaphore, #tpu.memory_space<semaphore_mem>>
        %dma_start3A = arith.constant 0 : i32
        %dma_start3A_53 = tpu.memref_slice %arg2[%multiple_of3A_36, %dma_start3A] : memref<12800x128xi32, #tpu.memory_space<hbm>> -> memref<16x128xi32, #tpu.memory_space<hbm>>
        %dma_start3A_54 = arith.constant 0 : i32
        %dma_start3A_55 = tpu.memref_slice %arg2[%multiple_of3A_36, %dma_start3A_54] : memref<12800x128xi32, #tpu.memory_space<hbm>> -> memref<16x128xi32, #tpu.memory_space<hbm>>
        tpu.enqueue_dma source(%dma_start3A_55 : memref<16x128xi32, #tpu.memory_space<hbm>>) target(%arg6 : memref<16x128xi32, #tpu.memory_space<vmem>>) target_semaphore(%run_scoped3A_52 : memref<!tpu.dma_semaphore, #tpu.memory_space<semaphore_mem>>)
        %dma_wait3A = arith.constant 0 : i32
        %dma_wait3A_56 = tpu.memref_slice %arg2[%multiple_of3A_36, %dma_wait3A] : memref<12800x128xi32, #tpu.memory_space<hbm>> -> memref<16x128xi32, #tpu.memory_space<hbm>>
        %dma_wait3A_57 = arith.constant 0 : i32
        %dma_wait3A_58 = tpu.memref_slice %arg2[%multiple_of3A_36, %dma_wait3A_57] : memref<12800x128xi32, #tpu.memory_space<hbm>> -> memref<16x128xi32, #tpu.memory_space<hbm>>
        tpu.wait_dma2 semaphore(%run_scoped3A_52 : memref<!tpu.dma_semaphore, #tpu.memory_space<semaphore_mem>>) src(%dma_wait3A_58 : memref<16x128xi32, #tpu.memory_space<hbm>>) dst(%arg6 : memref<16x128xi32, #tpu.memory_space<vmem>>)
        tpu.yield
      }) : () -> ()
      "tpu.region"() ({
        %run_scoped3A_52 = tpu.sem_alloc : memref<!tpu.dma_semaphore, #tpu.memory_space<semaphore_mem>>
        %dma_start3A = tpu.memref_slice %arg3[%multiple_of3A] : memref<1638400xf32, #tpu.memory_space<hbm>> -> memref<2048xf32, #tpu.memory_space<hbm>>
        %dma_start3A_53 = tpu.memref_slice %arg3[%multiple_of3A] : memref<1638400xf32, #tpu.memory_space<hbm>> -> memref<2048xf32, #tpu.memory_space<hbm>>
        tpu.enqueue_dma source(%dma_start3A_53 : memref<2048xf32, #tpu.memory_space<hbm>>) target(%arg7 : memref<2048xf32, #tpu.memory_space<vmem>>) target_semaphore(%run_scoped3A_52 : memref<!tpu.dma_semaphore, #tpu.memory_space<semaphore_mem>>)
        %dma_wait3A = tpu.memref_slice %arg3[%multiple_of3A] : memref<1638400xf32, #tpu.memory_space<hbm>> -> memref<2048xf32, #tpu.memory_space<hbm>>
        %dma_wait3A_54 = tpu.memref_slice %arg3[%multiple_of3A] : memref<1638400xf32, #tpu.memory_space<hbm>> -> memref<2048xf32, #tpu.memory_space<hbm>>
        tpu.wait_dma2 semaphore(%run_scoped3A_52 : memref<!tpu.dma_semaphore, #tpu.memory_space<semaphore_mem>>) src(%dma_wait3A_54 : memref<2048xf32, #tpu.memory_space<hbm>>) dst(%arg7 : memref<2048xf32, #tpu.memory_space<vmem>>)
        tpu.yield
      }) : () -> ()
      %run_scoped3A = arith.constant 0 : i32
      "tpu.region"() ({
        %run_scoped3A_52 = tpu.sem_alloc : memref<!tpu.dma_semaphore, #tpu.memory_space<semaphore_mem>>
        %dma_start3A = arith.constant 0 : i32
        %dma_start3A_53 = tpu.memref_slice %arg7[%dma_start3A] : memref<2048xf32, #tpu.memory_space<vmem>> -> memref<128xf32, #tpu.memory_space<vmem>>
        %dma_start3A_54 = arith.constant 0 : i32
        %dma_start3A_55 = tpu.memref_slice %arg6[%run_scoped3A, %dma_start3A_54] : memref<16x128xi32, #tpu.memory_space<vmem>> -> memref<1x128xi32, #tpu.memory_space<vmem>>
        %dma_start3A_56 = tpu.memref_squeeze %dma_start3A_55 : memref<1x128xi32, #tpu.memory_space<vmem>> -> memref<128xi32, #tpu.memory_space<vmem>>
        %dma_start3A_57 = arith.constant 0 : i32
        %dma_start3A_58 = tpu.memref_slice %arg8[%dma_start3A_57] : memref<100000xf32, #tpu.memory_space<vmem_shared>> -> memref<100000xf32, #tpu.memory_space<vmem_shared>>
        tpu.enqueue_indirect_dma source(%dma_start3A_53 : memref<128xf32, #tpu.memory_space<vmem>>) target(%dma_start3A_58 : memref<100000xf32, #tpu.memory_space<vmem_shared>>) offsets(%dma_start3A_56 : memref<128xi32, #tpu.memory_space<vmem>>) semaphore(%run_scoped3A_52 : memref<!tpu.dma_semaphore, #tpu.memory_space<semaphore_mem>>) {add = true}
        %dma_wait3A = arith.constant 0 : i32
        %dma_wait3A_59 = tpu.memref_slice %arg7[%dma_wait3A] : memref<2048xf32, #tpu.memory_space<vmem>> -> memref<128xf32, #tpu.memory_space<vmem>>
        %dma_wait3A_60 = arith.constant 0 : i32
        %dma_wait3A_61 = tpu.memref_slice %arg6[%run_scoped3A, %dma_wait3A_60] : memref<16x128xi32, #tpu.memory_space<vmem>> -> memref<1x128xi32, #tpu.memory_space<vmem>>
        %dma_wait3A_62 = tpu.memref_squeeze %dma_wait3A_61 : memref<1x128xi32, #tpu.memory_space<vmem>> -> memref<128xi32, #tpu.memory_space<vmem>>
        %dma_wait3A_63 = arith.constant 0 : i32
        %dma_wait3A_64 = tpu.memref_slice %arg8[%dma_wait3A_63] : memref<100000xf32, #tpu.memory_space<vmem_shared>> -> memref<100000xf32, #tpu.memory_space<vmem_shared>>
        tpu.wait_indirect_dma semaphore(%run_scoped3A_52 : memref<!tpu.dma_semaphore, #tpu.memory_space<semaphore_mem>>) src(%dma_wait3A_59 : memref<128xf32, #tpu.memory_space<vmem>>) dst(%dma_wait3A_64 : memref<100000xf32, #tpu.memory_space<vmem_shared>>)
        tpu.yield
      }) : () -> ()
      %run_scoped3A_37 = arith.constant 1 : i32
      "tpu.region"() ({
        %run_scoped3A_52 = tpu.sem_alloc : memref<!tpu.dma_semaphore, #tpu.memory_space<semaphore_mem>>
        %dma_start3A = arith.constant 128 : i32
        %dma_start3A_53 = tpu.memref_slice %arg7[%dma_start3A] : memref<2048xf32, #tpu.memory_space<vmem>> -> memref<128xf32, #tpu.memory_space<vmem>>
        %dma_start3A_54 = arith.constant 0 : i32
        %dma_start3A_55 = tpu.memref_slice %arg6[%run_scoped3A_37, %dma_start3A_54] : memref<16x128xi32, #tpu.memory_space<vmem>> -> memref<1x128xi32, #tpu.memory_space<vmem>>
        %dma_start3A_56 = tpu.memref_squeeze %dma_start3A_55 : memref<1x128xi32, #tpu.memory_space<vmem>> -> memref<128xi32, #tpu.memory_space<vmem>>
        %dma_start3A_57 = arith.constant 0 : i32
        %dma_start3A_58 = tpu.memref_slice %arg8[%dma_start3A_57] : memref<100000xf32, #tpu.memory_space<vmem_shared>> -> memref<100000xf32, #tpu.memory_space<vmem_shared>>
        tpu.enqueue_indirect_dma source(%dma_start3A_53 : memref<128xf32, #tpu.memory_space<vmem>>) target(%dma_start3A_58 : memref<100000xf32, #tpu.memory_space<vmem_shared>>) offsets(%dma_start3A_56 : memref<128xi32, #tpu.memory_space<vmem>>) semaphore(%run_scoped3A_52 : memref<!tpu.dma_semaphore, #tpu.memory_space<semaphore_mem>>) {add = true}
        %dma_wait3A = arith.constant 128 : i32
        %dma_wait3A_59 = tpu.memref_slice %arg7[%dma_wait3A] : memref<2048xf32, #tpu.memory_space<vmem>> -> memref<128xf32, #tpu.memory_space<vmem>>
        %dma_wait3A_60 = arith.constant 0 : i32
        %dma_wait3A_61 = tpu.memref_slice %arg6[%run_scoped3A_37, %dma_wait3A_60] : memref<16x128xi32, #tpu.memory_space<vmem>> -> memref<1x128xi32, #tpu.memory_space<vmem>>
        %dma_wait3A_62 = tpu.memref_squeeze %dma_wait3A_61 : memref<1x128xi32, #tpu.memory_space<vmem>> -> memref<128xi32, #tpu.memory_space<vmem>>
        %dma_wait3A_63 = arith.constant 0 : i32
        %dma_wait3A_64 = tpu.memref_slice %arg8[%dma_wait3A_63] : memref<100000xf32, #tpu.memory_space<vmem_shared>> -> memref<100000xf32, #tpu.memory_space<vmem_shared>>
        tpu.wait_indirect_dma semaphore(%run_scoped3A_52 : memref<!tpu.dma_semaphore, #tpu.memory_space<semaphore_mem>>) src(%dma_wait3A_59 : memref<128xf32, #tpu.memory_space<vmem>>) dst(%dma_wait3A_64 : memref<100000xf32, #tpu.memory_space<vmem_shared>>)
        tpu.yield
      }) : () -> ()
      %run_scoped3A_38 = arith.constant 2 : i32
      "tpu.region"() ({
        %run_scoped3A_52 = tpu.sem_alloc : memref<!tpu.dma_semaphore, #tpu.memory_space<semaphore_mem>>
        %dma_start3A = arith.constant 256 : i32
        %dma_start3A_53 = tpu.memref_slice %arg7[%dma_start3A] : memref<2048xf32, #tpu.memory_space<vmem>> -> memref<128xf32, #tpu.memory_space<vmem>>
        %dma_start3A_54 = arith.constant 0 : i32
        %dma_start3A_55 = tpu.memref_slice %arg6[%run_scoped3A_38, %dma_start3A_54] : memref<16x128xi32, #tpu.memory_space<vmem>> -> memref<1x128xi32, #tpu.memory_space<vmem>>
        %dma_start3A_56 = tpu.memref_squeeze %dma_start3A_55 : memref<1x128xi32, #tpu.memory_space<vmem>> -> memref<128xi32, #tpu.memory_space<vmem>>
        %dma_start3A_57 = arith.constant 0 : i32
        %dma_start3A_58 = tpu.memref_slice %arg8[%dma_start3A_57] : memref<100000xf32, #tpu.memory_space<vmem_shared>> -> memref<100000xf32, #tpu.memory_space<vmem_shared>>
        tpu.enqueue_indirect_dma source(%dma_start3A_53 : memref<128xf32, #tpu.memory_space<vmem>>) target(%dma_start3A_58 : memref<100000xf32, #tpu.memory_space<vmem_shared>>) offsets(%dma_start3A_56 : memref<128xi32, #tpu.memory_space<vmem>>) semaphore(%run_scoped3A_52 : memref<!tpu.dma_semaphore, #tpu.memory_space<semaphore_mem>>) {add = true}
        %dma_wait3A = arith.constant 256 : i32
        %dma_wait3A_59 = tpu.memref_slice %arg7[%dma_wait3A] : memref<2048xf32, #tpu.memory_space<vmem>> -> memref<128xf32, #tpu.memory_space<vmem>>
        %dma_wait3A_60 = arith.constant 0 : i32
        %dma_wait3A_61 = tpu.memref_slice %arg6[%run_scoped3A_38, %dma_wait3A_60] : memref<16x128xi32, #tpu.memory_space<vmem>> -> memref<1x128xi32, #tpu.memory_space<vmem>>
        %dma_wait3A_62 = tpu.memref_squeeze %dma_wait3A_61 : memref<1x128xi32, #tpu.memory_space<vmem>> -> memref<128xi32, #tpu.memory_space<vmem>>
        %dma_wait3A_63 = arith.constant 0 : i32
        %dma_wait3A_64 = tpu.memref_slice %arg8[%dma_wait3A_63] : memref<100000xf32, #tpu.memory_space<vmem_shared>> -> memref<100000xf32, #tpu.memory_space<vmem_shared>>
        tpu.wait_indirect_dma semaphore(%run_scoped3A_52 : memref<!tpu.dma_semaphore, #tpu.memory_space<semaphore_mem>>) src(%dma_wait3A_59 : memref<128xf32, #tpu.memory_space<vmem>>) dst(%dma_wait3A_64 : memref<100000xf32, #tpu.memory_space<vmem_shared>>)
        tpu.yield
      }) : () -> ()
      %run_scoped3A_39 = arith.constant 3 : i32
      "tpu.region"() ({
        %run_scoped3A_52 = tpu.sem_alloc : memref<!tpu.dma_semaphore, #tpu.memory_space<semaphore_mem>>
        %dma_start3A = arith.constant 384 : i32
        %dma_start3A_53 = tpu.memref_slice %arg7[%dma_start3A] : memref<2048xf32, #tpu.memory_space<vmem>> -> memref<128xf32, #tpu.memory_space<vmem>>
        %dma_start3A_54 = arith.constant 0 : i32
        %dma_start3A_55 = tpu.memref_slice %arg6[%run_scoped3A_39, %dma_start3A_54] : memref<16x128xi32, #tpu.memory_space<vmem>> -> memref<1x128xi32, #tpu.memory_space<vmem>>
        %dma_start3A_56 = tpu.memref_squeeze %dma_start3A_55 : memref<1x128xi32, #tpu.memory_space<vmem>> -> memref<128xi32, #tpu.memory_space<vmem>>
        %dma_start3A_57 = arith.constant 0 : i32
        %dma_start3A_58 = tpu.memref_slice %arg8[%dma_start3A_57] : memref<100000xf32, #tpu.memory_space<vmem_shared>> -> memref<100000xf32, #tpu.memory_space<vmem_shared>>
        tpu.enqueue_indirect_dma source(%dma_start3A_53 : memref<128xf32, #tpu.memory_space<vmem>>) target(%dma_start3A_58 : memref<100000xf32, #tpu.memory_space<vmem_shared>>) offsets(%dma_start3A_56 : memref<128xi32, #tpu.memory_space<vmem>>) semaphore(%run_scoped3A_52 : memref<!tpu.dma_semaphore, #tpu.memory_space<semaphore_mem>>) {add = true}
        %dma_wait3A = arith.constant 384 : i32
        %dma_wait3A_59 = tpu.memref_slice %arg7[%dma_wait3A] : memref<2048xf32, #tpu.memory_space<vmem>> -> memref<128xf32, #tpu.memory_space<vmem>>
        %dma_wait3A_60 = arith.constant 0 : i32
        %dma_wait3A_61 = tpu.memref_slice %arg6[%run_scoped3A_39, %dma_wait3A_60] : memref<16x128xi32, #tpu.memory_space<vmem>> -> memref<1x128xi32, #tpu.memory_space<vmem>>
        %dma_wait3A_62 = tpu.memref_squeeze %dma_wait3A_61 : memref<1x128xi32, #tpu.memory_space<vmem>> -> memref<128xi32, #tpu.memory_space<vmem>>
        %dma_wait3A_63 = arith.constant 0 : i32
        %dma_wait3A_64 = tpu.memref_slice %arg8[%dma_wait3A_63] : memref<100000xf32, #tpu.memory_space<vmem_shared>> -> memref<100000xf32, #tpu.memory_space<vmem_shared>>
        tpu.wait_indirect_dma semaphore(%run_scoped3A_52 : memref<!tpu.dma_semaphore, #tpu.memory_space<semaphore_mem>>) src(%dma_wait3A_59 : memref<128xf32, #tpu.memory_space<vmem>>) dst(%dma_wait3A_64 : memref<100000xf32, #tpu.memory_space<vmem_shared>>)
        tpu.yield
      }) : () -> ()
      %run_scoped3A_40 = arith.constant 4 : i32
      "tpu.region"() ({
        %run_scoped3A_52 = tpu.sem_alloc : memref<!tpu.dma_semaphore, #tpu.memory_space<semaphore_mem>>
        %dma_start3A = arith.constant 512 : i32
        %dma_start3A_53 = tpu.memref_slice %arg7[%dma_start3A] : memref<2048xf32, #tpu.memory_space<vmem>> -> memref<128xf32, #tpu.memory_space<vmem>>
        %dma_start3A_54 = arith.constant 0 : i32
        %dma_start3A_55 = tpu.memref_slice %arg6[%run_scoped3A_40, %dma_start3A_54] : memref<16x128xi32, #tpu.memory_space<vmem>> -> memref<1x128xi32, #tpu.memory_space<vmem>>
        %dma_start3A_56 = tpu.memref_squeeze %dma_start3A_55 : memref<1x128xi32, #tpu.memory_space<vmem>> -> memref<128xi32, #tpu.memory_space<vmem>>
        %dma_start3A_57 = arith.constant 0 : i32
        %dma_start3A_58 = tpu.memref_slice %arg8[%dma_start3A_57] : memref<100000xf32, #tpu.memory_space<vmem_shared>> -> memref<100000xf32, #tpu.memory_space<vmem_shared>>
        tpu.enqueue_indirect_dma source(%dma_start3A_53 : memref<128xf32, #tpu.memory_space<vmem>>) target(%dma_start3A_58 : memref<100000xf32, #tpu.memory_space<vmem_shared>>) offsets(%dma_start3A_56 : memref<128xi32, #tpu.memory_space<vmem>>) semaphore(%run_scoped3A_52 : memref<!tpu.dma_semaphore, #tpu.memory_space<semaphore_mem>>) {add = true}
        %dma_wait3A = arith.constant 512 : i32
        %dma_wait3A_59 = tpu.memref_slice %arg7[%dma_wait3A] : memref<2048xf32, #tpu.memory_space<vmem>> -> memref<128xf32, #tpu.memory_space<vmem>>
        %dma_wait3A_60 = arith.constant 0 : i32
        %dma_wait3A_61 = tpu.memref_slice %arg6[%run_scoped3A_40, %dma_wait3A_60] : memref<16x128xi32, #tpu.memory_space<vmem>> -> memref<1x128xi32, #tpu.memory_space<vmem>>
        %dma_wait3A_62 = tpu.memref_squeeze %dma_wait3A_61 : memref<1x128xi32, #tpu.memory_space<vmem>> -> memref<128xi32, #tpu.memory_space<vmem>>
        %dma_wait3A_63 = arith.constant 0 : i32
        %dma_wait3A_64 = tpu.memref_slice %arg8[%dma_wait3A_63] : memref<100000xf32, #tpu.memory_space<vmem_shared>> -> memref<100000xf32, #tpu.memory_space<vmem_shared>>
        tpu.wait_indirect_dma semaphore(%run_scoped3A_52 : memref<!tpu.dma_semaphore, #tpu.memory_space<semaphore_mem>>) src(%dma_wait3A_59 : memref<128xf32, #tpu.memory_space<vmem>>) dst(%dma_wait3A_64 : memref<100000xf32, #tpu.memory_space<vmem_shared>>)
        tpu.yield
      }) : () -> ()
      %run_scoped3A_41 = arith.constant 5 : i32
      "tpu.region"() ({
        %run_scoped3A_52 = tpu.sem_alloc : memref<!tpu.dma_semaphore, #tpu.memory_space<semaphore_mem>>
        %dma_start3A = arith.constant 640 : i32
        %dma_start3A_53 = tpu.memref_slice %arg7[%dma_start3A] : memref<2048xf32, #tpu.memory_space<vmem>> -> memref<128xf32, #tpu.memory_space<vmem>>
        %dma_start3A_54 = arith.constant 0 : i32
        %dma_start3A_55 = tpu.memref_slice %arg6[%run_scoped3A_41, %dma_start3A_54] : memref<16x128xi32, #tpu.memory_space<vmem>> -> memref<1x128xi32, #tpu.memory_space<vmem>>
        %dma_start3A_56 = tpu.memref_squeeze %dma_start3A_55 : memref<1x128xi32, #tpu.memory_space<vmem>> -> memref<128xi32, #tpu.memory_space<vmem>>
        %dma_start3A_57 = arith.constant 0 : i32
        %dma_start3A_58 = tpu.memref_slice %arg8[%dma_start3A_57] : memref<100000xf32, #tpu.memory_space<vmem_shared>> -> memref<100000xf32, #tpu.memory_space<vmem_shared>>
        tpu.enqueue_indirect_dma source(%dma_start3A_53 : memref<128xf32, #tpu.memory_space<vmem>>) target(%dma_start3A_58 : memref<100000xf32, #tpu.memory_space<vmem_shared>>) offsets(%dma_start3A_56 : memref<128xi32, #tpu.memory_space<vmem>>) semaphore(%run_scoped3A_52 : memref<!tpu.dma_semaphore, #tpu.memory_space<semaphore_mem>>) {add = true}
        %dma_wait3A = arith.constant 640 : i32
        %dma_wait3A_59 = tpu.memref_slice %arg7[%dma_wait3A] : memref<2048xf32, #tpu.memory_space<vmem>> -> memref<128xf32, #tpu.memory_space<vmem>>
        %dma_wait3A_60 = arith.constant 0 : i32
        %dma_wait3A_61 = tpu.memref_slice %arg6[%run_scoped3A_41, %dma_wait3A_60] : memref<16x128xi32, #tpu.memory_space<vmem>> -> memref<1x128xi32, #tpu.memory_space<vmem>>
        %dma_wait3A_62 = tpu.memref_squeeze %dma_wait3A_61 : memref<1x128xi32, #tpu.memory_space<vmem>> -> memref<128xi32, #tpu.memory_space<vmem>>
        %dma_wait3A_63 = arith.constant 0 : i32
        %dma_wait3A_64 = tpu.memref_slice %arg8[%dma_wait3A_63] : memref<100000xf32, #tpu.memory_space<vmem_shared>> -> memref<100000xf32, #tpu.memory_space<vmem_shared>>
        tpu.wait_indirect_dma semaphore(%run_scoped3A_52 : memref<!tpu.dma_semaphore, #tpu.memory_space<semaphore_mem>>) src(%dma_wait3A_59 : memref<128xf32, #tpu.memory_space<vmem>>) dst(%dma_wait3A_64 : memref<100000xf32, #tpu.memory_space<vmem_shared>>)
        tpu.yield
      }) : () -> ()
      %run_scoped3A_42 = arith.constant 6 : i32
      "tpu.region"() ({
        %run_scoped3A_52 = tpu.sem_alloc : memref<!tpu.dma_semaphore, #tpu.memory_space<semaphore_mem>>
        %dma_start3A = arith.constant 768 : i32
        %dma_start3A_53 = tpu.memref_slice %arg7[%dma_start3A] : memref<2048xf32, #tpu.memory_space<vmem>> -> memref<128xf32, #tpu.memory_space<vmem>>
        %dma_start3A_54 = arith.constant 0 : i32
        %dma_start3A_55 = tpu.memref_slice %arg6[%run_scoped3A_42, %dma_start3A_54] : memref<16x128xi32, #tpu.memory_space<vmem>> -> memref<1x128xi32, #tpu.memory_space<vmem>>
        %dma_start3A_56 = tpu.memref_squeeze %dma_start3A_55 : memref<1x128xi32, #tpu.memory_space<vmem>> -> memref<128xi32, #tpu.memory_space<vmem>>
        %dma_start3A_57 = arith.constant 0 : i32
        %dma_start3A_58 = tpu.memref_slice %arg8[%dma_start3A_57] : memref<100000xf32, #tpu.memory_space<vmem_shared>> -> memref<100000xf32, #tpu.memory_space<vmem_shared>>
        tpu.enqueue_indirect_dma source(%dma_start3A_53 : memref<128xf32, #tpu.memory_space<vmem>>) target(%dma_start3A_58 : memref<100000xf32, #tpu.memory_space<vmem_shared>>) offsets(%dma_start3A_56 : memref<128xi32, #tpu.memory_space<vmem>>) semaphore(%run_scoped3A_52 : memref<!tpu.dma_semaphore, #tpu.memory_space<semaphore_mem>>) {add = true}
        %dma_wait3A = arith.constant 768 : i32
        %dma_wait3A_59 = tpu.memref_slice %arg7[%dma_wait3A] : memref<2048xf32, #tpu.memory_space<vmem>> -> memref<128xf32, #tpu.memory_space<vmem>>
        %dma_wait3A_60 = arith.constant 0 : i32
        %dma_wait3A_61 = tpu.memref_slice %arg6[%run_scoped3A_42, %dma_wait3A_60] : memref<16x128xi32, #tpu.memory_space<vmem>> -> memref<1x128xi32, #tpu.memory_space<vmem>>
        %dma_wait3A_62 = tpu.memref_squeeze %dma_wait3A_61 : memref<1x128xi32, #tpu.memory_space<vmem>> -> memref<128xi32, #tpu.memory_space<vmem>>
        %dma_wait3A_63 = arith.constant 0 : i32
        %dma_wait3A_64 = tpu.memref_slice %arg8[%dma_wait3A_63] : memref<100000xf32, #tpu.memory_space<vmem_shared>> -> memref<100000xf32, #tpu.memory_space<vmem_shared>>
        tpu.wait_indirect_dma semaphore(%run_scoped3A_52 : memref<!tpu.dma_semaphore, #tpu.memory_space<semaphore_mem>>) src(%dma_wait3A_59 : memref<128xf32, #tpu.memory_space<vmem>>) dst(%dma_wait3A_64 : memref<100000xf32, #tpu.memory_space<vmem_shared>>)
        tpu.yield
      }) : () -> ()
      %run_scoped3A_43 = arith.constant 7 : i32
      "tpu.region"() ({
        %run_scoped3A_52 = tpu.sem_alloc : memref<!tpu.dma_semaphore, #tpu.memory_space<semaphore_mem>>
        %dma_start3A = arith.constant 896 : i32
        %dma_start3A_53 = tpu.memref_slice %arg7[%dma_start3A] : memref<2048xf32, #tpu.memory_space<vmem>> -> memref<128xf32, #tpu.memory_space<vmem>>
        %dma_start3A_54 = arith.constant 0 : i32
        %dma_start3A_55 = tpu.memref_slice %arg6[%run_scoped3A_43, %dma_start3A_54] : memref<16x128xi32, #tpu.memory_space<vmem>> -> memref<1x128xi32, #tpu.memory_space<vmem>>
        %dma_start3A_56 = tpu.memref_squeeze %dma_start3A_55 : memref<1x128xi32, #tpu.memory_space<vmem>> -> memref<128xi32, #tpu.memory_space<vmem>>
        %dma_start3A_57 = arith.constant 0 : i32
        %dma_start3A_58 = tpu.memref_slice %arg8[%dma_start3A_57] : memref<100000xf32, #tpu.memory_space<vmem_shared>> -> memref<100000xf32, #tpu.memory_space<vmem_shared>>
        tpu.enqueue_indirect_dma source(%dma_start3A_53 : memref<128xf32, #tpu.memory_space<vmem>>) target(%dma_start3A_58 : memref<100000xf32, #tpu.memory_space<vmem_shared>>) offsets(%dma_start3A_56 : memref<128xi32, #tpu.memory_space<vmem>>) semaphore(%run_scoped3A_52 : memref<!tpu.dma_semaphore, #tpu.memory_space<semaphore_mem>>) {add = true}
        %dma_wait3A = arith.constant 896 : i32
        %dma_wait3A_59 = tpu.memref_slice %arg7[%dma_wait3A] : memref<2048xf32, #tpu.memory_space<vmem>> -> memref<128xf32, #tpu.memory_space<vmem>>
        %dma_wait3A_60 = arith.constant 0 : i32
        %dma_wait3A_61 = tpu.memref_slice %arg6[%run_scoped3A_43, %dma_wait3A_60] : memref<16x128xi32, #tpu.memory_space<vmem>> -> memref<1x128xi32, #tpu.memory_space<vmem>>
        %dma_wait3A_62 = tpu.memref_squeeze %dma_wait3A_61 : memref<1x128xi32, #tpu.memory_space<vmem>> -> memref<128xi32, #tpu.memory_space<vmem>>
        %dma_wait3A_63 = arith.constant 0 : i32
        %dma_wait3A_64 = tpu.memref_slice %arg8[%dma_wait3A_63] : memref<100000xf32, #tpu.memory_space<vmem_shared>> -> memref<100000xf32, #tpu.memory_space<vmem_shared>>
        tpu.wait_indirect_dma semaphore(%run_scoped3A_52 : memref<!tpu.dma_semaphore, #tpu.memory_space<semaphore_mem>>) src(%dma_wait3A_59 : memref<128xf32, #tpu.memory_space<vmem>>) dst(%dma_wait3A_64 : memref<100000xf32, #tpu.memory_space<vmem_shared>>)
        tpu.yield
      }) : () -> ()
      %run_scoped3A_44 = arith.constant 8 : i32
      "tpu.region"() ({
        %run_scoped3A_52 = tpu.sem_alloc : memref<!tpu.dma_semaphore, #tpu.memory_space<semaphore_mem>>
        %dma_start3A = arith.constant 1024 : i32
        %dma_start3A_53 = tpu.memref_slice %arg7[%dma_start3A] : memref<2048xf32, #tpu.memory_space<vmem>> -> memref<128xf32, #tpu.memory_space<vmem>>
        %dma_start3A_54 = arith.constant 0 : i32
        %dma_start3A_55 = tpu.memref_slice %arg6[%run_scoped3A_44, %dma_start3A_54] : memref<16x128xi32, #tpu.memory_space<vmem>> -> memref<1x128xi32, #tpu.memory_space<vmem>>
        %dma_start3A_56 = tpu.memref_squeeze %dma_start3A_55 : memref<1x128xi32, #tpu.memory_space<vmem>> -> memref<128xi32, #tpu.memory_space<vmem>>
        %dma_start3A_57 = arith.constant 0 : i32
        %dma_start3A_58 = tpu.memref_slice %arg8[%dma_start3A_57] : memref<100000xf32, #tpu.memory_space<vmem_shared>> -> memref<100000xf32, #tpu.memory_space<vmem_shared>>
        tpu.enqueue_indirect_dma source(%dma_start3A_53 : memref<128xf32, #tpu.memory_space<vmem>>) target(%dma_start3A_58 : memref<100000xf32, #tpu.memory_space<vmem_shared>>) offsets(%dma_start3A_56 : memref<128xi32, #tpu.memory_space<vmem>>) semaphore(%run_scoped3A_52 : memref<!tpu.dma_semaphore, #tpu.memory_space<semaphore_mem>>) {add = true}
        %dma_wait3A = arith.constant 1024 : i32
        %dma_wait3A_59 = tpu.memref_slice %arg7[%dma_wait3A] : memref<2048xf32, #tpu.memory_space<vmem>> -> memref<128xf32, #tpu.memory_space<vmem>>
        %dma_wait3A_60 = arith.constant 0 : i32
        %dma_wait3A_61 = tpu.memref_slice %arg6[%run_scoped3A_44, %dma_wait3A_60] : memref<16x128xi32, #tpu.memory_space<vmem>> -> memref<1x128xi32, #tpu.memory_space<vmem>>
        %dma_wait3A_62 = tpu.memref_squeeze %dma_wait3A_61 : memref<1x128xi32, #tpu.memory_space<vmem>> -> memref<128xi32, #tpu.memory_space<vmem>>
        %dma_wait3A_63 = arith.constant 0 : i32
        %dma_wait3A_64 = tpu.memref_slice %arg8[%dma_wait3A_63] : memref<100000xf32, #tpu.memory_space<vmem_shared>> -> memref<100000xf32, #tpu.memory_space<vmem_shared>>
        tpu.wait_indirect_dma semaphore(%run_scoped3A_52 : memref<!tpu.dma_semaphore, #tpu.memory_space<semaphore_mem>>) src(%dma_wait3A_59 : memref<128xf32, #tpu.memory_space<vmem>>) dst(%dma_wait3A_64 : memref<100000xf32, #tpu.memory_space<vmem_shared>>)
        tpu.yield
      }) : () -> ()
      %run_scoped3A_45 = arith.constant 9 : i32
      "tpu.region"() ({
        %run_scoped3A_52 = tpu.sem_alloc : memref<!tpu.dma_semaphore, #tpu.memory_space<semaphore_mem>>
        %dma_start3A = arith.constant 1152 : i32
        %dma_start3A_53 = tpu.memref_slice %arg7[%dma_start3A] : memref<2048xf32, #tpu.memory_space<vmem>> -> memref<128xf32, #tpu.memory_space<vmem>>
        %dma_start3A_54 = arith.constant 0 : i32
        %dma_start3A_55 = tpu.memref_slice %arg6[%run_scoped3A_45, %dma_start3A_54] : memref<16x128xi32, #tpu.memory_space<vmem>> -> memref<1x128xi32, #tpu.memory_space<vmem>>
        %dma_start3A_56 = tpu.memref_squeeze %dma_start3A_55 : memref<1x128xi32, #tpu.memory_space<vmem>> -> memref<128xi32, #tpu.memory_space<vmem>>
        %dma_start3A_57 = arith.constant 0 : i32
        %dma_start3A_58 = tpu.memref_slice %arg8[%dma_start3A_57] : memref<100000xf32, #tpu.memory_space<vmem_shared>> -> memref<100000xf32, #tpu.memory_space<vmem_shared>>
        tpu.enqueue_indirect_dma source(%dma_start3A_53 : memref<128xf32, #tpu.memory_space<vmem>>) target(%dma_start3A_58 : memref<100000xf32, #tpu.memory_space<vmem_shared>>) offsets(%dma_start3A_56 : memref<128xi32, #tpu.memory_space<vmem>>) semaphore(%run_scoped3A_52 : memref<!tpu.dma_semaphore, #tpu.memory_space<semaphore_mem>>) {add = true}
        %dma_wait3A = arith.constant 1152 : i32
        %dma_wait3A_59 = tpu.memref_slice %arg7[%dma_wait3A] : memref<2048xf32, #tpu.memory_space<vmem>> -> memref<128xf32, #tpu.memory_space<vmem>>
        %dma_wait3A_60 = arith.constant 0 : i32
        %dma_wait3A_61 = tpu.memref_slice %arg6[%run_scoped3A_45, %dma_wait3A_60] : memref<16x128xi32, #tpu.memory_space<vmem>> -> memref<1x128xi32, #tpu.memory_space<vmem>>
        %dma_wait3A_62 = tpu.memref_squeeze %dma_wait3A_61 : memref<1x128xi32, #tpu.memory_space<vmem>> -> memref<128xi32, #tpu.memory_space<vmem>>
        %dma_wait3A_63 = arith.constant 0 : i32
        %dma_wait3A_64 = tpu.memref_slice %arg8[%dma_wait3A_63] : memref<100000xf32, #tpu.memory_space<vmem_shared>> -> memref<100000xf32, #tpu.memory_space<vmem_shared>>
        tpu.wait_indirect_dma semaphore(%run_scoped3A_52 : memref<!tpu.dma_semaphore, #tpu.memory_space<semaphore_mem>>) src(%dma_wait3A_59 : memref<128xf32, #tpu.memory_space<vmem>>) dst(%dma_wait3A_64 : memref<100000xf32, #tpu.memory_space<vmem_shared>>)
        tpu.yield
      }) : () -> ()
      %run_scoped3A_46 = arith.constant 10 : i32
      "tpu.region"() ({
        %run_scoped3A_52 = tpu.sem_alloc : memref<!tpu.dma_semaphore, #tpu.memory_space<semaphore_mem>>
        %dma_start3A = arith.constant 1280 : i32
        %dma_start3A_53 = tpu.memref_slice %arg7[%dma_start3A] : memref<2048xf32, #tpu.memory_space<vmem>> -> memref<128xf32, #tpu.memory_space<vmem>>
        %dma_start3A_54 = arith.constant 0 : i32
        %dma_start3A_55 = tpu.memref_slice %arg6[%run_scoped3A_46, %dma_start3A_54] : memref<16x128xi32, #tpu.memory_space<vmem>> -> memref<1x128xi32, #tpu.memory_space<vmem>>
        %dma_start3A_56 = tpu.memref_squeeze %dma_start3A_55 : memref<1x128xi32, #tpu.memory_space<vmem>> -> memref<128xi32, #tpu.memory_space<vmem>>
        %dma_start3A_57 = arith.constant 0 : i32
        %dma_start3A_58 = tpu.memref_slice %arg8[%dma_start3A_57] : memref<100000xf32, #tpu.memory_space<vmem_shared>> -> memref<100000xf32, #tpu.memory_space<vmem_shared>>
        tpu.enqueue_indirect_dma source(%dma_start3A_53 : memref<128xf32, #tpu.memory_space<vmem>>) target(%dma_start3A_58 : memref<100000xf32, #tpu.memory_space<vmem_shared>>) offsets(%dma_start3A_56 : memref<128xi32, #tpu.memory_space<vmem>>) semaphore(%run_scoped3A_52 : memref<!tpu.dma_semaphore, #tpu.memory_space<semaphore_mem>>) {add = true}
        %dma_wait3A = arith.constant 1280 : i32
        %dma_wait3A_59 = tpu.memref_slice %arg7[%dma_wait3A] : memref<2048xf32, #tpu.memory_space<vmem>> -> memref<128xf32, #tpu.memory_space<vmem>>
        %dma_wait3A_60 = arith.constant 0 : i32
        %dma_wait3A_61 = tpu.memref_slice %arg6[%run_scoped3A_46, %dma_wait3A_60] : memref<16x128xi32, #tpu.memory_space<vmem>> -> memref<1x128xi32, #tpu.memory_space<vmem>>
        %dma_wait3A_62 = tpu.memref_squeeze %dma_wait3A_61 : memref<1x128xi32, #tpu.memory_space<vmem>> -> memref<128xi32, #tpu.memory_space<vmem>>
        %dma_wait3A_63 = arith.constant 0 : i32
        %dma_wait3A_64 = tpu.memref_slice %arg8[%dma_wait3A_63] : memref<100000xf32, #tpu.memory_space<vmem_shared>> -> memref<100000xf32, #tpu.memory_space<vmem_shared>>
        tpu.wait_indirect_dma semaphore(%run_scoped3A_52 : memref<!tpu.dma_semaphore, #tpu.memory_space<semaphore_mem>>) src(%dma_wait3A_59 : memref<128xf32, #tpu.memory_space<vmem>>) dst(%dma_wait3A_64 : memref<100000xf32, #tpu.memory_space<vmem_shared>>)
        tpu.yield
      }) : () -> ()
      %run_scoped3A_47 = arith.constant 11 : i32
      "tpu.region"() ({
        %run_scoped3A_52 = tpu.sem_alloc : memref<!tpu.dma_semaphore, #tpu.memory_space<semaphore_mem>>
        %dma_start3A = arith.constant 1408 : i32
        %dma_start3A_53 = tpu.memref_slice %arg7[%dma_start3A] : memref<2048xf32, #tpu.memory_space<vmem>> -> memref<128xf32, #tpu.memory_space<vmem>>
        %dma_start3A_54 = arith.constant 0 : i32
        %dma_start3A_55 = tpu.memref_slice %arg6[%run_scoped3A_47, %dma_start3A_54] : memref<16x128xi32, #tpu.memory_space<vmem>> -> memref<1x128xi32, #tpu.memory_space<vmem>>
        %dma_start3A_56 = tpu.memref_squeeze %dma_start3A_55 : memref<1x128xi32, #tpu.memory_space<vmem>> -> memref<128xi32, #tpu.memory_space<vmem>>
        %dma_start3A_57 = arith.constant 0 : i32
        %dma_start3A_58 = tpu.memref_slice %arg8[%dma_start3A_57] : memref<100000xf32, #tpu.memory_space<vmem_shared>> -> memref<100000xf32, #tpu.memory_space<vmem_shared>>
        tpu.enqueue_indirect_dma source(%dma_start3A_53 : memref<128xf32, #tpu.memory_space<vmem>>) target(%dma_start3A_58 : memref<100000xf32, #tpu.memory_space<vmem_shared>>) offsets(%dma_start3A_56 : memref<128xi32, #tpu.memory_space<vmem>>) semaphore(%run_scoped3A_52 : memref<!tpu.dma_semaphore, #tpu.memory_space<semaphore_mem>>) {add = true}
        %dma_wait3A = arith.constant 1408 : i32
        %dma_wait3A_59 = tpu.memref_slice %arg7[%dma_wait3A] : memref<2048xf32, #tpu.memory_space<vmem>> -> memref<128xf32, #tpu.memory_space<vmem>>
        %dma_wait3A_60 = arith.constant 0 : i32
        %dma_wait3A_61 = tpu.memref_slice %arg6[%run_scoped3A_47, %dma_wait3A_60] : memref<16x128xi32, #tpu.memory_space<vmem>> -> memref<1x128xi32, #tpu.memory_space<vmem>>
        %dma_wait3A_62 = tpu.memref_squeeze %dma_wait3A_61 : memref<1x128xi32, #tpu.memory_space<vmem>> -> memref<128xi32, #tpu.memory_space<vmem>>
        %dma_wait3A_63 = arith.constant 0 : i32
        %dma_wait3A_64 = tpu.memref_slice %arg8[%dma_wait3A_63] : memref<100000xf32, #tpu.memory_space<vmem_shared>> -> memref<100000xf32, #tpu.memory_space<vmem_shared>>
        tpu.wait_indirect_dma semaphore(%run_scoped3A_52 : memref<!tpu.dma_semaphore, #tpu.memory_space<semaphore_mem>>) src(%dma_wait3A_59 : memref<128xf32, #tpu.memory_space<vmem>>) dst(%dma_wait3A_64 : memref<100000xf32, #tpu.memory_space<vmem_shared>>)
        tpu.yield
      }) : () -> ()
      %run_scoped3A_48 = arith.constant 12 : i32
      "tpu.region"() ({
        %run_scoped3A_52 = tpu.sem_alloc : memref<!tpu.dma_semaphore, #tpu.memory_space<semaphore_mem>>
        %dma_start3A = arith.constant 1536 : i32
        %dma_start3A_53 = tpu.memref_slice %arg7[%dma_start3A] : memref<2048xf32, #tpu.memory_space<vmem>> -> memref<128xf32, #tpu.memory_space<vmem>>
        %dma_start3A_54 = arith.constant 0 : i32
        %dma_start3A_55 = tpu.memref_slice %arg6[%run_scoped3A_48, %dma_start3A_54] : memref<16x128xi32, #tpu.memory_space<vmem>> -> memref<1x128xi32, #tpu.memory_space<vmem>>
        %dma_start3A_56 = tpu.memref_squeeze %dma_start3A_55 : memref<1x128xi32, #tpu.memory_space<vmem>> -> memref<128xi32, #tpu.memory_space<vmem>>
        %dma_start3A_57 = arith.constant 0 : i32
        %dma_start3A_58 = tpu.memref_slice %arg8[%dma_start3A_57] : memref<100000xf32, #tpu.memory_space<vmem_shared>> -> memref<100000xf32, #tpu.memory_space<vmem_shared>>
        tpu.enqueue_indirect_dma source(%dma_start3A_53 : memref<128xf32, #tpu.memory_space<vmem>>) target(%dma_start3A_58 : memref<100000xf32, #tpu.memory_space<vmem_shared>>) offsets(%dma_start3A_56 : memref<128xi32, #tpu.memory_space<vmem>>) semaphore(%run_scoped3A_52 : memref<!tpu.dma_semaphore, #tpu.memory_space<semaphore_mem>>) {add = true}
        %dma_wait3A = arith.constant 1536 : i32
        %dma_wait3A_59 = tpu.memref_slice %arg7[%dma_wait3A] : memref<2048xf32, #tpu.memory_space<vmem>> -> memref<128xf32, #tpu.memory_space<vmem>>
        %dma_wait3A_60 = arith.constant 0 : i32
        %dma_wait3A_61 = tpu.memref_slice %arg6[%run_scoped3A_48, %dma_wait3A_60] : memref<16x128xi32, #tpu.memory_space<vmem>> -> memref<1x128xi32, #tpu.memory_space<vmem>>
        %dma_wait3A_62 = tpu.memref_squeeze %dma_wait3A_61 : memref<1x128xi32, #tpu.memory_space<vmem>> -> memref<128xi32, #tpu.memory_space<vmem>>
        %dma_wait3A_63 = arith.constant 0 : i32
        %dma_wait3A_64 = tpu.memref_slice %arg8[%dma_wait3A_63] : memref<100000xf32, #tpu.memory_space<vmem_shared>> -> memref<100000xf32, #tpu.memory_space<vmem_shared>>
        tpu.wait_indirect_dma semaphore(%run_scoped3A_52 : memref<!tpu.dma_semaphore, #tpu.memory_space<semaphore_mem>>) src(%dma_wait3A_59 : memref<128xf32, #tpu.memory_space<vmem>>) dst(%dma_wait3A_64 : memref<100000xf32, #tpu.memory_space<vmem_shared>>)
        tpu.yield
      }) : () -> ()
      %run_scoped3A_49 = arith.constant 13 : i32
      "tpu.region"() ({
        %run_scoped3A_52 = tpu.sem_alloc : memref<!tpu.dma_semaphore, #tpu.memory_space<semaphore_mem>>
        %dma_start3A = arith.constant 1664 : i32
        %dma_start3A_53 = tpu.memref_slice %arg7[%dma_start3A] : memref<2048xf32, #tpu.memory_space<vmem>> -> memref<128xf32, #tpu.memory_space<vmem>>
        %dma_start3A_54 = arith.constant 0 : i32
        %dma_start3A_55 = tpu.memref_slice %arg6[%run_scoped3A_49, %dma_start3A_54] : memref<16x128xi32, #tpu.memory_space<vmem>> -> memref<1x128xi32, #tpu.memory_space<vmem>>
        %dma_start3A_56 = tpu.memref_squeeze %dma_start3A_55 : memref<1x128xi32, #tpu.memory_space<vmem>> -> memref<128xi32, #tpu.memory_space<vmem>>
        %dma_start3A_57 = arith.constant 0 : i32
        %dma_start3A_58 = tpu.memref_slice %arg8[%dma_start3A_57] : memref<100000xf32, #tpu.memory_space<vmem_shared>> -> memref<100000xf32, #tpu.memory_space<vmem_shared>>
        tpu.enqueue_indirect_dma source(%dma_start3A_53 : memref<128xf32, #tpu.memory_space<vmem>>) target(%dma_start3A_58 : memref<100000xf32, #tpu.memory_space<vmem_shared>>) offsets(%dma_start3A_56 : memref<128xi32, #tpu.memory_space<vmem>>) semaphore(%run_scoped3A_52 : memref<!tpu.dma_semaphore, #tpu.memory_space<semaphore_mem>>) {add = true}
        %dma_wait3A = arith.constant 1664 : i32
        %dma_wait3A_59 = tpu.memref_slice %arg7[%dma_wait3A] : memref<2048xf32, #tpu.memory_space<vmem>> -> memref<128xf32, #tpu.memory_space<vmem>>
        %dma_wait3A_60 = arith.constant 0 : i32
        %dma_wait3A_61 = tpu.memref_slice %arg6[%run_scoped3A_49, %dma_wait3A_60] : memref<16x128xi32, #tpu.memory_space<vmem>> -> memref<1x128xi32, #tpu.memory_space<vmem>>
        %dma_wait3A_62 = tpu.memref_squeeze %dma_wait3A_61 : memref<1x128xi32, #tpu.memory_space<vmem>> -> memref<128xi32, #tpu.memory_space<vmem>>
        %dma_wait3A_63 = arith.constant 0 : i32
        %dma_wait3A_64 = tpu.memref_slice %arg8[%dma_wait3A_63] : memref<100000xf32, #tpu.memory_space<vmem_shared>> -> memref<100000xf32, #tpu.memory_space<vmem_shared>>
        tpu.wait_indirect_dma semaphore(%run_scoped3A_52 : memref<!tpu.dma_semaphore, #tpu.memory_space<semaphore_mem>>) src(%dma_wait3A_59 : memref<128xf32, #tpu.memory_space<vmem>>) dst(%dma_wait3A_64 : memref<100000xf32, #tpu.memory_space<vmem_shared>>)
        tpu.yield
      }) : () -> ()
      %run_scoped3A_50 = arith.constant 14 : i32
      "tpu.region"() ({
        %run_scoped3A_52 = tpu.sem_alloc : memref<!tpu.dma_semaphore, #tpu.memory_space<semaphore_mem>>
        %dma_start3A = arith.constant 1792 : i32
        %dma_start3A_53 = tpu.memref_slice %arg7[%dma_start3A] : memref<2048xf32, #tpu.memory_space<vmem>> -> memref<128xf32, #tpu.memory_space<vmem>>
        %dma_start3A_54 = arith.constant 0 : i32
        %dma_start3A_55 = tpu.memref_slice %arg6[%run_scoped3A_50, %dma_start3A_54] : memref<16x128xi32, #tpu.memory_space<vmem>> -> memref<1x128xi32, #tpu.memory_space<vmem>>
        %dma_start3A_56 = tpu.memref_squeeze %dma_start3A_55 : memref<1x128xi32, #tpu.memory_space<vmem>> -> memref<128xi32, #tpu.memory_space<vmem>>
        %dma_start3A_57 = arith.constant 0 : i32
        %dma_start3A_58 = tpu.memref_slice %arg8[%dma_start3A_57] : memref<100000xf32, #tpu.memory_space<vmem_shared>> -> memref<100000xf32, #tpu.memory_space<vmem_shared>>
        tpu.enqueue_indirect_dma source(%dma_start3A_53 : memref<128xf32, #tpu.memory_space<vmem>>) target(%dma_start3A_58 : memref<100000xf32, #tpu.memory_space<vmem_shared>>) offsets(%dma_start3A_56 : memref<128xi32, #tpu.memory_space<vmem>>) semaphore(%run_scoped3A_52 : memref<!tpu.dma_semaphore, #tpu.memory_space<semaphore_mem>>) {add = true}
        %dma_wait3A = arith.constant 1792 : i32
        %dma_wait3A_59 = tpu.memref_slice %arg7[%dma_wait3A] : memref<2048xf32, #tpu.memory_space<vmem>> -> memref<128xf32, #tpu.memory_space<vmem>>
        %dma_wait3A_60 = arith.constant 0 : i32
        %dma_wait3A_61 = tpu.memref_slice %arg6[%run_scoped3A_50, %dma_wait3A_60] : memref<16x128xi32, #tpu.memory_space<vmem>> -> memref<1x128xi32, #tpu.memory_space<vmem>>
        %dma_wait3A_62 = tpu.memref_squeeze %dma_wait3A_61 : memref<1x128xi32, #tpu.memory_space<vmem>> -> memref<128xi32, #tpu.memory_space<vmem>>
        %dma_wait3A_63 = arith.constant 0 : i32
        %dma_wait3A_64 = tpu.memref_slice %arg8[%dma_wait3A_63] : memref<100000xf32, #tpu.memory_space<vmem_shared>> -> memref<100000xf32, #tpu.memory_space<vmem_shared>>
        tpu.wait_indirect_dma semaphore(%run_scoped3A_52 : memref<!tpu.dma_semaphore, #tpu.memory_space<semaphore_mem>>) src(%dma_wait3A_59 : memref<128xf32, #tpu.memory_space<vmem>>) dst(%dma_wait3A_64 : memref<100000xf32, #tpu.memory_space<vmem_shared>>)
        tpu.yield
      }) : () -> ()
      %run_scoped3A_51 = arith.constant 15 : i32
      "tpu.region"() ({
        %run_scoped3A_52 = tpu.sem_alloc : memref<!tpu.dma_semaphore, #tpu.memory_space<semaphore_mem>>
        %dma_start3A = arith.constant 1920 : i32
        %dma_start3A_53 = tpu.memref_slice %arg7[%dma_start3A] : memref<2048xf32, #tpu.memory_space<vmem>> -> memref<128xf32, #tpu.memory_space<vmem>>
        %dma_start3A_54 = arith.constant 0 : i32
        %dma_start3A_55 = tpu.memref_slice %arg6[%run_scoped3A_51, %dma_start3A_54] : memref<16x128xi32, #tpu.memory_space<vmem>> -> memref<1x128xi32, #tpu.memory_space<vmem>>
        %dma_start3A_56 = tpu.memref_squeeze %dma_start3A_55 : memref<1x128xi32, #tpu.memory_space<vmem>> -> memref<128xi32, #tpu.memory_space<vmem>>
        %dma_start3A_57 = arith.constant 0 : i32
        %dma_start3A_58 = tpu.memref_slice %arg8[%dma_start3A_57] : memref<100000xf32, #tpu.memory_space<vmem_shared>> -> memref<100000xf32, #tpu.memory_space<vmem_shared>>
        tpu.enqueue_indirect_dma source(%dma_start3A_53 : memref<128xf32, #tpu.memory_space<vmem>>) target(%dma_start3A_58 : memref<100000xf32, #tpu.memory_space<vmem_shared>>) offsets(%dma_start3A_56 : memref<128xi32, #tpu.memory_space<vmem>>) semaphore(%run_scoped3A_52 : memref<!tpu.dma_semaphore, #tpu.memory_space<semaphore_mem>>) {add = true}
        %dma_wait3A = arith.constant 1920 : i32
        %dma_wait3A_59 = tpu.memref_slice %arg7[%dma_wait3A] : memref<2048xf32, #tpu.memory_space<vmem>> -> memref<128xf32, #tpu.memory_space<vmem>>
        %dma_wait3A_60 = arith.constant 0 : i32
        %dma_wait3A_61 = tpu.memref_slice %arg6[%run_scoped3A_51, %dma_wait3A_60] : memref<16x128xi32, #tpu.memory_space<vmem>> -> memref<1x128xi32, #tpu.memory_space<vmem>>
        %dma_wait3A_62 = tpu.memref_squeeze %dma_wait3A_61 : memref<1x128xi32, #tpu.memory_space<vmem>> -> memref<128xi32, #tpu.memory_space<vmem>>
        %dma_wait3A_63 = arith.constant 0 : i32
        %dma_wait3A_64 = tpu.memref_slice %arg8[%dma_wait3A_63] : memref<100000xf32, #tpu.memory_space<vmem_shared>> -> memref<100000xf32, #tpu.memory_space<vmem_shared>>
        tpu.wait_indirect_dma semaphore(%run_scoped3A_52 : memref<!tpu.dma_semaphore, #tpu.memory_space<semaphore_mem>>) src(%dma_wait3A_59 : memref<128xf32, #tpu.memory_space<vmem>>) dst(%dma_wait3A_64 : memref<100000xf32, #tpu.memory_space<vmem_shared>>)
        tpu.yield
      }) : () -> ()
    }
    %scan3A_7 = arith.constant 25 : i32
    %barrier3A_8 = arith.constant 0 : index
    tpu.barrier barrier_id(%barrier3A_8)
    %eq3A_9 = arith.constant 0 : i32
    %eq3A_10 = arith.cmpi eq, %arg1, %eq3A_9 : i32
    %convert_element_type3A_11 = arith.extui %eq3A_10 : i1 to i32
    %cond3A_12 = arith.constant 0 : i32
    %cond3A_13 = arith.cmpi ne, %convert_element_type3A_11, %cond3A_12 : i32
    scf.if %cond3A_13 {
      "tpu.region"() ({
        %run_scoped3A = tpu.sem_alloc : memref<!tpu.dma_semaphore, #tpu.memory_space<semaphore_mem>>
        %dma_start3A = arith.constant 0 : i32
        %dma_start3A_14 = tpu.memref_slice %arg5[%arg0, %dma_start3A] : memref<2x100000xf32, #tpu.memory_space<hbm>> -> memref<1x100000xf32, #tpu.memory_space<hbm>>
        %dma_start3A_15 = tpu.memref_squeeze %dma_start3A_14 : memref<1x100000xf32, #tpu.memory_space<hbm>> -> memref<100000xf32, #tpu.memory_space<hbm>>
        tpu.enqueue_dma source(%arg8 : memref<100000xf32, #tpu.memory_space<vmem_shared>>) target(%dma_start3A_15 : memref<100000xf32, #tpu.memory_space<hbm>>) target_semaphore(%run_scoped3A : memref<!tpu.dma_semaphore, #tpu.memory_space<semaphore_mem>>)
        %dma_wait3A = arith.constant 0 : i32
        %dma_wait3A_16 = tpu.memref_slice %arg5[%arg0, %dma_wait3A] : memref<2x100000xf32, #tpu.memory_space<hbm>> -> memref<1x100000xf32, #tpu.memory_space<hbm>>
        %dma_wait3A_17 = tpu.memref_squeeze %dma_wait3A_16 : memref<1x100000xf32, #tpu.memory_space<hbm>> -> memref<100000xf32, #tpu.memory_space<hbm>>
        tpu.wait_dma2 semaphore(%run_scoped3A : memref<!tpu.dma_semaphore, #tpu.memory_space<semaphore_mem>>) src(%arg8 : memref<100000xf32, #tpu.memory_space<vmem_shared>>) dst(%dma_wait3A_17 : memref<100000xf32, #tpu.memory_space<hbm>>)
        tpu.yield
      }) : () -> ()
    } else {
    }
    return
  }
}

module attributes {stable_mosaic.version = 14 : i64} {
  func.func @body(%arg0: i32, %arg1: memref<2000x128xf32, #tpu.memory_space<vmem>>, %arg2: memref<128x32xf32, #tpu.memory_space<vmem>>, %arg3: memref<1x32xf32, #tpu.memory_space<vmem>>, %arg4: memref<32x32xf32, #tpu.memory_space<vmem>>, %arg5: memref<2x16xf32, #tpu.memory_space<vmem>>, %arg6: memref<2000x2xf32, #tpu.memory_space<vmem>>, %arg7: memref<2x2000x16xf32, #tpu.memory_space<vmem>>, %arg8: memref<2x2000x16xf32, #tpu.memory_space<vmem>>, %arg9: memref<2000x1xf32, #tpu.memory_space<vmem>>) attributes {dimension_semantics = [#tpu.dimension_semantics<arbitrary>], iteration_bounds = array<i64: 50>, scalar_prefetch = 0 : i64, scratch_operands = 0 : i64, tpu.core_type = #tpu.core_type<tc>, window_params = [{transform_indices = @transform_0, window_bounds = array<i64: 2000, 128>}, {pipeline_mode = #tpu.pipeline_mode<synchronous>, transform_indices = @transform_1, window_bounds = array<i64: 128, 32>}, {pipeline_mode = #tpu.pipeline_mode<synchronous>, transform_indices = @transform_2, window_bounds = array<i64: 1, 32>}, {pipeline_mode = #tpu.pipeline_mode<synchronous>, transform_indices = @transform_3, window_bounds = array<i64: 32, 32>}, {pipeline_mode = #tpu.pipeline_mode<synchronous>, transform_indices = @transform_4, window_bounds = array<i64: 2, 16>}, {transform_indices = @transform_5, window_bounds = array<i64: 2000, 2>}, {transform_indices = @transform_6, window_bounds = array<i64: 2, 2000, 16>}, {transform_indices = @transform_7, window_bounds = array<i64: 2, 2000, 16>}, {transform_indices = @transform_8, window_bounds = array<i64: 2000, 1>}]} {
    %get3A = arith.constant 0 : index
    %get3A_0 = arith.constant 0 : index
    %get3A_1 = vector.load %arg1[%get3A, %get3A_0] : memref<2000x128xf32, #tpu.memory_space<vmem>>, vector<2000x128xf32>
    %get3A_2 = arith.constant 0 : index
    %get3A_3 = arith.constant 0 : index
    %get3A_4 = vector.load %arg2[%get3A_2, %get3A_3] : memref<128x32xf32, #tpu.memory_space<vmem>>, vector<128x32xf32>
    %dot_general3A = arith.constant dense<0.000000e+00> : vector<2000x32xf32>
    %dot_general3A_5 = tpu.matmul %get3A_1, %get3A_4, %dot_general3A {dimension_numbers = #tpu.dot_dimension_numbers<[1], [0], [0], [1], [0, 0, 1, 1], [], []>, precision = #tpu.contract_precision<fp32>, transpose_lhs_hint = false} : vector<2000x128xf32>, vector<128x32xf32>, vector<2000x32xf32> -> vector<2000x32xf32>
    %get3A_6 = arith.constant 0 : index
    %get3A_7 = arith.constant 0 : index
    %get3A_8 = vector.load %arg3[%get3A_6, %get3A_7] : memref<1x32xf32, #tpu.memory_space<vmem>>, vector<1x32xf32>
    %add3A = vector.broadcast %get3A_8 : vector<1x32xf32> to vector<2000x32xf32>
    %add3A_9 = arith.addf %dot_general3A_5, %add3A : vector<2000x32xf32>
    %max3A = arith.constant 0.000000e+00 : f32
    %max3A_10 = vector.broadcast %max3A : f32 to vector<2000x32xf32>
    %max3A_11 = arith.maximumf %add3A_9, %max3A_10 : vector<2000x32xf32>
    %get3A_12 = arith.constant 0 : index
    %get3A_13 = arith.constant 0 : index
    %get3A_14 = vector.load %arg4[%get3A_12, %get3A_13] : memref<32x32xf32, #tpu.memory_space<vmem>>, vector<32x32xf32>
    %dot_general3A_15 = arith.constant dense<0.000000e+00> : vector<2000x32xf32>
    %dot_general3A_16 = tpu.matmul %max3A_11, %get3A_14, %dot_general3A_15 {dimension_numbers = #tpu.dot_dimension_numbers<[1], [0], [0], [1], [0, 0, 1, 1], [], []>, precision = #tpu.contract_precision<fp32>, transpose_lhs_hint = false} : vector<2000x32xf32>, vector<32x32xf32>, vector<2000x32xf32> -> vector<2000x32xf32>
    %get3A_17 = arith.constant 0 : index
    %get3A_18 = arith.constant 0 : index
    %get3A_19 = vector.load %arg6[%get3A_17, %get3A_18] : memref<2000x2xf32, #tpu.memory_space<vmem>>, vector<2000x2xf32>
    %slice3A = vector.extract_strided_slice %get3A_19 {offsets = [0, 0], sizes = [2000, 1], strides = [1, 1]} : vector<2000x2xf32> to vector<2000x1xf32>
    %squeeze3A = vector.shape_cast %slice3A : vector<2000x1xf32> to vector<2000xf32>
    %slice3A_20 = vector.extract_strided_slice %get3A_19 {offsets = [0, 1], sizes = [2000, 1], strides = [1, 1]} : vector<2000x2xf32> to vector<2000x1xf32>
    %squeeze3A_21 = vector.shape_cast %slice3A_20 : vector<2000x1xf32> to vector<2000xf32>
    %add3A_22 = arith.addf %squeeze3A, %squeeze3A_21 : vector<2000xf32>
    %add3A_23 = arith.constant 1.000000e+00 : f32
    %add3A_24 = vector.broadcast %add3A_23 : f32 to vector<2000xf32>
    %add3A_25 = arith.addf %add3A_22, %add3A_24 : vector<2000xf32>
    %rsqrt3A = math.rsqrt %add3A_25 : vector<2000xf32>
    %broadcast_in_dim3A = vector.shape_cast %rsqrt3A : vector<2000xf32> to vector<2000x1xf32>
    %swap3A = arith.constant 0 : index
    %swap3A_26 = arith.constant 0 : index
    %swap3A_27 = vector.load %arg9[%swap3A, %swap3A_26] : memref<2000x1xf32, #tpu.memory_space<vmem>>, vector<2000x1xf32>
    tpu.vector_store %arg9[%swap3A, %swap3A_26], %broadcast_in_dim3A {strides = array<i32>} : memref<2000x1xf32, #tpu.memory_space<vmem>>, vector<2000x1xf32>,
    %broadcast_in_dim3A_28 = vector.shape_cast %rsqrt3A : vector<2000xf32> to vector<2000x1xf32>
    %mul3A = vector.broadcast %broadcast_in_dim3A_28 : vector<2000x1xf32> to vector<2000x32xf32>
    %mul3A_29 = arith.mulf %dot_general3A_16, %mul3A : vector<2000x32xf32>
    %mul3A_30 = arith.mulf %rsqrt3A, %rsqrt3A : vector<2000xf32>
    %broadcast_in_dim3A_31 = vector.shape_cast %mul3A_30 : vector<2000xf32> to vector<2000x1xf32>
    %mul3A_32 = vector.broadcast %broadcast_in_dim3A_31 : vector<2000x1xf32> to vector<2000x32xf32>
    %mul3A_33 = arith.mulf %dot_general3A_16, %mul3A_32 : vector<2000x32xf32>
    %slice3A_34 = vector.extract_strided_slice %mul3A_29 {offsets = [0, 0], sizes = [2000, 16], strides = [1, 1]} : vector<2000x32xf32> to vector<2000x16xf32>
    %swap3A_35 = arith.constant 0 : index
    %swap3A_36 = arith.constant 0 : index
    %swap3A_37 = arith.constant 0 : index
    %swap3A_38 = vector.load %arg7[%swap3A_35, %swap3A_36, %swap3A_37] : memref<2x2000x16xf32, #tpu.memory_space<vmem>>, vector<1x2000x16xf32>
    %swap3A_39 = vector.shape_cast %swap3A_38 : vector<1x2000x16xf32> to vector<2000x16xf32>
    %swap3A_40 = vector.shape_cast %slice3A_34 : vector<2000x16xf32> to vector<1x2000x16xf32>
    tpu.vector_store %arg7[%swap3A_35, %swap3A_36, %swap3A_37], %swap3A_40 {strides = array<i32>} : memref<2x2000x16xf32, #tpu.memory_space<vmem>>, vector<1x2000x16xf32>,
    %slice3A_41 = vector.extract_strided_slice %mul3A_29 {offsets = [0, 16], sizes = [2000, 16], strides = [1, 1]} : vector<2000x32xf32> to vector<2000x16xf32>
    %swap3A_42 = arith.constant 1 : index
    %swap3A_43 = arith.constant 0 : index
    %swap3A_44 = arith.constant 0 : index
    %swap3A_45 = vector.load %arg7[%swap3A_42, %swap3A_43, %swap3A_44] : memref<2x2000x16xf32, #tpu.memory_space<vmem>>, vector<1x2000x16xf32>
    %swap3A_46 = vector.shape_cast %swap3A_45 : vector<1x2000x16xf32> to vector<2000x16xf32>
    %swap3A_47 = vector.shape_cast %slice3A_41 : vector<2000x16xf32> to vector<1x2000x16xf32>
    tpu.vector_store %arg7[%swap3A_42, %swap3A_43, %swap3A_44], %swap3A_47 {strides = array<i32>} : memref<2x2000x16xf32, #tpu.memory_space<vmem>>, vector<1x2000x16xf32>,
    %slice3A_48 = vector.extract_strided_slice %mul3A_33 {offsets = [0, 0], sizes = [2000, 16], strides = [1, 1]} : vector<2000x32xf32> to vector<2000x16xf32>
    %get3A_49 = arith.constant 0 : index
    %get3A_50 = arith.constant 0 : index
    %get3A_51 = vector.load %arg5[%get3A_49, %get3A_50] : memref<2x16xf32, #tpu.memory_space<vmem>>, vector<1x16xf32>
    %get3A_52 = vector.shape_cast %get3A_51 : vector<1x16xf32> to vector<16xf32>
    %broadcast_in_dim3A_53 = vector.shape_cast %get3A_52 : vector<16xf32> to vector<1x16xf32>
    %add3A_54 = vector.broadcast %broadcast_in_dim3A_53 : vector<1x16xf32> to vector<2000x16xf32>
    %add3A_55 = arith.addf %slice3A_48, %add3A_54 : vector<2000x16xf32>
    %swap3A_56 = arith.constant 0 : index
    %swap3A_57 = arith.constant 0 : index
    %swap3A_58 = arith.constant 0 : index
    %swap3A_59 = vector.load %arg8[%swap3A_56, %swap3A_57, %swap3A_58] : memref<2x2000x16xf32, #tpu.memory_space<vmem>>, vector<1x2000x16xf32>
    %swap3A_60 = vector.shape_cast %swap3A_59 : vector<1x2000x16xf32> to vector<2000x16xf32>
    %swap3A_61 = vector.shape_cast %add3A_55 : vector<2000x16xf32> to vector<1x2000x16xf32>
    tpu.vector_store %arg8[%swap3A_56, %swap3A_57, %swap3A_58], %swap3A_61 {strides = array<i32>} : memref<2x2000x16xf32, #tpu.memory_space<vmem>>, vector<1x2000x16xf32>,
    %slice3A_62 = vector.extract_strided_slice %mul3A_33 {offsets = [0, 16], sizes = [2000, 16], strides = [1, 1]} : vector<2000x32xf32> to vector<2000x16xf32>
    %get3A_63 = arith.constant 1 : index
    %get3A_64 = arith.constant 0 : index
    %get3A_65 = vector.load %arg5[%get3A_63, %get3A_64] : memref<2x16xf32, #tpu.memory_space<vmem>>, vector<1x16xf32>
    %get3A_66 = vector.shape_cast %get3A_65 : vector<1x16xf32> to vector<16xf32>
    %broadcast_in_dim3A_67 = vector.shape_cast %get3A_66 : vector<16xf32> to vector<1x16xf32>
    %add3A_68 = vector.broadcast %broadcast_in_dim3A_67 : vector<1x16xf32> to vector<2000x16xf32>
    %add3A_69 = arith.addf %slice3A_62, %add3A_68 : vector<2000x16xf32>
    %swap3A_70 = arith.constant 1 : index
    %swap3A_71 = arith.constant 0 : index
    %swap3A_72 = arith.constant 0 : index
    %swap3A_73 = vector.load %arg8[%swap3A_70, %swap3A_71, %swap3A_72] : memref<2x2000x16xf32, #tpu.memory_space<vmem>>, vector<1x2000x16xf32>
    %swap3A_74 = vector.shape_cast %swap3A_73 : vector<1x2000x16xf32> to vector<2000x16xf32>
    %swap3A_75 = vector.shape_cast %add3A_69 : vector<2000x16xf32> to vector<1x2000x16xf32>
    tpu.vector_store %arg8[%swap3A_70, %swap3A_71, %swap3A_72], %swap3A_75 {strides = array<i32>} : memref<2x2000x16xf32, #tpu.memory_space<vmem>>, vector<1x2000x16xf32>,
    return
  }
  func.func @transform_0(%arg0: i32) -> (i32, i32) {
    %c0_i32 = arith.constant 0 : i32
    %c0_i32_0 = arith.constant 0 : i32
    return %arg0, %c0_i32 : i32, i32
  }
  func.func @transform_1(%arg0: i32) -> (i32, i32) {
    %c0_i32 = arith.constant 0 : i32
    %c0_i32_0 = arith.constant 0 : i32
    %c0_i32_1 = arith.constant 0 : i32
    return %c0_i32, %c0_i32_0 : i32, i32
  }
  func.func @transform_2(%arg0: i32) -> (i32, i32) {
    %c0_i32 = arith.constant 0 : i32
    %c0_i32_0 = arith.constant 0 : i32
    %c0_i32_1 = arith.constant 0 : i32
    return %c0_i32, %c0_i32_0 : i32, i32
  }
  func.func @transform_3(%arg0: i32) -> (i32, i32) {
    %c0_i32 = arith.constant 0 : i32
    %c0_i32_0 = arith.constant 0 : i32
    %c0_i32_1 = arith.constant 0 : i32
    return %c0_i32, %c0_i32_0 : i32, i32
  }
  func.func @transform_4(%arg0: i32) -> (i32, i32) {
    %c0_i32 = arith.constant 0 : i32
    %c0_i32_0 = arith.constant 0 : i32
    %c0_i32_1 = arith.constant 0 : i32
    return %c0_i32, %c0_i32_0 : i32, i32
  }
  func.func @transform_5(%arg0: i32) -> (i32, i32) {
    %c0_i32 = arith.constant 0 : i32
    %c0_i32_0 = arith.constant 0 : i32
    return %arg0, %c0_i32 : i32, i32
  }
  func.func @transform_6(%arg0: i32) -> (i32, i32, i32) {
    %c0_i32 = arith.constant 0 : i32
    %c0_i32_0 = arith.constant 0 : i32
    %c0_i32_1 = arith.constant 0 : i32
    return %c0_i32, %arg0, %c0_i32_0 : i32, i32, i32
  }
  func.func @transform_7(%arg0: i32) -> (i32, i32, i32) {
    %c0_i32 = arith.constant 0 : i32
    %c0_i32_0 = arith.constant 0 : i32
    %c0_i32_1 = arith.constant 0 : i32
    return %c0_i32, %arg0, %c0_i32_0 : i32, i32, i32
  }
  func.func @transform_8(%arg0: i32) -> (i32, i32) {
    %c0_i32 = arith.constant 0 : i32
    %c0_i32_0 = arith.constant 0 : i32
    return %arg0, %c0_i32 : i32, i32
  }
}

module attributes {stable_mosaic.version = 14 : i64} {
  func.func @body(%arg0: i32, %arg1: memref<2x2000x16xf32, #tpu.memory_space<vmem>>, %arg2: memref<2x2000x16xf32, #tpu.memory_space<vmem>>, %arg3: memref<2000x1xf32, #tpu.memory_space<vmem>>, %arg4: memref<2000x16xf32, #tpu.memory_space<vmem>>, %arg5: memref<2000x16xf32, #tpu.memory_space<vmem>>) attributes {dimension_semantics = [#tpu.dimension_semantics<arbitrary>], iteration_bounds = array<i64: 50>, scalar_prefetch = 0 : i64, scratch_operands = 0 : i64, tpu.core_type = #tpu.core_type<tc>, window_params = [{transform_indices = @transform_0, window_bounds = array<i64: 2, 2000, 16>}, {transform_indices = @transform_1, window_bounds = array<i64: 2, 2000, 16>}, {transform_indices = @transform_2, window_bounds = array<i64: 2000, 1>}, {transform_indices = @transform_3, window_bounds = array<i64: 2000, 16>}, {transform_indices = @transform_4, window_bounds = array<i64: 2000, 16>}]} {
    %get3A = arith.constant 0 : index
    %get3A_0 = arith.constant 0 : index
    %get3A_1 = arith.constant 0 : index
    %get3A_2 = vector.load %arg1[%get3A, %get3A_0, %get3A_1] : memref<2x2000x16xf32, #tpu.memory_space<vmem>>, vector<2x2000x16xf32>
    %get3A_3 = arith.constant 0 : index
    %get3A_4 = arith.constant 0 : index
    %get3A_5 = arith.constant 0 : index
    %get3A_6 = vector.load %arg2[%get3A_3, %get3A_4, %get3A_5] : memref<2x2000x16xf32, #tpu.memory_space<vmem>>, vector<2x2000x16xf32>
    %get3A_7 = arith.constant 0 : index
    %get3A_8 = arith.constant 0 : index
    %get3A_9 = vector.load %arg3[%get3A_7, %get3A_8] : memref<2000x1xf32, #tpu.memory_space<vmem>>, vector<2000x1xf32>
    %slice3A = vector.extract_strided_slice %get3A_2 {offsets = [0, 0, 0], sizes = [1, 2000, 16], strides = [1, 1, 1]} : vector<2x2000x16xf32> to vector<1x2000x16xf32>
    %squeeze3A = vector.shape_cast %slice3A : vector<1x2000x16xf32> to vector<2000x16xf32>
    %mul3A = vector.broadcast %get3A_9 : vector<2000x1xf32> to vector<2000x16xf32>
    %mul3A_10 = arith.mulf %squeeze3A, %mul3A : vector<2000x16xf32>
    %slice3A_11 = vector.extract_strided_slice %get3A_6 {offsets = [0, 0, 0], sizes = [1, 2000, 16], strides = [1, 1, 1]} : vector<2x2000x16xf32> to vector<1x2000x16xf32>
    %squeeze3A_12 = vector.shape_cast %slice3A_11 : vector<1x2000x16xf32> to vector<2000x16xf32>
    %add3A = arith.addf %mul3A_10, %squeeze3A_12 : vector<2000x16xf32>
    %swap3A = arith.constant 0 : index
    %swap3A_13 = arith.constant 0 : index
    %swap3A_14 = vector.load %arg4[%swap3A, %swap3A_13] : memref<2000x16xf32, #tpu.memory_space<vmem>>, vector<2000x16xf32>
    tpu.vector_store %arg4[%swap3A, %swap3A_13], %add3A {strides = array<i32>} : memref<2000x16xf32, #tpu.memory_space<vmem>>, vector<2000x16xf32>,
    %slice3A_15 = vector.extract_strided_slice %get3A_2 {offsets = [1, 0, 0], sizes = [1, 2000, 16], strides = [1, 1, 1]} : vector<2x2000x16xf32> to vector<1x2000x16xf32>
    %squeeze3A_16 = vector.shape_cast %slice3A_15 : vector<1x2000x16xf32> to vector<2000x16xf32>
    %mul3A_17 = vector.broadcast %get3A_9 : vector<2000x1xf32> to vector<2000x16xf32>
    %mul3A_18 = arith.mulf %squeeze3A_16, %mul3A_17 : vector<2000x16xf32>
    %slice3A_19 = vector.extract_strided_slice %get3A_6 {offsets = [1, 0, 0], sizes = [1, 2000, 16], strides = [1, 1, 1]} : vector<2x2000x16xf32> to vector<1x2000x16xf32>
    %squeeze3A_20 = vector.shape_cast %slice3A_19 : vector<1x2000x16xf32> to vector<2000x16xf32>
    %add3A_21 = arith.addf %mul3A_18, %squeeze3A_20 : vector<2000x16xf32>
    %swap3A_22 = arith.constant 0 : index
    %swap3A_23 = arith.constant 0 : index
    %swap3A_24 = vector.load %arg5[%swap3A_22, %swap3A_23] : memref<2000x16xf32, #tpu.memory_space<vmem>>, vector<2000x16xf32>
    tpu.vector_store %arg5[%swap3A_22, %swap3A_23], %add3A_21 {strides = array<i32>} : memref<2000x16xf32, #tpu.memory_space<vmem>>, vector<2000x16xf32>,
    return
  }
  func.func @transform_0(%arg0: i32) -> (i32, i32, i32) {
    %c0_i32 = arith.constant 0 : i32
    %c0_i32_0 = arith.constant 0 : i32
    %c0_i32_1 = arith.constant 0 : i32
    return %c0_i32, %arg0, %c0_i32_0 : i32, i32, i32
  }
  func.func @transform_1(%arg0: i32) -> (i32, i32, i32) {
    %c0_i32 = arith.constant 0 : i32
    %c0_i32_0 = arith.constant 0 : i32
    %c0_i32_1 = arith.constant 0 : i32
    return %c0_i32, %arg0, %c0_i32_0 : i32, i32, i32
  }
  func.func @transform_2(%arg0: i32) -> (i32, i32) {
    %c0_i32 = arith.constant 0 : i32
    %c0_i32_0 = arith.constant 0 : i32
    return %arg0, %c0_i32 : i32, i32
  }
  func.func @transform_3(%arg0: i32) -> (i32, i32) {
    %c0_i32 = arith.constant 0 : i32
    %c0_i32_0 = arith.constant 0 : i32
    return %arg0, %c0_i32 : i32, i32
  }
  func.func @transform_4(%arg0: i32) -> (i32, i32) {
    %c0_i32 = arith.constant 0 : i32
    %c0_i32_0 = arith.constant 0 : i32
    return %arg0, %c0_i32 : i32, i32
  }
}

</mosaic_0001>

<sc_bundles>
// kernel: kernel.6.cloned.1.call-start
scs
__scs_entry_jumppad:
0x0: {  	(pc) =	sbr.rel $0x88, $3  }
0x1: {  	(tag) =	ssettag $0x0;
	lr =	simm.s32 $0x1  }
0x2: {  	[smem:$0x3F98] =	sst lr;
	_ =	strace $0xD0000000  }
0x3: {  	_ = 	snop  }
0x4: {  	_ = 	snop  }
0x5: {  	_ = 	snop  }
0x6: {  	_ = 	snop  }
0x7: {  	_ = 	snop  }
__scs_overlays_trampoline_lowered:
0x8: {  	[smem:$0x3FA7] =	sst s0  }
0x9: {  	[smem:$0x3FA8] =	sst s1  }
0xa: {  	[smem:$0x3FA9] =	sst s2  }
0xb: {  	[smem:$0x3FAA] =	sst s3  }
0xc: {  	[smem:$0x3FAB] =	sst s4  }
0xd: {  	[smem:$0x3FAC] =	sst s5  }
0xe: {  	[smem:$0x3FAD] =	sst s6  }
0xf: {  	[smem:$0x3FAE] =	sst s7  }
0x10: {  	[smem:$0x3FAF] =	sst s8  }
0x11: {  	[smem:$0x3FB0] =	sst s9;
	s0 =	simm.s32 @!p0 $0x0  }
0x12: {  	s1 =	sld [smem:$0x3F96];
	s0 =	simm.s32 @p0 $0x1  }
0x13: {  	[smem:$0x3FB1] =	sst s0;
	s0 =	simm.s32 @!p1 $0x0  }
0x14: {  	s2 =	sld [smem:$0x3F95];
	s0 =	simm.s32 @p1 $0x1  }
0x15: {  	[smem:$0x3FB2] =	sst s0;
	s0 =	simm.s32 @!p2 $0x0  }
0x16: {  	s3 =	sld [smem:$0x3FDB];
	s0 =	simm.s32 @p2 $0x1  }
0x17: {  	s4 =	simm.s32 $0x1BF5;
	[smem:$0x3FB4] =	sst s0  }
0x18: {  	s0 =	sld [smem:$0x3F97];
	_ =	swait.ge [sflag:s4], $0x0  }
0x19: {  	s7 =	sld [smem:$0x3F98]  }
0x1a: {  	s8 =	sadd.s32 $0xFFFFE003, lr  }
0x1b: {  	s9 =	sadd.s32 $0xFFFFFEF7, lr;
	s5 =	simm.s32 $0xFFFFFFFF;
	p2 =	slt.u32 s8, $0xFFFFF086  }
0x1c: {  	p1 =	slt.u32 s9, $0xF7A;
	s5 =	simm.s32 @!p2 $0x0  }
0x1d: {  	s5 =	simm.s32 @p1 $0x1;
	p0 =	seq.s32 s7, s2  }
0x1e: {  	s7 =	smul.u32 @!p0 $0xF7A, s2;
	p2 =	seq.s32 @!p0 s5, $0x0  }
0x1f: {  	s9 =	smul.u32 $0xF7A, s1;
	s8 =	simm.s32 @!p0 $0x1BF5;
	p2 =	por !p2, p0  }
0x20: {  	[sflag:s8] =	ssyncset.s32 @!p0 $0xFFFFF086;
	s6 =	sadd.s32 @!p0 s3, s7;
	s7 =	simm.s32 @!p0 $0x108  }
0x21: {  	s3 =	sadd.s32 s3, s9;
	s6 =	sadd.s32 @!p0 $0x88, s6;
	s7 =	simm.s32 @p2 $0x1082  }
0x22: {  	[simem:s7], [sflag:s8] =	dma.local @!p0 [hbm:s6], $0xF7A  }
0x23: {  	s9 =	sor.u32 $0xD0000000, s2;
	s6 =	simm.s32 $0x108;
	_ =	swait.ge @!p0 [sflag:s8], $0x0  }
0x24: {  	s3 =	sadd.s32 $0x88, s3;
	s6 =	simm.s32 @!p1 $0x1082;
	[sflag:s4] =	ssyncset.s32 $0xFFFFF086  }
0x25: {  	[simem:s6], [sflag:s4] =	dma.local [hbm:s3], $0xF7A  }
0x26: {  	[smem:$0x3F98] =	sst s1;
	(tag) =	ssettag s2;
	_ =	strace s9  }
0x27: {  	s1 =	sld [smem:$0x3FA8]  }
0x28: {  	s2 =	sld [smem:$0x3FA9]  }
0x29: {  	s4 =	sld [smem:$0x3FAB]  }
0x2a: {  	p0 =	seq.s32 s5, $0x0;
	s5 =	sld [smem:$0x3FAC]  }
0x2b: {  	s6 =	sld [smem:$0x3FAD]  }
0x2c: {  	s7 =	sld [smem:$0x3FAE]  }
0x2d: {  	s3 =	simm.s32 $0x108;
	s8 =	sld [smem:$0x3FAF]  }
0x2e: {  	s3 =	simm.s32 @!p0 $0x1082;
	s9 =	sld [smem:$0x3FB0]  }
0x2f: {  	lr =	sadd.s32 s0, s3;
	s0 =	sld [smem:$0x3FA7]  }
0x30: {  	s3 =	sld [smem:$0x3FAA]  }
0x31: {  	[smem:$0x3FB3] =	sst s10  }
0x32: {  	s10 =	sld [smem:$0x3FB1];
	_ =	sdelay $0x3  }
0x33: {  	p0 =	seq.s32 s10, $0x1;
	s10 =	sld [smem:$0x3FB3];
	_ =	sdelay $0x3  }
0x34: {  	[smem:$0x3FB3] =	sst s10  }
0x35: {  	s10 =	sld [smem:$0x3FB2];
	_ =	sdelay $0x3  }
0x36: {  	p1 =	seq.s32 s10, $0x1;
	s10 =	sld [smem:$0x3FB3];
	_ =	sdelay $0x3  }
0x37: {  	[smem:$0x3FB3] =	sst s10  }
0x38: {  	s10 =	sld [smem:$0x3FB4]  }
0x39: {  	_ = 	snop;
	(pc) =	sbr.ind lr, $3  }
0x3a: {  	_ = 	snop  }
0x3b: {  	_ = 	snop  }
0x3c: {  	p2 =	seq.s32 s10, $0x1;
	s10 =	sld [smem:$0x3FB3]  }
0x3d: {  	_ =	shalt  }
0x3e: {  	_ =	shalt  }
0x3f: {  	_ =	shalt  }
0x40: {  	_ =	shalt  }
0x41: {  	_ =	shalt  }
0x42: {  	_ =	shalt  }
0x43: {  	_ =	shalt  }
0x44: {  	_ =	shalt  }
0x45: {  	_ =	shalt  }
0x46: {  	_ =	shalt  }
0x47: {  	_ =	shalt  }
0x48: {  	_ =	shalt  }
0x49: {  	_ =	shalt  }
0x4a: {  	_ =	shalt  }
0x4b: {  	_ =	shalt  }
0x4c: {  	_ =	shalt  }
0x4d: {  	_ =	shalt  }
0x4e: {  	_ =	shalt  }
0x4f: {  	_ =	shalt  }
0x50: {  	_ =	shalt  }
0x51: {  	_ =	shalt  }
0x52: {  	_ =	shalt  }
0x53: {  	_ =	shalt  }
0x54: {  	_ =	shalt  }
0x55: {  	_ =	shalt  }
0x56: {  	_ =	shalt  }
0x57: {  	_ =	shalt  }
0x58: {  	_ =	shalt  }
0x59: {  	_ =	shalt  }
0x5a: {  	_ =	shalt  }
0x5b: {  	_ =	shalt  }
0x5c: {  	_ =	shalt  }
0x5d: {  	_ =	shalt  }
0x5e: {  	_ =	shalt  }
0x5f: {  	_ =	shalt  }
0x60: {  	_ =	shalt  }
0x61: {  	_ =	shalt  }
0x62: {  	_ =	shalt  }
0x63: {  	_ =	shalt  }
0x64: {  	_ =	shalt  }
0x65: {  	_ =	shalt  }
0x66: {  	_ =	shalt  }
0x67: {  	_ =	shalt  }
0x68: {  	_ =	shalt  }
0x69: {  	_ =	shalt  }
0x6a: {  	_ =	shalt  }
0x6b: {  	_ =	shalt  }
0x6c: {  	_ =	shalt  }
0x6d: {  	_ =	shalt  }
0x6e: {  	_ =	shalt  }
0x6f: {  	_ =	shalt  }
0x70: {  	_ =	shalt  }
0x71: {  	_ =	shalt  }
0x72: {  	_ =	shalt  }
0x73: {  	_ =	shalt  }
0x74: {  	_ =	shalt  }
0x75: {  	_ =	shalt  }
0x76: {  	_ =	shalt  }
0x77: {  	_ =	shalt  }
0x78: {  	_ =	shalt  }
0x79: {  	_ =	shalt  }
0x7a: {  	_ =	shalt  }
0x7b: {  	_ =	shalt  }
0x7c: {  	_ =	shalt  }
0x7d: {  	_ =	shalt  }
0x7e: {  	_ =	shalt  }
0x7f: {  	_ =	shalt  }
0x80: {  	_ =	shalt  }
0x81: {  	_ =	shalt  }
0x82: {  	_ =	shalt  }
0x83: {  	_ =	shalt  }
0x84: {  	_ =	shalt  }
0x85: {  	_ =	shalt  }
0x86: {  	_ =	shalt  }
0x87: {  	_ =	shalt  }
.Lfunc_end0:
.L_simem_size_0:
called_computation_lowered:
.L_overlay_start_0:
0x88: {  	s2 =	sld [smem:$0x3FD9]  }
0x89: {  	s3 =	sld [smem:$0x3FFE];
	_ =	sdelay $0x1  }
0x8a: {  	s1 =	srdreg.scid  }
0x8b: {  	s0 =	sand.u32 $0x1, s1  }
0x8c: {  	s14 =	sshll.u32 s0, $0xA;
	s2 =	sadd.s32 s3, s2  }
0x8d: {  	s2 =	sadd.s32 s2, s14  }
0x8e: {  	[smem:$0x3FBF] =	sst s2  }
0x8f: {  	_ = 	snop  }
0x90: {  	s2 =	sld [smem:$0x3FD0];
	_ =	sdelay $0x2  }
0x91: {  	s15 =	simm.s32 $0xA;
	s4 =	simm.s32 $0x10  }
0x92: {  	[smem:s4], [sflag:s15] =	dma.local [hbm:s2], $0x1  }
0x93: {  	_ =	swait.eq [sflag:s15], $0x1  }
0x94: {  	[sflag:s15] =	ssyncset.done $0x0  }
0x95: {  	s16 =	sld [smem:$0x10];
	[sflag:s15] =	ssyncadd.s32 $0xFFFFFFFF  }
0x96: {  	s17 =	sld [smem:$0x11];
	(tm) =	ssettm $0x1  }
0x97: {  	s18 =	sld [smem:$0x3FFB];
	_ =	sdelay $0x3  }
0x98: {  	_ =	strace s18  }
0x99: {  	s4 =	sld [smem:$0x3FFC];
	_ =	sdelay $0x3  }
0x9a: {  	_ =	strace s4  }
0x9b: {  	s4 =	sld [smem:$0x3FFD];
	_ =	sdelay $0x3  }
0x9c: {  	_ =	strace s4  }
0x9d: {  	_ =	strace $0x8FFFFFFF  }
0x9e: {  	s19 =	sld [smem:$0x3FDB];
	_ =	sdelay $0x1  }
0x9f: {  	s5 =	simm.s32 $_scs_section_size  }
0xa0: {  	s6 =	simm.s32 $_size__tile_overlayer_lowered;
	s7 =	simm.s32 $_tile_overlayer_lowered  }
0xa1: {  	s22 =	simm.s32 $0x1BFF;
	s21 =	sshll.u32 s7, $0x1;
	s4 =	sadd.s32 s5, s19  }
0xa2: {  	s8 =	simm.s32 $0x0;
	s20 =	sshll.u32 s6, $0x1;
	s6 =	sadd.s32 s21, s4  }
0xa3: {  	[timem:s8], [sflag:s22] =	dma.local [hbm:s6], s20  }
0xa4: {  	_ =	swait.ge [sflag:s22], s20  }
0xa5: {  	s5 =	ssub.s32 $0x0, s20;
	[sflag:s22] =	ssyncset.done $0x0  }
0xa6: {  	[sflag:s22] =	ssyncadd.s32 s5;
	_ =	sdelay $0x1  }
0xa7: {  	s23 =	simm.s32 $0x1B8B  }
0xa8: {  	_ =	swait.ge [sflag:s23], $0x1  }
0xa9: {  	[sflag:s23] =	ssyncset.done $0x0  }
0xaa: {  	s25 =	simm.s32 $0x1B8E;
	s24 =	sld [smem:$0x3FFE];
	[sflag:s23] =	ssyncadd.s32 $0xFFFFFFFF  }
0xab: {  	s26 =	simm.s32 $execute0_lowered;
	[smem:$0x3FD2] =	sst s25  }
0xac: {  	s6 =	sshll.u32 s26, $0x1;
	_ =	strace $0x80000046;
	[dreg:$0x1] =	wrdreg $0xFFFFFFFF  }
0xad: {  	s28 =	simm.s32 $_size_execute0_lowered;
	s4 =	sadd.s32 s4, s6;
	[dreg:$0x0] =	wrdreg $0x0  }
0xae: {  	s6 =	sshll.u32 s28, $0x1;
	[dreg:$0x2] =	wrdreg s4  }
0xaf: {  	[dreg:$0x3] =	wrdreg s6  }
0xb0: {  	[dreg:$0x4] =	wrdreg $0xC0  }
0xb1: {  	_ =	task [dreg:s8], $0x5FFFF  }
0xb2: {  	[dreg:$0x1] =	wrdreg $0xFFFFFFFF  }
0xb3: {  	[dreg:$0x0] =	wrdreg $0x60  }
0xb4: {  	[dreg:$0x2] =	wrdreg s24  }
0xb5: {  	[dreg:$0x3] =	wrdreg s16  }
0xb6: {  	[dreg:$0x4] =	wrdreg s17  }
0xb7: {  	[dreg:$0x5] =	wrdreg $0x10000  }
0xb8: {  	[dreg:$0x6] =	wrdreg $0x9  }
0xb9: {  	_ =	task.clear_ibuf [dreg:s8], $0x7FFFF;
	_ =	strace $0x90000046  }
0xba: {  	s29 =	simm.s32 $0x9;
	_ =	strace $0x80000048  }
0xbb: {  	_ =	swait.ge [sflag:s29], $0x1  }
0xbc: {  	[sflag:s29] =	ssyncadd.s32 $0xFFFFFFFF  }
0xbd: {  	_ =	strace $0x90000048  }
0xbe: {  	_ =	sfence  }
0xbf: {  	s30 =	sld [smem:$0x0];
	_ =	sdelay $0x2  }
0xc0: {  	s31 =	sshll.u32 s1, $0xD;
	s1 =	sshrl.u32 s1, $0x2  }
0xc1: {  	s3 =	sand.u32 $0x4000, s31;
	s1 =	sadd.s32 s1, s30  }
0xc2: {  	s0 =	sor.u32 s3, s0;
	s1 =	sshll.u32 s1, $0x11  }
0xc3: {  	s0 =	sor.u32 s1, s0  }
0xc4: {  	s0 =	sadd.s32 $0x8F2B, s0  }
0xc5: {  	[sflag:s0] =	ssyncadd.remote.s32 $0x1  }
0xc6: {  	_ =	sfence.sel $0xFFFF  }
0xc7: {  	[dreg:$0x0] =	wrdreg $0xFFFFFFFF;
	(pc) =	sbr.abs _section_cstart, $3  }
0xc8: {  	[dreg:$0x1] =	wrdreg $0xFFFFFFFF  }
0xc9: {  	_ =	task.clear_ibuf [dreg:s8], $0x2FFFF;
	_ =	strace $0x9FFFFFFF  }
0xca: {  	(tm) =	ssettm $0x7FFFFFFF  }
0xcb: {  	_ =	shalt  }
tec
execute0_lowered:
.L_overlay_start_1:
0x0: {  	(tag) =	ssettag $0x1  }
0x1: {  	s0 =	rddreg [dreg:$0x0]  }
0x2: {  	s1 =	srdreg.scid;
	s5 =	rddreg [dreg:$0x2]  }
0x3: {  	s4 =	stileid.u32;
	s2 =	rddreg [dreg:$0x3];
	s19 =	simm.s32 $0x880  }
0x4: {  	s21 =	simm.s32 $0x100;
	s22 =	simm.s32 $0x900;
	s23 =	simm.s32 $0x180  }
0x5: {  	s24 =	simm.s32 $0x980;
	s8 =	simm.s32 $0x800;
	s25 =	simm.s32 $0x200  }
0x6: {  	s9 =	simm.s32 $0x80;
	s1 =	sand.u32 $0x1, s1;
	s6 =	smul.u32 $0xC800, s4  }
0x7: {  	s26 =	simm.s32 $0xA00;
	s10 =	simm.s32 $0x280;
	s3 =	smul.u32 $0xC8000, s1  }
0x8: {  	s11 =	simm.s32 $0xA80;
	s12 =	simm.s32 $0x300;
	s7 =	ssub.s32 $0x2, s1  }
0x9: {  	s1 =	sshll.u32 s1, $0x4;
	s6 =	sadd.s32 s6, s3;
	s3 =	simm.s32 $0x0  }
0xa: {  	s13 =	simm.s32 $0xB00;
	s1 =	sadd.s32 s5, s1;
	[smem:$0x7FF] =	sst s3  }
0xb: {  	s14 =	simm.s32 $0x380;
	_ =	strace $0x80000047;
	[dreg:$0xe] =	wrdreg s1  }
0xc: {  	s15 =	simm.s32 $0xB80;
	s16 =	simm.s32 $0x400;
	[dreg:$0x7] =	wrdreg s19  }
0xd: {  	s28 =	simm.s32 $0xE80;
	s29 =	simm.s32 $0x700;
	[dreg:$0x8] =	wrdreg s21  }
0xe: {  	s30 =	simm.s32 $0xF00;
	s31 =	simm.s32 $0x780;
	[dreg:$0x9] =	wrdreg s22  }
0xf: {  	p0 =	sne.s32 s4, $0x0;
	s4 =	simm.s32 $0x0;
	[dreg:$0xa] =	wrdreg s23  }
0x10: {  	s17 =	sshrl.u32 s7, $0x1;
	s6 =	sshrl.u32 s6, $0x3;
	[dreg:$0xb] =	wrdreg s24  }
0x11: {  	s5 =	sshrl.u32 @!p0 s2, $0x3;
	s0 =	sadd.s32 s6, s0;
	[dreg:$0xc] =	wrdreg s25  }
0x12: {  	s6 =	ssub.s32 s7, s17;
	s7 =	simm.s32 $0x1;
	[dreg:$0xd] =	wrdreg s26  }
0x13: {  	s17 =	simm.s32 $0xC00;
	s19 =	simm.s32 $0xC80;
	s21 =	simm.s32 $0xD00  }
0x14: {  	s22 =	simm.s32 $0x580;
	s23 =	simm.s32 $0xD80;
	s24 =	simm.s32 $0x600  }
0x15: {  	s25 =	simm.s32 $0xE00;
	[dreg:$0x10] =	wrdreg s5;
	s18 =	sadd.s32 $0x65400, s0  }
0x16: {  	s26 =	simm.s32 $0x680;
	s0 =	sadd.s32 $0x1400, s0;
	[dreg:$0x5] =	wrdreg s18  }
0x17: {  	s1 =	simm.s32 $0xF80;
	s20 =	smax.u32 s6, $0x1;
	[dreg:$0x6] =	wrdreg s0  }
0x18: {  	[dreg:$0xf] =	wrdreg s20;
	s18 =	simm.s32 $0x480;
	s20 =	simm.s32 $0x500  }
.LBB2_1:
0x19: {  	[dreg:$0x11] =	wrdreg s4  }
0x1a: {  	s4 =	simm.s32 @!p0 $0x1C01;
	s0 =	rddreg [dreg:$0x1]  }
0x1b: {  	[spmem:s5], [sflag:s4] =	dma.local @!p0 [hbm:s0], $0x30E0  }
0x1c: {  	s4 =	simm.s32 @!p0 $0x1  }
0x1d: {  	_ =	swait.ge @!p0 [sflag:s4], $0x30E0  }
0x1e: {  	[sflag:s4] =	ssyncset.done @!p0 $0x0  }
0x1f: {  	[sflag:s4] =	ssyncadd.s32 @!p0 $0xFFFFCF20  }
0x20: {  	[bflag:$0x0] =	sbarrier.arrive $0xFFFF  }
0x21: {  	s6 =	rddreg [dreg:$0x6]  }
0x22: {  	s4 =	sadd.s32 $0x0, s6  }
0x23: {  	[tilespmem:s3], [sflag:$0x1] =	stream.linear.gather [hbm4b:s4+s3], $0x800, $0x38;
	[tilespmem:$0x2870] =	vst v63  }
0x24: {  	_ =	swait.ge [sflag:s7], $0x800  }
0x25: {  	s0 =	rddreg [dreg:$0x5];
	[sflag:s7] =	ssyncset.done $0x0  }
0x26: {  	[sflag:s7] =	ssyncadd.s32 $0xFFFFF800;
	s4 =	sadd.s32 $0x0, s0  }
0x27: {  	[tilespmem:s8], [sflag:$0x1] =	stream.linear.gather [hbm4b:s4+s3], $0x800, $0x38;
	[tilespmem:$0x2870] =	vst v63  }
0x28: {  	_ =	swait.ge [sflag:s7], $0x800  }
0x29: {  	[sflag:s7] =	ssyncset.done $0x0  }
0x2a: {  	[sflag:s7] =	ssyncadd.s32 $0xFFFFF800  }
0x2b: {  	[spmem:s2] =	stream.indirect.scatter.add.f32 [tilespmem:s8], [sflag:$0x1], $0x1, s3, s9, $0xb8;
	[tilespmem:$0x2870] =	vst v63  }
0x2c: {  	_ =	swait.ge [sflag:s7], $0x80  }
0x2d: {  	[sflag:s7] =	ssyncset.done $0x0  }
0x2e: {  	s5 =	rddreg [dreg:$0x7];
	[sflag:s7] =	ssyncadd.s32 $0xFFFFFF80  }
0x2f: {  	[spmem:s2] =	stream.indirect.scatter.add.f32 [tilespmem:s5], [sflag:$0x1], $0x1, s9, s9, $0xb8;
	[tilespmem:$0x2870] =	vst v63  }
0x30: {  	_ =	swait.ge [sflag:s7], $0x80  }
0x31: {  	s6 =	rddreg [dreg:$0x8];
	[sflag:s7] =	ssyncset.done $0x0  }
0x32: {  	s0 =	rddreg [dreg:$0x9];
	[sflag:s7] =	ssyncadd.s32 $0xFFFFFF80  }
0x33: {  	[spmem:s2] =	stream.indirect.scatter.add.f32 [tilespmem:s0], [sflag:$0x1], $0x1, s6, s9, $0xb8;
	[tilespmem:$0x2870] =	vst v63  }
0x34: {  	_ =	swait.ge [sflag:s7], $0x80  }
0x35: {  	s6 =	rddreg [dreg:$0xa];
	[sflag:s7] =	ssyncset.done $0x0  }
0x36: {  	s0 =	rddreg [dreg:$0xb];
	[sflag:s7] =	ssyncadd.s32 $0xFFFFFF80  }
0x37: {  	[spmem:s2] =	stream.indirect.scatter.add.f32 [tilespmem:s0], [sflag:$0x1], $0x1, s6, s9, $0xb8;
	[tilespmem:$0x2870] =	vst v63  }
0x38: {  	_ =	swait.ge [sflag:s7], $0x80  }
0x39: {  	s5 =	rddreg [dreg:$0xc];
	[sflag:s7] =	ssyncset.done $0x0  }
0x3a: {  	s6 =	rddreg [dreg:$0xd];
	[sflag:s7] =	ssyncadd.s32 $0xFFFFFF80  }
0x3b: {  	[spmem:s2] =	stream.indirect.scatter.add.f32 [tilespmem:s6], [sflag:$0x1], $0x1, s5, s9, $0xb8;
	[tilespmem:$0x2870] =	vst v63  }
0x3c: {  	_ =	swait.ge [sflag:s7], $0x80  }
0x3d: {  	[sflag:s7] =	ssyncset.done $0x0  }
0x3e: {  	[sflag:s7] =	ssyncadd.s32 $0xFFFFFF80  }
0x3f: {  	[spmem:s2] =	stream.indirect.scatter.add.f32 [tilespmem:s11], [sflag:$0x1], $0x1, s10, s9, $0xb8;
	[tilespmem:$0x2870] =	vst v63  }
0x40: {  	_ =	swait.ge [sflag:s7], $0x80  }
0x41: {  	[sflag:s7] =	ssyncset.done $0x0  }
0x42: {  	[sflag:s7] =	ssyncadd.s32 $0xFFFFFF80  }
0x43: {  	[spmem:s2] =	stream.indirect.scatter.add.f32 [tilespmem:s13], [sflag:$0x1], $0x1, s12, s9, $0xb8;
	[tilespmem:$0x2870] =	vst v63  }
0x44: {  	_ =	swait.ge [sflag:s7], $0x80  }
0x45: {  	[sflag:s7] =	ssyncset.done $0x0  }
0x46: {  	[sflag:s7] =	ssyncadd.s32 $0xFFFFFF80  }
0x47: {  	[spmem:s2] =	stream.indirect.scatter.add.f32 [tilespmem:s15], [sflag:$0x1], $0x1, s14, s9, $0xb8;
	[tilespmem:$0x2870] =	vst v63  }
0x48: {  	_ =	swait.ge [sflag:s7], $0x80  }
0x49: {  	[sflag:s7] =	ssyncset.done $0x0  }
0x4a: {  	[sflag:s7] =	ssyncadd.s32 $0xFFFFFF80  }
0x4b: {  	[spmem:s2] =	stream.indirect.scatter.add.f32 [tilespmem:s17], [sflag:$0x1], $0x1, s16, s9, $0xb8;
	[tilespmem:$0x2870] =	vst v63  }
0x4c: {  	_ =	swait.ge [sflag:s7], $0x80  }
0x4d: {  	[sflag:s7] =	ssyncset.done $0x0  }
0x4e: {  	[sflag:s7] =	ssyncadd.s32 $0xFFFFFF80  }
0x4f: {  	[spmem:s2] =	stream.indirect.scatter.add.f32 [tilespmem:s19], [sflag:$0x1], $0x1, s18, s9, $0xb8;
	[tilespmem:$0x2870] =	vst v63  }
0x50: {  	_ =	swait.ge [sflag:s7], $0x80  }
0x51: {  	[sflag:s7] =	ssyncset.done $0x0  }
0x52: {  	[sflag:s7] =	ssyncadd.s32 $0xFFFFFF80  }
0x53: {  	[spmem:s2] =	stream.indirect.scatter.add.f32 [tilespmem:s21], [sflag:$0x1], $0x1, s20, s9, $0xb8;
	[tilespmem:$0x2870] =	vst v63  }
0x54: {  	_ =	swait.ge [sflag:s7], $0x80  }
0x55: {  	[sflag:s7] =	ssyncset.done $0x0  }
0x56: {  	[sflag:s7] =	ssyncadd.s32 $0xFFFFFF80  }
0x57: {  	[spmem:s2] =	stream.indirect.scatter.add.f32 [tilespmem:s23], [sflag:$0x1], $0x1, s22, s9, $0xb8;
	[tilespmem:$0x2870] =	vst v63  }
0x58: {  	_ =	swait.ge [sflag:s7], $0x80  }
0x59: {  	[sflag:s7] =	ssyncset.done $0x0  }
0x5a: {  	[sflag:s7] =	ssyncadd.s32 $0xFFFFFF80  }
0x5b: {  	[spmem:s2] =	stream.indirect.scatter.add.f32 [tilespmem:s25], [sflag:$0x1], $0x1, s24, s9, $0xb8;
	[tilespmem:$0x2870] =	vst v63  }
0x5c: {  	_ =	swait.ge [sflag:s7], $0x80  }
0x5d: {  	[sflag:s7] =	ssyncset.done $0x0  }
0x5e: {  	[sflag:s7] =	ssyncadd.s32 $0xFFFFFF80  }
0x5f: {  	[spmem:s2] =	stream.indirect.scatter.add.f32 [tilespmem:s28], [sflag:$0x1], $0x1, s26, s9, $0xb8;
	[tilespmem:$0x2870] =	vst v63  }
0x60: {  	_ =	swait.ge [sflag:s7], $0x80  }
0x61: {  	[sflag:s7] =	ssyncset.done $0x0  }
0x62: {  	[sflag:s7] =	ssyncadd.s32 $0xFFFFFF80  }
0x63: {  	[spmem:s2] =	stream.indirect.scatter.add.f32 [tilespmem:s30], [sflag:$0x1], $0x1, s29, s9, $0xb8;
	[tilespmem:$0x2870] =	vst v63  }
0x64: {  	_ =	swait.ge [sflag:s7], $0x80  }
0x65: {  	[sflag:s7] =	ssyncset.done $0x0  }
0x66: {  	s4 =	simm.s32 $0x100;
	[sflag:s7] =	ssyncadd.s32 $0xFFFFFF80  }
.LBB2_2:
0x67: {  	[spmem:s2] =	stream.indirect.scatter.add.f32 [tilespmem:s1], [sflag:$0x1], $0x1, s31, s9, $0xb8;
	[tilespmem:$0x2870] =	vst v63  }
0x68: {  	_ =	swait.ge [sflag:s7], $0x80  }
0x69: {  	s5 =	smov.u32 s4;
	s6 =	rddreg [dreg:$0x6];
	[sflag:s7] =	ssyncset.done $0x0  }
0x6a: {  	[sflag:s7] =	ssyncadd.s32 $0xFFFFFF80;
	s6 =	sadd.s32 s5, s6  }
0x6b: {  	[tilespmem:s3], [sflag:$0x1] =	stream.linear.gather [hbm4b:s6+s3], $0x800, $0x38;
	[tilespmem:$0x2870] =	vst v63  }
0x6c: {  	_ =	swait.ge [sflag:s7], $0x800  }
0x6d: {  	s0 =	rddreg [dreg:$0x5];
	[sflag:s7] =	ssyncset.done $0x0  }
0x6e: {  	[sflag:s7] =	ssyncadd.s32 $0xFFFFF800;
	s5 =	sadd.s32 s5, s0  }
0x6f: {  	[tilespmem:s8], [sflag:$0x1] =	stream.linear.gather [hbm4b:s5+s3], $0x800, $0x38;
	[tilespmem:$0x2870] =	vst v63  }
0x70: {  	_ =	swait.ge [sflag:s7], $0x800  }
0x71: {  	[sflag:s7] =	ssyncset.done $0x0  }
0x72: {  	[sflag:s7] =	ssyncadd.s32 $0xFFFFF800  }
0x73: {  	[spmem:s2] =	stream.indirect.scatter.add.f32 [tilespmem:s8], [sflag:$0x1], $0x1, s3, s9, $0xb8;
	[tilespmem:$0x2870] =	vst v63  }
0x74: {  	_ =	swait.ge [sflag:s7], $0x80  }
0x75: {  	[sflag:s7] =	ssyncset.done $0x0  }
0x76: {  	s0 =	rddreg [dreg:$0x7];
	[sflag:s7] =	ssyncadd.s32 $0xFFFFFF80  }
0x77: {  	[spmem:s2] =	stream.indirect.scatter.add.f32 [tilespmem:s0], [sflag:$0x1], $0x1, s9, s9, $0xb8;
	[tilespmem:$0x2870] =	vst v63  }
0x78: {  	_ =	swait.ge [sflag:s7], $0x80  }
0x79: {  	s6 =	rddreg [dreg:$0x8];
	[sflag:s7] =	ssyncset.done $0x0  }
0x7a: {  	s0 =	rddreg [dreg:$0x9];
	[sflag:s7] =	ssyncadd.s32 $0xFFFFFF80  }
0x7b: {  	[spmem:s2] =	stream.indirect.scatter.add.f32 [tilespmem:s0], [sflag:$0x1], $0x1, s6, s9, $0xb8;
	[tilespmem:$0x2870] =	vst v63  }
0x7c: {  	_ =	swait.ge [sflag:s7], $0x80  }
0x7d: {  	[sflag:s7] =	ssyncset.done $0x0;
	s6 =	rddreg [dreg:$0xa]  }
0x7e: {  	s0 =	rddreg [dreg:$0xb];
	[sflag:s7] =	ssyncadd.s32 $0xFFFFFF80  }
0x7f: {  	[spmem:s2] =	stream.indirect.scatter.add.f32 [tilespmem:s0], [sflag:$0x1], $0x1, s6, s9, $0xb8;
	[tilespmem:$0x2870] =	vst v63  }
0x80: {  	_ =	swait.ge [sflag:s7], $0x80  }
0x81: {  	[sflag:s7] =	ssyncset.done $0x0;
	s6 =	rddreg [dreg:$0xc]  }
0x82: {  	s0 =	rddreg [dreg:$0xd];
	[sflag:s7] =	ssyncadd.s32 $0xFFFFFF80  }
0x83: {  	[spmem:s2] =	stream.indirect.scatter.add.f32 [tilespmem:s0], [sflag:$0x1], $0x1, s6, s9, $0xb8;
	[tilespmem:$0x2870] =	vst v63  }
0x84: {  	_ =	swait.ge [sflag:s7], $0x80  }
0x85: {  	[sflag:s7] =	ssyncset.done $0x0  }
0x86: {  	[sflag:s7] =	ssyncadd.s32 $0xFFFFFF80  }
0x87: {  	[spmem:s2] =	stream.indirect.scatter.add.f32 [tilespmem:s11], [sflag:$0x1], $0x1, s10, s9, $0xb8;
	[tilespmem:$0x2870] =	vst v63  }
0x88: {  	_ =	swait.ge [sflag:s7], $0x80  }
0x89: {  	[sflag:s7] =	ssyncset.done $0x0  }
0x8a: {  	[sflag:s7] =	ssyncadd.s32 $0xFFFFFF80  }
0x8b: {  	[spmem:s2] =	stream.indirect.scatter.add.f32 [tilespmem:s13], [sflag:$0x1], $0x1, s12, s9, $0xb8;
	[tilespmem:$0x2870] =	vst v63  }
0x8c: {  	_ =	swait.ge [sflag:s7], $0x80  }
0x8d: {  	[sflag:s7] =	ssyncset.done $0x0  }
0x8e: {  	[sflag:s7] =	ssyncadd.s32 $0xFFFFFF80  }
0x8f: {  	[spmem:s2] =	stream.indirect.scatter.add.f32 [tilespmem:s15], [sflag:$0x1], $0x1, s14, s9, $0xb8;
	[tilespmem:$0x2870] =	vst v63  }
0x90: {  	_ =	swait.ge [sflag:s7], $0x80  }
0x91: {  	[sflag:s7] =	ssyncset.done $0x0  }
0x92: {  	[sflag:s7] =	ssyncadd.s32 $0xFFFFFF80  }
0x93: {  	[spmem:s2] =	stream.indirect.scatter.add.f32 [tilespmem:s17], [sflag:$0x1], $0x1, s16, s9, $0xb8;
	[tilespmem:$0x2870] =	vst v63  }
0x94: {  	_ =	swait.ge [sflag:s7], $0x80  }
0x95: {  	[sflag:s7] =	ssyncset.done $0x0  }
0x96: {  	[sflag:s7] =	ssyncadd.s32 $0xFFFFFF80  }
0x97: {  	[spmem:s2] =	stream.indirect.scatter.add.f32 [tilespmem:s19], [sflag:$0x1], $0x1, s18, s9, $0xb8;
	[tilespmem:$0x2870] =	vst v63  }
0x98: {  	_ =	swait.ge [sflag:s7], $0x80  }
0x99: {  	[sflag:s7] =	ssyncset.done $0x0  }
0x9a: {  	[sflag:s7] =	ssyncadd.s32 $0xFFFFFF80  }
0x9b: {  	[spmem:s2] =	stream.indirect.scatter.add.f32 [tilespmem:s21], [sflag:$0x1], $0x1, s20, s9, $0xb8;
	[tilespmem:$0x2870] =	vst v63  }
0x9c: {  	_ =	swait.ge [sflag:s7], $0x80  }
0x9d: {  	[sflag:s7] =	ssyncset.done $0x0  }
0x9e: {  	[sflag:s7] =	ssyncadd.s32 $0xFFFFFF80  }
0x9f: {  	[spmem:s2] =	stream.indirect.scatter.add.f32 [tilespmem:s23], [sflag:$0x1], $0x1, s22, s9, $0xb8;
	[tilespmem:$0x2870] =	vst v63  }
0xa0: {  	_ =	swait.ge [sflag:s7], $0x80  }
0xa1: {  	[sflag:s7] =	ssyncset.done $0x0  }
0xa2: {  	[sflag:s7] =	ssyncadd.s32 $0xFFFFFF80  }
0xa3: {  	[spmem:s2] =	stream.indirect.scatter.add.f32 [tilespmem:s25], [sflag:$0x1], $0x1, s24, s9, $0xb8;
	[tilespmem:$0x2870] =	vst v63  }
0xa4: {  	_ =	swait.ge [sflag:s7], $0x80  }
0xa5: {  	[sflag:s7] =	ssyncset.done $0x0  }
0xa6: {  	[sflag:s7] =	ssyncadd.s32 $0xFFFFFF80  }
0xa7: {  	[spmem:s2] =	stream.indirect.scatter.add.f32 [tilespmem:s28], [sflag:$0x1], $0x1, s26, s9, $0xb8;
	[tilespmem:$0x2870] =	vst v63  }
0xa8: {  	_ =	swait.ge [sflag:s7], $0x80  }
0xa9: {  	p1 =	sne.s32 s4, $0x1800;
	[sflag:s7] =	ssyncset.done $0x0  }
.Ltmp0:
0xaa: {  	[sflag:s7] =	ssyncadd.s32 $0xFFFFFF80;
	(pc) =	sbr.rel @p1 .LBB2_2-.Ltmp0, $4  }
0xab: {  	[spmem:s2] =	stream.indirect.scatter.add.f32 [tilespmem:s30], [sflag:$0x1], $0x1, s29, s9, $0xb8;
	[tilespmem:$0x2870] =	vst v63  }
0xac: {  	_ =	swait.ge [sflag:s7], $0x80  }
0xad: {  	[sflag:s7] =	ssyncset.done $0x0  }
0xae: {  	s4 =	sadd.s32 $0x100, s4;
	[sflag:s7] =	ssyncadd.s32 $0xFFFFFF80  }
0xaf: {  	[spmem:s2] =	stream.indirect.scatter.add.f32 [tilespmem:s1], [sflag:$0x1], $0x1, s31, s9, $0xb8;
	[tilespmem:$0x2870] =	vst v63  }
0xb0: {  	_ =	swait.ge [sflag:s7], $0x80  }
0xb1: {  	[sflag:s7] =	ssyncset.done $0x0  }
0xb2: {  	[sflag:s7] =	ssyncadd.s32 $0xFFFFFF80  }
0xb3: {  	[bflag:$0x0] =	sbarrier.arrive $0xFFFF  }
0xb4: {  	s0 =	simm.s32 @!p0 $0x1C01;
	s6 =	simm.s32 @!p0 $0x20;
	s5 =	rddreg [dreg:$0xe]  }
0xb5: {  	s4 =	simm.s32 @!p0 $0x1;
	s10 =	simm.s32 @!p0 $0x10;
	s11 =	rddreg [dreg:$0x10]  }
0xb6: {  	[hbm:s5@s6], [sflag:s0] =	dma.strided @!p0 [spmem:s11@s10], $0x30E0, s4, $0x10   }
0xb7: {  	s0 =	simm.s32 @!p0 $0x1  }
0xb8: {  	s5 =	rddreg [dreg:$0x10];
	_ =	swait.ge @!p0 [sflag:s0], $0x30E0  }
0xb9: {  	s6 =	rddreg [dreg:$0x11]  }
0xba: {  	[sflag:s0] =	ssyncset.done @!p0 $0x0;
	s0 =	rddreg [dreg:$0xf];
	s4 =	sadd.s32 $0x1, s6  }
0xbb: {  	p1 =	sne.s32 s4, s0  }
.Ltmp1:
0xbc: {  	_ = 	snop;
	(pc) =	sbr.rel @p1 .LBB2_1-.Ltmp1, $3  }
0xbd: {  	_ =	sdelay $0x1  }
0xbe: {  	s6 =	simm.s32 @!p0 $0x1  }
0xbf: {  	s11 =	simm.s32 $0xA80;
	s10 =	simm.s32 $0x280;
	[sflag:s6] =	ssyncadd.s32 @!p0 $0xFFFFCF20  }
0xc0: {  	_ =	sfence.sel $0x180000  }
0xc1: {  	[bflag:$0x0] =	sbarrier.arrive $0xFFFF  }
0xc2: {  	_ =	strace $0x90000047  }
0xc3: {  	[bflag:$0x2] =	sbarrier.arrive $0xFFFF  }
0xc4: {  	s0 =	rddreg [dreg:$0x4]  }
0xc5: {  	s0 =	sadd.s32 @!p0 $0x100000, s0  }
0xc6: {  	[sflag:s0] =	ssyncadd.tile.s32 @!p0 $0x1;
	_ =	shalt  }
.Lfunc_end2:
_tile_overlayer_lowered:
.L_overlay_start_2:
0xc7: {  	(tag) =	ssettag $0x2  }
0xc8: {  	s0 =	rddreg [dreg:$0x0];
	s2 =	stileid.u32  }
0xc9: {  	s1 =	rddreg [dreg:$0x1];
	p0 =	sne.s32 s2, $0x0  }
0xca: {  	s3 =	rddreg [dreg:$0x2];
	[bflag:$0x3] =	sbarrier.arrive $0xFFFF;
	s2 =	simm.s32 @!p0 $0x1C01  }
0xcb: {  	[timem:s3], [sflag:s2] =	dma.local @!p0 [hbm:s0], s1  }
0xcc: {  	s0 =	simm.s32 @!p0 $0x1  }
0xcd: {  	_ =	swait.ge @!p0 [sflag:s0], s1  }
0xce: {  	s1 =	ssub.s32 @!p0 $0x0, s1;
	[sflag:s0] =	ssyncset.done @!p0 $0x0  }
0xcf: {  	[sflag:s0] =	ssyncadd.s32 @!p0 s1  }
0xd0: {  	[bflag:$0x3] =	sbarrier.arrive $0xFFFF  }
0xd1: {  	_ =	shalt  }

// kernel: kernel.9.cloned.1.call-start
scs
__scs_entry_jumppad:
0x0: {  	(pc) =	sbr.rel $0x88, $3  }
0x1: {  	(tag) =	ssettag $0x0;
	lr =	simm.s32 $0x1  }
0x2: {  	[smem:$0x3F98] =	sst lr;
	_ =	strace $0xD0000000  }
0x3: {  	_ = 	snop  }
0x4: {  	_ = 	snop  }
0x5: {  	_ = 	snop  }
0x6: {  	_ = 	snop  }
0x7: {  	_ = 	snop  }
__scs_overlays_trampoline_lowered:
0x8: {  	[smem:$0x3FA7] =	sst s0  }
0x9: {  	[smem:$0x3FA8] =	sst s1  }
0xa: {  	[smem:$0x3FA9] =	sst s2  }
0xb: {  	[smem:$0x3FAA] =	sst s3  }
0xc: {  	[smem:$0x3FAB] =	sst s4  }
0xd: {  	[smem:$0x3FAC] =	sst s5  }
0xe: {  	[smem:$0x3FAD] =	sst s6  }
0xf: {  	[smem:$0x3FAE] =	sst s7  }
0x10: {  	[smem:$0x3FAF] =	sst s8  }
0x11: {  	[smem:$0x3FB0] =	sst s9;
	s0 =	simm.s32 @!p0 $0x0  }
0x12: {  	s1 =	sld [smem:$0x3F96];
	s0 =	simm.s32 @p0 $0x1  }
0x13: {  	[smem:$0x3FB1] =	sst s0;
	s0 =	simm.s32 @!p1 $0x0  }
0x14: {  	s2 =	sld [smem:$0x3F95];
	s0 =	simm.s32 @p1 $0x1  }
0x15: {  	[smem:$0x3FB2] =	sst s0;
	s0 =	simm.s32 @!p2 $0x0  }
0x16: {  	s3 =	sld [smem:$0x3FDB];
	s0 =	simm.s32 @p2 $0x1  }
0x17: {  	s4 =	simm.s32 $0x1BF5;
	[smem:$0x3FB4] =	sst s0  }
0x18: {  	s0 =	sld [smem:$0x3F97];
	_ =	swait.ge [sflag:s4], $0x0  }
0x19: {  	s7 =	sld [smem:$0x3F98]  }
0x1a: {  	s8 =	sadd.s32 $0xFFFFE003, lr  }
0x1b: {  	s9 =	sadd.s32 $0xFFFFFEF7, lr;
	s5 =	simm.s32 $0xFFFFFFFF;
	p2 =	slt.u32 s8, $0xFFFFF086  }
0x1c: {  	p1 =	slt.u32 s9, $0xF7A;
	s5 =	simm.s32 @!p2 $0x0  }
0x1d: {  	s5 =	simm.s32 @p1 $0x1;
	p0 =	seq.s32 s7, s2  }
0x1e: {  	s7 =	smul.u32 @!p0 $0xF7A, s2;
	p2 =	seq.s32 @!p0 s5, $0x0  }
0x1f: {  	s9 =	smul.u32 $0xF7A, s1;
	s8 =	simm.s32 @!p0 $0x1BF5;
	p2 =	por !p2, p0  }
0x20: {  	[sflag:s8] =	ssyncset.s32 @!p0 $0xFFFFF086;
	s6 =	sadd.s32 @!p0 s3, s7;
	s7 =	simm.s32 @!p0 $0x108  }
0x21: {  	s3 =	sadd.s32 s3, s9;
	s6 =	sadd.s32 @!p0 $0x88, s6;
	s7 =	simm.s32 @p2 $0x1082  }
0x22: {  	[simem:s7], [sflag:s8] =	dma.local @!p0 [hbm:s6], $0xF7A  }
0x23: {  	s9 =	sor.u32 $0xD0000000, s2;
	s6 =	simm.s32 $0x108;
	_ =	swait.ge @!p0 [sflag:s8], $0x0  }
0x24: {  	s3 =	sadd.s32 $0x88, s3;
	s6 =	simm.s32 @!p1 $0x1082;
	[sflag:s4] =	ssyncset.s32 $0xFFFFF086  }
0x25: {  	[simem:s6], [sflag:s4] =	dma.local [hbm:s3], $0xF7A  }
0x26: {  	[smem:$0x3F98] =	sst s1;
	(tag) =	ssettag s2;
	_ =	strace s9  }
0x27: {  	s1 =	sld [smem:$0x3FA8]  }
0x28: {  	s2 =	sld [smem:$0x3FA9]  }
0x29: {  	s4 =	sld [smem:$0x3FAB]  }
0x2a: {  	p0 =	seq.s32 s5, $0x0;
	s5 =	sld [smem:$0x3FAC]  }
0x2b: {  	s6 =	sld [smem:$0x3FAD]  }
0x2c: {  	s7 =	sld [smem:$0x3FAE]  }
0x2d: {  	s3 =	simm.s32 $0x108;
	s8 =	sld [smem:$0x3FAF]  }
0x2e: {  	s3 =	simm.s32 @!p0 $0x1082;
	s9 =	sld [smem:$0x3FB0]  }
0x2f: {  	lr =	sadd.s32 s0, s3;
	s0 =	sld [smem:$0x3FA7]  }
0x30: {  	s3 =	sld [smem:$0x3FAA]  }
0x31: {  	[smem:$0x3FB3] =	sst s10  }
0x32: {  	s10 =	sld [smem:$0x3FB1];
	_ =	sdelay $0x3  }
0x33: {  	p0 =	seq.s32 s10, $0x1;
	s10 =	sld [smem:$0x3FB3];
	_ =	sdelay $0x3  }
0x34: {  	[smem:$0x3FB3] =	sst s10  }
0x35: {  	s10 =	sld [smem:$0x3FB2];
	_ =	sdelay $0x3  }
0x36: {  	p1 =	seq.s32 s10, $0x1;
	s10 =	sld [smem:$0x3FB3];
	_ =	sdelay $0x3  }
0x37: {  	[smem:$0x3FB3] =	sst s10  }
0x38: {  	s10 =	sld [smem:$0x3FB4]  }
0x39: {  	_ = 	snop;
	(pc) =	sbr.ind lr, $3  }
0x3a: {  	_ = 	snop  }
0x3b: {  	_ = 	snop  }
0x3c: {  	p2 =	seq.s32 s10, $0x1;
	s10 =	sld [smem:$0x3FB3]  }
0x3d: {  	_ =	shalt  }
0x3e: {  	_ =	shalt  }
0x3f: {  	_ =	shalt  }
0x40: {  	_ =	shalt  }
0x41: {  	_ =	shalt  }
0x42: {  	_ =	shalt  }
0x43: {  	_ =	shalt  }
0x44: {  	_ =	shalt  }
0x45: {  	_ =	shalt  }
0x46: {  	_ =	shalt  }
0x47: {  	_ =	shalt  }
0x48: {  	_ =	shalt  }
0x49: {  	_ =	shalt  }
0x4a: {  	_ =	shalt  }
0x4b: {  	_ =	shalt  }
0x4c: {  	_ =	shalt  }
0x4d: {  	_ =	shalt  }
0x4e: {  	_ =	shalt  }
0x4f: {  	_ =	shalt  }
0x50: {  	_ =	shalt  }
0x51: {  	_ =	shalt  }
0x52: {  	_ =	shalt  }
0x53: {  	_ =	shalt  }
0x54: {  	_ =	shalt  }
0x55: {  	_ =	shalt  }
0x56: {  	_ =	shalt  }
0x57: {  	_ =	shalt  }
0x58: {  	_ =	shalt  }
0x59: {  	_ =	shalt  }
0x5a: {  	_ =	shalt  }
0x5b: {  	_ =	shalt  }
0x5c: {  	_ =	shalt  }
0x5d: {  	_ =	shalt  }
0x5e: {  	_ =	shalt  }
0x5f: {  	_ =	shalt  }
0x60: {  	_ =	shalt  }
0x61: {  	_ =	shalt  }
0x62: {  	_ =	shalt  }
0x63: {  	_ =	shalt  }
0x64: {  	_ =	shalt  }
0x65: {  	_ =	shalt  }
0x66: {  	_ =	shalt  }
0x67: {  	_ =	shalt  }
0x68: {  	_ =	shalt  }
0x69: {  	_ =	shalt  }
0x6a: {  	_ =	shalt  }
0x6b: {  	_ =	shalt  }
0x6c: {  	_ =	shalt  }
0x6d: {  	_ =	shalt  }
0x6e: {  	_ =	shalt  }
0x6f: {  	_ =	shalt  }
0x70: {  	_ =	shalt  }
0x71: {  	_ =	shalt  }
0x72: {  	_ =	shalt  }
0x73: {  	_ =	shalt  }
0x74: {  	_ =	shalt  }
0x75: {  	_ =	shalt  }
0x76: {  	_ =	shalt  }
0x77: {  	_ =	shalt  }
0x78: {  	_ =	shalt  }
0x79: {  	_ =	shalt  }
0x7a: {  	_ =	shalt  }
0x7b: {  	_ =	shalt  }
0x7c: {  	_ =	shalt  }
0x7d: {  	_ =	shalt  }
0x7e: {  	_ =	shalt  }
0x7f: {  	_ =	shalt  }
0x80: {  	_ =	shalt  }
0x81: {  	_ =	shalt  }
0x82: {  	_ =	shalt  }
0x83: {  	_ =	shalt  }
0x84: {  	_ =	shalt  }
0x85: {  	_ =	shalt  }
0x86: {  	_ =	shalt  }
0x87: {  	_ =	shalt  }
.Lfunc_end0:
.L_simem_size_0:
called_computation.1_lowered:
.L_overlay_start_0:
0x88: {  	s2 =	sld [smem:$0x3FD9]  }
0x89: {  	s3 =	sld [smem:$0x3FFE];
	_ =	sdelay $0x1  }
0x8a: {  	s1 =	srdreg.scid  }
0x8b: {  	s0 =	sand.u32 $0x1, s1  }
0x8c: {  	s16 =	sshll.u32 s0, $0xA;
	s2 =	sadd.s32 s3, s2  }
0x8d: {  	s2 =	sadd.s32 s2, s16  }
0x8e: {  	[smem:$0x3FBF] =	sst s2  }
0x8f: {  	_ = 	snop  }
0x90: {  	(tm) =	ssettm $0x1  }
0x91: {  	s17 =	sld [smem:$0x3FFB];
	_ =	sdelay $0x3  }
0x92: {  	_ =	strace s17  }
0x93: {  	s2 =	sld [smem:$0x3FFC];
	_ =	sdelay $0x3  }
0x94: {  	_ =	strace s2  }
0x95: {  	s2 =	sld [smem:$0x3FFD];
	_ =	sdelay $0x3  }
0x96: {  	_ =	strace s2  }
0x97: {  	_ =	strace $0x8FFFFFFF  }
0x98: {  	s18 =	sld [smem:$0x3FDB];
	_ =	sdelay $0x1  }
0x99: {  	s19 =	simm.s32 $_scs_section_size  }
0x9a: {  	s4 =	simm.s32 $_size__tile_overlayer_lowered;
	s5 =	simm.s32 $_tile_overlayer_lowered  }
0x9b: {  	s22 =	simm.s32 $0x1BFF;
	s21 =	sshll.u32 s5, $0x1;
	s2 =	sadd.s32 s19, s18  }
0x9c: {  	s6 =	simm.s32 $0x0;
	s20 =	sshll.u32 s4, $0x1;
	s4 =	sadd.s32 s21, s2  }
0x9d: {  	[timem:s6], [sflag:s22] =	dma.local [hbm:s4], s20  }
0x9e: {  	_ =	swait.ge [sflag:s22], s20  }
0x9f: {  	s3 =	ssub.s32 $0x0, s20;
	[sflag:s22] =	ssyncset.done $0x0  }
0xa0: {  	[sflag:s22] =	ssyncadd.s32 s3;
	_ =	sdelay $0x1  }
0xa1: {  	s23 =	simm.s32 $0x1B8B  }
0xa2: {  	_ =	swait.ge [sflag:s23], $0x1  }
0xa3: {  	[sflag:s23] =	ssyncset.done $0x0  }
0xa4: {  	s25 =	simm.s32 $0x1B8E;
	s24 =	sld [smem:$0x3FFE];
	[sflag:s23] =	ssyncadd.s32 $0xFFFFFFFF  }
0xa5: {  	s26 =	simm.s32 $execute0_lowered;
	[smem:$0x3FD2] =	sst s25  }
0xa6: {  	s4 =	sshll.u32 s26, $0x1;
	_ =	strace $0x80000049;
	[dreg:$0x1] =	wrdreg $0xFFFFFFFF  }
0xa7: {  	s28 =	simm.s32 $_size_execute0_lowered;
	s2 =	sadd.s32 s2, s4;
	[dreg:$0x0] =	wrdreg $0x0  }
0xa8: {  	s4 =	sshll.u32 s28, $0x1;
	[dreg:$0x2] =	wrdreg s2  }
0xa9: {  	[dreg:$0x3] =	wrdreg s4  }
0xaa: {  	[dreg:$0x4] =	wrdreg $0xC0  }
0xab: {  	_ =	task [dreg:s6], $0x5FFFF  }
0xac: {  	[dreg:$0x1] =	wrdreg $0xFFFFFFFF  }
0xad: {  	[dreg:$0x0] =	wrdreg $0x60  }
0xae: {  	[dreg:$0x2] =	wrdreg s24  }
0xaf: {  	[dreg:$0x3] =	wrdreg $0x50000  }
0xb0: {  	[dreg:$0x4] =	wrdreg $0x9  }
0xb1: {  	_ =	task.clear_ibuf [dreg:s6], $0x5FFFF;
	_ =	strace $0x90000049  }
0xb2: {  	s29 =	simm.s32 $0x9;
	_ =	strace $0x8000004B  }
0xb3: {  	_ =	swait.ge [sflag:s29], $0x1  }
0xb4: {  	[sflag:s29] =	ssyncadd.s32 $0xFFFFFFFF  }
0xb5: {  	_ =	strace $0x9000004B  }
0xb6: {  	_ =	sfence  }
0xb7: {  	s30 =	sld [smem:$0x0];
	_ =	sdelay $0x2  }
0xb8: {  	s31 =	sshll.u32 s1, $0xD;
	s1 =	sshrl.u32 s1, $0x2  }
0xb9: {  	s3 =	sand.u32 $0x4000, s31;
	s1 =	sadd.s32 s1, s30  }
0xba: {  	s0 =	sor.u32 s3, s0;
	s1 =	sshll.u32 s1, $0x11  }
0xbb: {  	s0 =	sor.u32 s1, s0  }
0xbc: {  	s0 =	sadd.s32 $0x8F2B, s0  }
0xbd: {  	[sflag:s0] =	ssyncadd.remote.s32 $0x1  }
0xbe: {  	_ =	sfence.sel $0xFFFF  }
0xbf: {  	[dreg:$0x0] =	wrdreg $0xFFFFFFFF;
	(pc) =	sbr.abs _section_cstart, $3  }
0xc0: {  	[dreg:$0x1] =	wrdreg $0xFFFFFFFF  }
0xc1: {  	_ =	task.clear_ibuf [dreg:s6], $0x2FFFF;
	_ =	strace $0x9FFFFFFF  }
0xc2: {  	(tm) =	ssettm $0x7FFFFFFF  }
0xc3: {  	_ =	shalt  }
tec
execute0_lowered:
.L_overlay_start_1:
0x0: {  	(tag) =	ssettag $0x1  }
0x1: {  	s12 =	stileid.u32  }
0x2: {  	s9 =	smul.u32 $0x61C00, s12  }
0x3: {  	s0 =	rddreg [dreg:$0x0];
	s11 =	smul.u32 $0x18700, s12  }
0x4: {  	s1 =	rddreg [dreg:$0x1];
	s2 =	simm.s32 $0x0;
	s9 =	sshrl.u32 s9, $0x2  }
0x5: {  	[smem:$0x7FF] =	sst s2;
	s13 =	sadd.s32 s11, s1;
	s9 =	sadd.s32 s9, s1  }
0x6: {  	_ =	strace $0x8000004A;
	[dreg:$0x3] =	wrdreg s13;
	s14 =	sadd.s32 $0x1000, s9  }
0x7: {  	s18 =	sadd.s32 $0x2000, s9;
	[dreg:$0x4] =	wrdreg s14  }
0x8: {  	s19 =	sadd.s32 $0x3000, s9;
	[dreg:$0x5] =	wrdreg s18  }
0x9: {  	s20 =	sadd.s32 $0x4000, s9;
	[dreg:$0x6] =	wrdreg s19  }
0xa: {  	s21 =	sadd.s32 $0x5000, s9;
	[dreg:$0x7] =	wrdreg s20  }
0xb: {  	s3 =	srdreg.scid;
	s22 =	sadd.s32 $0x6000, s9;
	[dreg:$0x8] =	wrdreg s21  }
0xc: {  	s28 =	simm.s32 $0x9;
	s23 =	sadd.s32 $0x7000, s9;
	[dreg:$0x9] =	wrdreg s22  }
0xd: {  	s31 =	simm.s32 $0x80;
	s24 =	sadd.s32 $0x8000, s9;
	[dreg:$0xa] =	wrdreg s23  }
0xe: {  	s30 =	simm.s32 $0x3400;
	s25 =	sadd.s32 $0x9000, s9;
	[dreg:$0xb] =	wrdreg s24  }
0xf: {  	s4 =	sadd.s32 $0xC9400, s0;
	s26 =	sadd.s32 $0xA000, s9;
	[dreg:$0xc] =	wrdreg s25  }
0x10: {  	s5 =	sadd.s32 $0x97400, s0;
	s29 =	sadd.s32 $0xB000, s9;
	[dreg:$0xd] =	wrdreg s26  }
0x11: {  	s8 =	sand.u32 $0x1, s3;
	s15 =	sadd.s32 $0xC000, s9;
	[dreg:$0xe] =	wrdreg s29  }
0x12: {  	s6 =	sadd.s32 $0x33400, s0;
	s16 =	sadd.s32 $0xD000, s9;
	[dreg:$0x10] =	wrdreg s15  }
0x13: {  	s7 =	sadd.s32 $0x65400, s0;
	s17 =	sadd.s32 $0xE000, s9;
	[dreg:$0x11] =	wrdreg s16  }
0x14: {  	s0 =	sadd.s32 $0x12B000, s0;
	[dreg:$0x12] =	wrdreg s17;
	s18 =	sadd.s32 $0xF000, s9  }
0x15: {  	s3 =	ssub.s32 $0x2, s8;
	s19 =	sadd.s32 $0x10000, s9;
	[dreg:$0x13] =	wrdreg s18  }
0x16: {  	s10 =	sshrl.u32 s3, $0x1;
	s20 =	sadd.s32 $0x11000, s9;
	[dreg:$0x14] =	wrdreg s19  }
0x17: {  	s10 =	ssub.s32 s3, s10;
	s21 =	sadd.s32 $0x12000, s9;
	[dreg:$0x15] =	wrdreg s20  }
0x18: {  	s3 =	smul.u32 $0x186A0, s8;
	s22 =	sadd.s32 $0x13000, s9;
	[dreg:$0x16] =	wrdreg s21  }
0x19: {  	s8 =	smul.u32 $0x186A00, s8;
	s23 =	sadd.s32 $0x14000, s9;
	[dreg:$0x17] =	wrdreg s22  }
0x1a: {  	p0 =	seq.s32 s12, $0xF;
	s24 =	sadd.s32 $0x15000, s9;
	[dreg:$0x18] =	wrdreg s23  }
0x1b: {  	s11 =	sadd.s32 s11, s8;
	s25 =	sadd.s32 $0x16000, s9;
	[dreg:$0x19] =	wrdreg s24  }
0x1c: {  	s8 =	sshrl.u32 s8, $0x3;
	s29 =	sadd.s32 $0x17000, s9;
	[dreg:$0x1a] =	wrdreg s25  }
0x1d: {  	s9 =	sadd.s32 $0x18000, s9;
	s11 =	sshrl.u32 s11, $0x3;
	[dreg:$0x1b] =	wrdreg s29  }
0x1e: {  	[dreg:$0x1c] =	wrdreg s9;
	s29 =	sadd.s32 $0x186900, s1;
	s11 =	sadd.s32 s0, s11  }
0x1f: {  	s0 =	sadd.s32 s0, s8;
	s8 =	smul.u32 $0x19000, s12;
	[smem:$0x7FD] =	sst s29  }
0x20: {  	s12 =	simm.s32 $0x3E00;
	[dreg:$0xf] =	wrdreg s11;
	s0 =	sadd.s32 $0x2DD20, s0  }
0x21: {  	s26 =	sshrl.u32 s8, $0x3;
	s24 =	sor.u32 $0x400, s8;
	[smem:$0x7FB] =	sst s0  }
0x22: {  	s25 =	sor.u32 $0x500, s8;
	s0 =	simm.s32 $0x1;
	[smem:$0x7F9] =	sst s24  }
0x23: {  	s15 =	sadd.s32 s5, s26;
	s16 =	sadd.s32 s6, s26;
	[smem:$0x7FA] =	sst s25  }
0x24: {  	s17 =	sadd.s32 s7, s26;
	s18 =	sor.u32 $0x20, s26;
	[dreg:$0x1d] =	wrdreg s15  }
0x25: {  	s11 =	sor.u32 $0x40, s26;
	s26 =	smax.u32 s10, $0x1;
	[dreg:$0x1e] =	wrdreg s16  }
0x26: {  	s25 =	simm.s32 $0x2C00;
	s10 =	simm.s32 $0x7;
	[dreg:$0x1f] =	wrdreg s17  }
0x27: {  	s24 =	simm.s32 $0x6;
	s19 =	sadd.s32 s5, s18;
	[smem:$0x7FC] =	sst s26  }
0x28: {  	s20 =	sadd.s32 s6, s18;
	s9 =	sadd.s32 s7, s18;
	[smem:$0x7F3] =	sst s19  }
0x29: {  	s21 =	sadd.s32 s5, s11;
	s22 =	sadd.s32 s6, s11;
	[smem:$0x7F4] =	sst s20  }
0x2a: {  	v1 =	vimm.f32 $0.0e+00;
	v2 =	vimm.s32 $0x0;
	v3 =	vimm.s32 $0x1;
	s23 =	sadd.s32 s7, s11;
	s26 =	simm.s32 $0x400;
	[smem:$0x7F5] =	sst s9  }
.Ltmp0:
0x2b: {  	v4 =	vimm.s32 $0x2;
	v5 =	vimm.s32 $0x3;
	v6 =	vimm.s32 $0x4;
	s16 =	simm.s32 $0x2000;
	[smem:$0x7F6] =	sst s21;
	(pc) =	sbr.rel .LBB2_1-.Ltmp0, $4  }
0x2c: {  	v7 =	vimm.s32 $0x5;
	v8 =	vimm.s32 $0x6;
	v9 =	vimm.s32 $0x7;
	s18 =	simm.s32 $0x2A00;
	s17 =	simm.s32 $0x4800;
	[smem:$0x7F7] =	sst s22  }
0x2d: {  	v10 =	vimm.s32 $0x8;
	v11 =	vimm.s32 $0x9;
	v12 =	vimm.s32 $0xA;
	s15 =	simm.s32 $0x2;
	s11 =	simm.s32 $0x0;
	[smem:$0x7F8] =	sst s23  }
0x2e: {  	v13 =	vimm.s32 $0xB;
	v14 =	vimm.s32 $0xC;
	v15 =	vimm.s32 $0xD;
	s19 =	sor.u32 $0x300, s8;
	s22 =	sor.u32 $0x600, s8;
	s20 =	simm.s32 $0x4000  }
0x2f: {  	v16 =	vimm.s32 $0xE;
	v17 =	vimm.s32 $0xF;
	v0 =	vmov s3;
	s23 =	simm.s32 $0x3;
	s8 =	simm.s32 $0x5;
	s21 =	simm.s32 $0x4  }
.LBB2_18:
0x30: {  	_ =	swait.ge [sflag:s15], $0x1000  }
0x31: {  	[sflag:s15] =	ssyncset.done $0x0  }
0x32: {  	[sflag:s15] =	ssyncadd.s32 $0xFFFFF000  }
0x33: {  	_ =	swait.ge [sflag:s21], $0x1000  }
0x34: {  	[sflag:s21] =	ssyncset.done $0x0  }
0x35: {  	[sflag:s21] =	ssyncadd.s32 $0xFFFFF000  }
0x36: {  	_ =	swait.ge [sflag:s24], $0x1000  }
0x37: {  	[sflag:s24] =	ssyncset.done $0x0  }
0x38: {  	s3 =	simm.s32 $0x8;
	[sflag:s24] =	ssyncadd.s32 $0xFFFFF000  }
0x39: {  	_ =	swait.ge [sflag:s3], $0x1000  }
0x3a: {  	[sflag:s3] =	ssyncset.done $0x0  }
0x3b: {  	[sflag:s3] =	ssyncadd.s32 $0xFFFFF000  }
0x3c: {  	[bflag:$0x0] =	sbarrier.arrive $0xFFFF  }
0x3d: {  	s11 =	sld [smem:$0x7FB]  }
0x3e: {  	s13 =	rddreg [dreg:$0x3]  }
0x3f: {  	s9 =	simm.s32 @p0 $0x1FC9;
	s3 =	sshrl.u32 @p0 s13, $0x3  }
0x40: {  	[hbm:s11], [sflag:s9] =	dma.local @p0 [spmem:s3], $0x3020  }
0x41: {  	s3 =	simm.s32 @p0 $0x9  }
0x42: {  	s9 =	stileid.u32;
	_ =	swait.ge @p0 [sflag:s3], $0x3020  }
0x43: {  	s9 =	sshll.u32 @!p0 s9, $0x6;
	[sflag:s3] =	ssyncset.done @p0 $0x0;
	s11 =	rddreg [dreg:$0xf]  }
0x44: {  	[sflag:s3] =	ssyncadd.s32 @p0 $0xFFFFCFE0;
	s3 =	sor.u32 @!p0 $0x1C09, s9;
	s9 =	sshrl.u32 @!p0 s13, $0x3  }
0x45: {  	[hbm:s11], [sflag:s3] =	dma.local @!p0 [spmem:s9], $0x30E0  }
0x46: {  	s3 =	simm.s32 @!p0 $0x9  }
0x47: {  	_ =	swait.ge @!p0 [sflag:s3], $0x30E0  }
0x48: {  	s14 =	sld [smem:$0x7F2]  }
0x49: {  	s29 =	sld [smem:$0x7FC];
	_ =	sdelay $0x1  }
0x4a: {  	s11 =	sadd.s32 $0x1, s14  }
0x4b: {  	p1 =	sne.s32 s11, s29  }
.Ltmp1:
0x4c: {  	_ = 	snop;
	(pc) =	sbr.rel @!p1 .LBB2_19-.Ltmp1, $3  }
0x4d: {  	_ =	sdelay $0x1  }
0x4e: {  	[sflag:s3] =	ssyncset.done @!p0 $0x0  }
0x4f: {  	[sflag:s3] =	ssyncadd.s32 @!p0 $0xFFFFCF20  }
.LBB2_1:
0x50: {  	[smem:$0x7F2] =	sst s11;
	s3 =	simm.s32 $0x40;
	s9 =	simm.s32 $0x0  }
.LBB2_2:
0x51: {  	p1 =	sne.s32 s3, $0x3FC0;
	[tilespmem:s9+$0x400] =	vst v1;
	s9 =	smov.u32 s3;
	s3 =	sadd.s32 $0x40, s3  }
.Ltmp2:
0x52: {  	(pc) =	sbr.rel @p1 .LBB2_2-.Ltmp2, $2  }
0x53: {  	_ =	sdelay $0x2  }
0x54: {  	s9 =	sshra.s32 s9, $0x2  }
0x55: {  	[tilespmem:s9+$0x400] =	vst v1  }
0x56: {  	[spmem:s13] =	stream.linear.scatter [tilespmem:s26], [sflag:$0x9], $0x1000, $0x38;
	[tilespmem:$0x1D6A0] =	vst v63  }
0x57: {  	_ =	swait.ge [sflag:s28], $0x1000  }
0x58: {  	[sflag:s28] =	ssyncset.done $0x0  }
0x59: {  	s3 =	rddreg [dreg:$0x4];
	[sflag:s28] =	ssyncadd.s32 $0xFFFFF000  }
0x5a: {  	[spmem:s3] =	stream.linear.scatter [tilespmem:s26], [sflag:$0x9], $0x1000, $0x38;
	[tilespmem:$0x1D6A0] =	vst v63  }
0x5b: {  	_ =	swait.ge [sflag:s28], $0x1000  }
0x5c: {  	[sflag:s28] =	ssyncset.done $0x0  }
0x5d: {  	s29 =	rddreg [dreg:$0x5];
	[sflag:s28] =	ssyncadd.s32 $0xFFFFF000  }
0x5e: {  	[spmem:s29] =	stream.linear.scatter [tilespmem:s26], [sflag:$0x9], $0x1000, $0x38;
	[tilespmem:$0x1D6A0] =	vst v63  }
0x5f: {  	_ =	swait.ge [sflag:s28], $0x1000  }
0x60: {  	[sflag:s28] =	ssyncset.done $0x0  }
0x61: {  	s9 =	rddreg [dreg:$0x6];
	[sflag:s28] =	ssyncadd.s32 $0xFFFFF000  }
0x62: {  	[spmem:s9] =	stream.linear.scatter [tilespmem:s26], [sflag:$0x9], $0x1000, $0x38;
	[tilespmem:$0x1D6A0] =	vst v63  }
0x63: {  	_ =	swait.ge [sflag:s28], $0x1000  }
0x64: {  	[sflag:s28] =	ssyncset.done $0x0  }
0x65: {  	s11 =	rddreg [dreg:$0x7];
	[sflag:s28] =	ssyncadd.s32 $0xFFFFF000  }
0x66: {  	[spmem:s11] =	stream.linear.scatter [tilespmem:s26], [sflag:$0x9], $0x1000, $0x38;
	[tilespmem:$0x1D6A0] =	vst v63  }
0x67: {  	_ =	swait.ge [sflag:s28], $0x1000  }
0x68: {  	[sflag:s28] =	ssyncset.done $0x0  }
0x69: {  	s13 =	rddreg [dreg:$0x8];
	[sflag:s28] =	ssyncadd.s32 $0xFFFFF000  }
0x6a: {  	[spmem:s13] =	stream.linear.scatter [tilespmem:s26], [sflag:$0x9], $0x1000, $0x38;
	[tilespmem:$0x1D6A0] =	vst v63  }
0x6b: {  	_ =	swait.ge [sflag:s28], $0x1000  }
0x6c: {  	[sflag:s28] =	ssyncset.done $0x0  }
0x6d: {  	s14 =	rddreg [dreg:$0x9];
	[sflag:s28] =	ssyncadd.s32 $0xFFFFF000  }
0x6e: {  	[spmem:s14] =	stream.linear.scatter [tilespmem:s26], [sflag:$0x9], $0x1000, $0x38;
	[tilespmem:$0x1D6A0] =	vst v63  }
0x6f: {  	_ =	swait.ge [sflag:s28], $0x1000  }
0x70: {  	[sflag:s28] =	ssyncset.done $0x0  }
0x71: {  	s29 =	rddreg [dreg:$0xa];
	[sflag:s28] =	ssyncadd.s32 $0xFFFFF000  }
0x72: {  	[spmem:s29] =	stream.linear.scatter [tilespmem:s26], [sflag:$0x9], $0x1000, $0x38;
	[tilespmem:$0x1D6A0] =	vst v63  }
0x73: {  	_ =	swait.ge [sflag:s28], $0x1000  }
0x74: {  	[sflag:s28] =	ssyncset.done $0x0  }
0x75: {  	s9 =	rddreg [dreg:$0xb];
	[sflag:s28] =	ssyncadd.s32 $0xFFFFF000  }
0x76: {  	[spmem:s9] =	stream.linear.scatter [tilespmem:s26], [sflag:$0x9], $0x1000, $0x38;
	[tilespmem:$0x1D6A0] =	vst v63  }
0x77: {  	_ =	swait.ge [sflag:s28], $0x1000  }
0x78: {  	[sflag:s28] =	ssyncset.done $0x0  }
0x79: {  	s11 =	rddreg [dreg:$0xc];
	[sflag:s28] =	ssyncadd.s32 $0xFFFFF000  }
0x7a: {  	[spmem:s11] =	stream.linear.scatter [tilespmem:s26], [sflag:$0x9], $0x1000, $0x38;
	[tilespmem:$0x1D6A0] =	vst v63  }
0x7b: {  	_ =	swait.ge [sflag:s28], $0x1000  }
0x7c: {  	[sflag:s28] =	ssyncset.done $0x0  }
0x7d: {  	s13 =	rddreg [dreg:$0xd];
	[sflag:s28] =	ssyncadd.s32 $0xFFFFF000  }
0x7e: {  	[spmem:s13] =	stream.linear.scatter [tilespmem:s26], [sflag:$0x9], $0x1000, $0x38;
	[tilespmem:$0x1D6A0] =	vst v63  }
0x7f: {  	_ =	swait.ge [sflag:s28], $0x1000  }
0x80: {  	[sflag:s28] =	ssyncset.done $0x0  }
0x81: {  	s14 =	rddreg [dreg:$0xe];
	[sflag:s28] =	ssyncadd.s32 $0xFFFFF000  }
0x82: {  	[spmem:s14] =	stream.linear.scatter [tilespmem:s26], [sflag:$0x9], $0x1000, $0x38;
	[tilespmem:$0x1D6A0] =	vst v63  }
0x83: {  	_ =	swait.ge [sflag:s28], $0x1000  }
0x84: {  	[sflag:s28] =	ssyncset.done $0x0  }
0x85: {  	s29 =	rddreg [dreg:$0x10];
	[sflag:s28] =	ssyncadd.s32 $0xFFFFF000  }
0x86: {  	[spmem:s29] =	stream.linear.scatter [tilespmem:s26], [sflag:$0x9], $0x1000, $0x38;
	[tilespmem:$0x1D6A0] =	vst v63  }
0x87: {  	_ =	swait.ge [sflag:s28], $0x1000  }
0x88: {  	[sflag:s28] =	ssyncset.done $0x0  }
0x89: {  	s9 =	rddreg [dreg:$0x11];
	[sflag:s28] =	ssyncadd.s32 $0xFFFFF000  }
0x8a: {  	[spmem:s9] =	stream.linear.scatter [tilespmem:s26], [sflag:$0x9], $0x1000, $0x38;
	[tilespmem:$0x1D6A0] =	vst v63  }
0x8b: {  	_ =	swait.ge [sflag:s28], $0x1000  }
0x8c: {  	[sflag:s28] =	ssyncset.done $0x0  }
0x8d: {  	s11 =	rddreg [dreg:$0x12];
	[sflag:s28] =	ssyncadd.s32 $0xFFFFF000  }
0x8e: {  	[spmem:s11] =	stream.linear.scatter [tilespmem:s26], [sflag:$0x9], $0x1000, $0x38;
	[tilespmem:$0x1D6A0] =	vst v63  }
0x8f: {  	_ =	swait.ge [sflag:s28], $0x1000  }
0x90: {  	[sflag:s28] =	ssyncset.done $0x0  }
0x91: {  	s13 =	rddreg [dreg:$0x13];
	[sflag:s28] =	ssyncadd.s32 $0xFFFFF000  }
0x92: {  	[spmem:s13] =	stream.linear.scatter [tilespmem:s26], [sflag:$0x9], $0x1000, $0x38;
	[tilespmem:$0x1D6A0] =	vst v63  }
0x93: {  	_ =	swait.ge [sflag:s28], $0x1000  }
0x94: {  	[sflag:s28] =	ssyncset.done $0x0  }
0x95: {  	s14 =	rddreg [dreg:$0x14];
	[sflag:s28] =	ssyncadd.s32 $0xFFFFF000  }
0x96: {  	[spmem:s14] =	stream.linear.scatter [tilespmem:s26], [sflag:$0x9], $0x1000, $0x38;
	[tilespmem:$0x1D6A0] =	vst v63  }
0x97: {  	_ =	swait.ge [sflag:s28], $0x1000  }
0x98: {  	[sflag:s28] =	ssyncset.done $0x0  }
0x99: {  	s29 =	rddreg [dreg:$0x15];
	[sflag:s28] =	ssyncadd.s32 $0xFFFFF000  }
0x9a: {  	[spmem:s29] =	stream.linear.scatter [tilespmem:s26], [sflag:$0x9], $0x1000, $0x38;
	[tilespmem:$0x1D6A0] =	vst v63  }
0x9b: {  	_ =	swait.ge [sflag:s28], $0x1000  }
0x9c: {  	[sflag:s28] =	ssyncset.done $0x0  }
0x9d: {  	s9 =	rddreg [dreg:$0x16];
	[sflag:s28] =	ssyncadd.s32 $0xFFFFF000  }
0x9e: {  	[spmem:s9] =	stream.linear.scatter [tilespmem:s26], [sflag:$0x9], $0x1000, $0x38;
	[tilespmem:$0x1D6A0] =	vst v63  }
0x9f: {  	_ =	swait.ge [sflag:s28], $0x1000  }
0xa0: {  	[sflag:s28] =	ssyncset.done $0x0  }
0xa1: {  	s11 =	rddreg [dreg:$0x17];
	[sflag:s28] =	ssyncadd.s32 $0xFFFFF000  }
0xa2: {  	[spmem:s11] =	stream.linear.scatter [tilespmem:s26], [sflag:$0x9], $0x1000, $0x38;
	[tilespmem:$0x1D6A0] =	vst v63  }
0xa3: {  	_ =	swait.ge [sflag:s28], $0x1000  }
0xa4: {  	[sflag:s28] =	ssyncset.done $0x0  }
0xa5: {  	s13 =	rddreg [dreg:$0x18];
	[sflag:s28] =	ssyncadd.s32 $0xFFFFF000  }
0xa6: {  	[spmem:s13] =	stream.linear.scatter [tilespmem:s26], [sflag:$0x9], $0x1000, $0x38;
	[tilespmem:$0x1D6A0] =	vst v63  }
0xa7: {  	_ =	swait.ge [sflag:s28], $0x1000  }
0xa8: {  	[sflag:s28] =	ssyncset.done $0x0  }
0xa9: {  	s14 =	rddreg [dreg:$0x19];
	[sflag:s28] =	ssyncadd.s32 $0xFFFFF000  }
0xaa: {  	[spmem:s14] =	stream.linear.scatter [tilespmem:s26], [sflag:$0x9], $0x1000, $0x38;
	[tilespmem:$0x1D6A0] =	vst v63  }
0xab: {  	_ =	swait.ge [sflag:s28], $0x1000  }
0xac: {  	[sflag:s28] =	ssyncset.done $0x0  }
0xad: {  	s29 =	rddreg [dreg:$0x1a];
	[sflag:s28] =	ssyncadd.s32 $0xFFFFF000  }
0xae: {  	[spmem:s29] =	stream.linear.scatter [tilespmem:s26], [sflag:$0x9], $0x1000, $0x38;
	[tilespmem:$0x1D6A0] =	vst v63  }
0xaf: {  	_ =	swait.ge [sflag:s28], $0x1000  }
0xb0: {  	[sflag:s28] =	ssyncset.done $0x0  }
0xb1: {  	s9 =	rddreg [dreg:$0x1b];
	[sflag:s28] =	ssyncadd.s32 $0xFFFFF000  }
0xb2: {  	[spmem:s9] =	stream.linear.scatter [tilespmem:s26], [sflag:$0x9], $0x1000, $0x38;
	[tilespmem:$0x1D6A0] =	vst v63  }
0xb3: {  	_ =	swait.ge [sflag:s28], $0x1000  }
0xb4: {  	s9 =	sld [smem:$0x7FD]  }
0xb5: {  	[sflag:s28] =	ssyncset.done $0x0  }
0xb6: {  	s3 =	simm.s32 @p0 $0x400;
	[sflag:s28] =	ssyncadd.s32 $0xFFFFF000  }
0xb7: {  	[spmem:s9] =	stream.linear.scatter @p0 [tilespmem:s3], [sflag:$0x9], $0x100, $0x38;
	[tilespmem:$0x1D6A0] =	vst v63  }
0xb8: {  	s3 =	simm.s32 @p0 $0x9  }
0xb9: {  	_ =	swait.ge @p0 [sflag:s3], $0x100  }
0xba: {  	[sflag:s3] =	ssyncset.done @p0 $0x0  }
0xbb: {  	s9 =	rddreg [dreg:$0x1c];
	[sflag:s3] =	ssyncadd.s32 @p0 $0xFFFFFF00;
	s3 =	simm.s32 @!p0 $0x400  }
0xbc: {  	[spmem:s9] =	stream.linear.scatter @!p0 [tilespmem:s3], [sflag:$0x9], $0x700, $0x38;
	[tilespmem:$0x1D6A0] =	vst v63  }
0xbd: {  	s3 =	simm.s32 @!p0 $0x9  }
0xbe: {  	_ =	swait.ge @!p0 [sflag:s3], $0x700  }
0xbf: {  	[sflag:s3] =	ssyncset.done @!p0 $0x0  }
0xc0: {  	[sflag:s3] =	ssyncadd.s32 @!p0 $0xFFFFF900  }
0xc1: {  	[bflag:$0x0] =	sbarrier.arrive $0xFFFF  }
0xc2: {  	s3 =	simm.s32 $0x0;
	s11 =	rddreg [dreg:$0x1d]  }
0xc3: {  	[tilespmem:s3], [sflag:$0x9] =	stream.linear.gather [hbm4b:s11+s3], $0x100, $0x38;
	[tilespmem:$0x1D6A0] =	vst v63  }
0xc4: {  	_ =	swait.ge [sflag:s28], $0x100  }
0xc5: {  	[sflag:s28] =	ssyncset.done $0x0  }
0xc6: {  	s11 =	simm.s32 $0x200;
	s13 =	rddreg [dreg:$0x1e];
	[sflag:s28] =	ssyncadd.s32 $0xFFFFFF00  }
0xc7: {  	[tilespmem:s11], [sflag:$0x9] =	stream.linear.gather [hbm4b:s13+s3], $0x100, $0x38;
	[tilespmem:$0x1D6A0] =	vst v63  }
0xc8: {  	_ =	swait.ge [sflag:s28], $0x100  }
0xc9: {  	[sflag:s28] =	ssyncset.done $0x0  }
0xca: {  	s29 =	simm.s32 $0x300;
	s14 =	rddreg [dreg:$0x1f];
	[sflag:s28] =	ssyncadd.s32 $0xFFFFFF00  }
0xcb: {  	[tilespmem:s29], [sflag:$0x9] =	stream.linear.gather [hbm4b:s14+s3], $0x100, $0x38;
	[tilespmem:$0x1D6A0] =	vst v63  }
0xcc: {  	_ =	swait.ge [sflag:s28], $0x100  }
0xcd: {  	[sflag:s28] =	ssyncset.done $0x0  }
0xce: {  	[sflag:s28] =	ssyncadd.s32 $0xFFFFFF00  }
0xcf: {  	v18 =	vld [tilespmem:$0x0]  }
0xd0: {  	v19 =	vld [tilespmem:$0x10]  }
0xd1: {  	v20 =	vld [tilespmem:$0x20]  }
0xd2: {  	v21 =	vld [tilespmem:$0x30]  }
0xd3: {  	v22 =	vld [tilespmem:$0x40]  }
0xd4: {  	v23 =	vld [tilespmem:$0x50];
	v18 =	vadd.s32 v0, v18  }
0xd5: {  	[tilespmem:$0x100] =	vst v18;
	v18 =	vadd.s32 v0, v19;
	v19 =	vld [tilespmem:$0x60]  }
0xd6: {  	v32 =	vld [tilespmem:$0x70];
	[tilespmem:$0x110] =	vst v18;
	v18 =	vadd.s32 v0, v20  }
0xd7: {  	v33 =	vld [tilespmem:$0x80];
	[tilespmem:$0x120] =	vst v18;
	v18 =	vadd.s32 v0, v21  }
0xd8: {  	v34 =	vld [tilespmem:$0x90];
	[tilespmem:$0x130] =	vst v18;
	v18 =	vadd.s32 v0, v22  }
0xd9: {  	v35 =	vld [tilespmem:$0xA0];
	[tilespmem:$0x140] =	vst v18;
	v18 =	vadd.s32 v0, v23  }
0xda: {  	[tilespmem:$0x150] =	vst v18;
	v18 =	vadd.s32 v0, v19;
	v19 =	vld [tilespmem:$0xB0]  }
0xdb: {  	v36 =	vld [tilespmem:$0xC0];
	[tilespmem:$0x160] =	vst v18;
	v18 =	vadd.s32 v0, v32  }
0xdc: {  	v37 =	vld [tilespmem:$0xD0];
	[tilespmem:$0x170] =	vst v18;
	v18 =	vadd.s32 v0, v33  }
0xdd: {  	v38 =	vld [tilespmem:$0xE0];
	[tilespmem:$0x180] =	vst v18;
	v18 =	vadd.s32 v0, v34  }
0xde: {  	v39 =	vld [tilespmem:$0xF0];
	[tilespmem:$0x190] =	vst v18;
	v18 =	vadd.s32 v0, v35  }
0xdf: {  	[tilespmem:$0x1A0] =	vst v18;
	v18 =	vadd.s32 v0, v19  }
0xe0: {  	[tilespmem:$0x1B0] =	vst v18;
	v18 =	vadd.s32 v0, v36  }
0xe1: {  	[tilespmem:$0x1C0] =	vst v18;
	v18 =	vadd.s32 v0, v37  }
0xe2: {  	[tilespmem:$0x1D0] =	vst v18;
	v18 =	vadd.s32 v0, v38  }
0xe3: {  	[tilespmem:$0x1E0] =	vst v18;
	v18 =	vadd.s32 v0, v39  }
0xe4: {  	s13 =	simm.s32 $0x100;
	[tilespmem:$0x1F0] =	vst v18  }
0xe5: {  	[tilespmem:s26], [sflag:$0x1] =	stream.indirect.gather [hbm4b:s4+s31], $0x10, s13, s31, $0xb8;
	[tilespmem:$0x1D6A0] =	vst v63  }
0xe6: {  	s14 =	simm.s32 $0x180;
	s29 =	simm.s32 $0xC00;
	s11 =	sld [smem:$0x7F3]  }
0xe7: {  	[tilespmem:s29], [sflag:$0x1] =	stream.indirect.gather [hbm4b:s4+s31], $0x10, s14, s31, $0xb8;
	[tilespmem:$0x1D6A0] =	vst v63  }
0xe8: {  	s13 =	simm.s32 $0x1400  }
0xe9: {  	[tilespmem:s13], [sflag:$0x9] =	stream.linear.gather [hbm4b:s11+s3], $0x100, $0x38;
	[tilespmem:$0x1D6A0] =	vst v63  }
0xea: {  	_ =	swait.ge [sflag:s28], $0x100  }
0xeb: {  	s14 =	sld [smem:$0x7F4]  }
0xec: {  	[sflag:s28] =	ssyncset.done $0x0  }
0xed: {  	s29 =	simm.s32 $0x1600;
	[sflag:s28] =	ssyncadd.s32 $0xFFFFFF00  }
0xee: {  	[tilespmem:s29], [sflag:$0x9] =	stream.linear.gather [hbm4b:s14+s3], $0x100, $0x38;
	[tilespmem:$0x1D6A0] =	vst v63  }
0xef: {  	_ =	swait.ge [sflag:s28], $0x100  }
0xf0: {  	s11 =	sld [smem:$0x7F5]  }
0xf1: {  	[sflag:s28] =	ssyncset.done $0x0  }
0xf2: {  	s13 =	simm.s32 $0x1700;
	[sflag:s28] =	ssyncadd.s32 $0xFFFFFF00  }
0xf3: {  	[tilespmem:s13], [sflag:$0x9] =	stream.linear.gather [hbm4b:s11+s3], $0x100, $0x38;
	[tilespmem:$0x1D6A0] =	vst v63  }
0xf4: {  	_ =	swait.ge [sflag:s28], $0x100  }
0xf5: {  	[sflag:s28] =	ssyncset.done $0x0  }
0xf6: {  	[sflag:s28] =	ssyncadd.s32 $0xFFFFFF00  }
0xf7: {  	v18 =	vld [tilespmem:$0x1400]  }
0xf8: {  	v19 =	vld [tilespmem:$0x1410]  }
0xf9: {  	v40 =	vld [tilespmem:$0x1420]  }
0xfa: {  	v41 =	vld [tilespmem:$0x1430]  }
0xfb: {  	v42 =	vld [tilespmem:$0x1440]  }
0xfc: {  	v43 =	vld [tilespmem:$0x1450];
	v18 =	vadd.s32 v0, v18  }
0xfd: {  	[tilespmem:$0x1500] =	vst v18;
	v18 =	vadd.s32 v0, v19;
	v19 =	vld [tilespmem:$0x1460]  }
0xfe: {  	v44 =	vld [tilespmem:$0x1470];
	[tilespmem:$0x1510] =	vst v18;
	v18 =	vadd.s32 v0, v40  }
0xff: {  	v45 =	vld [tilespmem:$0x1480];
	[tilespmem:$0x1520] =	vst v18;
	v18 =	vadd.s32 v0, v41  }
0x100: {  	v46 =	vld [tilespmem:$0x1490];
	[tilespmem:$0x1530] =	vst v18;
	v18 =	vadd.s32 v0, v42  }
0x101: {  	v47 =	vld [tilespmem:$0x14A0];
	[tilespmem:$0x1540] =	vst v18;
	v18 =	vadd.s32 v0, v43  }
0x102: {  	[tilespmem:$0x1550] =	vst v18;
	v18 =	vadd.s32 v0, v19;
	v19 =	vld [tilespmem:$0x14B0]  }
0x103: {  	v48 =	vld [tilespmem:$0x14C0];
	[tilespmem:$0x1560] =	vst v18;
	v18 =	vadd.s32 v0, v44  }
0x104: {  	v49 =	vld [tilespmem:$0x14D0];
	[tilespmem:$0x1570] =	vst v18;
	v18 =	vadd.s32 v0, v45  }
0x105: {  	v50 =	vld [tilespmem:$0x14E0];
	[tilespmem:$0x1580] =	vst v18;
	v18 =	vadd.s32 v0, v46  }
0x106: {  	v51 =	vld [tilespmem:$0x14F0];
	[tilespmem:$0x1590] =	vst v18;
	v18 =	vadd.s32 v0, v47  }
0x107: {  	[tilespmem:$0x15A0] =	vst v18;
	v18 =	vadd.s32 v0, v19  }
0x108: {  	[tilespmem:$0x15B0] =	vst v18;
	v18 =	vadd.s32 v0, v48  }
0x109: {  	[tilespmem:$0x15C0] =	vst v18;
	v18 =	vadd.s32 v0, v49  }
0x10a: {  	[tilespmem:$0x15D0] =	vst v18;
	v18 =	vadd.s32 v0, v50  }
0x10b: {  	[tilespmem:$0x15E0] =	vst v18;
	v18 =	vadd.s32 v0, v51  }
0x10c: {  	s14 =	simm.s32 $0x1500;
	s29 =	simm.s32 $0x1800;
	[tilespmem:$0x15F0] =	vst v18  }
0x10d: {  	[tilespmem:s29], [sflag:$0x3] =	stream.indirect.gather [hbm4b:s4+s31], $0x10, s14, s31, $0xb8;
	[tilespmem:$0x1D6A0] =	vst v63  }
0x10e: {  	s11 =	simm.s32 $0x1580;
	s13 =	sld [smem:$0x7F6]  }
0x10f: {  	[tilespmem:s16], [sflag:$0x3] =	stream.indirect.gather [hbm4b:s4+s31], $0x10, s11, s31, $0xb8;
	[tilespmem:$0x1D6A0] =	vst v63  }
0x110: {  	s14 =	simm.s32 $0x2800  }
0x111: {  	[tilespmem:s14], [sflag:$0x9] =	stream.linear.gather [hbm4b:s13+s3], $0x100, $0x38;
	[tilespmem:$0x1D6A0] =	vst v63  }
0x112: {  	_ =	swait.ge [sflag:s28], $0x100  }
0x113: {  	s29 =	sld [smem:$0x7F7]  }
0x114: {  	[sflag:s28] =	ssyncset.done $0x0  }
0x115: {  	[sflag:s28] =	ssyncadd.s32 $0xFFFFFF00  }
0x116: {  	[tilespmem:s18], [sflag:$0x9] =	stream.linear.gather [hbm4b:s29+s3], $0x100, $0x38;
	[tilespmem:$0x1D6A0] =	vst v63  }
0x117: {  	_ =	swait.ge [sflag:s28], $0x100  }
0x118: {  	s11 =	sld [smem:$0x7F8]  }
0x119: {  	[sflag:s28] =	ssyncset.done $0x0  }
0x11a: {  	s13 =	simm.s32 $0x2B00;
	[sflag:s28] =	ssyncadd.s32 $0xFFFFFF00  }
0x11b: {  	[tilespmem:s13], [sflag:$0x9] =	stream.linear.gather [hbm4b:s11+s3], $0x100, $0x38;
	[tilespmem:$0x1D6A0] =	vst v63  }
0x11c: {  	_ =	swait.ge [sflag:s28], $0x100  }
0x11d: {  	[sflag:s28] =	ssyncset.done $0x0  }
0x11e: {  	[sflag:s28] =	ssyncadd.s32 $0xFFFFFF00  }
0x11f: {  	v18 =	vld [tilespmem:$0x2800]  }
0x120: {  	v19 =	vld [tilespmem:$0x2810]  }
0x121: {  	v52 =	vld [tilespmem:$0x2820]  }
0x122: {  	v53 =	vld [tilespmem:$0x2830]  }
0x123: {  	v54 =	vld [tilespmem:$0x2840]  }
0x124: {  	v55 =	vld [tilespmem:$0x2850];
	v18 =	vadd.s32 v0, v18  }
0x125: {  	[tilespmem:$0x2900] =	vst v18;
	v18 =	vadd.s32 v0, v19;
	v19 =	vld [tilespmem:$0x2860]  }
0x126: {  	v56 =	vld [tilespmem:$0x2870];
	[tilespmem:$0x2910] =	vst v18;
	v18 =	vadd.s32 v0, v52  }
0x127: {  	v57 =	vld [tilespmem:$0x2880];
	[tilespmem:$0x2920] =	vst v18;
	v18 =	vadd.s32 v0, v53  }
0x128: {  	v58 =	vld [tilespmem:$0x2890];
	[tilespmem:$0x2930] =	vst v18;
	v18 =	vadd.s32 v0, v54  }
0x129: {  	v59 =	vld [tilespmem:$0x28A0];
	[tilespmem:$0x2940] =	vst v18;
	v18 =	vadd.s32 v0, v55  }
0x12a: {  	[tilespmem:$0x2950] =	vst v18;
	v18 =	vadd.s32 v0, v19;
	v19 =	vld [tilespmem:$0x28B0]  }
0x12b: {  	v60 =	vld [tilespmem:$0x28C0];
	[tilespmem:$0x2960] =	vst v18;
	v18 =	vadd.s32 v0, v56  }
0x12c: {  	v61 =	vld [tilespmem:$0x28D0];
	[tilespmem:$0x2970] =	vst v18;
	v18 =	vadd.s32 v0, v57  }
0x12d: {  	v62 =	vld [tilespmem:$0x28E0];
	[tilespmem:$0x2980] =	vst v18;
	v18 =	vadd.s32 v0, v58  }
0x12e: {  	v63 =	vld [tilespmem:$0x28F0];
	[tilespmem:$0x2990] =	vst v18;
	v18 =	vadd.s32 v0, v59  }
0x12f: {  	[tilespmem:$0x29A0] =	vst v18;
	v18 =	vadd.s32 v0, v19  }
0x130: {  	[tilespmem:$0x29B0] =	vst v18;
	v18 =	vadd.s32 v0, v60  }
0x131: {  	[tilespmem:$0x29C0] =	vst v18;
	v18 =	vadd.s32 v0, v61  }
0x132: {  	[tilespmem:$0x29D0] =	vst v18;
	v18 =	vadd.s32 v0, v62  }
0x133: {  	[tilespmem:$0x29E0] =	vst v18;
	v18 =	vadd.s32 v0, v63  }
0x134: {  	s14 =	simm.s32 $0x2900;
	[tilespmem:$0x29F0] =	vst v18  }
0x135: {  	[tilespmem:s25], [sflag:$0x5] =	stream.indirect.gather [hbm4b:s4+s31], $0x10, s14, s31, $0xb8;
	[tilespmem:$0x1D6A0] =	vst v63  }
0x136: {  	s29 =	simm.s32 $0x2980  }
0x137: {  	[tilespmem:s30], [sflag:$0x5] =	stream.indirect.gather [hbm4b:s4+s31], $0x10, s29, s31, $0xb8;
	[tilespmem:$0x1D6A0] =	vst v63  }
.LBB2_4:
0x138: {  	_ =	swait.ge [sflag:s0], $0x1000  }
0x139: {  	[sflag:s0] =	ssyncset.done $0x0  }
0x13a: {  	s13 =	simm.s32 $0x480;
	[sflag:s0] =	ssyncadd.s32 $0xFFFFF000  }
0x13b: {  	s11 =	simm.s32 $0x0;
	s9 =	simm.s32 $0x40;
	s29 =	simm.s32 $0x480;
	v18 =	vld [tilespmem:s13+$0xFFFFFFB0]  }
.LBB2_5:
0x13c: {  	p1 =	sne.s32 s9, $0x3C0;
	v19 =	vld [tilespmem:s11+$0x300]  }
0x13d: {  	v20 =	vld [tilespmem:s13+$0xFFFFFF90]  }
0x13e: {  	v21 =	vld [tilespmem:s13+$0xFFFFFF80]  }
0x13f: {  	v22 =	vld [tilespmem:s13+$0xFFFFFFA0]  }
0x140: {  	v23 =	vld [tilespmem:s13+$0xFFFFFFF0]  }
0x141: {  	v24 =	vperm.xlane v19, v2;
	v25 =	vperm.xlane v19, v3;
	v26 =	vld [tilespmem:s13+$0xFFFFFFD0]  }
0x142: {  	v27 =	vperm.xlane v19, v4;
	v28 =	vperm.xlane v19, v5;
	v29 =	vld [tilespmem:s13+$0xFFFFFFC0]  }
0x143: {  	v21 =	vmul.f32 v21, v24;
	v20 =	vmul.f32 v20, v25;
	v24 =	vld [tilespmem:s13+$0xFFFFFFE0]  }
0x144: {  	v18 =	vmul.f32 v18, v28;
	v22 =	vmul.f32 v22, v27;
	v25 =	vld [tilespmem:s13+$0x30]  }
0x145: {  	v27 =	vperm.xlane v19, v7;
	[tilespmem:s13+$0xFFFFFF80] =	vst v21;
	v21 =	vperm.xlane v19, v6;
	v28 =	vld [tilespmem:s13+$0x10]  }
0x146: {  	v30 =	vperm.xlane v19, v9;
	[tilespmem:s13+$0xFFFFFF90] =	vst v20;
	v20 =	vperm.xlane v19, v8;
	v31 =	vld [tilespmem:s13+$0x0]  }
0x147: {  	[tilespmem:s13+$0xFFFFFFA0] =	vst v22;
	v21 =	vmul.f32 v29, v21;
	v22 =	vmul.f32 v26, v27;
	v26 =	vld [tilespmem:s13+$0x20]  }
0x148: {  	[tilespmem:s13+$0xFFFFFFB0] =	vst v18;
	v18 =	vmul.f32 v24, v20;
	v20 =	vmul.f32 v23, v30;
	v23 =	vld [tilespmem:s13+$0x70]  }
0x149: {  	v24 =	vperm.xlane v19, v11;
	[tilespmem:s13+$0xFFFFFFC0] =	vst v21;
	v21 =	vperm.xlane v19, v10;
	v27 =	vld [tilespmem:s13+$0x50]  }
0x14a: {  	v29 =	vperm.xlane v19, v13;
	[tilespmem:s13+$0xFFFFFFD0] =	vst v22;
	v22 =	vperm.xlane v19, v12;
	v30 =	vld [tilespmem:s13+$0x40]  }
0x14b: {  	[tilespmem:s13+$0xFFFFFFE0] =	vst v18;
	v18 =	vmul.f32 v31, v21;
	v21 =	vmul.f32 v28, v24;
	v24 =	vld [tilespmem:s13+$0x60]  }
0x14c: {  	[tilespmem:s13+$0xFFFFFFF0] =	vst v20;
	v20 =	vmul.f32 v26, v22;
	v22 =	vmul.f32 v25, v29  }
0x14d: {  	v25 =	vperm.xlane v19, v15;
	[tilespmem:s13+$0x0] =	vst v18;
	v18 =	vperm.xlane v19, v14  }
0x14e: {  	[tilespmem:s13+$0x10] =	vst v21;
	v21 =	vperm.xlane v19, v16;
	v19 =	vperm.xlane v19, v17  }
0x14f: {  	[tilespmem:s13+$0x20] =	vst v20;
	v18 =	vmul.f32 v30, v18;
	v20 =	vmul.f32 v27, v25  }
.Ltmp3:
0x150: {  	[tilespmem:s13+$0x30] =	vst v22;
	v21 =	vmul.f32 v24, v21;
	v19 =	vmul.f32 v23, v19;
	(pc) =	sbr.rel @p1 .LBB2_5-.Ltmp3, $4  }
0x151: {  	[tilespmem:s13+$0x40] =	vst v18  }
0x152: {  	[tilespmem:s13+$0x50] =	vst v20  }
0x153: {  	s13 =	sadd.s32 $0x100, s13;
	[tilespmem:s29+$0x60] =	vst v21  }
0x154: {  	s11 =	sshra.s32 s9, $0x2;
	s9 =	sadd.s32 $0x40, s9;
	v18 =	vld [tilespmem:s13+$0xFFFFFFB0];
	[tilespmem:s29+$0x70] =	vst v19;
	s29 =	smov.u32 s13  }
0x155: {  	v19 =	vld [tilespmem:s11+$0x300];
	_ =	sdelay $0x1  }
0x156: {  	v20 =	vld [tilespmem:s13+$0xFFFFFF80]  }
0x157: {  	v21 =	vld [tilespmem:s13+$0xFFFFFF90]  }
0x158: {  	v22 =	vld [tilespmem:s13+$0xFFFFFFA0]  }
0x159: {  	v23 =	vperm.xlane v19, v2  }
0x15a: {  	v26 =	vld [tilespmem:s13+$0xFFFFFFD0];
	v24 =	vperm.xlane v19, v3  }
0x15b: {  	v25 =	vld [tilespmem:s13+$0xFFFFFFC0];
	v27 =	vperm.xlane v19, v4;
	v20 =	vmul.f32 v20, v23  }
0x15c: {  	v39 =	vld [tilespmem:s13+$0xFFFFFFE0];
	v38 =	vperm.xlane v19, v5;
	v21 =	vmul.f32 v21, v24  }
0x15d: {  	v42 =	vld [tilespmem:s13+$0x10];
	v40 =	vperm.xlane v19, v7;
	v22 =	vmul.f32 v22, v27;
	[tilespmem:s13+$0xFFFFFF80] =	vst v20  }
0x15e: {  	v28 =	vld [tilespmem:s13+$0xFFFFFFF0];
	v18 =	vmul.f32 v18, v38;
	v20 =	vperm.xlane v19, v6;
	[tilespmem:s13+$0xFFFFFF90] =	vst v21  }
0x15f: {  	v41 =	vld [tilespmem:s13+$0x0];
	v29 =	vperm.xlane v19, v8;
	v23 =	vmul.f32 v26, v40;
	[tilespmem:s13+$0xFFFFFFA0] =	vst v22  }
0x160: {  	v47 =	vld [tilespmem:s13+$0x50];
	v45 =	vperm.xlane v19, v11;
	[tilespmem:s13+$0xFFFFFFB0] =	vst v18;
	v20 =	vmul.f32 v25, v20  }
0x161: {  	v44 =	vld [tilespmem:s13+$0x20];
	v43 =	vperm.xlane v19, v9;
	v24 =	vmul.f32 v39, v29;
	[tilespmem:s13+$0xFFFFFFD0] =	vst v23  }
0x162: {  	v50 =	vmul.f32 v42, v45;
	v18 =	vld [tilespmem:s13+$0x30];
	[tilespmem:s13+$0xFFFFFFC0] =	vst v20;
	v20 =	vperm.xlane v19, v10  }
0x163: {  	v46 =	vld [tilespmem:s13+$0x40];
	v53 =	vperm.xlane v19, v15;
	v22 =	vmul.f32 v28, v43;
	[tilespmem:s13+$0xFFFFFFE0] =	vst v24  }
0x164: {  	v51 =	vld [tilespmem:s13+$0x60];
	v48 =	vperm.xlane v19, v12;
	[tilespmem:s13+$0x10] =	vst v50;
	v20 =	vmul.f32 v41, v20  }
0x165: {  	v52 =	vld [tilespmem:s13+$0x70];
	v49 =	vperm.xlane v19, v13;
	v21 =	vmul.f32 v47, v53;
	[tilespmem:s13+$0xFFFFFFF0] =	vst v22  }
0x166: {  	v25 =	vmul.f32 v44, v48;
	[tilespmem:s13+$0x0] =	vst v20;
	v20 =	vperm.xlane v19, v14  }
0x167: {  	v54 =	vperm.xlane v19, v16;
	[tilespmem:s13+$0x50] =	vst v21;
	v18 =	vmul.f32 v18, v49  }
0x168: {  	[tilespmem:s13+$0x20] =	vst v25;
	v19 =	vperm.xlane v19, v17;
	v20 =	vmul.f32 v46, v20  }
0x169: {  	[tilespmem:s13+$0x30] =	vst v18;
	v18 =	vmul.f32 v51, v54  }
0x16a: {  	v19 =	vmul.f32 v52, v19;
	[tilespmem:s13+$0x40] =	vst v20  }
0x16b: {  	[tilespmem:s29+$0x60] =	vst v18  }
0x16c: {  	s9 =	simm.s32 $0x200;
	[tilespmem:s29+$0x70] =	vst v19  }
0x16d: {  	[spmem:s1] =	stream.indirect.scatter.add.f32 [tilespmem:s26], [sflag:$0x2], $0x10, s9, s31, $0xb8;
	[tilespmem:$0x1D6A0] =	vst v63  }
0x16e: {  	s11 =	simm.s32 $0xC00;
	p1 =	seq.s32 s3, $0x0;
	s13 =	simm.s32 $0x280  }
0x16f: {  	[spmem:s1] =	stream.indirect.scatter.add.f32 [tilespmem:s11], [sflag:$0x2], $0x10, s13, s31, $0xb8;
	[tilespmem:$0x1D6A0] =	vst v63  }
0x170: {  	s9 =	simm.s32 @!p1 $0x8;
	s13 =	sshll.u32 s3, $0xA  }
0x171: {  	_ =	swait.ge @!p1 [sflag:s9], $0x1000;
	s14 =	sadd.s32 s13, s19  }
0x172: {  	s29 =	simm.s32 $0x3C00;
	[sflag:s9] =	ssyncset.done @!p1 $0x0;
	s11 =	sshrl.u32 s14, $0x3  }
0x173: {  	s14 =	simm.s32 $0x0;
	[sflag:s9] =	ssyncadd.s32 @!p1 $0xFFFFF000;
	s9 =	sadd.s32 s5, s11  }
0x174: {  	[tilespmem:s29], [sflag:$0x9] =	stream.linear.gather [hbm4b:s9+s14], $0x100, $0x38;
	[tilespmem:$0x1D6A0] =	vst v63  }
0x175: {  	_ =	swait.ge [sflag:s28], $0x100  }
0x176: {  	[sflag:s28] =	ssyncset.done $0x0  }
0x177: {  	s9 =	sadd.s32 s6, s11;
	[sflag:s28] =	ssyncadd.s32 $0xFFFFFF00  }
0x178: {  	[tilespmem:s12], [sflag:$0x9] =	stream.linear.gather [hbm4b:s9+s14], $0x100, $0x38;
	[tilespmem:$0x1D6A0] =	vst v63  }
0x179: {  	_ =	swait.ge [sflag:s28], $0x100  }
0x17a: {  	[sflag:s28] =	ssyncset.done $0x0  }
0x17b: {  	s9 =	sadd.s32 s7, s11;
	s11 =	simm.s32 $0x3F00;
	[sflag:s28] =	ssyncadd.s32 $0xFFFFFF00  }
0x17c: {  	[tilespmem:s11], [sflag:$0x9] =	stream.linear.gather [hbm4b:s9+s14], $0x100, $0x38;
	[tilespmem:$0x1D6A0] =	vst v63  }
0x17d: {  	_ =	swait.ge [sflag:s28], $0x100  }
0x17e: {  	[sflag:s28] =	ssyncset.done $0x0  }
0x17f: {  	[sflag:s28] =	ssyncadd.s32 $0xFFFFFF00  }
0x180: {  	v18 =	vld [tilespmem:$0x3C00]  }
0x181: {  	v19 =	vld [tilespmem:$0x3C10]  }
0x182: {  	v20 =	vld [tilespmem:$0x3C20]  }
0x183: {  	v55 =	vld [tilespmem:$0x3C30]  }
0x184: {  	v56 =	vld [tilespmem:$0x3C40]  }
0x185: {  	v57 =	vld [tilespmem:$0x3C50];
	v18 =	vadd.s32 v0, v18  }
0x186: {  	[tilespmem:$0x3D00] =	vst v18;
	v18 =	vadd.s32 v0, v19;
	v19 =	vld [tilespmem:$0x3C60]  }
0x187: {  	[tilespmem:$0x3D10] =	vst v18;
	v18 =	vadd.s32 v0, v20;
	v20 =	vld [tilespmem:$0x3C70]  }
0x188: {  	v58 =	vld [tilespmem:$0x3C80];
	[tilespmem:$0x3D20] =	vst v18;
	v18 =	vadd.s32 v0, v55  }
0x189: {  	v59 =	vld [tilespmem:$0x3C90];
	[tilespmem:$0x3D30] =	vst v18;
	v18 =	vadd.s32 v0, v56  }
0x18a: {  	v60 =	vld [tilespmem:$0x3CA0];
	[tilespmem:$0x3D40] =	vst v18;
	v18 =	vadd.s32 v0, v57  }
0x18b: {  	[tilespmem:$0x3D50] =	vst v18;
	v18 =	vadd.s32 v0, v19;
	v19 =	vld [tilespmem:$0x3CB0]  }
0x18c: {  	[tilespmem:$0x3D60] =	vst v18;
	v18 =	vadd.s32 v0, v20;
	v20 =	vld [tilespmem:$0x3CC0]  }
0x18d: {  	v61 =	vld [tilespmem:$0x3CD0];
	[tilespmem:$0x3D70] =	vst v18;
	v18 =	vadd.s32 v0, v58  }
0x18e: {  	v62 =	vld [tilespmem:$0x3CE0];
	[tilespmem:$0x3D80] =	vst v18;
	v18 =	vadd.s32 v0, v59  }
0x18f: {  	v63 =	vld [tilespmem:$0x3CF0];
	[tilespmem:$0x3D90] =	vst v18;
	v18 =	vadd.s32 v0, v60  }
0x190: {  	[tilespmem:$0x3DA0] =	vst v18;
	v18 =	vadd.s32 v0, v19  }
0x191: {  	[tilespmem:$0x3DB0] =	vst v18;
	v18 =	vadd.s32 v0, v20  }
0x192: {  	[tilespmem:$0x3DC0] =	vst v18;
	v18 =	vadd.s32 v0, v61  }
0x193: {  	[tilespmem:$0x3DD0] =	vst v18;
	v18 =	vadd.s32 v0, v62  }
0x194: {  	[tilespmem:$0x3DE0] =	vst v18;
	v18 =	vadd.s32 v0, v63  }
0x195: {  	s11 =	simm.s32 $0x3D00;
	[tilespmem:$0x3DF0] =	vst v18  }
0x196: {  	[tilespmem:s20], [sflag:$0x7] =	stream.indirect.gather [hbm4b:s4+s31], $0x10, s11, s31, $0xb8;
	[tilespmem:$0x1D6A0] =	vst v63  }
0x197: {  	s14 =	simm.s32 $0x3D80  }
0x198: {  	[tilespmem:s17], [sflag:$0x7] =	stream.indirect.gather [hbm4b:s4+s31], $0x10, s14, s31, $0xb8;
	[tilespmem:$0x1D6A0] =	vst v63  }
0x199: {  	_ =	swait.ge [sflag:s23], $0x1000  }
0x19a: {  	[sflag:s23] =	ssyncset.done $0x0  }
0x19b: {  	s29 =	simm.s32 $0x1880;
	[sflag:s23] =	ssyncadd.s32 $0xFFFFF000  }
0x19c: {  	s9 =	simm.s32 $0x1880;
	s11 =	simm.s32 $0x40;
	s14 =	simm.s32 $0x0;
	v18 =	vld [tilespmem:s29+$0xFFFFFFB0]  }
.LBB2_7:
0x19d: {  	p1 =	sne.s32 s11, $0x3C0;
	v19 =	vld [tilespmem:s14+$0x1700]  }
0x19e: {  	v20 =	vld [tilespmem:s29+$0xFFFFFF90]  }
0x19f: {  	v21 =	vld [tilespmem:s29+$0xFFFFFF80]  }
0x1a0: {  	v22 =	vld [tilespmem:s29+$0xFFFFFFA0]  }
0x1a1: {  	v23 =	vld [tilespmem:s29+$0xFFFFFFF0]  }
0x1a2: {  	v24 =	vperm.xlane v19, v2;
	v25 =	vperm.xlane v19, v3;
	v26 =	vld [tilespmem:s29+$0xFFFFFFD0]  }
0x1a3: {  	v27 =	vperm.xlane v19, v4;
	v28 =	vperm.xlane v19, v5;
	v29 =	vld [tilespmem:s29+$0xFFFFFFC0]  }
0x1a4: {  	v21 =	vmul.f32 v21, v24;
	v20 =	vmul.f32 v20, v25;
	v24 =	vld [tilespmem:s29+$0xFFFFFFE0]  }
0x1a5: {  	v18 =	vmul.f32 v18, v28;
	v22 =	vmul.f32 v22, v27;
	v25 =	vld [tilespmem:s29+$0x30]  }
0x1a6: {  	v27 =	vperm.xlane v19, v7;
	[tilespmem:s29+$0xFFFFFF80] =	vst v21;
	v21 =	vperm.xlane v19, v6;
	v28 =	vld [tilespmem:s29+$0x10]  }
0x1a7: {  	v30 =	vperm.xlane v19, v9;
	[tilespmem:s29+$0xFFFFFF90] =	vst v20;
	v20 =	vperm.xlane v19, v8;
	v31 =	vld [tilespmem:s29+$0x0]  }
0x1a8: {  	[tilespmem:s29+$0xFFFFFFA0] =	vst v22;
	v21 =	vmul.f32 v29, v21;
	v22 =	vmul.f32 v26, v27;
	v26 =	vld [tilespmem:s29+$0x20]  }
0x1a9: {  	[tilespmem:s29+$0xFFFFFFB0] =	vst v18;
	v18 =	vmul.f32 v24, v20;
	v20 =	vmul.f32 v23, v30;
	v23 =	vld [tilespmem:s29+$0x70]  }
0x1aa: {  	v24 =	vperm.xlane v19, v11;
	[tilespmem:s29+$0xFFFFFFC0] =	vst v21;
	v21 =	vperm.xlane v19, v10;
	v27 =	vld [tilespmem:s29+$0x50]  }
0x1ab: {  	v29 =	vperm.xlane v19, v13;
	[tilespmem:s29+$0xFFFFFFD0] =	vst v22;
	v22 =	vperm.xlane v19, v12;
	v30 =	vld [tilespmem:s29+$0x40]  }
0x1ac: {  	[tilespmem:s29+$0xFFFFFFE0] =	vst v18;
	v18 =	vmul.f32 v31, v21;
	v21 =	vmul.f32 v28, v24;
	v24 =	vld [tilespmem:s29+$0x60]  }
0x1ad: {  	[tilespmem:s29+$0xFFFFFFF0] =	vst v20;
	v20 =	vmul.f32 v26, v22;
	v22 =	vmul.f32 v25, v29  }
0x1ae: {  	v25 =	vperm.xlane v19, v15;
	[tilespmem:s29+$0x0] =	vst v18;
	v18 =	vperm.xlane v19, v14  }
0x1af: {  	[tilespmem:s29+$0x10] =	vst v21;
	v21 =	vperm.xlane v19, v16;
	v19 =	vperm.xlane v19, v17  }
0x1b0: {  	[tilespmem:s29+$0x20] =	vst v20;
	v18 =	vmul.f32 v30, v18;
	v20 =	vmul.f32 v27, v25  }
.Ltmp4:
0x1b1: {  	[tilespmem:s29+$0x30] =	vst v22;
	v21 =	vmul.f32 v24, v21;
	v19 =	vmul.f32 v23, v19;
	(pc) =	sbr.rel @p1 .LBB2_7-.Ltmp4, $4  }
0x1b2: {  	[tilespmem:s29+$0x40] =	vst v18  }
0x1b3: {  	[tilespmem:s29+$0x50] =	vst v20  }
0x1b4: {  	s29 =	sadd.s32 $0x100, s29;
	[tilespmem:s9+$0x60] =	vst v21  }
0x1b5: {  	s14 =	sshra.s32 s11, $0x2;
	s11 =	sadd.s32 $0x40, s11;
	v18 =	vld [tilespmem:s29+$0xFFFFFFB0];
	[tilespmem:s9+$0x70] =	vst v19;
	s9 =	smov.u32 s29  }
0x1b6: {  	v19 =	vld [tilespmem:s14+$0x1700];
	_ =	sdelay $0x1  }
0x1b7: {  	v20 =	vld [tilespmem:s29+$0xFFFFFF80]  }
0x1b8: {  	v21 =	vld [tilespmem:s29+$0xFFFFFF90]  }
0x1b9: {  	v22 =	vld [tilespmem:s29+$0xFFFFFFA0]  }
0x1ba: {  	v23 =	vperm.xlane v19, v2  }
0x1bb: {  	v26 =	vld [tilespmem:s29+$0xFFFFFFD0];
	v24 =	vperm.xlane v19, v3;
	v27 =	vperm.xlane v19, v4  }
0x1bc: {  	v45 =	vld [tilespmem:s29+$0xFFFFFFE0];
	v44 =	vperm.xlane v19, v5;
	v20 =	vmul.f32 v20, v23  }
0x1bd: {  	v49 =	vld [tilespmem:s29+$0x10];
	v46 =	vperm.xlane v19, v6;
	v21 =	vmul.f32 v21, v24  }
0x1be: {  	v25 =	vld [tilespmem:s29+$0xFFFFFFC0];
	v47 =	vperm.xlane v19, v7;
	v22 =	vmul.f32 v22, v27;
	[tilespmem:s29+$0xFFFFFF80] =	vst v20  }
0x1bf: {  	v28 =	vld [tilespmem:s29+$0xFFFFFFF0];
	v29 =	vperm.xlane v19, v8;
	v18 =	vmul.f32 v18, v44;
	[tilespmem:s29+$0xFFFFFF90] =	vst v21  }
0x1c0: {  	v51 =	vld [tilespmem:s29+$0x20];
	v53 =	vperm.xlane v19, v11;
	v23 =	vmul.f32 v26, v47;
	[tilespmem:s29+$0xFFFFFFA0] =	vst v22  }
0x1c1: {  	v48 =	vld [tilespmem:s29+$0x0];
	v50 =	vperm.xlane v19, v9;
	v24 =	vmul.f32 v45, v29;
	[tilespmem:s29+$0xFFFFFFB0] =	vst v18  }
0x1c2: {  	v55 =	vld [tilespmem:s29+$0x50];
	v52 =	vperm.xlane v19, v10;
	v58 =	vmul.f32 v49, v53;
	[tilespmem:s29+$0xFFFFFFD0] =	vst v23  }
0x1c3: {  	v54 =	vld [tilespmem:s29+$0x40];
	v56 =	vperm.xlane v19, v12;
	v20 =	vmul.f32 v25, v46;
	[tilespmem:s29+$0xFFFFFFE0] =	vst v24  }
0x1c4: {  	v57 =	vperm.xlane v19, v13;
	v18 =	vld [tilespmem:s29+$0x30];
	v22 =	vmul.f32 v28, v50;
	[tilespmem:s29+$0x10] =	vst v58  }
0x1c5: {  	v60 =	vld [tilespmem:s29+$0x70];
	v62 =	vperm.xlane v19, v15;
	v25 =	vmul.f32 v51, v56;
	[tilespmem:s29+$0xFFFFFFC0] =	vst v20  }
0x1c6: {  	v59 =	vld [tilespmem:s29+$0x60];
	v61 =	vperm.xlane v19, v14;
	v20 =	vmul.f32 v48, v52;
	[tilespmem:s29+$0xFFFFFFF0] =	vst v22  }
0x1c7: {  	v63 =	vperm.xlane v19, v16;
	v21 =	vmul.f32 v55, v62;
	[tilespmem:s29+$0x20] =	vst v25  }
0x1c8: {  	v19 =	vperm.xlane v19, v17;
	[tilespmem:s29+$0x0] =	vst v20;
	v20 =	vmul.f32 v54, v61  }
0x1c9: {  	[tilespmem:s29+$0x50] =	vst v21;
	v18 =	vmul.f32 v18, v57  }
0x1ca: {  	v19 =	vmul.f32 v60, v19;
	[tilespmem:s29+$0x40] =	vst v20  }
0x1cb: {  	p1 =	seq.s32 s3, $0x63;
	[tilespmem:s29+$0x30] =	vst v18;
	v18 =	vmul.f32 v59, v63  }
.Ltmp5:
0x1cc: {  	[tilespmem:s9+$0x70] =	vst v19;
	(pc) =	sbr.rel @p1 .LBB2_10-.Ltmp5, $4  }
0x1cd: {  	s14 =	simm.s32 $0x1600;
	s11 =	simm.s32 $0x1800;
	[tilespmem:s9+$0x60] =	vst v18  }
0x1ce: {  	[spmem:s1] =	stream.indirect.scatter.add.f32 [tilespmem:s11], [sflag:$0x4], $0x10, s14, s31, $0xb8;
	[tilespmem:$0x1D6A0] =	vst v63  }
0x1cf: {  	s29 =	simm.s32 $0x1680  }
0x1d0: {  	[spmem:s1] =	stream.indirect.scatter.add.f32 [tilespmem:s16], [sflag:$0x4], $0x10, s29, s31, $0xb8;
	[tilespmem:$0x1D6A0] =	vst v63  }
0x1d1: {  	_ =	swait.ge [sflag:s15], $0x1000  }
0x1d2: {  	s9 =	sld [smem:$0x7F9];
	_ =	sdelay $0x2  }
0x1d3: {  	s9 =	sadd.s32 s13, s9  }
0x1d4: {  	[sflag:s15] =	ssyncset.done $0x0;
	s9 =	sshrl.u32 s9, $0x3  }
0x1d5: {  	[sflag:s15] =	ssyncadd.s32 $0xFFFFF000;
	s11 =	sadd.s32 s5, s9  }
0x1d6: {  	[tilespmem:s2], [sflag:$0x9] =	stream.linear.gather [hbm4b:s11+s2], $0x100, $0x38;
	[tilespmem:$0x1D6A0] =	vst v63  }
0x1d7: {  	_ =	swait.ge [sflag:s28], $0x100  }
0x1d8: {  	[sflag:s28] =	ssyncset.done $0x0  }
0x1d9: {  	s14 =	simm.s32 $0x200;
	s29 =	sadd.s32 s6, s9;
	[sflag:s28] =	ssyncadd.s32 $0xFFFFFF00  }
0x1da: {  	[tilespmem:s14], [sflag:$0x9] =	stream.linear.gather [hbm4b:s29+s2], $0x100, $0x38;
	[tilespmem:$0x1D6A0] =	vst v63  }
0x1db: {  	_ =	swait.ge [sflag:s28], $0x100  }
0x1dc: {  	[sflag:s28] =	ssyncset.done $0x0  }
0x1dd: {  	s9 =	sadd.s32 s7, s9;
	s29 =	simm.s32 $0x300;
	[sflag:s28] =	ssyncadd.s32 $0xFFFFFF00  }
0x1de: {  	[tilespmem:s29], [sflag:$0x9] =	stream.linear.gather [hbm4b:s9+s2], $0x100, $0x38;
	[tilespmem:$0x1D6A0] =	vst v63  }
0x1df: {  	_ =	swait.ge [sflag:s28], $0x100  }
0x1e0: {  	[sflag:s28] =	ssyncset.done $0x0  }
0x1e1: {  	[sflag:s28] =	ssyncadd.s32 $0xFFFFFF00  }
0x1e2: {  	v18 =	vld [tilespmem:$0x0]  }
0x1e3: {  	v19 =	vld [tilespmem:$0x10]  }
0x1e4: {  	v20 =	vld [tilespmem:$0x20]  }
0x1e5: {  	v21 =	vld [tilespmem:$0x30]  }
0x1e6: {  	v22 =	vld [tilespmem:$0x40]  }
0x1e7: {  	v23 =	vld [tilespmem:$0x50];
	v18 =	vadd.s32 v0, v18  }
0x1e8: {  	[tilespmem:$0x100] =	vst v18;
	v18 =	vadd.s32 v0, v19;
	v19 =	vld [tilespmem:$0x60]  }
0x1e9: {  	v56 =	vld [tilespmem:$0x70];
	[tilespmem:$0x110] =	vst v18;
	v18 =	vadd.s32 v0, v20  }
0x1ea: {  	v57 =	vld [tilespmem:$0x80];
	[tilespmem:$0x120] =	vst v18;
	v18 =	vadd.s32 v0, v21  }
0x1eb: {  	v58 =	vld [tilespmem:$0x90];
	[tilespmem:$0x130] =	vst v18;
	v18 =	vadd.s32 v0, v22  }
0x1ec: {  	v59 =	vld [tilespmem:$0xA0];
	[tilespmem:$0x140] =	vst v18;
	v18 =	vadd.s32 v0, v23  }
0x1ed: {  	[tilespmem:$0x150] =	vst v18;
	v18 =	vadd.s32 v0, v19;
	v19 =	vld [tilespmem:$0xB0]  }
0x1ee: {  	v60 =	vld [tilespmem:$0xC0];
	[tilespmem:$0x160] =	vst v18;
	v18 =	vadd.s32 v0, v56  }
0x1ef: {  	v61 =	vld [tilespmem:$0xD0];
	[tilespmem:$0x170] =	vst v18;
	v18 =	vadd.s32 v0, v57  }
0x1f0: {  	v62 =	vld [tilespmem:$0xE0];
	[tilespmem:$0x180] =	vst v18;
	v18 =	vadd.s32 v0, v58  }
0x1f1: {  	v63 =	vld [tilespmem:$0xF0];
	[tilespmem:$0x190] =	vst v18;
	v18 =	vadd.s32 v0, v59  }
0x1f2: {  	[tilespmem:$0x1A0] =	vst v18;
	v18 =	vadd.s32 v0, v19  }
0x1f3: {  	[tilespmem:$0x1B0] =	vst v18;
	v18 =	vadd.s32 v0, v60  }
0x1f4: {  	[tilespmem:$0x1C0] =	vst v18;
	v18 =	vadd.s32 v0, v61  }
0x1f5: {  	[tilespmem:$0x1D0] =	vst v18;
	v18 =	vadd.s32 v0, v62  }
0x1f6: {  	[tilespmem:$0x1E0] =	vst v18;
	v18 =	vadd.s32 v0, v63  }
0x1f7: {  	s11 =	simm.s32 $0x100;
	[tilespmem:$0x1F0] =	vst v18  }
0x1f8: {  	[tilespmem:s26], [sflag:$0x1] =	stream.indirect.gather [hbm4b:s4+s31], $0x10, s11, s31, $0xb8;
	[tilespmem:$0x1D6A0] =	vst v63  }
0x1f9: {  	s14 =	simm.s32 $0x180;
	s29 =	simm.s32 $0xC00  }
0x1fa: {  	[tilespmem:s29], [sflag:$0x1] =	stream.indirect.gather [hbm4b:s4+s31], $0x10, s14, s31, $0xb8;
	[tilespmem:$0x1D6A0] =	vst v63  }
.LBB2_10:
0x1fb: {  	_ =	swait.ge [sflag:s8], $0x1000  }
0x1fc: {  	[sflag:s8] =	ssyncset.done $0x0  }
0x1fd: {  	s29 =	simm.s32 $0x2C80;
	[sflag:s8] =	ssyncadd.s32 $0xFFFFF000  }
0x1fe: {  	s14 =	simm.s32 $0x0;
	s11 =	simm.s32 $0x40;
	s9 =	simm.s32 $0x2C80;
	v18 =	vld [tilespmem:s29+$0xFFFFFFB0]  }
.LBB2_11:
0x1ff: {  	p2 =	sne.s32 s11, $0x3C0;
	v19 =	vld [tilespmem:s14+$0x2B00]  }
0x200: {  	v20 =	vld [tilespmem:s29+$0xFFFFFF90]  }
0x201: {  	v21 =	vld [tilespmem:s29+$0xFFFFFF80]  }
0x202: {  	v22 =	vld [tilespmem:s29+$0xFFFFFFA0]  }
0x203: {  	v23 =	vld [tilespmem:s29+$0xFFFFFFF0]  }
0x204: {  	v24 =	vperm.xlane v19, v2;
	v25 =	vperm.xlane v19, v3;
	v26 =	vld [tilespmem:s29+$0xFFFFFFD0]  }
0x205: {  	v27 =	vperm.xlane v19, v4;
	v28 =	vperm.xlane v19, v5;
	v29 =	vld [tilespmem:s29+$0xFFFFFFC0]  }
0x206: {  	v21 =	vmul.f32 v21, v24;
	v20 =	vmul.f32 v20, v25;
	v24 =	vld [tilespmem:s29+$0xFFFFFFE0]  }
0x207: {  	v18 =	vmul.f32 v18, v28;
	v22 =	vmul.f32 v22, v27;
	v25 =	vld [tilespmem:s29+$0x30]  }
0x208: {  	v27 =	vperm.xlane v19, v7;
	[tilespmem:s29+$0xFFFFFF80] =	vst v21;
	v21 =	vperm.xlane v19, v6;
	v28 =	vld [tilespmem:s29+$0x10]  }
0x209: {  	v30 =	vperm.xlane v19, v9;
	[tilespmem:s29+$0xFFFFFF90] =	vst v20;
	v20 =	vperm.xlane v19, v8;
	v31 =	vld [tilespmem:s29+$0x0]  }
0x20a: {  	[tilespmem:s29+$0xFFFFFFA0] =	vst v22;
	v21 =	vmul.f32 v29, v21;
	v22 =	vmul.f32 v26, v27;
	v26 =	vld [tilespmem:s29+$0x20]  }
0x20b: {  	[tilespmem:s29+$0xFFFFFFB0] =	vst v18;
	v18 =	vmul.f32 v24, v20;
	v20 =	vmul.f32 v23, v30;
	v23 =	vld [tilespmem:s29+$0x70]  }
0x20c: {  	v24 =	vperm.xlane v19, v11;
	[tilespmem:s29+$0xFFFFFFC0] =	vst v21;
	v21 =	vperm.xlane v19, v10;
	v27 =	vld [tilespmem:s29+$0x50]  }
0x20d: {  	v29 =	vperm.xlane v19, v13;
	[tilespmem:s29+$0xFFFFFFD0] =	vst v22;
	v22 =	vperm.xlane v19, v12;
	v30 =	vld [tilespmem:s29+$0x40]  }
0x20e: {  	[tilespmem:s29+$0xFFFFFFE0] =	vst v18;
	v18 =	vmul.f32 v31, v21;
	v21 =	vmul.f32 v28, v24;
	v24 =	vld [tilespmem:s29+$0x60]  }
0x20f: {  	[tilespmem:s29+$0xFFFFFFF0] =	vst v20;
	v20 =	vmul.f32 v26, v22;
	v22 =	vmul.f32 v25, v29  }
0x210: {  	v25 =	vperm.xlane v19, v15;
	[tilespmem:s29+$0x0] =	vst v18;
	v18 =	vperm.xlane v19, v14  }
0x211: {  	[tilespmem:s29+$0x10] =	vst v21;
	v21 =	vperm.xlane v19, v16;
	v19 =	vperm.xlane v19, v17  }
0x212: {  	[tilespmem:s29+$0x20] =	vst v20;
	v18 =	vmul.f32 v30, v18;
	v20 =	vmul.f32 v27, v25  }
.Ltmp6:
0x213: {  	[tilespmem:s29+$0x30] =	vst v22;
	v21 =	vmul.f32 v24, v21;
	v19 =	vmul.f32 v23, v19;
	(pc) =	sbr.rel @p2 .LBB2_11-.Ltmp6, $4  }
0x214: {  	[tilespmem:s29+$0x40] =	vst v18  }
0x215: {  	[tilespmem:s29+$0x50] =	vst v20  }
0x216: {  	s29 =	sadd.s32 $0x100, s29;
	[tilespmem:s9+$0x60] =	vst v21  }
0x217: {  	s14 =	sshra.s32 s11, $0x2;
	s11 =	sadd.s32 $0x40, s11;
	v18 =	vld [tilespmem:s29+$0xFFFFFFB0];
	[tilespmem:s9+$0x70] =	vst v19;
	s9 =	smov.u32 s29  }
0x218: {  	v19 =	vld [tilespmem:s14+$0x2B00];
	_ =	sdelay $0x1  }
0x219: {  	v20 =	vld [tilespmem:s29+$0xFFFFFF80]  }
0x21a: {  	v21 =	vld [tilespmem:s29+$0xFFFFFF90]  }
0x21b: {  	v22 =	vld [tilespmem:s29+$0xFFFFFFA0]  }
0x21c: {  	v23 =	vperm.xlane v19, v2  }
0x21d: {  	v26 =	vld [tilespmem:s29+$0xFFFFFFD0];
	v24 =	vperm.xlane v19, v3;
	v27 =	vperm.xlane v19, v4  }
0x21e: {  	v45 =	vld [tilespmem:s29+$0xFFFFFFE0];
	v44 =	vperm.xlane v19, v5;
	v20 =	vmul.f32 v20, v23  }
0x21f: {  	v49 =	vld [tilespmem:s29+$0x10];
	v46 =	vperm.xlane v19, v6;
	v21 =	vmul.f32 v21, v24  }
0x220: {  	v25 =	vld [tilespmem:s29+$0xFFFFFFC0];
	v47 =	vperm.xlane v19, v7;
	v22 =	vmul.f32 v22, v27;
	[tilespmem:s29+$0xFFFFFF80] =	vst v20  }
0x221: {  	v28 =	vld [tilespmem:s29+$0xFFFFFFF0];
	v29 =	vperm.xlane v19, v8;
	v18 =	vmul.f32 v18, v44;
	[tilespmem:s29+$0xFFFFFF90] =	vst v21  }
0x222: {  	v51 =	vld [tilespmem:s29+$0x20];
	v53 =	vperm.xlane v19, v11;
	v23 =	vmul.f32 v26, v47;
	[tilespmem:s29+$0xFFFFFFA0] =	vst v22  }
0x223: {  	v48 =	vld [tilespmem:s29+$0x0];
	v50 =	vperm.xlane v19, v9;
	v24 =	vmul.f32 v45, v29;
	[tilespmem:s29+$0xFFFFFFB0] =	vst v18  }
0x224: {  	v55 =	vld [tilespmem:s29+$0x50];
	v52 =	vperm.xlane v19, v10;
	v58 =	vmul.f32 v49, v53;
	[tilespmem:s29+$0xFFFFFFD0] =	vst v23  }
0x225: {  	v54 =	vld [tilespmem:s29+$0x40];
	v56 =	vperm.xlane v19, v12;
	v20 =	vmul.f32 v25, v46;
	[tilespmem:s29+$0xFFFFFFE0] =	vst v24  }
0x226: {  	v57 =	vperm.xlane v19, v13;
	v18 =	vld [tilespmem:s29+$0x30];
	v22 =	vmul.f32 v28, v50;
	[tilespmem:s29+$0x10] =	vst v58  }
0x227: {  	v60 =	vld [tilespmem:s29+$0x70];
	v62 =	vperm.xlane v19, v15;
	v25 =	vmul.f32 v51, v56;
	[tilespmem:s29+$0xFFFFFFC0] =	vst v20  }
0x228: {  	v59 =	vld [tilespmem:s29+$0x60];
	v61 =	vperm.xlane v19, v14;
	v20 =	vmul.f32 v48, v52;
	[tilespmem:s29+$0xFFFFFFF0] =	vst v22  }
0x229: {  	v63 =	vperm.xlane v19, v16;
	v21 =	vmul.f32 v55, v62;
	[tilespmem:s29+$0x20] =	vst v25  }
0x22a: {  	v19 =	vperm.xlane v19, v17;
	[tilespmem:s29+$0x0] =	vst v20;
	v20 =	vmul.f32 v54, v61  }
0x22b: {  	[tilespmem:s29+$0x50] =	vst v21;
	v18 =	vmul.f32 v18, v57  }
0x22c: {  	v19 =	vmul.f32 v60, v19;
	[tilespmem:s29+$0x40] =	vst v20  }
0x22d: {  	[tilespmem:s29+$0x30] =	vst v18;
	v18 =	vmul.f32 v59, v63  }
.Ltmp7:
0x22e: {  	[tilespmem:s9+$0x70] =	vst v19;
	(pc) =	sbr.rel @p1 .LBB2_14-.Ltmp7, $4  }
0x22f: {  	[tilespmem:s9+$0x60] =	vst v18  }
0x230: {  	[spmem:s1] =	stream.indirect.scatter.add.f32 [tilespmem:s25], [sflag:$0x6], $0x10, s18, s31, $0xb8;
	[tilespmem:$0x1D6A0] =	vst v63  }
0x231: {  	s29 =	simm.s32 $0x2A80  }
0x232: {  	[spmem:s1] =	stream.indirect.scatter.add.f32 [tilespmem:s30], [sflag:$0x6], $0x10, s29, s31, $0xb8;
	[tilespmem:$0x1D6A0] =	vst v63  }
0x233: {  	_ =	swait.ge [sflag:s21], $0x1000  }
0x234: {  	s9 =	sld [smem:$0x7FA];
	_ =	sdelay $0x2  }
0x235: {  	s9 =	sadd.s32 s13, s9  }
0x236: {  	[sflag:s21] =	ssyncset.done $0x0;
	s9 =	sshrl.u32 s9, $0x3  }
0x237: {  	s14 =	simm.s32 $0x1400;
	[sflag:s21] =	ssyncadd.s32 $0xFFFFF000;
	s11 =	sadd.s32 s5, s9  }
0x238: {  	[tilespmem:s14], [sflag:$0x9] =	stream.linear.gather [hbm4b:s11+s2], $0x100, $0x38;
	[tilespmem:$0x1D6A0] =	vst v63  }
0x239: {  	_ =	swait.ge [sflag:s28], $0x100  }
0x23a: {  	[sflag:s28] =	ssyncset.done $0x0  }
0x23b: {  	s29 =	simm.s32 $0x1600;
	s14 =	sadd.s32 s6, s9;
	[sflag:s28] =	ssyncadd.s32 $0xFFFFFF00  }
0x23c: {  	[tilespmem:s29], [sflag:$0x9] =	stream.linear.gather [hbm4b:s14+s2], $0x100, $0x38;
	[tilespmem:$0x1D6A0] =	vst v63  }
0x23d: {  	_ =	swait.ge [sflag:s28], $0x100  }
0x23e: {  	[sflag:s28] =	ssyncset.done $0x0  }
0x23f: {  	s9 =	sadd.s32 s7, s9;
	s29 =	simm.s32 $0x1700;
	[sflag:s28] =	ssyncadd.s32 $0xFFFFFF00  }
0x240: {  	[tilespmem:s29], [sflag:$0x9] =	stream.linear.gather [hbm4b:s9+s2], $0x100, $0x38;
	[tilespmem:$0x1D6A0] =	vst v63  }
0x241: {  	_ =	swait.ge [sflag:s28], $0x100  }
0x242: {  	[sflag:s28] =	ssyncset.done $0x0  }
0x243: {  	[sflag:s28] =	ssyncadd.s32 $0xFFFFFF00  }
0x244: {  	v18 =	vld [tilespmem:$0x1400]  }
0x245: {  	v19 =	vld [tilespmem:$0x1410]  }
0x246: {  	v20 =	vld [tilespmem:$0x1420]  }
0x247: {  	v21 =	vld [tilespmem:$0x1430]  }
0x248: {  	v22 =	vld [tilespmem:$0x1440]  }
0x249: {  	v23 =	vld [tilespmem:$0x1450];
	v18 =	vadd.s32 v0, v18  }
0x24a: {  	[tilespmem:$0x1500] =	vst v18;
	v18 =	vadd.s32 v0, v19;
	v19 =	vld [tilespmem:$0x1460]  }
0x24b: {  	v56 =	vld [tilespmem:$0x1470];
	[tilespmem:$0x1510] =	vst v18;
	v18 =	vadd.s32 v0, v20  }
0x24c: {  	v57 =	vld [tilespmem:$0x1480];
	[tilespmem:$0x1520] =	vst v18;
	v18 =	vadd.s32 v0, v21  }
0x24d: {  	v58 =	vld [tilespmem:$0x1490];
	[tilespmem:$0x1530] =	vst v18;
	v18 =	vadd.s32 v0, v22  }
0x24e: {  	v59 =	vld [tilespmem:$0x14A0];
	[tilespmem:$0x1540] =	vst v18;
	v18 =	vadd.s32 v0, v23  }
0x24f: {  	[tilespmem:$0x1550] =	vst v18;
	v18 =	vadd.s32 v0, v19;
	v19 =	vld [tilespmem:$0x14B0]  }
0x250: {  	v60 =	vld [tilespmem:$0x14C0];
	[tilespmem:$0x1560] =	vst v18;
	v18 =	vadd.s32 v0, v56  }
0x251: {  	v61 =	vld [tilespmem:$0x14D0];
	[tilespmem:$0x1570] =	vst v18;
	v18 =	vadd.s32 v0, v57  }
0x252: {  	v62 =	vld [tilespmem:$0x14E0];
	[tilespmem:$0x1580] =	vst v18;
	v18 =	vadd.s32 v0, v58  }
0x253: {  	v63 =	vld [tilespmem:$0x14F0];
	[tilespmem:$0x1590] =	vst v18;
	v18 =	vadd.s32 v0, v59  }
0x254: {  	[tilespmem:$0x15A0] =	vst v18;
	v18 =	vadd.s32 v0, v19  }
0x255: {  	[tilespmem:$0x15B0] =	vst v18;
	v18 =	vadd.s32 v0, v60  }
0x256: {  	[tilespmem:$0x15C0] =	vst v18;
	v18 =	vadd.s32 v0, v61  }
0x257: {  	[tilespmem:$0x15D0] =	vst v18;
	v18 =	vadd.s32 v0, v62  }
0x258: {  	[tilespmem:$0x15E0] =	vst v18;
	v18 =	vadd.s32 v0, v63  }
0x259: {  	s11 =	simm.s32 $0x1500;
	s14 =	simm.s32 $0x1800;
	[tilespmem:$0x15F0] =	vst v18  }
0x25a: {  	[tilespmem:s14], [sflag:$0x3] =	stream.indirect.gather [hbm4b:s4+s31], $0x10, s11, s31, $0xb8;
	[tilespmem:$0x1D6A0] =	vst v63  }
0x25b: {  	s29 =	simm.s32 $0x1580  }
0x25c: {  	[tilespmem:s16], [sflag:$0x3] =	stream.indirect.gather [hbm4b:s4+s31], $0x10, s29, s31, $0xb8;
	[tilespmem:$0x1D6A0] =	vst v63  }
.LBB2_14:
0x25d: {  	_ =	swait.ge [sflag:s10], $0x1000  }
0x25e: {  	[sflag:s10] =	ssyncset.done $0x0  }
0x25f: {  	s29 =	simm.s32 $0x4080;
	[sflag:s10] =	ssyncadd.s32 $0xFFFFF000  }
0x260: {  	s14 =	simm.s32 $0x0;
	s11 =	simm.s32 $0x40;
	s9 =	simm.s32 $0x4080;
	v18 =	vld [tilespmem:s29+$0xFFFFFFB0]  }
.LBB2_15:
0x261: {  	p2 =	sne.s32 s11, $0x3C0;
	v19 =	vld [tilespmem:s14+$0x3F00]  }
0x262: {  	v20 =	vld [tilespmem:s29+$0xFFFFFF90]  }
0x263: {  	v21 =	vld [tilespmem:s29+$0xFFFFFF80]  }
0x264: {  	v22 =	vld [tilespmem:s29+$0xFFFFFFA0]  }
0x265: {  	v23 =	vld [tilespmem:s29+$0xFFFFFFF0]  }
0x266: {  	v24 =	vperm.xlane v19, v2;
	v25 =	vperm.xlane v19, v3;
	v26 =	vld [tilespmem:s29+$0xFFFFFFD0]  }
0x267: {  	v27 =	vperm.xlane v19, v4;
	v28 =	vperm.xlane v19, v5;
	v29 =	vld [tilespmem:s29+$0xFFFFFFC0]  }
0x268: {  	v21 =	vmul.f32 v21, v24;
	v20 =	vmul.f32 v20, v25;
	v24 =	vld [tilespmem:s29+$0xFFFFFFE0]  }
0x269: {  	v18 =	vmul.f32 v18, v28;
	v22 =	vmul.f32 v22, v27;
	v25 =	vld [tilespmem:s29+$0x30]  }
0x26a: {  	v27 =	vperm.xlane v19, v7;
	[tilespmem:s29+$0xFFFFFF80] =	vst v21;
	v21 =	vperm.xlane v19, v6;
	v28 =	vld [tilespmem:s29+$0x10]  }
0x26b: {  	v30 =	vperm.xlane v19, v9;
	[tilespmem:s29+$0xFFFFFF90] =	vst v20;
	v20 =	vperm.xlane v19, v8;
	v31 =	vld [tilespmem:s29+$0x0]  }
0x26c: {  	[tilespmem:s29+$0xFFFFFFA0] =	vst v22;
	v21 =	vmul.f32 v29, v21;
	v22 =	vmul.f32 v26, v27;
	v26 =	vld [tilespmem:s29+$0x20]  }
0x26d: {  	[tilespmem:s29+$0xFFFFFFB0] =	vst v18;
	v18 =	vmul.f32 v24, v20;
	v20 =	vmul.f32 v23, v30;
	v23 =	vld [tilespmem:s29+$0x70]  }
0x26e: {  	v24 =	vperm.xlane v19, v11;
	[tilespmem:s29+$0xFFFFFFC0] =	vst v21;
	v21 =	vperm.xlane v19, v10;
	v27 =	vld [tilespmem:s29+$0x50]  }
0x26f: {  	v29 =	vperm.xlane v19, v13;
	[tilespmem:s29+$0xFFFFFFD0] =	vst v22;
	v22 =	vperm.xlane v19, v12;
	v30 =	vld [tilespmem:s29+$0x40]  }
0x270: {  	[tilespmem:s29+$0xFFFFFFE0] =	vst v18;
	v18 =	vmul.f32 v31, v21;
	v21 =	vmul.f32 v28, v24;
	v24 =	vld [tilespmem:s29+$0x60]  }
0x271: {  	[tilespmem:s29+$0xFFFFFFF0] =	vst v20;
	v20 =	vmul.f32 v26, v22;
	v22 =	vmul.f32 v25, v29  }
0x272: {  	v25 =	vperm.xlane v19, v15;
	[tilespmem:s29+$0x0] =	vst v18;
	v18 =	vperm.xlane v19, v14  }
0x273: {  	[tilespmem:s29+$0x10] =	vst v21;
	v21 =	vperm.xlane v19, v16;
	v19 =	vperm.xlane v19, v17  }
0x274: {  	[tilespmem:s29+$0x20] =	vst v20;
	v18 =	vmul.f32 v30, v18;
	v20 =	vmul.f32 v27, v25  }
.Ltmp8:
0x275: {  	[tilespmem:s29+$0x30] =	vst v22;
	v21 =	vmul.f32 v24, v21;
	v19 =	vmul.f32 v23, v19;
	(pc) =	sbr.rel @p2 .LBB2_15-.Ltmp8, $4  }
0x276: {  	[tilespmem:s29+$0x40] =	vst v18  }
0x277: {  	[tilespmem:s29+$0x50] =	vst v20  }
0x278: {  	s29 =	sadd.s32 $0x100, s29;
	[tilespmem:s9+$0x60] =	vst v21  }
0x279: {  	s14 =	sshra.s32 s11, $0x2;
	s11 =	sadd.s32 $0x40, s11;
	v18 =	vld [tilespmem:s29+$0xFFFFFFB0];
	[tilespmem:s9+$0x70] =	vst v19;
	s9 =	smov.u32 s29  }
0x27a: {  	v19 =	vld [tilespmem:s14+$0x3F00];
	_ =	sdelay $0x1  }
0x27b: {  	v20 =	vld [tilespmem:s29+$0xFFFFFF80]  }
0x27c: {  	v21 =	vld [tilespmem:s29+$0xFFFFFF90]  }
0x27d: {  	v22 =	vld [tilespmem:s29+$0xFFFFFFA0]  }
0x27e: {  	v23 =	vperm.xlane v19, v2  }
0x27f: {  	v26 =	vld [tilespmem:s29+$0xFFFFFFD0];
	v24 =	vperm.xlane v19, v3;
	v27 =	vperm.xlane v19, v4  }
0x280: {  	v45 =	vld [tilespmem:s29+$0xFFFFFFE0];
	v44 =	vperm.xlane v19, v5;
	v20 =	vmul.f32 v20, v23  }
0x281: {  	v49 =	vld [tilespmem:s29+$0x10];
	v46 =	vperm.xlane v19, v6;
	v21 =	vmul.f32 v21, v24  }
0x282: {  	v25 =	vld [tilespmem:s29+$0xFFFFFFC0];
	v47 =	vperm.xlane v19, v7;
	v22 =	vmul.f32 v22, v27;
	[tilespmem:s29+$0xFFFFFF80] =	vst v20  }
0x283: {  	v28 =	vld [tilespmem:s29+$0xFFFFFFF0];
	v29 =	vperm.xlane v19, v8;
	v18 =	vmul.f32 v18, v44;
	[tilespmem:s29+$0xFFFFFF90] =	vst v21  }
0x284: {  	v51 =	vld [tilespmem:s29+$0x20];
	v53 =	vperm.xlane v19, v11;
	v23 =	vmul.f32 v26, v47;
	[tilespmem:s29+$0xFFFFFFA0] =	vst v22  }
0x285: {  	v48 =	vld [tilespmem:s29+$0x0];
	v50 =	vperm.xlane v19, v9;
	v24 =	vmul.f32 v45, v29;
	[tilespmem:s29+$0xFFFFFFB0] =	vst v18  }
0x286: {  	v55 =	vld [tilespmem:s29+$0x50];
	v52 =	vperm.xlane v19, v10;
	v58 =	vmul.f32 v49, v53;
	[tilespmem:s29+$0xFFFFFFD0] =	vst v23  }
0x287: {  	v54 =	vld [tilespmem:s29+$0x40];
	v56 =	vperm.xlane v19, v12;
	v20 =	vmul.f32 v25, v46;
	[tilespmem:s29+$0xFFFFFFE0] =	vst v24  }
0x288: {  	v57 =	vperm.xlane v19, v13;
	v18 =	vld [tilespmem:s29+$0x30];
	v22 =	vmul.f32 v28, v50;
	[tilespmem:s29+$0x10] =	vst v58  }
0x289: {  	v60 =	vld [tilespmem:s29+$0x70];
	v62 =	vperm.xlane v19, v15;
	v25 =	vmul.f32 v51, v56;
	[tilespmem:s29+$0xFFFFFFC0] =	vst v20  }
0x28a: {  	v59 =	vld [tilespmem:s29+$0x60];
	v61 =	vperm.xlane v19, v14;
	v20 =	vmul.f32 v48, v52;
	[tilespmem:s29+$0xFFFFFFF0] =	vst v22  }
0x28b: {  	v63 =	vperm.xlane v19, v16;
	v21 =	vmul.f32 v55, v62;
	[tilespmem:s29+$0x20] =	vst v25  }
0x28c: {  	v19 =	vperm.xlane v19, v17;
	[tilespmem:s29+$0x0] =	vst v20;
	v20 =	vmul.f32 v54, v61  }
0x28d: {  	[tilespmem:s29+$0x50] =	vst v21;
	v18 =	vmul.f32 v18, v57  }
0x28e: {  	v19 =	vmul.f32 v60, v19;
	[tilespmem:s29+$0x40] =	vst v20  }
0x28f: {  	[tilespmem:s29+$0x30] =	vst v18;
	v18 =	vmul.f32 v59, v63  }
.Ltmp9:
0x290: {  	[tilespmem:s9+$0x70] =	vst v19;
	(pc) =	sbr.rel @p1 .LBB2_18-.Ltmp9, $4  }
0x291: {  	[tilespmem:s9+$0x60] =	vst v18  }
0x292: {  	[spmem:s1] =	stream.indirect.scatter.add.f32 [tilespmem:s20], [sflag:$0x8], $0x10, s12, s31, $0xb8;
	[tilespmem:$0x1D6A0] =	vst v63  }
0x293: {  	s29 =	simm.s32 $0x3E80  }
0x294: {  	[spmem:s1] =	stream.indirect.scatter.add.f32 [tilespmem:s17], [sflag:$0x8], $0x10, s29, s31, $0xb8;
	[tilespmem:$0x1D6A0] =	vst v63  }
0x295: {  	_ =	swait.ge [sflag:s24], $0x1000;
	s9 =	sadd.s32 s13, s22  }
0x296: {  	[sflag:s24] =	ssyncset.done $0x0;
	s9 =	sshrl.u32 s9, $0x3  }
0x297: {  	s14 =	simm.s32 $0x2800;
	[sflag:s24] =	ssyncadd.s32 $0xFFFFF000;
	s11 =	sadd.s32 s5, s9  }
0x298: {  	[tilespmem:s14], [sflag:$0x9] =	stream.linear.gather [hbm4b:s11+s2], $0x100, $0x38;
	[tilespmem:$0x1D6A0] =	vst v63  }
0x299: {  	_ =	swait.ge [sflag:s28], $0x100  }
0x29a: {  	[sflag:s28] =	ssyncset.done $0x0  }
0x29b: {  	s29 =	sadd.s32 s6, s9;
	[sflag:s28] =	ssyncadd.s32 $0xFFFFFF00  }
0x29c: {  	[tilespmem:s18], [sflag:$0x9] =	stream.linear.gather [hbm4b:s29+s2], $0x100, $0x38;
	[tilespmem:$0x1D6A0] =	vst v63  }
0x29d: {  	_ =	swait.ge [sflag:s28], $0x100  }
0x29e: {  	[sflag:s28] =	ssyncset.done $0x0  }
0x29f: {  	s13 =	simm.s32 $0x2B00;
	s9 =	sadd.s32 s7, s9;
	[sflag:s28] =	ssyncadd.s32 $0xFFFFFF00  }
0x2a0: {  	[tilespmem:s13], [sflag:$0x9] =	stream.linear.gather [hbm4b:s9+s2], $0x100, $0x38;
	[tilespmem:$0x1D6A0] =	vst v63  }
0x2a1: {  	_ =	swait.ge [sflag:s28], $0x100  }
0x2a2: {  	[sflag:s28] =	ssyncset.done $0x0  }
0x2a3: {  	[sflag:s28] =	ssyncadd.s32 $0xFFFFFF00  }
0x2a4: {  	v18 =	vld [tilespmem:$0x2800]  }
0x2a5: {  	v19 =	vld [tilespmem:$0x2810]  }
0x2a6: {  	v20 =	vld [tilespmem:$0x2820]  }
0x2a7: {  	v21 =	vld [tilespmem:$0x2830]  }
0x2a8: {  	v22 =	vld [tilespmem:$0x2840]  }
0x2a9: {  	v23 =	vld [tilespmem:$0x2850];
	v18 =	vadd.s32 v0, v18  }
0x2aa: {  	[tilespmem:$0x2900] =	vst v18;
	v18 =	vadd.s32 v0, v19;
	v19 =	vld [tilespmem:$0x2860]  }
0x2ab: {  	v56 =	vld [tilespmem:$0x2870];
	[tilespmem:$0x2910] =	vst v18;
	v18 =	vadd.s32 v0, v20  }
0x2ac: {  	v57 =	vld [tilespmem:$0x2880];
	[tilespmem:$0x2920] =	vst v18;
	v18 =	vadd.s32 v0, v21  }
0x2ad: {  	v58 =	vld [tilespmem:$0x2890];
	[tilespmem:$0x2930] =	vst v18;
	v18 =	vadd.s32 v0, v22  }
0x2ae: {  	v59 =	vld [tilespmem:$0x28A0];
	[tilespmem:$0x2940] =	vst v18;
	v18 =	vadd.s32 v0, v23  }
0x2af: {  	[tilespmem:$0x2950] =	vst v18;
	v18 =	vadd.s32 v0, v19;
	v19 =	vld [tilespmem:$0x28B0]  }
0x2b0: {  	v60 =	vld [tilespmem:$0x28C0];
	[tilespmem:$0x2960] =	vst v18;
	v18 =	vadd.s32 v0, v56  }
0x2b1: {  	v61 =	vld [tilespmem:$0x28D0];
	[tilespmem:$0x2970] =	vst v18;
	v18 =	vadd.s32 v0, v57  }
0x2b2: {  	v62 =	vld [tilespmem:$0x28E0];
	[tilespmem:$0x2980] =	vst v18;
	v18 =	vadd.s32 v0, v58  }
0x2b3: {  	v63 =	vld [tilespmem:$0x28F0];
	[tilespmem:$0x2990] =	vst v18;
	v18 =	vadd.s32 v0, v59  }
0x2b4: {  	[tilespmem:$0x29A0] =	vst v18;
	v18 =	vadd.s32 v0, v19  }
0x2b5: {  	[tilespmem:$0x29B0] =	vst v18;
	v18 =	vadd.s32 v0, v60  }
0x2b6: {  	[tilespmem:$0x29C0] =	vst v18;
	v18 =	vadd.s32 v0, v61  }
0x2b7: {  	[tilespmem:$0x29D0] =	vst v18;
	v18 =	vadd.s32 v0, v62  }
.Ltmp10:
0x2b8: {  	[tilespmem:$0x29E0] =	vst v18;
	v18 =	vadd.s32 v0, v63;
	(pc) =	sbr.rel .LBB2_4-.Ltmp10, $4  }
0x2b9: {  	s14 =	simm.s32 $0x2900;
	[tilespmem:$0x29F0] =	vst v18  }
0x2ba: {  	[tilespmem:s25], [sflag:$0x5] =	stream.indirect.gather [hbm4b:s4+s31], $0x10, s14, s31, $0xb8;
	[tilespmem:$0x1D6A0] =	vst v63  }
0x2bb: {  	s3 =	sadd.s32 $0x1, s3;
	s29 =	simm.s32 $0x2980  }
0x2bc: {  	[tilespmem:s30], [sflag:$0x5] =	stream.indirect.gather [hbm4b:s4+s31], $0x10, s29, s31, $0xb8;
	[tilespmem:$0x1D6A0] =	vst v63  }
.LBB2_19:
0x2bd: {  	_ =	sfence.sel $0x180000  }
0x2be: {  	[bflag:$0x0] =	sbarrier.arrive $0xFFFF  }
0x2bf: {  	_ =	strace $0x9000004A  }
0x2c0: {  	s0 =	stileid.u32;
	[bflag:$0x2] =	sbarrier.arrive $0xFFFF  }
0x2c1: {  	p0 =	sne.s32 s0, $0x0;
	s0 =	rddreg [dreg:$0x2]  }
0x2c2: {  	s0 =	sadd.s32 @!p0 $0x100000, s0  }
0x2c3: {  	[sflag:s0] =	ssyncadd.tile.s32 @!p0 $0x1;
	_ =	shalt  }
.Lfunc_end2:
_tile_overlayer_lowered:
.L_overlay_start_2:
0x2c4: {  	(tag) =	ssettag $0x2  }
0x2c5: {  	s0 =	rddreg [dreg:$0x0];
	s2 =	stileid.u32  }
0x2c6: {  	s1 =	rddreg [dreg:$0x1];
	p0 =	sne.s32 s2, $0x0  }
0x2c7: {  	s3 =	rddreg [dreg:$0x2];
	[bflag:$0x3] =	sbarrier.arrive $0xFFFF;
	s2 =	simm.s32 @!p0 $0x1C09  }
0x2c8: {  	[timem:s3], [sflag:s2] =	dma.local @!p0 [hbm:s0], s1  }
0x2c9: {  	s0 =	simm.s32 @!p0 $0x9  }
0x2ca: {  	_ =	swait.ge @!p0 [sflag:s0], s1  }
0x2cb: {  	s1 =	ssub.s32 @!p0 $0x0, s1;
	[sflag:s0] =	ssyncset.done @!p0 $0x0  }
0x2cc: {  	[sflag:s0] =	ssyncadd.s32 @!p0 s1  }
0x2cd: {  	[bflag:$0x3] =	sbarrier.arrive $0xFFFF  }
0x2ce: {  	_ =	shalt  }

</sc_bundles>
